<compile_context>
chip_gen: v7x
topology: tpu7x:2x2x1
jax: 0.10.2.dev20260603
libtpu: 0.0.44.dev20260713+nightly
codegen_flags: <defaults>
</compile_context>

<pallas_src>
import functools

import jax
import jax.numpy as jnp
from jax import lax
from jax.experimental import pallas as pl
from jax.experimental.pallas import tpu as pltpu
from jax.experimental.pallas import tpu_sc as plsc

B = 16384
L = 200
D = 64
H = 128
C = 20

NUM_CORES = 2
NUM_SUBCORES = 16
NW = NUM_CORES * NUM_SUBCORES
BAGS_PER_W = B // NW
NG = BAGS_PER_W
NVREG = D // 16

NROWS = 4
NIDX = 8

_CHUNKS = [(0, 128), (128, 72)]


def _bag_body(tokens_hbm, table_hbm, out_hbm, idx_v, rows_v, out_v, sem_g, sem_t):
    wid = lax.axis_index("s") * NUM_CORES + lax.axis_index("c")
    tok_base = wid * BAGS_PER_W * L

    def tok_slice(g):
        return tokens_hbm.at[pl.ds(tok_base + g * L, L)]

    def fire_gathers(gslot, islot):
        for off, sz in _CHUNKS:
            pltpu.async_copy(
                table_hbm.at[idx_v.at[islot].at[pl.ds(off, sz)]],
                rows_v.at[gslot].at[pl.ds(off, sz)],
                sem_g,
            )

    def drain_gathers(gslot):
        for off, sz in _CHUNKS:
            pltpu.make_async_copy(
                table_hbm.at[pl.ds(0, sz)],
                rows_v.at[gslot].at[pl.ds(off, sz)],
                sem_g,
            ).wait()

    def drain_tokens(islot):
        pltpu.make_async_copy(
            tokens_hbm.at[pl.ds(0, L)],
            idx_v.at[islot],
            sem_t,
        ).wait()

    for h in range(3):
        pltpu.sync_copy(tok_slice(h), idx_v.at[h])
    for h in range(3):
        fire_gathers(h, h)
    for h in range(3, 6):
        pltpu.async_copy(tok_slice(h), idx_v.at[h], sem_t)

    def outer(i, carry):
        for j in range(8):
            g = i * 8 + j
            gslot = j % NROWS
            gslot_n3 = (j + 3) % NROWS
            islot_n3, islot_n6 = (j + 3) % NIDX, (j + 6) % NIDX

            @pl.when(g < NG - 3)
            def _():
                drain_tokens(islot_n3)
                fire_gathers(gslot_n3, islot_n3)

            @pl.when(g < NG - 6)
            def _():
                pltpu.async_copy(tok_slice(g + 6), idx_v.at[islot_n6], sem_t)

            drain_gathers(gslot)

            def red_body(r, acc, _gslot=gslot):
                return tuple(
                    acc[c] + rows_v[_gslot, r, pl.ds(c * 16, 16)]
                    for c in range(NVREG)
                )
            acc = lax.fori_loop(
                0, L, red_body,
                tuple(jnp.zeros((16,), jnp.float32) for _ in range(NVREG)),
                unroll=8,
            )
            for c in range(NVREG):
                out_v[g, pl.ds(c * 16, 16)] = acc[c] * (1.0 / L)
        return carry

    lax.fori_loop(0, NG // 8, outer, 0)
    pltpu.sync_copy(out_v, out_hbm.at[pl.ds(wid * BAGS_PER_W, BAGS_PER_W)])


_bag_call = functools.partial(
    pl.kernel,
    out_type=jax.ShapeDtypeStruct((B, D), jnp.float32),
    mesh=plsc.VectorSubcoreMesh(core_axis_name="c", subcore_axis_name="s"),
    scratch_types=[
        pltpu.VMEM((NIDX, L), jnp.int32),
        pltpu.VMEM((NROWS, L, D), jnp.float32),
        pltpu.VMEM((BAGS_PER_W, D), jnp.float32),
        pltpu.SemaphoreType.DMA,
        pltpu.SemaphoreType.DMA,
    ],
    compiler_params=pltpu.CompilerParams(use_tc_tiling_on_sc=False),
)(_bag_body)


def _mlp_body(x_ref, w1_ref, b1_ref, w2_ref, b2_ref, o_ref):
    x = x_ref[...]
    h = jnp.dot(x, w1_ref[...], preferred_element_type=jnp.float32)
    h = jnp.maximum(h + b1_ref[...], 0.0)
    o_ref[...] = jnp.dot(h, w2_ref[...], preferred_element_type=jnp.float32) + b2_ref[...]


def _mlp_call(x, w1, b1, w2, b2):
    bt = 1024
    grid = (B // bt,)
    return pl.pallas_call(
        _mlp_body,
        grid=grid,
        in_specs=[
            pl.BlockSpec((bt, D), lambda i: (i, 0)),
            pl.BlockSpec((D, H), lambda i: (0, 0)),
            pl.BlockSpec((1, H), lambda i: (0, 0)),
            pl.BlockSpec((H, C), lambda i: (0, 0)),
            pl.BlockSpec((1, C), lambda i: (0, 0)),
        ],
        out_specs=pl.BlockSpec((bt, C), lambda i: (i, 0)),
        out_shape=jax.ShapeDtypeStruct((B, C), jnp.float32),
    )(x, w1, b1, w2, b2)


def kernel(tokens, emb_table, W1, b1, W2, b2):
    bags = _bag_call(tokens.reshape(-1), emb_table)
    return _mlp_call(bags, W1, b1.reshape(1, H), W2, b2.reshape(1, C))

# --- scband reference (transcript-rebuilt; emitter-appended) ---
"""Pipeline reference for scband-mlp-25469156065501 (READ-ONLY COPY).

The authoritative reference and input builder live on the scoring server;
editing this copy changes nothing except your own understanding.
"""

import jax, jax.numpy as jnp
import numpy as np

VOCAB = 1000000
EMB_DIM = 64
HIDDEN = 128
NUM_CLASS = 20
BATCH = 16384
HIST = 200


def setup_inputs(seed: int = 0) -> dict:
    key = jax.random.key(seed)
    k1, k2, k3, k4 = jax.random.split(key, 4)
    tokens = jax.random.randint(k1, (BATCH, HIST), 0, VOCAB, dtype=jnp.int64 if jax.config.jax_enable_x64 else jnp.int32).astype(jnp.int32)
    emb_table = jax.random.uniform(k2, (VOCAB, EMB_DIM), dtype=jnp.float32, minval=-0.1, maxval=0.1)
    W1 = jax.random.normal(k3, (EMB_DIM, HIDDEN), dtype=jnp.float32) * 0.05
    b1 = jnp.zeros((HIDDEN,), dtype=jnp.float32)
    W2 = jax.random.normal(k4, (HIDDEN, NUM_CLASS), dtype=jnp.float32) * 0.05
    b2 = jnp.zeros((NUM_CLASS,), dtype=jnp.float32)
    return {"tokens": tokens, "emb_table": emb_table, "W1": W1, "b1": b1, "W2": W2, "b2": b2}


def reference(tokens, emb_table, W1, b1, W2, b2):
    # nn.EmbeddingBag default mode='mean': gather rows then mean over the bag dim
    gathered = jnp.take(emb_table, tokens, axis=0)          # [B, L, D]
    bag = jnp.mean(gathered, axis=1)                         # [B, D]
    h = jax.nn.relu(bag @ W1 + b1)                           # [B, H]
    out = h @ W2 + b2                                        # [B, C]
    return out

if __name__ == "__main__":
    import jax
    _d = setup_inputs()
    print(jax.jit(kernel)(*tuple(_d.values())))

</pallas_src>

<mosaic_0001>
#map = affine_map<(d0, d1) -> (0)>
#map1 = affine_map<(d0, d1) -> (0, 0)>
module attributes {stable_mosaic.version = 14 : i64} {
  func.func @_bag_body(%arg0: i32, %arg1: i32, %arg2: memref<3276800xi32, #tpu.memory_space<hbm>>, %arg3: memref<1000000x64xf32, #tpu.memory_space<hbm>>, %arg4: memref<16384x64xf32, #tpu.memory_space<hbm>>, %arg5: memref<8x200xi32, #tpu.memory_space<vmem>>, %arg6: memref<4x200x64xf32, #tpu.memory_space<vmem>>, %arg7: memref<512x64xf32, #tpu.memory_space<vmem>>, %arg8: memref<!tpu.dma_semaphore, #tpu.memory_space<semaphore_mem>>, %arg9: memref<!tpu.dma_semaphore, #tpu.memory_space<semaphore_mem>>) attributes {dimension_semantics = [#tpu.dimension_semantics<core_parallel>, #tpu.dimension_semantics<subcore_parallel>], iteration_bounds = array<i64: 2, 16>, scalar_prefetch = 0 : i64, scratch_operands = 5 : i64, tpu.core_type = #tpu.core_type<sc_vector_subcore>, window_params = [{transform_indices = #map}, {transform_indices = #map1}, {transform_indices = #map1}]} {
    %mul3A = arith.constant 2 : i32
    %mul3A_0 = arith.muli %arg1, %mul3A : i32
    %add3A = arith.addi %mul3A_0, %arg0 : i32
    %mul3A_1 = arith.constant 512 : i32
    %mul3A_2 = arith.muli %add3A, %mul3A_1 : i32
    %mul3A_3 = arith.constant 200 : i32
    %mul3A_4 = arith.muli %mul3A_2, %mul3A_3 : i32
    %add3A_5 = arith.constant 0 : i32
    %add3A_6 = arith.addi %mul3A_4, %add3A_5 : i32
    %run_scoped3A = arith.constant 0 : i32
    "tpu.region"() ({
      %run_scoped3A_154 = tpu.sem_alloc : memref<!tpu.dma_semaphore, #tpu.memory_space<semaphore_mem>>
      %dma_start3A_155 = arith.constant 0 : i32
      %dma_start3A_156 = tpu.memref_slice %arg5[%run_scoped3A, %dma_start3A_155] : memref<8x200xi32, #tpu.memory_space<vmem>> -> memref<1x200xi32, #tpu.memory_space<vmem>>
      %dma_start3A_157 = tpu.memref_squeeze %dma_start3A_156 : memref<1x200xi32, #tpu.memory_space<vmem>> -> memref<200xi32, #tpu.memory_space<vmem>>
      %dma_start3A_158 = tpu.memref_slice %arg2[%add3A_6] : memref<3276800xi32, #tpu.memory_space<hbm>> -> memref<200xi32, #tpu.memory_space<hbm>>
      %dma_start3A_159 = arith.constant 0 : i32
      %dma_start3A_160 = tpu.memref_slice %arg5[%run_scoped3A, %dma_start3A_159] : memref<8x200xi32, #tpu.memory_space<vmem>> -> memref<1x200xi32, #tpu.memory_space<vmem>>
      %dma_start3A_161 = tpu.memref_squeeze %dma_start3A_160 : memref<1x200xi32, #tpu.memory_space<vmem>> -> memref<200xi32, #tpu.memory_space<vmem>>
      %dma_start3A_162 = tpu.memref_slice %arg2[%add3A_6] : memref<3276800xi32, #tpu.memory_space<hbm>> -> memref<200xi32, #tpu.memory_space<hbm>>
      tpu.enqueue_dma source(%dma_start3A_162 : memref<200xi32, #tpu.memory_space<hbm>>) target(%dma_start3A_161 : memref<200xi32, #tpu.memory_space<vmem>>) target_semaphore(%run_scoped3A_154 : memref<!tpu.dma_semaphore, #tpu.memory_space<semaphore_mem>>)
      %dma_wait3A = arith.constant 0 : i32
      %dma_wait3A_163 = tpu.memref_slice %arg5[%run_scoped3A, %dma_wait3A] : memref<8x200xi32, #tpu.memory_space<vmem>> -> memref<1x200xi32, #tpu.memory_space<vmem>>
      %dma_wait3A_164 = tpu.memref_squeeze %dma_wait3A_163 : memref<1x200xi32, #tpu.memory_space<vmem>> -> memref<200xi32, #tpu.memory_space<vmem>>
      %dma_wait3A_165 = tpu.memref_slice %arg2[%add3A_6] : memref<3276800xi32, #tpu.memory_space<hbm>> -> memref<200xi32, #tpu.memory_space<hbm>>
      %dma_wait3A_166 = arith.constant 0 : i32
      %dma_wait3A_167 = tpu.memref_slice %arg5[%run_scoped3A, %dma_wait3A_166] : memref<8x200xi32, #tpu.memory_space<vmem>> -> memref<1x200xi32, #tpu.memory_space<vmem>>
      %dma_wait3A_168 = tpu.memref_squeeze %dma_wait3A_167 : memref<1x200xi32, #tpu.memory_space<vmem>> -> memref<200xi32, #tpu.memory_space<vmem>>
      %dma_wait3A_169 = tpu.memref_slice %arg2[%add3A_6] : memref<3276800xi32, #tpu.memory_space<hbm>> -> memref<200xi32, #tpu.memory_space<hbm>>
      tpu.wait_dma2 semaphore(%run_scoped3A_154 : memref<!tpu.dma_semaphore, #tpu.memory_space<semaphore_mem>>) src(%dma_wait3A_169 : memref<200xi32, #tpu.memory_space<hbm>>) dst(%dma_wait3A_168 : memref<200xi32, #tpu.memory_space<vmem>>)
      tpu.yield
    }) : () -> ()
    %add3A_7 = arith.constant 200 : i32
    %add3A_8 = arith.addi %mul3A_4, %add3A_7 : i32
    %run_scoped3A_9 = arith.constant 1 : i32
    "tpu.region"() ({
      %run_scoped3A_154 = tpu.sem_alloc : memref<!tpu.dma_semaphore, #tpu.memory_space<semaphore_mem>>
      %dma_start3A_155 = arith.constant 0 : i32
      %dma_start3A_156 = tpu.memref_slice %arg5[%run_scoped3A_9, %dma_start3A_155] : memref<8x200xi32, #tpu.memory_space<vmem>> -> memref<1x200xi32, #tpu.memory_space<vmem>>
      %dma_start3A_157 = tpu.memref_squeeze %dma_start3A_156 : memref<1x200xi32, #tpu.memory_space<vmem>> -> memref<200xi32, #tpu.memory_space<vmem>>
      %dma_start3A_158 = tpu.memref_slice %arg2[%add3A_8] : memref<3276800xi32, #tpu.memory_space<hbm>> -> memref<200xi32, #tpu.memory_space<hbm>>
      %dma_start3A_159 = arith.constant 0 : i32
      %dma_start3A_160 = tpu.memref_slice %arg5[%run_scoped3A_9, %dma_start3A_159] : memref<8x200xi32, #tpu.memory_space<vmem>> -> memref<1x200xi32, #tpu.memory_space<vmem>>
      %dma_start3A_161 = tpu.memref_squeeze %dma_start3A_160 : memref<1x200xi32, #tpu.memory_space<vmem>> -> memref<200xi32, #tpu.memory_space<vmem>>
      %dma_start3A_162 = tpu.memref_slice %arg2[%add3A_8] : memref<3276800xi32, #tpu.memory_space<hbm>> -> memref<200xi32, #tpu.memory_space<hbm>>
      tpu.enqueue_dma source(%dma_start3A_162 : memref<200xi32, #tpu.memory_space<hbm>>) target(%dma_start3A_161 : memref<200xi32, #tpu.memory_space<vmem>>) target_semaphore(%run_scoped3A_154 : memref<!tpu.dma_semaphore, #tpu.memory_space<semaphore_mem>>)
      %dma_wait3A = arith.constant 0 : i32
      %dma_wait3A_163 = tpu.memref_slice %arg5[%run_scoped3A_9, %dma_wait3A] : memref<8x200xi32, #tpu.memory_space<vmem>> -> memref<1x200xi32, #tpu.memory_space<vmem>>
      %dma_wait3A_164 = tpu.memref_squeeze %dma_wait3A_163 : memref<1x200xi32, #tpu.memory_space<vmem>> -> memref<200xi32, #tpu.memory_space<vmem>>
      %dma_wait3A_165 = tpu.memref_slice %arg2[%add3A_8] : memref<3276800xi32, #tpu.memory_space<hbm>> -> memref<200xi32, #tpu.memory_space<hbm>>
      %dma_wait3A_166 = arith.constant 0 : i32
      %dma_wait3A_167 = tpu.memref_slice %arg5[%run_scoped3A_9, %dma_wait3A_166] : memref<8x200xi32, #tpu.memory_space<vmem>> -> memref<1x200xi32, #tpu.memory_space<vmem>>
      %dma_wait3A_168 = tpu.memref_squeeze %dma_wait3A_167 : memref<1x200xi32, #tpu.memory_space<vmem>> -> memref<200xi32, #tpu.memory_space<vmem>>
      %dma_wait3A_169 = tpu.memref_slice %arg2[%add3A_8] : memref<3276800xi32, #tpu.memory_space<hbm>> -> memref<200xi32, #tpu.memory_space<hbm>>
      tpu.wait_dma2 semaphore(%run_scoped3A_154 : memref<!tpu.dma_semaphore, #tpu.memory_space<semaphore_mem>>) src(%dma_wait3A_169 : memref<200xi32, #tpu.memory_space<hbm>>) dst(%dma_wait3A_168 : memref<200xi32, #tpu.memory_space<vmem>>)
      tpu.yield
    }) : () -> ()
    %add3A_10 = arith.constant 400 : i32
    %add3A_11 = arith.addi %mul3A_4, %add3A_10 : i32
    %run_scoped3A_12 = arith.constant 2 : i32
    "tpu.region"() ({
      %run_scoped3A_154 = tpu.sem_alloc : memref<!tpu.dma_semaphore, #tpu.memory_space<semaphore_mem>>
      %dma_start3A_155 = arith.constant 0 : i32
      %dma_start3A_156 = tpu.memref_slice %arg5[%run_scoped3A_12, %dma_start3A_155] : memref<8x200xi32, #tpu.memory_space<vmem>> -> memref<1x200xi32, #tpu.memory_space<vmem>>
      %dma_start3A_157 = tpu.memref_squeeze %dma_start3A_156 : memref<1x200xi32, #tpu.memory_space<vmem>> -> memref<200xi32, #tpu.memory_space<vmem>>
      %dma_start3A_158 = tpu.memref_slice %arg2[%add3A_11] : memref<3276800xi32, #tpu.memory_space<hbm>> -> memref<200xi32, #tpu.memory_space<hbm>>
      %dma_start3A_159 = arith.constant 0 : i32
      %dma_start3A_160 = tpu.memref_slice %arg5[%run_scoped3A_12, %dma_start3A_159] : memref<8x200xi32, #tpu.memory_space<vmem>> -> memref<1x200xi32, #tpu.memory_space<vmem>>
      %dma_start3A_161 = tpu.memref_squeeze %dma_start3A_160 : memref<1x200xi32, #tpu.memory_space<vmem>> -> memref<200xi32, #tpu.memory_space<vmem>>
      %dma_start3A_162 = tpu.memref_slice %arg2[%add3A_11] : memref<3276800xi32, #tpu.memory_space<hbm>> -> memref<200xi32, #tpu.memory_space<hbm>>
      tpu.enqueue_dma source(%dma_start3A_162 : memref<200xi32, #tpu.memory_space<hbm>>) target(%dma_start3A_161 : memref<200xi32, #tpu.memory_space<vmem>>) target_semaphore(%run_scoped3A_154 : memref<!tpu.dma_semaphore, #tpu.memory_space<semaphore_mem>>)
      %dma_wait3A = arith.constant 0 : i32
      %dma_wait3A_163 = tpu.memref_slice %arg5[%run_scoped3A_12, %dma_wait3A] : memref<8x200xi32, #tpu.memory_space<vmem>> -> memref<1x200xi32, #tpu.memory_space<vmem>>
      %dma_wait3A_164 = tpu.memref_squeeze %dma_wait3A_163 : memref<1x200xi32, #tpu.memory_space<vmem>> -> memref<200xi32, #tpu.memory_space<vmem>>
      %dma_wait3A_165 = tpu.memref_slice %arg2[%add3A_11] : memref<3276800xi32, #tpu.memory_space<hbm>> -> memref<200xi32, #tpu.memory_space<hbm>>
      %dma_wait3A_166 = arith.constant 0 : i32
      %dma_wait3A_167 = tpu.memref_slice %arg5[%run_scoped3A_12, %dma_wait3A_166] : memref<8x200xi32, #tpu.memory_space<vmem>> -> memref<1x200xi32, #tpu.memory_space<vmem>>
      %dma_wait3A_168 = tpu.memref_squeeze %dma_wait3A_167 : memref<1x200xi32, #tpu.memory_space<vmem>> -> memref<200xi32, #tpu.memory_space<vmem>>
      %dma_wait3A_169 = tpu.memref_slice %arg2[%add3A_11] : memref<3276800xi32, #tpu.memory_space<hbm>> -> memref<200xi32, #tpu.memory_space<hbm>>
      tpu.wait_dma2 semaphore(%run_scoped3A_154 : memref<!tpu.dma_semaphore, #tpu.memory_space<semaphore_mem>>) src(%dma_wait3A_169 : memref<200xi32, #tpu.memory_space<hbm>>) dst(%dma_wait3A_168 : memref<200xi32, #tpu.memory_space<vmem>>)
      tpu.yield
    }) : () -> ()
    %dma_start3A = arith.constant 0 : i32
    %dma_start3A_13 = arith.constant 0 : i32
    %dma_start3A_14 = arith.constant 0 : i32
    %dma_start3A_15 = arith.constant 0 : i32
    %dma_start3A_16 = tpu.memref_slice %arg6[%dma_start3A_13, %dma_start3A_14, %dma_start3A_15] : memref<4x200x64xf32, #tpu.memory_space<vmem>> -> memref<1x200x64xf32, #tpu.memory_space<vmem>>
    %dma_start3A_17 = tpu.memref_squeeze %dma_start3A_16 : memref<1x200x64xf32, #tpu.memory_space<vmem>> -> memref<200x64xf32, #tpu.memory_space<vmem>>
    %dma_start3A_18 = arith.constant 0 : i32
    %dma_start3A_19 = arith.constant 0 : i32
    %dma_start3A_20 = tpu.memref_slice %dma_start3A_17[%dma_start3A_18, %dma_start3A_19] : memref<200x64xf32, #tpu.memory_space<vmem>> -> memref<128x64xf32, #tpu.memory_space<vmem>>
    %dma_start3A_21 = arith.constant 0 : i32
    %dma_start3A_22 = tpu.memref_slice %arg5[%dma_start3A, %dma_start3A_21] : memref<8x200xi32, #tpu.memory_space<vmem>> -> memref<1x200xi32, #tpu.memory_space<vmem>>
    %dma_start3A_23 = tpu.memref_squeeze %dma_start3A_22 : memref<1x200xi32, #tpu.memory_space<vmem>> -> memref<200xi32, #tpu.memory_space<vmem>>
    %dma_start3A_24 = arith.constant 0 : i32
    %dma_start3A_25 = tpu.memref_slice %dma_start3A_23[%dma_start3A_24] : memref<200xi32, #tpu.memory_space<vmem>> -> memref<128xi32, #tpu.memory_space<vmem>>
    %dma_start3A_26 = arith.constant 0 : i32
    %dma_start3A_27 = arith.constant 0 : i32
    %dma_start3A_28 = tpu.memref_slice %arg3[%dma_start3A_26, %dma_start3A_27] : memref<1000000x64xf32, #tpu.memory_space<hbm>> -> memref<1000000x64xf32, #tpu.memory_space<hbm>>
    tpu.enqueue_indirect_dma source(%dma_start3A_28 : memref<1000000x64xf32, #tpu.memory_space<hbm>>) target(%dma_start3A_20 : memref<128x64xf32, #tpu.memory_space<vmem>>) offsets(%dma_start3A_25 : memref<128xi32, #tpu.memory_space<vmem>>) semaphore(%arg8 : memref<!tpu.dma_semaphore, #tpu.memory_space<semaphore_mem>>)
    %dma_start3A_29 = arith.constant 0 : i32
    %dma_start3A_30 = arith.constant 0 : i32
    %dma_start3A_31 = arith.constant 0 : i32
    %dma_start3A_32 = arith.constant 0 : i32
    %dma_start3A_33 = tpu.memref_slice %arg6[%dma_start3A_30, %dma_start3A_31, %dma_start3A_32] : memref<4x200x64xf32, #tpu.memory_space<vmem>> -> memref<1x200x64xf32, #tpu.memory_space<vmem>>
    %dma_start3A_34 = tpu.memref_squeeze %dma_start3A_33 : memref<1x200x64xf32, #tpu.memory_space<vmem>> -> memref<200x64xf32, #tpu.memory_space<vmem>>
    %dma_start3A_35 = arith.constant 128 : i32
    %dma_start3A_36 = arith.constant 0 : i32
    %dma_start3A_37 = tpu.memref_slice %dma_start3A_34[%dma_start3A_35, %dma_start3A_36] : memref<200x64xf32, #tpu.memory_space<vmem>> -> memref<72x64xf32, #tpu.memory_space<vmem>>
    %dma_start3A_38 = arith.constant 0 : i32
    %dma_start3A_39 = tpu.memref_slice %arg5[%dma_start3A_29, %dma_start3A_38] : memref<8x200xi32, #tpu.memory_space<vmem>> -> memref<1x200xi32, #tpu.memory_space<vmem>>
    %dma_start3A_40 = tpu.memref_squeeze %dma_start3A_39 : memref<1x200xi32, #tpu.memory_space<vmem>> -> memref<200xi32, #tpu.memory_space<vmem>>
    %dma_start3A_41 = arith.constant 128 : i32
    %dma_start3A_42 = tpu.memref_slice %dma_start3A_40[%dma_start3A_41] : memref<200xi32, #tpu.memory_space<vmem>> -> memref<72xi32, #tpu.memory_space<vmem>>
    %dma_start3A_43 = arith.constant 0 : i32
    %dma_start3A_44 = arith.constant 0 : i32
    %dma_start3A_45 = tpu.memref_slice %arg3[%dma_start3A_43, %dma_start3A_44] : memref<1000000x64xf32, #tpu.memory_space<hbm>> -> memref<1000000x64xf32, #tpu.memory_space<hbm>>
    tpu.enqueue_indirect_dma source(%dma_start3A_45 : memref<1000000x64xf32, #tpu.memory_space<hbm>>) target(%dma_start3A_37 : memref<72x64xf32, #tpu.memory_space<vmem>>) offsets(%dma_start3A_42 : memref<72xi32, #tpu.memory_space<vmem>>) semaphore(%arg8 : memref<!tpu.dma_semaphore, #tpu.memory_space<semaphore_mem>>)
    %dma_start3A_46 = arith.constant 1 : i32
    %dma_start3A_47 = arith.constant 1 : i32
    %dma_start3A_48 = arith.constant 0 : i32
    %dma_start3A_49 = arith.constant 0 : i32
    %dma_start3A_50 = tpu.memref_slice %arg6[%dma_start3A_47, %dma_start3A_48, %dma_start3A_49] : memref<4x200x64xf32, #tpu.memory_space<vmem>> -> memref<1x200x64xf32, #tpu.memory_space<vmem>>
    %dma_start3A_51 = tpu.memref_squeeze %dma_start3A_50 : memref<1x200x64xf32, #tpu.memory_space<vmem>> -> memref<200x64xf32, #tpu.memory_space<vmem>>
    %dma_start3A_52 = arith.constant 0 : i32
    %dma_start3A_53 = arith.constant 0 : i32
    %dma_start3A_54 = tpu.memref_slice %dma_start3A_51[%dma_start3A_52, %dma_start3A_53] : memref<200x64xf32, #tpu.memory_space<vmem>> -> memref<128x64xf32, #tpu.memory_space<vmem>>
    %dma_start3A_55 = arith.constant 0 : i32
    %dma_start3A_56 = tpu.memref_slice %arg5[%dma_start3A_46, %dma_start3A_55] : memref<8x200xi32, #tpu.memory_space<vmem>> -> memref<1x200xi32, #tpu.memory_space<vmem>>
    %dma_start3A_57 = tpu.memref_squeeze %dma_start3A_56 : memref<1x200xi32, #tpu.memory_space<vmem>> -> memref<200xi32, #tpu.memory_space<vmem>>
    %dma_start3A_58 = arith.constant 0 : i32
    %dma_start3A_59 = tpu.memref_slice %dma_start3A_57[%dma_start3A_58] : memref<200xi32, #tpu.memory_space<vmem>> -> memref<128xi32, #tpu.memory_space<vmem>>
    %dma_start3A_60 = arith.constant 0 : i32
    %dma_start3A_61 = arith.constant 0 : i32
    %dma_start3A_62 = tpu.memref_slice %arg3[%dma_start3A_60, %dma_start3A_61] : memref<1000000x64xf32, #tpu.memory_space<hbm>> -> memref<1000000x64xf32, #tpu.memory_space<hbm>>
    tpu.enqueue_indirect_dma source(%dma_start3A_62 : memref<1000000x64xf32, #tpu.memory_space<hbm>>) target(%dma_start3A_54 : memref<128x64xf32, #tpu.memory_space<vmem>>) offsets(%dma_start3A_59 : memref<128xi32, #tpu.memory_space<vmem>>) semaphore(%arg8 : memref<!tpu.dma_semaphore, #tpu.memory_space<semaphore_mem>>)
    %dma_start3A_63 = arith.constant 1 : i32
    %dma_start3A_64 = arith.constant 1 : i32
    %dma_start3A_65 = arith.constant 0 : i32
    %dma_start3A_66 = arith.constant 0 : i32
    %dma_start3A_67 = tpu.memref_slice %arg6[%dma_start3A_64, %dma_start3A_65, %dma_start3A_66] : memref<4x200x64xf32, #tpu.memory_space<vmem>> -> memref<1x200x64xf32, #tpu.memory_space<vmem>>
    %dma_start3A_68 = tpu.memref_squeeze %dma_start3A_67 : memref<1x200x64xf32, #tpu.memory_space<vmem>> -> memref<200x64xf32, #tpu.memory_space<vmem>>
    %dma_start3A_69 = arith.constant 128 : i32
    %dma_start3A_70 = arith.constant 0 : i32
    %dma_start3A_71 = tpu.memref_slice %dma_start3A_68[%dma_start3A_69, %dma_start3A_70] : memref<200x64xf32, #tpu.memory_space<vmem>> -> memref<72x64xf32, #tpu.memory_space<vmem>>
    %dma_start3A_72 = arith.constant 0 : i32
    %dma_start3A_73 = tpu.memref_slice %arg5[%dma_start3A_63, %dma_start3A_72] : memref<8x200xi32, #tpu.memory_space<vmem>> -> memref<1x200xi32, #tpu.memory_space<vmem>>
    %dma_start3A_74 = tpu.memref_squeeze %dma_start3A_73 : memref<1x200xi32, #tpu.memory_space<vmem>> -> memref<200xi32, #tpu.memory_space<vmem>>
    %dma_start3A_75 = arith.constant 128 : i32
    %dma_start3A_76 = tpu.memref_slice %dma_start3A_74[%dma_start3A_75] : memref<200xi32, #tpu.memory_space<vmem>> -> memref<72xi32, #tpu.memory_space<vmem>>
    %dma_start3A_77 = arith.constant 0 : i32
    %dma_start3A_78 = arith.constant 0 : i32
    %dma_start3A_79 = tpu.memref_slice %arg3[%dma_start3A_77, %dma_start3A_78] : memref<1000000x64xf32, #tpu.memory_space<hbm>> -> memref<1000000x64xf32, #tpu.memory_space<hbm>>
    tpu.enqueue_indirect_dma source(%dma_start3A_79 : memref<1000000x64xf32, #tpu.memory_space<hbm>>) target(%dma_start3A_71 : memref<72x64xf32, #tpu.memory_space<vmem>>) offsets(%dma_start3A_76 : memref<72xi32, #tpu.memory_space<vmem>>) semaphore(%arg8 : memref<!tpu.dma_semaphore, #tpu.memory_space<semaphore_mem>>)
    %dma_start3A_80 = arith.constant 2 : i32
    %dma_start3A_81 = arith.constant 2 : i32
    %dma_start3A_82 = arith.constant 0 : i32
    %dma_start3A_83 = arith.constant 0 : i32
    %dma_start3A_84 = tpu.memref_slice %arg6[%dma_start3A_81, %dma_start3A_82, %dma_start3A_83] : memref<4x200x64xf32, #tpu.memory_space<vmem>> -> memref<1x200x64xf32, #tpu.memory_space<vmem>>
    %dma_start3A_85 = tpu.memref_squeeze %dma_start3A_84 : memref<1x200x64xf32, #tpu.memory_space<vmem>> -> memref<200x64xf32, #tpu.memory_space<vmem>>
    %dma_start3A_86 = arith.constant 0 : i32
    %dma_start3A_87 = arith.constant 0 : i32
    %dma_start3A_88 = tpu.memref_slice %dma_start3A_85[%dma_start3A_86, %dma_start3A_87] : memref<200x64xf32, #tpu.memory_space<vmem>> -> memref<128x64xf32, #tpu.memory_space<vmem>>
    %dma_start3A_89 = arith.constant 0 : i32
    %dma_start3A_90 = tpu.memref_slice %arg5[%dma_start3A_80, %dma_start3A_89] : memref<8x200xi32, #tpu.memory_space<vmem>> -> memref<1x200xi32, #tpu.memory_space<vmem>>
    %dma_start3A_91 = tpu.memref_squeeze %dma_start3A_90 : memref<1x200xi32, #tpu.memory_space<vmem>> -> memref<200xi32, #tpu.memory_space<vmem>>
    %dma_start3A_92 = arith.constant 0 : i32
    %dma_start3A_93 = tpu.memref_slice %dma_start3A_91[%dma_start3A_92] : memref<200xi32, #tpu.memory_space<vmem>> -> memref<128xi32, #tpu.memory_space<vmem>>
    %dma_start3A_94 = arith.constant 0 : i32
    %dma_start3A_95 = arith.constant 0 : i32
    %dma_start3A_96 = tpu.memref_slice %arg3[%dma_start3A_94, %dma_start3A_95] : memref<1000000x64xf32, #tpu.memory_space<hbm>> -> memref<1000000x64xf32, #tpu.memory_space<hbm>>
    tpu.enqueue_indirect_dma source(%dma_start3A_96 : memref<1000000x64xf32, #tpu.memory_space<hbm>>) target(%dma_start3A_88 : memref<128x64xf32, #tpu.memory_space<vmem>>) offsets(%dma_start3A_93 : memref<128xi32, #tpu.memory_space<vmem>>) semaphore(%arg8 : memref<!tpu.dma_semaphore, #tpu.memory_space<semaphore_mem>>)
    %dma_start3A_97 = arith.constant 2 : i32
    %dma_start3A_98 = arith.constant 2 : i32
    %dma_start3A_99 = arith.constant 0 : i32
    %dma_start3A_100 = arith.constant 0 : i32
    %dma_start3A_101 = tpu.memref_slice %arg6[%dma_start3A_98, %dma_start3A_99, %dma_start3A_100] : memref<4x200x64xf32, #tpu.memory_space<vmem>> -> memref<1x200x64xf32, #tpu.memory_space<vmem>>
    %dma_start3A_102 = tpu.memref_squeeze %dma_start3A_101 : memref<1x200x64xf32, #tpu.memory_space<vmem>> -> memref<200x64xf32, #tpu.memory_space<vmem>>
    %dma_start3A_103 = arith.constant 128 : i32
    %dma_start3A_104 = arith.constant 0 : i32
    %dma_start3A_105 = tpu.memref_slice %dma_start3A_102[%dma_start3A_103, %dma_start3A_104] : memref<200x64xf32, #tpu.memory_space<vmem>> -> memref<72x64xf32, #tpu.memory_space<vmem>>
    %dma_start3A_106 = arith.constant 0 : i32
    %dma_start3A_107 = tpu.memref_slice %arg5[%dma_start3A_97, %dma_start3A_106] : memref<8x200xi32, #tpu.memory_space<vmem>> -> memref<1x200xi32, #tpu.memory_space<vmem>>
    %dma_start3A_108 = tpu.memref_squeeze %dma_start3A_107 : memref<1x200xi32, #tpu.memory_space<vmem>> -> memref<200xi32, #tpu.memory_space<vmem>>
    %dma_start3A_109 = arith.constant 128 : i32
    %dma_start3A_110 = tpu.memref_slice %dma_start3A_108[%dma_start3A_109] : memref<200xi32, #tpu.memory_space<vmem>> -> memref<72xi32, #tpu.memory_space<vmem>>
    %dma_start3A_111 = arith.constant 0 : i32
    %dma_start3A_112 = arith.constant 0 : i32
    %dma_start3A_113 = tpu.memref_slice %arg3[%dma_start3A_111, %dma_start3A_112] : memref<1000000x64xf32, #tpu.memory_space<hbm>> -> memref<1000000x64xf32, #tpu.memory_space<hbm>>
    tpu.enqueue_indirect_dma source(%dma_start3A_113 : memref<1000000x64xf32, #tpu.memory_space<hbm>>) target(%dma_start3A_105 : memref<72x64xf32, #tpu.memory_space<vmem>>) offsets(%dma_start3A_110 : memref<72xi32, #tpu.memory_space<vmem>>) semaphore(%arg8 : memref<!tpu.dma_semaphore, #tpu.memory_space<semaphore_mem>>)
    %add3A_114 = arith.constant 600 : i32
    %add3A_115 = arith.addi %mul3A_4, %add3A_114 : i32
    %dma_start3A_116 = arith.constant 3 : i32
    %dma_start3A_117 = arith.constant 0 : i32
    %dma_start3A_118 = tpu.memref_slice %arg5[%dma_start3A_116, %dma_start3A_117] : memref<8x200xi32, #tpu.memory_space<vmem>> -> memref<1x200xi32, #tpu.memory_space<vmem>>
    %dma_start3A_119 = tpu.memref_squeeze %dma_start3A_118 : memref<1x200xi32, #tpu.memory_space<vmem>> -> memref<200xi32, #tpu.memory_space<vmem>>
    %dma_start3A_120 = tpu.memref_slice %arg2[%add3A_115] : memref<3276800xi32, #tpu.memory_space<hbm>> -> memref<200xi32, #tpu.memory_space<hbm>>
    %dma_start3A_121 = arith.constant 0 : i32
    %dma_start3A_122 = tpu.memref_slice %arg5[%dma_start3A_116, %dma_start3A_121] : memref<8x200xi32, #tpu.memory_space<vmem>> -> memref<1x200xi32, #tpu.memory_space<vmem>>
    %dma_start3A_123 = tpu.memref_squeeze %dma_start3A_122 : memref<1x200xi32, #tpu.memory_space<vmem>> -> memref<200xi32, #tpu.memory_space<vmem>>
    %dma_start3A_124 = tpu.memref_slice %arg2[%add3A_115] : memref<3276800xi32, #tpu.memory_space<hbm>> -> memref<200xi32, #tpu.memory_space<hbm>>
    tpu.enqueue_dma source(%dma_start3A_124 : memref<200xi32, #tpu.memory_space<hbm>>) target(%dma_start3A_123 : memref<200xi32, #tpu.memory_space<vmem>>) target_semaphore(%arg9 : memref<!tpu.dma_semaphore, #tpu.memory_space<semaphore_mem>>)
    %add3A_125 = arith.constant 800 : i32
    %add3A_126 = arith.addi %mul3A_4, %add3A_125 : i32
    %dma_start3A_127 = arith.constant 4 : i32
    %dma_start3A_128 = arith.constant 0 : i32
    %dma_start3A_129 = tpu.memref_slice %arg5[%dma_start3A_127, %dma_start3A_128] : memref<8x200xi32, #tpu.memory_space<vmem>> -> memref<1x200xi32, #tpu.memory_space<vmem>>
    %dma_start3A_130 = tpu.memref_squeeze %dma_start3A_129 : memref<1x200xi32, #tpu.memory_space<vmem>> -> memref<200xi32, #tpu.memory_space<vmem>>
    %dma_start3A_131 = tpu.memref_slice %arg2[%add3A_126] : memref<3276800xi32, #tpu.memory_space<hbm>> -> memref<200xi32, #tpu.memory_space<hbm>>
    %dma_start3A_132 = arith.constant 0 : i32
    %dma_start3A_133 = tpu.memref_slice %arg5[%dma_start3A_127, %dma_start3A_132] : memref<8x200xi32, #tpu.memory_space<vmem>> -> memref<1x200xi32, #tpu.memory_space<vmem>>
    %dma_start3A_134 = tpu.memref_squeeze %dma_start3A_133 : memref<1x200xi32, #tpu.memory_space<vmem>> -> memref<200xi32, #tpu.memory_space<vmem>>
    %dma_start3A_135 = tpu.memref_slice %arg2[%add3A_126] : memref<3276800xi32, #tpu.memory_space<hbm>> -> memref<200xi32, #tpu.memory_space<hbm>>
    tpu.enqueue_dma source(%dma_start3A_135 : memref<200xi32, #tpu.memory_space<hbm>>) target(%dma_start3A_134 : memref<200xi32, #tpu.memory_space<vmem>>) target_semaphore(%arg9 : memref<!tpu.dma_semaphore, #tpu.memory_space<semaphore_mem>>)
    %add3A_136 = arith.constant 1000 : i32
    %add3A_137 = arith.addi %mul3A_4, %add3A_136 : i32
    %dma_start3A_138 = arith.constant 5 : i32
    %dma_start3A_139 = arith.constant 0 : i32
    %dma_start3A_140 = tpu.memref_slice %arg5[%dma_start3A_138, %dma_start3A_139] : memref<8x200xi32, #tpu.memory_space<vmem>> -> memref<1x200xi32, #tpu.memory_space<vmem>>
    %dma_start3A_141 = tpu.memref_squeeze %dma_start3A_140 : memref<1x200xi32, #tpu.memory_space<vmem>> -> memref<200xi32, #tpu.memory_space<vmem>>
    %dma_start3A_142 = tpu.memref_slice %arg2[%add3A_137] : memref<3276800xi32, #tpu.memory_space<hbm>> -> memref<200xi32, #tpu.memory_space<hbm>>
    %dma_start3A_143 = arith.constant 0 : i32
    %dma_start3A_144 = tpu.memref_slice %arg5[%dma_start3A_138, %dma_start3A_143] : memref<8x200xi32, #tpu.memory_space<vmem>> -> memref<1x200xi32, #tpu.memory_space<vmem>>
    %dma_start3A_145 = tpu.memref_squeeze %dma_start3A_144 : memref<1x200xi32, #tpu.memory_space<vmem>> -> memref<200xi32, #tpu.memory_space<vmem>>
    %dma_start3A_146 = tpu.memref_slice %arg2[%add3A_137] : memref<3276800xi32, #tpu.memory_space<hbm>> -> memref<200xi32, #tpu.memory_space<hbm>>
    tpu.enqueue_dma source(%dma_start3A_146 : memref<200xi32, #tpu.memory_space<hbm>>) target(%dma_start3A_145 : memref<200xi32, #tpu.memory_space<vmem>>) target_semaphore(%arg9 : memref<!tpu.dma_semaphore, #tpu.memory_space<semaphore_mem>>)
    %scan3A = arith.constant 0 : i32
    %scan3A_147 = arith.constant 0 : i32
    %scan3A_148 = arith.constant 64 : i32
    %scan3A_149 = arith.addi %scan3A_147, %scan3A_148 : i32
    %scan3A_150 = arith.constant 1 : i32
    scf.for %scan3A_154 = %scan3A_147 to %scan3A_149 step %scan3A_150  : i32 {
      %mul3A_155 = arith.constant 8 : i32
      %mul3A_156 = arith.muli %scan3A_154, %mul3A_155 : i32
      %add3A_157 = arith.constant 0 : i32
      %add3A_158 = arith.addi %mul3A_156, %add3A_157 : i32
      %lt3A = arith.constant 509 : i32
      %lt3A_159 = arith.cmpi slt, %add3A_158, %lt3A : i32
      %convert_element_type3A = arith.extui %lt3A_159 : i1 to i32
      %cond3A = arith.constant 0 : i32
      %cond3A_160 = arith.cmpi ne, %convert_element_type3A, %cond3A : i32
      scf.if %cond3A_160 {
        %dma_wait3A_965 = arith.constant 3 : i32
        %dma_wait3A_966 = arith.constant 0 : i32
        %dma_wait3A_967 = tpu.memref_slice %arg5[%dma_wait3A_965, %dma_wait3A_966] : memref<8x200xi32, #tpu.memory_space<vmem>> -> memref<1x200xi32, #tpu.memory_space<vmem>>
        %dma_wait3A_968 = tpu.memref_squeeze %dma_wait3A_967 : memref<1x200xi32, #tpu.memory_space<vmem>> -> memref<200xi32, #tpu.memory_space<vmem>>
        %dma_wait3A_969 = arith.constant 0 : i32
        %dma_wait3A_970 = tpu.memref_slice %arg2[%dma_wait3A_969] : memref<3276800xi32, #tpu.memory_space<hbm>> -> memref<200xi32, #tpu.memory_space<hbm>>
        %dma_wait3A_971 = arith.constant 0 : i32
        %dma_wait3A_972 = tpu.memref_slice %arg5[%dma_wait3A_965, %dma_wait3A_971] : memref<8x200xi32, #tpu.memory_space<vmem>> -> memref<1x200xi32, #tpu.memory_space<vmem>>
        %dma_wait3A_973 = tpu.memref_squeeze %dma_wait3A_972 : memref<1x200xi32, #tpu.memory_space<vmem>> -> memref<200xi32, #tpu.memory_space<vmem>>
        %dma_wait3A_974 = arith.constant 0 : i32
        %dma_wait3A_975 = tpu.memref_slice %arg2[%dma_wait3A_974] : memref<3276800xi32, #tpu.memory_space<hbm>> -> memref<200xi32, #tpu.memory_space<hbm>>
        tpu.wait_dma2 semaphore(%arg9 : memref<!tpu.dma_semaphore, #tpu.memory_space<semaphore_mem>>) src(%dma_wait3A_975 : memref<200xi32, #tpu.memory_space<hbm>>) dst(%dma_wait3A_973 : memref<200xi32, #tpu.memory_space<vmem>>)
        %dma_start3A_976 = arith.constant 3 : i32
        %dma_start3A_977 = arith.constant 3 : i32
        %dma_start3A_978 = arith.constant 0 : i32
        %dma_start3A_979 = arith.constant 0 : i32
        %dma_start3A_980 = tpu.memref_slice %arg6[%dma_start3A_977, %dma_start3A_978, %dma_start3A_979] : memref<4x200x64xf32, #tpu.memory_space<vmem>> -> memref<1x200x64xf32, #tpu.memory_space<vmem>>
        %dma_start3A_981 = tpu.memref_squeeze %dma_start3A_980 : memref<1x200x64xf32, #tpu.memory_space<vmem>> -> memref<200x64xf32, #tpu.memory_space<vmem>>
        %dma_start3A_982 = arith.constant 0 : i32
        %dma_start3A_983 = arith.constant 0 : i32
        %dma_start3A_984 = tpu.memref_slice %dma_start3A_981[%dma_start3A_982, %dma_start3A_983] : memref<200x64xf32, #tpu.memory_space<vmem>> -> memref<128x64xf32, #tpu.memory_space<vmem>>
        %dma_start3A_985 = arith.constant 0 : i32
        %dma_start3A_986 = tpu.memref_slice %arg5[%dma_start3A_976, %dma_start3A_985] : memref<8x200xi32, #tpu.memory_space<vmem>> -> memref<1x200xi32, #tpu.memory_space<vmem>>
        %dma_start3A_987 = tpu.memref_squeeze %dma_start3A_986 : memref<1x200xi32, #tpu.memory_space<vmem>> -> memref<200xi32, #tpu.memory_space<vmem>>
        %dma_start3A_988 = arith.constant 0 : i32
        %dma_start3A_989 = tpu.memref_slice %dma_start3A_987[%dma_start3A_988] : memref<200xi32, #tpu.memory_space<vmem>> -> memref<128xi32, #tpu.memory_space<vmem>>
        %dma_start3A_990 = arith.constant 0 : i32
        %dma_start3A_991 = arith.constant 0 : i32
        %dma_start3A_992 = tpu.memref_slice %arg3[%dma_start3A_990, %dma_start3A_991] : memref<1000000x64xf32, #tpu.memory_space<hbm>> -> memref<1000000x64xf32, #tpu.memory_space<hbm>>
        tpu.enqueue_indirect_dma source(%dma_start3A_992 : memref<1000000x64xf32, #tpu.memory_space<hbm>>) target(%dma_start3A_984 : memref<128x64xf32, #tpu.memory_space<vmem>>) offsets(%dma_start3A_989 : memref<128xi32, #tpu.memory_space<vmem>>) semaphore(%arg8 : memref<!tpu.dma_semaphore, #tpu.memory_space<semaphore_mem>>)
        %dma_start3A_993 = arith.constant 3 : i32
        %dma_start3A_994 = arith.constant 3 : i32
        %dma_start3A_995 = arith.constant 0 : i32
        %dma_start3A_996 = arith.constant 0 : i32
        %dma_start3A_997 = tpu.memref_slice %arg6[%dma_start3A_994, %dma_start3A_995, %dma_start3A_996] : memref<4x200x64xf32, #tpu.memory_space<vmem>> -> memref<1x200x64xf32, #tpu.memory_space<vmem>>
        %dma_start3A_998 = tpu.memref_squeeze %dma_start3A_997 : memref<1x200x64xf32, #tpu.memory_space<vmem>> -> memref<200x64xf32, #tpu.memory_space<vmem>>
        %dma_start3A_999 = arith.constant 128 : i32
        %dma_start3A_1000 = arith.constant 0 : i32
        %dma_start3A_1001 = tpu.memref_slice %dma_start3A_998[%dma_start3A_999, %dma_start3A_1000] : memref<200x64xf32, #tpu.memory_space<vmem>> -> memref<72x64xf32, #tpu.memory_space<vmem>>
        %dma_start3A_1002 = arith.constant 0 : i32
        %dma_start3A_1003 = tpu.memref_slice %arg5[%dma_start3A_993, %dma_start3A_1002] : memref<8x200xi32, #tpu.memory_space<vmem>> -> memref<1x200xi32, #tpu.memory_space<vmem>>
        %dma_start3A_1004 = tpu.memref_squeeze %dma_start3A_1003 : memref<1x200xi32, #tpu.memory_space<vmem>> -> memref<200xi32, #tpu.memory_space<vmem>>
        %dma_start3A_1005 = arith.constant 128 : i32
        %dma_start3A_1006 = tpu.memref_slice %dma_start3A_1004[%dma_start3A_1005] : memref<200xi32, #tpu.memory_space<vmem>> -> memref<72xi32, #tpu.memory_space<vmem>>
        %dma_start3A_1007 = arith.constant 0 : i32
        %dma_start3A_1008 = arith.constant 0 : i32
        %dma_start3A_1009 = tpu.memref_slice %arg3[%dma_start3A_1007, %dma_start3A_1008] : memref<1000000x64xf32, #tpu.memory_space<hbm>> -> memref<1000000x64xf32, #tpu.memory_space<hbm>>
        tpu.enqueue_indirect_dma source(%dma_start3A_1009 : memref<1000000x64xf32, #tpu.memory_space<hbm>>) target(%dma_start3A_1001 : memref<72x64xf32, #tpu.memory_space<vmem>>) offsets(%dma_start3A_1006 : memref<72xi32, #tpu.memory_space<vmem>>) semaphore(%arg8 : memref<!tpu.dma_semaphore, #tpu.memory_space<semaphore_mem>>)
      } else {
      }
      %lt3A_161 = arith.constant 506 : i32
      %lt3A_162 = arith.cmpi slt, %add3A_158, %lt3A_161 : i32
      %convert_element_type3A_163 = arith.extui %lt3A_162 : i1 to i32
      %cond3A_164 = arith.constant 0 : i32
      %cond3A_165 = arith.cmpi ne, %convert_element_type3A_163, %cond3A_164 : i32
      scf.if %cond3A_165 {
        %add3A_965 = arith.constant 6 : i32
        %add3A_966 = arith.addi %add3A_158, %add3A_965 : i32
        %mul3A_967 = arith.constant 200 : i32
        %mul3A_968 = arith.muli %add3A_966, %mul3A_967 : i32
        %add3A_969 = arith.addi %mul3A_4, %mul3A_968 : i32
        %dma_start3A_970 = arith.constant 6 : i32
        %dma_start3A_971 = arith.constant 0 : i32
        %dma_start3A_972 = tpu.memref_slice %arg5[%dma_start3A_970, %dma_start3A_971] : memref<8x200xi32, #tpu.memory_space<vmem>> -> memref<1x200xi32, #tpu.memory_space<vmem>>
        %dma_start3A_973 = tpu.memref_squeeze %dma_start3A_972 : memref<1x200xi32, #tpu.memory_space<vmem>> -> memref<200xi32, #tpu.memory_space<vmem>>
        %dma_start3A_974 = tpu.memref_slice %arg2[%add3A_969] : memref<3276800xi32, #tpu.memory_space<hbm>> -> memref<200xi32, #tpu.memory_space<hbm>>
        %dma_start3A_975 = arith.constant 0 : i32
        %dma_start3A_976 = tpu.memref_slice %arg5[%dma_start3A_970, %dma_start3A_975] : memref<8x200xi32, #tpu.memory_space<vmem>> -> memref<1x200xi32, #tpu.memory_space<vmem>>
        %dma_start3A_977 = tpu.memref_squeeze %dma_start3A_976 : memref<1x200xi32, #tpu.memory_space<vmem>> -> memref<200xi32, #tpu.memory_space<vmem>>
        %dma_start3A_978 = tpu.memref_slice %arg2[%add3A_969] : memref<3276800xi32, #tpu.memory_space<hbm>> -> memref<200xi32, #tpu.memory_space<hbm>>
        tpu.enqueue_dma source(%dma_start3A_978 : memref<200xi32, #tpu.memory_space<hbm>>) target(%dma_start3A_977 : memref<200xi32, #tpu.memory_space<vmem>>) target_semaphore(%arg9 : memref<!tpu.dma_semaphore, #tpu.memory_space<semaphore_mem>>)
      } else {
      }
      %dma_wait3A = arith.constant 0 : i32
      %dma_wait3A_166 = arith.constant 0 : i32
      %dma_wait3A_167 = arith.constant 0 : i32
      %dma_wait3A_168 = tpu.memref_slice %arg6[%dma_wait3A, %dma_wait3A_166, %dma_wait3A_167] : memref<4x200x64xf32, #tpu.memory_space<vmem>> -> memref<1x200x64xf32, #tpu.memory_space<vmem>>
      %dma_wait3A_169 = tpu.memref_squeeze %dma_wait3A_168 : memref<1x200x64xf32, #tpu.memory_space<vmem>> -> memref<200x64xf32, #tpu.memory_space<vmem>>
      %dma_wait3A_170 = arith.constant 0 : i32
      %dma_wait3A_171 = arith.constant 0 : i32
      %dma_wait3A_172 = tpu.memref_slice %dma_wait3A_169[%dma_wait3A_170, %dma_wait3A_171] : memref<200x64xf32, #tpu.memory_space<vmem>> -> memref<128x64xf32, #tpu.memory_space<vmem>>
      %dma_wait3A_173 = arith.constant 0 : i32
      %dma_wait3A_174 = arith.constant 0 : i32
      %dma_wait3A_175 = tpu.memref_slice %arg3[%dma_wait3A_173, %dma_wait3A_174] : memref<1000000x64xf32, #tpu.memory_space<hbm>> -> memref<128x64xf32, #tpu.memory_space<hbm>>
      %dma_wait3A_176 = arith.constant 0 : i32
      %dma_wait3A_177 = arith.constant 0 : i32
      %dma_wait3A_178 = tpu.memref_slice %arg6[%dma_wait3A, %dma_wait3A_176, %dma_wait3A_177] : memref<4x200x64xf32, #tpu.memory_space<vmem>> -> memref<1x200x64xf32, #tpu.memory_space<vmem>>
      %dma_wait3A_179 = tpu.memref_squeeze %dma_wait3A_178 : memref<1x200x64xf32, #tpu.memory_space<vmem>> -> memref<200x64xf32, #tpu.memory_space<vmem>>
      %dma_wait3A_180 = arith.constant 0 : i32
      %dma_wait3A_181 = arith.constant 0 : i32
      %dma_wait3A_182 = tpu.memref_slice %dma_wait3A_179[%dma_wait3A_180, %dma_wait3A_181] : memref<200x64xf32, #tpu.memory_space<vmem>> -> memref<128x64xf32, #tpu.memory_space<vmem>>
      %dma_wait3A_183 = arith.constant 0 : i32
      %dma_wait3A_184 = arith.constant 0 : i32
      %dma_wait3A_185 = tpu.memref_slice %arg3[%dma_wait3A_183, %dma_wait3A_184] : memref<1000000x64xf32, #tpu.memory_space<hbm>> -> memref<128x64xf32, #tpu.memory_space<hbm>>
      tpu.wait_dma2 semaphore(%arg8 : memref<!tpu.dma_semaphore, #tpu.memory_space<semaphore_mem>>) src(%dma_wait3A_185 : memref<128x64xf32, #tpu.memory_space<hbm>>) dst(%dma_wait3A_182 : memref<128x64xf32, #tpu.memory_space<vmem>>)
      %dma_wait3A_186 = arith.constant 0 : i32
      %dma_wait3A_187 = arith.constant 0 : i32
      %dma_wait3A_188 = arith.constant 0 : i32
      %dma_wait3A_189 = tpu.memref_slice %arg6[%dma_wait3A_186, %dma_wait3A_187, %dma_wait3A_188] : memref<4x200x64xf32, #tpu.memory_space<vmem>> -> memref<1x200x64xf32, #tpu.memory_space<vmem>>
      %dma_wait3A_190 = tpu.memref_squeeze %dma_wait3A_189 : memref<1x200x64xf32, #tpu.memory_space<vmem>> -> memref<200x64xf32, #tpu.memory_space<vmem>>
      %dma_wait3A_191 = arith.constant 128 : i32
      %dma_wait3A_192 = arith.constant 0 : i32
      %dma_wait3A_193 = tpu.memref_slice %dma_wait3A_190[%dma_wait3A_191, %dma_wait3A_192] : memref<200x64xf32, #tpu.memory_space<vmem>> -> memref<72x64xf32, #tpu.memory_space<vmem>>
      %dma_wait3A_194 = arith.constant 0 : i32
      %dma_wait3A_195 = arith.constant 0 : i32
      %dma_wait3A_196 = tpu.memref_slice %arg3[%dma_wait3A_194, %dma_wait3A_195] : memref<1000000x64xf32, #tpu.memory_space<hbm>> -> memref<72x64xf32, #tpu.memory_space<hbm>>
      %dma_wait3A_197 = arith.constant 0 : i32
      %dma_wait3A_198 = arith.constant 0 : i32
      %dma_wait3A_199 = tpu.memref_slice %arg6[%dma_wait3A_186, %dma_wait3A_197, %dma_wait3A_198] : memref<4x200x64xf32, #tpu.memory_space<vmem>> -> memref<1x200x64xf32, #tpu.memory_space<vmem>>
      %dma_wait3A_200 = tpu.memref_squeeze %dma_wait3A_199 : memref<1x200x64xf32, #tpu.memory_space<vmem>> -> memref<200x64xf32, #tpu.memory_space<vmem>>
      %dma_wait3A_201 = arith.constant 128 : i32
      %dma_wait3A_202 = arith.constant 0 : i32
      %dma_wait3A_203 = tpu.memref_slice %dma_wait3A_200[%dma_wait3A_201, %dma_wait3A_202] : memref<200x64xf32, #tpu.memory_space<vmem>> -> memref<72x64xf32, #tpu.memory_space<vmem>>
      %dma_wait3A_204 = arith.constant 0 : i32
      %dma_wait3A_205 = arith.constant 0 : i32
      %dma_wait3A_206 = tpu.memref_slice %arg3[%dma_wait3A_204, %dma_wait3A_205] : memref<1000000x64xf32, #tpu.memory_space<hbm>> -> memref<72x64xf32, #tpu.memory_space<hbm>>
      tpu.wait_dma2 semaphore(%arg8 : memref<!tpu.dma_semaphore, #tpu.memory_space<semaphore_mem>>) src(%dma_wait3A_206 : memref<72x64xf32, #tpu.memory_space<hbm>>) dst(%dma_wait3A_203 : memref<72x64xf32, #tpu.memory_space<vmem>>)
      %broadcast_in_dim3A = arith.constant 0.000000e+00 : f32
      %broadcast_in_dim3A_207 = vector.broadcast %broadcast_in_dim3A : f32 to vector<16xf32>
      %broadcast_in_dim3A_208 = arith.constant 0.000000e+00 : f32
      %broadcast_in_dim3A_209 = vector.broadcast %broadcast_in_dim3A_208 : f32 to vector<16xf32>
      %broadcast_in_dim3A_210 = arith.constant 0.000000e+00 : f32
      %broadcast_in_dim3A_211 = vector.broadcast %broadcast_in_dim3A_210 : f32 to vector<16xf32>
      %broadcast_in_dim3A_212 = arith.constant 0.000000e+00 : f32
      %broadcast_in_dim3A_213 = vector.broadcast %broadcast_in_dim3A_212 : f32 to vector<16xf32>
      %scan3A_214 = arith.constant 0 : i32
      %scan3A_215 = arith.constant 200 : i32
      %scan3A_216 = arith.addi %scan3A_214, %scan3A_215 : i32
      %scan3A_217 = arith.constant 8 : i32
      %scan3A_218:4 = scf.for %scan3A_965 = %scan3A_214 to %scan3A_216 step %scan3A_217 iter_args(%scan3A_966 = %broadcast_in_dim3A_207, %scan3A_967 = %broadcast_in_dim3A_209, %scan3A_968 = %broadcast_in_dim3A_211, %scan3A_969 = %broadcast_in_dim3A_213) -> (vector<16xf32>, vector<16xf32>, vector<16xf32>, vector<16xf32>)  : i32 {
        %get3A = arith.constant 0 : i32
        %get3A_970 = arith.index_cast %get3A : i32 to index
        %get3A_971 = arith.index_cast %scan3A_965 : i32 to index
        %get3A_972 = arith.constant 0 : index
        %get3A_973 = tpu.vector_load %arg6[%get3A_970, %get3A_971, %get3A_972] {strides = array<i32>} : memref<4x200x64xf32, #tpu.memory_space<vmem>>, vector<1x1x16xf32>,
        %get3A_974 = vector.shape_cast %get3A_973 : vector<1x1x16xf32> to vector<16xf32>
        %add3A_975 = arith.addf %scan3A_966, %get3A_974 : vector<16xf32>
        %get3A_976 = arith.constant 0 : i32
        %get3A_977 = arith.index_cast %get3A_976 : i32 to index
        %get3A_978 = arith.index_cast %scan3A_965 : i32 to index
        %get3A_979 = arith.constant 16 : index
        %get3A_980 = tpu.vector_load %arg6[%get3A_977, %get3A_978, %get3A_979] {strides = array<i32>} : memref<4x200x64xf32, #tpu.memory_space<vmem>>, vector<1x1x16xf32>,
        %get3A_981 = vector.shape_cast %get3A_980 : vector<1x1x16xf32> to vector<16xf32>
        %add3A_982 = arith.addf %scan3A_967, %get3A_981 : vector<16xf32>
        %get3A_983 = arith.constant 0 : i32
        %get3A_984 = arith.index_cast %get3A_983 : i32 to index
        %get3A_985 = arith.index_cast %scan3A_965 : i32 to index
        %get3A_986 = arith.constant 32 : index
        %get3A_987 = tpu.vector_load %arg6[%get3A_984, %get3A_985, %get3A_986] {strides = array<i32>} : memref<4x200x64xf32, #tpu.memory_space<vmem>>, vector<1x1x16xf32>,
        %get3A_988 = vector.shape_cast %get3A_987 : vector<1x1x16xf32> to vector<16xf32>
        %add3A_989 = arith.addf %scan3A_968, %get3A_988 : vector<16xf32>
        %get3A_990 = arith.constant 0 : i32
        %get3A_991 = arith.index_cast %get3A_990 : i32 to index
        %get3A_992 = arith.index_cast %scan3A_965 : i32 to index
        %get3A_993 = arith.constant 48 : index
        %get3A_994 = tpu.vector_load %arg6[%get3A_991, %get3A_992, %get3A_993] {strides = array<i32>} : memref<4x200x64xf32, #tpu.memory_space<vmem>>, vector<1x1x16xf32>,
        %get3A_995 = vector.shape_cast %get3A_994 : vector<1x1x16xf32> to vector<16xf32>
        %add3A_996 = arith.addf %scan3A_969, %get3A_995 : vector<16xf32>
        %scan3A_997 = arith.constant 1 : i32
        %scan3A_998 = arith.addi %scan3A_965, %scan3A_997 : i32
        %get3A_999 = arith.constant 0 : i32
        %get3A_1000 = arith.index_cast %get3A_999 : i32 to index
        %get3A_1001 = arith.index_cast %scan3A_998 : i32 to index
        %get3A_1002 = arith.constant 0 : index
        %get3A_1003 = tpu.vector_load %arg6[%get3A_1000, %get3A_1001, %get3A_1002] {strides = array<i32>} : memref<4x200x64xf32, #tpu.memory_space<vmem>>, vector<1x1x16xf32>,
        %get3A_1004 = vector.shape_cast %get3A_1003 : vector<1x1x16xf32> to vector<16xf32>
        %add3A_1005 = arith.addf %add3A_975, %get3A_1004 : vector<16xf32>
        %get3A_1006 = arith.constant 0 : i32
        %get3A_1007 = arith.index_cast %get3A_1006 : i32 to index
        %get3A_1008 = arith.index_cast %scan3A_998 : i32 to index
        %get3A_1009 = arith.constant 16 : index
        %get3A_1010 = tpu.vector_load %arg6[%get3A_1007, %get3A_1008, %get3A_1009] {strides = array<i32>} : memref<4x200x64xf32, #tpu.memory_space<vmem>>, vector<1x1x16xf32>,
        %get3A_1011 = vector.shape_cast %get3A_1010 : vector<1x1x16xf32> to vector<16xf32>
        %add3A_1012 = arith.addf %add3A_982, %get3A_1011 : vector<16xf32>
        %get3A_1013 = arith.constant 0 : i32
        %get3A_1014 = arith.index_cast %get3A_1013 : i32 to index
        %get3A_1015 = arith.index_cast %scan3A_998 : i32 to index
        %get3A_1016 = arith.constant 32 : index
        %get3A_1017 = tpu.vector_load %arg6[%get3A_1014, %get3A_1015, %get3A_1016] {strides = array<i32>} : memref<4x200x64xf32, #tpu.memory_space<vmem>>, vector<1x1x16xf32>,
        %get3A_1018 = vector.shape_cast %get3A_1017 : vector<1x1x16xf32> to vector<16xf32>
        %add3A_1019 = arith.addf %add3A_989, %get3A_1018 : vector<16xf32>
        %get3A_1020 = arith.constant 0 : i32
        %get3A_1021 = arith.index_cast %get3A_1020 : i32 to index
        %get3A_1022 = arith.index_cast %scan3A_998 : i32 to index
        %get3A_1023 = arith.constant 48 : index
        %get3A_1024 = tpu.vector_load %arg6[%get3A_1021, %get3A_1022, %get3A_1023] {strides = array<i32>} : memref<4x200x64xf32, #tpu.memory_space<vmem>>, vector<1x1x16xf32>,
        %get3A_1025 = vector.shape_cast %get3A_1024 : vector<1x1x16xf32> to vector<16xf32>
        %add3A_1026 = arith.addf %add3A_996, %get3A_1025 : vector<16xf32>
        %scan3A_1027 = arith.constant 2 : i32
        %scan3A_1028 = arith.addi %scan3A_965, %scan3A_1027 : i32
        %get3A_1029 = arith.constant 0 : i32
        %get3A_1030 = arith.index_cast %get3A_1029 : i32 to index
        %get3A_1031 = arith.index_cast %scan3A_1028 : i32 to index
        %get3A_1032 = arith.constant 0 : index
        %get3A_1033 = tpu.vector_load %arg6[%get3A_1030, %get3A_1031, %get3A_1032] {strides = array<i32>} : memref<4x200x64xf32, #tpu.memory_space<vmem>>, vector<1x1x16xf32>,
        %get3A_1034 = vector.shape_cast %get3A_1033 : vector<1x1x16xf32> to vector<16xf32>
        %add3A_1035 = arith.addf %add3A_1005, %get3A_1034 : vector<16xf32>
        %get3A_1036 = arith.constant 0 : i32
        %get3A_1037 = arith.index_cast %get3A_1036 : i32 to index
        %get3A_1038 = arith.index_cast %scan3A_1028 : i32 to index
        %get3A_1039 = arith.constant 16 : index
        %get3A_1040 = tpu.vector_load %arg6[%get3A_1037, %get3A_1038, %get3A_1039] {strides = array<i32>} : memref<4x200x64xf32, #tpu.memory_space<vmem>>, vector<1x1x16xf32>,
        %get3A_1041 = vector.shape_cast %get3A_1040 : vector<1x1x16xf32> to vector<16xf32>
        %add3A_1042 = arith.addf %add3A_1012, %get3A_1041 : vector<16xf32>
        %get3A_1043 = arith.constant 0 : i32
        %get3A_1044 = arith.index_cast %get3A_1043 : i32 to index
        %get3A_1045 = arith.index_cast %scan3A_1028 : i32 to index
        %get3A_1046 = arith.constant 32 : index
        %get3A_1047 = tpu.vector_load %arg6[%get3A_1044, %get3A_1045, %get3A_1046] {strides = array<i32>} : memref<4x200x64xf32, #tpu.memory_space<vmem>>, vector<1x1x16xf32>,
        %get3A_1048 = vector.shape_cast %get3A_1047 : vector<1x1x16xf32> to vector<16xf32>
        %add3A_1049 = arith.addf %add3A_1019, %get3A_1048 : vector<16xf32>
        %get3A_1050 = arith.constant 0 : i32
        %get3A_1051 = arith.index_cast %get3A_1050 : i32 to index
        %get3A_1052 = arith.index_cast %scan3A_1028 : i32 to index
        %get3A_1053 = arith.constant 48 : index
        %get3A_1054 = tpu.vector_load %arg6[%get3A_1051, %get3A_1052, %get3A_1053] {strides = array<i32>} : memref<4x200x64xf32, #tpu.memory_space<vmem>>, vector<1x1x16xf32>,
        %get3A_1055 = vector.shape_cast %get3A_1054 : vector<1x1x16xf32> to vector<16xf32>
        %add3A_1056 = arith.addf %add3A_1026, %get3A_1055 : vector<16xf32>
        %scan3A_1057 = arith.constant 3 : i32
        %scan3A_1058 = arith.addi %scan3A_965, %scan3A_1057 : i32
        %get3A_1059 = arith.constant 0 : i32
        %get3A_1060 = arith.index_cast %get3A_1059 : i32 to index
        %get3A_1061 = arith.index_cast %scan3A_1058 : i32 to index
        %get3A_1062 = arith.constant 0 : index
        %get3A_1063 = tpu.vector_load %arg6[%get3A_1060, %get3A_1061, %get3A_1062] {strides = array<i32>} : memref<4x200x64xf32, #tpu.memory_space<vmem>>, vector<1x1x16xf32>,
        %get3A_1064 = vector.shape_cast %get3A_1063 : vector<1x1x16xf32> to vector<16xf32>
        %add3A_1065 = arith.addf %add3A_1035, %get3A_1064 : vector<16xf32>
        %get3A_1066 = arith.constant 0 : i32
        %get3A_1067 = arith.index_cast %get3A_1066 : i32 to index
        %get3A_1068 = arith.index_cast %scan3A_1058 : i32 to index
        %get3A_1069 = arith.constant 16 : index
        %get3A_1070 = tpu.vector_load %arg6[%get3A_1067, %get3A_1068, %get3A_1069] {strides = array<i32>} : memref<4x200x64xf32, #tpu.memory_space<vmem>>, vector<1x1x16xf32>,
        %get3A_1071 = vector.shape_cast %get3A_1070 : vector<1x1x16xf32> to vector<16xf32>
        %add3A_1072 = arith.addf %add3A_1042, %get3A_1071 : vector<16xf32>
        %get3A_1073 = arith.constant 0 : i32
        %get3A_1074 = arith.index_cast %get3A_1073 : i32 to index
        %get3A_1075 = arith.index_cast %scan3A_1058 : i32 to index
        %get3A_1076 = arith.constant 32 : index
        %get3A_1077 = tpu.vector_load %arg6[%get3A_1074, %get3A_1075, %get3A_1076] {strides = array<i32>} : memref<4x200x64xf32, #tpu.memory_space<vmem>>, vector<1x1x16xf32>,
        %get3A_1078 = vector.shape_cast %get3A_1077 : vector<1x1x16xf32> to vector<16xf32>
        %add3A_1079 = arith.addf %add3A_1049, %get3A_1078 : vector<16xf32>
        %get3A_1080 = arith.constant 0 : i32
        %get3A_1081 = arith.index_cast %get3A_1080 : i32 to index
        %get3A_1082 = arith.index_cast %scan3A_1058 : i32 to index
        %get3A_1083 = arith.constant 48 : index
        %get3A_1084 = tpu.vector_load %arg6[%get3A_1081, %get3A_1082, %get3A_1083] {strides = array<i32>} : memref<4x200x64xf32, #tpu.memory_space<vmem>>, vector<1x1x16xf32>,
        %get3A_1085 = vector.shape_cast %get3A_1084 : vector<1x1x16xf32> to vector<16xf32>
        %add3A_1086 = arith.addf %add3A_1056, %get3A_1085 : vector<16xf32>
        %scan3A_1087 = arith.constant 4 : i32
        %scan3A_1088 = arith.addi %scan3A_965, %scan3A_1087 : i32
        %get3A_1089 = arith.constant 0 : i32
        %get3A_1090 = arith.index_cast %get3A_1089 : i32 to index
        %get3A_1091 = arith.index_cast %scan3A_1088 : i32 to index
        %get3A_1092 = arith.constant 0 : index
        %get3A_1093 = tpu.vector_load %arg6[%get3A_1090, %get3A_1091, %get3A_1092] {strides = array<i32>} : memref<4x200x64xf32, #tpu.memory_space<vmem>>, vector<1x1x16xf32>,
        %get3A_1094 = vector.shape_cast %get3A_1093 : vector<1x1x16xf32> to vector<16xf32>
        %add3A_1095 = arith.addf %add3A_1065, %get3A_1094 : vector<16xf32>
        %get3A_1096 = arith.constant 0 : i32
        %get3A_1097 = arith.index_cast %get3A_1096 : i32 to index
        %get3A_1098 = arith.index_cast %scan3A_1088 : i32 to index
        %get3A_1099 = arith.constant 16 : index
        %get3A_1100 = tpu.vector_load %arg6[%get3A_1097, %get3A_1098, %get3A_1099] {strides = array<i32>} : memref<4x200x64xf32, #tpu.memory_space<vmem>>, vector<1x1x16xf32>,
        %get3A_1101 = vector.shape_cast %get3A_1100 : vector<1x1x16xf32> to vector<16xf32>
        %add3A_1102 = arith.addf %add3A_1072, %get3A_1101 : vector<16xf32>
        %get3A_1103 = arith.constant 0 : i32
        %get3A_1104 = arith.index_cast %get3A_1103 : i32 to index
        %get3A_1105 = arith.index_cast %scan3A_1088 : i32 to index
        %get3A_1106 = arith.constant 32 : index
        %get3A_1107 = tpu.vector_load %arg6[%get3A_1104, %get3A_1105, %get3A_1106] {strides = array<i32>} : memref<4x200x64xf32, #tpu.memory_space<vmem>>, vector<1x1x16xf32>,
        %get3A_1108 = vector.shape_cast %get3A_1107 : vector<1x1x16xf32> to vector<16xf32>
        %add3A_1109 = arith.addf %add3A_1079, %get3A_1108 : vector<16xf32>
        %get3A_1110 = arith.constant 0 : i32
        %get3A_1111 = arith.index_cast %get3A_1110 : i32 to index
        %get3A_1112 = arith.index_cast %scan3A_1088 : i32 to index
        %get3A_1113 = arith.constant 48 : index
        %get3A_1114 = tpu.vector_load %arg6[%get3A_1111, %get3A_1112, %get3A_1113] {strides = array<i32>} : memref<4x200x64xf32, #tpu.memory_space<vmem>>, vector<1x1x16xf32>,
        %get3A_1115 = vector.shape_cast %get3A_1114 : vector<1x1x16xf32> to vector<16xf32>
        %add3A_1116 = arith.addf %add3A_1086, %get3A_1115 : vector<16xf32>
        %scan3A_1117 = arith.constant 5 : i32
        %scan3A_1118 = arith.addi %scan3A_965, %scan3A_1117 : i32
        %get3A_1119 = arith.constant 0 : i32
        %get3A_1120 = arith.index_cast %get3A_1119 : i32 to index
        %get3A_1121 = arith.index_cast %scan3A_1118 : i32 to index
        %get3A_1122 = arith.constant 0 : index
        %get3A_1123 = tpu.vector_load %arg6[%get3A_1120, %get3A_1121, %get3A_1122] {strides = array<i32>} : memref<4x200x64xf32, #tpu.memory_space<vmem>>, vector<1x1x16xf32>,
        %get3A_1124 = vector.shape_cast %get3A_1123 : vector<1x1x16xf32> to vector<16xf32>
        %add3A_1125 = arith.addf %add3A_1095, %get3A_1124 : vector<16xf32>
        %get3A_1126 = arith.constant 0 : i32
        %get3A_1127 = arith.index_cast %get3A_1126 : i32 to index
        %get3A_1128 = arith.index_cast %scan3A_1118 : i32 to index
        %get3A_1129 = arith.constant 16 : index
        %get3A_1130 = tpu.vector_load %arg6[%get3A_1127, %get3A_1128, %get3A_1129] {strides = array<i32>} : memref<4x200x64xf32, #tpu.memory_space<vmem>>, vector<1x1x16xf32>,
        %get3A_1131 = vector.shape_cast %get3A_1130 : vector<1x1x16xf32> to vector<16xf32>
        %add3A_1132 = arith.addf %add3A_1102, %get3A_1131 : vector<16xf32>
        %get3A_1133 = arith.constant 0 : i32
        %get3A_1134 = arith.index_cast %get3A_1133 : i32 to index
        %get3A_1135 = arith.index_cast %scan3A_1118 : i32 to index
        %get3A_1136 = arith.constant 32 : index
        %get3A_1137 = tpu.vector_load %arg6[%get3A_1134, %get3A_1135, %get3A_1136] {strides = array<i32>} : memref<4x200x64xf32, #tpu.memory_space<vmem>>, vector<1x1x16xf32>,
        %get3A_1138 = vector.shape_cast %get3A_1137 : vector<1x1x16xf32> to vector<16xf32>
        %add3A_1139 = arith.addf %add3A_1109, %get3A_1138 : vector<16xf32>
        %get3A_1140 = arith.constant 0 : i32
        %get3A_1141 = arith.index_cast %get3A_1140 : i32 to index
        %get3A_1142 = arith.index_cast %scan3A_1118 : i32 to index
        %get3A_1143 = arith.constant 48 : index
        %get3A_1144 = tpu.vector_load %arg6[%get3A_1141, %get3A_1142, %get3A_1143] {strides = array<i32>} : memref<4x200x64xf32, #tpu.memory_space<vmem>>, vector<1x1x16xf32>,
        %get3A_1145 = vector.shape_cast %get3A_1144 : vector<1x1x16xf32> to vector<16xf32>
        %add3A_1146 = arith.addf %add3A_1116, %get3A_1145 : vector<16xf32>
        %scan3A_1147 = arith.constant 6 : i32
        %scan3A_1148 = arith.addi %scan3A_965, %scan3A_1147 : i32
        %get3A_1149 = arith.constant 0 : i32
        %get3A_1150 = arith.index_cast %get3A_1149 : i32 to index
        %get3A_1151 = arith.index_cast %scan3A_1148 : i32 to index
        %get3A_1152 = arith.constant 0 : index
        %get3A_1153 = tpu.vector_load %arg6[%get3A_1150, %get3A_1151, %get3A_1152] {strides = array<i32>} : memref<4x200x64xf32, #tpu.memory_space<vmem>>, vector<1x1x16xf32>,
        %get3A_1154 = vector.shape_cast %get3A_1153 : vector<1x1x16xf32> to vector<16xf32>
        %add3A_1155 = arith.addf %add3A_1125, %get3A_1154 : vector<16xf32>
        %get3A_1156 = arith.constant 0 : i32
        %get3A_1157 = arith.index_cast %get3A_1156 : i32 to index
        %get3A_1158 = arith.index_cast %scan3A_1148 : i32 to index
        %get3A_1159 = arith.constant 16 : index
        %get3A_1160 = tpu.vector_load %arg6[%get3A_1157, %get3A_1158, %get3A_1159] {strides = array<i32>} : memref<4x200x64xf32, #tpu.memory_space<vmem>>, vector<1x1x16xf32>,
        %get3A_1161 = vector.shape_cast %get3A_1160 : vector<1x1x16xf32> to vector<16xf32>
        %add3A_1162 = arith.addf %add3A_1132, %get3A_1161 : vector<16xf32>
        %get3A_1163 = arith.constant 0 : i32
        %get3A_1164 = arith.index_cast %get3A_1163 : i32 to index
        %get3A_1165 = arith.index_cast %scan3A_1148 : i32 to index
        %get3A_1166 = arith.constant 32 : index
        %get3A_1167 = tpu.vector_load %arg6[%get3A_1164, %get3A_1165, %get3A_1166] {strides = array<i32>} : memref<4x200x64xf32, #tpu.memory_space<vmem>>, vector<1x1x16xf32>,
        %get3A_1168 = vector.shape_cast %get3A_1167 : vector<1x1x16xf32> to vector<16xf32>
        %add3A_1169 = arith.addf %add3A_1139, %get3A_1168 : vector<16xf32>
        %get3A_1170 = arith.constant 0 : i32
        %get3A_1171 = arith.index_cast %get3A_1170 : i32 to index
        %get3A_1172 = arith.index_cast %scan3A_1148 : i32 to index
        %get3A_1173 = arith.constant 48 : index
        %get3A_1174 = tpu.vector_load %arg6[%get3A_1171, %get3A_1172, %get3A_1173] {strides = array<i32>} : memref<4x200x64xf32, #tpu.memory_space<vmem>>, vector<1x1x16xf32>,
        %get3A_1175 = vector.shape_cast %get3A_1174 : vector<1x1x16xf32> to vector<16xf32>
        %add3A_1176 = arith.addf %add3A_1146, %get3A_1175 : vector<16xf32>
        %scan3A_1177 = arith.constant 7 : i32
        %scan3A_1178 = arith.addi %scan3A_965, %scan3A_1177 : i32
        %get3A_1179 = arith.constant 0 : i32
        %get3A_1180 = arith.index_cast %get3A_1179 : i32 to index
        %get3A_1181 = arith.index_cast %scan3A_1178 : i32 to index
        %get3A_1182 = arith.constant 0 : index
        %get3A_1183 = tpu.vector_load %arg6[%get3A_1180, %get3A_1181, %get3A_1182] {strides = array<i32>} : memref<4x200x64xf32, #tpu.memory_space<vmem>>, vector<1x1x16xf32>,
        %get3A_1184 = vector.shape_cast %get3A_1183 : vector<1x1x16xf32> to vector<16xf32>
        %add3A_1185 = arith.addf %add3A_1155, %get3A_1184 : vector<16xf32>
        %get3A_1186 = arith.constant 0 : i32
        %get3A_1187 = arith.index_cast %get3A_1186 : i32 to index
        %get3A_1188 = arith.index_cast %scan3A_1178 : i32 to index
        %get3A_1189 = arith.constant 16 : index
        %get3A_1190 = tpu.vector_load %arg6[%get3A_1187, %get3A_1188, %get3A_1189] {strides = array<i32>} : memref<4x200x64xf32, #tpu.memory_space<vmem>>, vector<1x1x16xf32>,
        %get3A_1191 = vector.shape_cast %get3A_1190 : vector<1x1x16xf32> to vector<16xf32>
        %add3A_1192 = arith.addf %add3A_1162, %get3A_1191 : vector<16xf32>
        %get3A_1193 = arith.constant 0 : i32
        %get3A_1194 = arith.index_cast %get3A_1193 : i32 to index
        %get3A_1195 = arith.index_cast %scan3A_1178 : i32 to index
        %get3A_1196 = arith.constant 32 : index
        %get3A_1197 = tpu.vector_load %arg6[%get3A_1194, %get3A_1195, %get3A_1196] {strides = array<i32>} : memref<4x200x64xf32, #tpu.memory_space<vmem>>, vector<1x1x16xf32>,
        %get3A_1198 = vector.shape_cast %get3A_1197 : vector<1x1x16xf32> to vector<16xf32>
        %add3A_1199 = arith.addf %add3A_1169, %get3A_1198 : vector<16xf32>
        %get3A_1200 = arith.constant 0 : i32
        %get3A_1201 = arith.index_cast %get3A_1200 : i32 to index
        %get3A_1202 = arith.index_cast %scan3A_1178 : i32 to index
        %get3A_1203 = arith.constant 48 : index
        %get3A_1204 = tpu.vector_load %arg6[%get3A_1201, %get3A_1202, %get3A_1203] {strides = array<i32>} : memref<4x200x64xf32, #tpu.memory_space<vmem>>, vector<1x1x16xf32>,
        %get3A_1205 = vector.shape_cast %get3A_1204 : vector<1x1x16xf32> to vector<16xf32>
        %add3A_1206 = arith.addf %add3A_1176, %get3A_1205 : vector<16xf32>
        scf.yield %add3A_1185, %add3A_1192, %add3A_1199, %add3A_1206 : vector<16xf32>, vector<16xf32>, vector<16xf32>, vector<16xf32>
      }
      %scan3A_219 = arith.constant 200 : i32
      %mul3A_220 = arith.constant 5.000000e-03 : f32
      %mul3A_221 = vector.broadcast %mul3A_220 : f32 to vector<16xf32>
      %mul3A_222 = arith.mulf %scan3A_218#0, %mul3A_221 : vector<16xf32>
      %swap3A = arith.index_cast %add3A_158 : i32 to index
      %swap3A_223 = arith.constant 0 : index
      %swap3A_224 = tpu.vector_load %arg7[%swap3A, %swap3A_223] {strides = array<i32>} : memref<512x64xf32, #tpu.memory_space<vmem>>, vector<1x16xf32>,
      %swap3A_225 = vector.shape_cast %swap3A_224 : vector<1x16xf32> to vector<16xf32>
      %swap3A_226 = vector.shape_cast %mul3A_222 : vector<16xf32> to vector<1x16xf32>
      tpu.vector_store %arg7[%swap3A, %swap3A_223], %swap3A_226 {strides = array<i32>} : memref<512x64xf32, #tpu.memory_space<vmem>>, vector<1x16xf32>,
      %mul3A_227 = arith.constant 5.000000e-03 : f32
      %mul3A_228 = vector.broadcast %mul3A_227 : f32 to vector<16xf32>
      %mul3A_229 = arith.mulf %scan3A_218#1, %mul3A_228 : vector<16xf32>
      %swap3A_230 = arith.index_cast %add3A_158 : i32 to index
      %swap3A_231 = arith.constant 16 : index
      %swap3A_232 = tpu.vector_load %arg7[%swap3A_230, %swap3A_231] {strides = array<i32>} : memref<512x64xf32, #tpu.memory_space<vmem>>, vector<1x16xf32>,
      %swap3A_233 = vector.shape_cast %swap3A_232 : vector<1x16xf32> to vector<16xf32>
      %swap3A_234 = vector.shape_cast %mul3A_229 : vector<16xf32> to vector<1x16xf32>
      tpu.vector_store %arg7[%swap3A_230, %swap3A_231], %swap3A_234 {strides = array<i32>} : memref<512x64xf32, #tpu.memory_space<vmem>>, vector<1x16xf32>,
      %mul3A_235 = arith.constant 5.000000e-03 : f32
      %mul3A_236 = vector.broadcast %mul3A_235 : f32 to vector<16xf32>
      %mul3A_237 = arith.mulf %scan3A_218#2, %mul3A_236 : vector<16xf32>
      %swap3A_238 = arith.index_cast %add3A_158 : i32 to index
      %swap3A_239 = arith.constant 32 : index
      %swap3A_240 = tpu.vector_load %arg7[%swap3A_238, %swap3A_239] {strides = array<i32>} : memref<512x64xf32, #tpu.memory_space<vmem>>, vector<1x16xf32>,
      %swap3A_241 = vector.shape_cast %swap3A_240 : vector<1x16xf32> to vector<16xf32>
      %swap3A_242 = vector.shape_cast %mul3A_237 : vector<16xf32> to vector<1x16xf32>
      tpu.vector_store %arg7[%swap3A_238, %swap3A_239], %swap3A_242 {strides = array<i32>} : memref<512x64xf32, #tpu.memory_space<vmem>>, vector<1x16xf32>,
      %mul3A_243 = arith.constant 5.000000e-03 : f32
      %mul3A_244 = vector.broadcast %mul3A_243 : f32 to vector<16xf32>
      %mul3A_245 = arith.mulf %scan3A_218#3, %mul3A_244 : vector<16xf32>
      %swap3A_246 = arith.index_cast %add3A_158 : i32 to index
      %swap3A_247 = arith.constant 48 : index
      %swap3A_248 = tpu.vector_load %arg7[%swap3A_246, %swap3A_247] {strides = array<i32>} : memref<512x64xf32, #tpu.memory_space<vmem>>, vector<1x16xf32>,
      %swap3A_249 = vector.shape_cast %swap3A_248 : vector<1x16xf32> to vector<16xf32>
      %swap3A_250 = vector.shape_cast %mul3A_245 : vector<16xf32> to vector<1x16xf32>
      tpu.vector_store %arg7[%swap3A_246, %swap3A_247], %swap3A_250 {strides = array<i32>} : memref<512x64xf32, #tpu.memory_space<vmem>>, vector<1x16xf32>,
      %mul3A_251 = arith.constant 8 : i32
      %mul3A_252 = arith.muli %scan3A_154, %mul3A_251 : i32
      %add3A_253 = arith.constant 1 : i32
      %add3A_254 = arith.addi %mul3A_252, %add3A_253 : i32
      %lt3A_255 = arith.constant 509 : i32
      %lt3A_256 = arith.cmpi slt, %add3A_254, %lt3A_255 : i32
      %convert_element_type3A_257 = arith.extui %lt3A_256 : i1 to i32
      %cond3A_258 = arith.constant 0 : i32
      %cond3A_259 = arith.cmpi ne, %convert_element_type3A_257, %cond3A_258 : i32
      scf.if %cond3A_259 {
        %dma_wait3A_965 = arith.constant 4 : i32
        %dma_wait3A_966 = arith.constant 0 : i32
        %dma_wait3A_967 = tpu.memref_slice %arg5[%dma_wait3A_965, %dma_wait3A_966] : memref<8x200xi32, #tpu.memory_space<vmem>> -> memref<1x200xi32, #tpu.memory_space<vmem>>
        %dma_wait3A_968 = tpu.memref_squeeze %dma_wait3A_967 : memref<1x200xi32, #tpu.memory_space<vmem>> -> memref<200xi32, #tpu.memory_space<vmem>>
        %dma_wait3A_969 = arith.constant 0 : i32
        %dma_wait3A_970 = tpu.memref_slice %arg2[%dma_wait3A_969] : memref<3276800xi32, #tpu.memory_space<hbm>> -> memref<200xi32, #tpu.memory_space<hbm>>
        %dma_wait3A_971 = arith.constant 0 : i32
        %dma_wait3A_972 = tpu.memref_slice %arg5[%dma_wait3A_965, %dma_wait3A_971] : memref<8x200xi32, #tpu.memory_space<vmem>> -> memref<1x200xi32, #tpu.memory_space<vmem>>
        %dma_wait3A_973 = tpu.memref_squeeze %dma_wait3A_972 : memref<1x200xi32, #tpu.memory_space<vmem>> -> memref<200xi32, #tpu.memory_space<vmem>>
        %dma_wait3A_974 = arith.constant 0 : i32
        %dma_wait3A_975 = tpu.memref_slice %arg2[%dma_wait3A_974] : memref<3276800xi32, #tpu.memory_space<hbm>> -> memref<200xi32, #tpu.memory_space<hbm>>
        tpu.wait_dma2 semaphore(%arg9 : memref<!tpu.dma_semaphore, #tpu.memory_space<semaphore_mem>>) src(%dma_wait3A_975 : memref<200xi32, #tpu.memory_space<hbm>>) dst(%dma_wait3A_973 : memref<200xi32, #tpu.memory_space<vmem>>)
        %dma_start3A_976 = arith.constant 4 : i32
        %dma_start3A_977 = arith.constant 0 : i32
        %dma_start3A_978 = arith.constant 0 : i32
        %dma_start3A_979 = arith.constant 0 : i32
        %dma_start3A_980 = tpu.memref_slice %arg6[%dma_start3A_977, %dma_start3A_978, %dma_start3A_979] : memref<4x200x64xf32, #tpu.memory_space<vmem>> -> memref<1x200x64xf32, #tpu.memory_space<vmem>>
        %dma_start3A_981 = tpu.memref_squeeze %dma_start3A_980 : memref<1x200x64xf32, #tpu.memory_space<vmem>> -> memref<200x64xf32, #tpu.memory_space<vmem>>
        %dma_start3A_982 = arith.constant 0 : i32
        %dma_start3A_983 = arith.constant 0 : i32
        %dma_start3A_984 = tpu.memref_slice %dma_start3A_981[%dma_start3A_982, %dma_start3A_983] : memref<200x64xf32, #tpu.memory_space<vmem>> -> memref<128x64xf32, #tpu.memory_space<vmem>>
        %dma_start3A_985 = arith.constant 0 : i32
        %dma_start3A_986 = tpu.memref_slice %arg5[%dma_start3A_976, %dma_start3A_985] : memref<8x200xi32, #tpu.memory_space<vmem>> -> memref<1x200xi32, #tpu.memory_space<vmem>>
        %dma_start3A_987 = tpu.memref_squeeze %dma_start3A_986 : memref<1x200xi32, #tpu.memory_space<vmem>> -> memref<200xi32, #tpu.memory_space<vmem>>
        %dma_start3A_988 = arith.constant 0 : i32
        %dma_start3A_989 = tpu.memref_slice %dma_start3A_987[%dma_start3A_988] : memref<200xi32, #tpu.memory_space<vmem>> -> memref<128xi32, #tpu.memory_space<vmem>>
        %dma_start3A_990 = arith.constant 0 : i32
        %dma_start3A_991 = arith.constant 0 : i32
        %dma_start3A_992 = tpu.memref_slice %arg3[%dma_start3A_990, %dma_start3A_991] : memref<1000000x64xf32, #tpu.memory_space<hbm>> -> memref<1000000x64xf32, #tpu.memory_space<hbm>>
        tpu.enqueue_indirect_dma source(%dma_start3A_992 : memref<1000000x64xf32, #tpu.memory_space<hbm>>) target(%dma_start3A_984 : memref<128x64xf32, #tpu.memory_space<vmem>>) offsets(%dma_start3A_989 : memref<128xi32, #tpu.memory_space<vmem>>) semaphore(%arg8 : memref<!tpu.dma_semaphore, #tpu.memory_space<semaphore_mem>>)
        %dma_start3A_993 = arith.constant 4 : i32
        %dma_start3A_994 = arith.constant 0 : i32
        %dma_start3A_995 = arith.constant 0 : i32
        %dma_start3A_996 = arith.constant 0 : i32
        %dma_start3A_997 = tpu.memref_slice %arg6[%dma_start3A_994, %dma_start3A_995, %dma_start3A_996] : memref<4x200x64xf32, #tpu.memory_space<vmem>> -> memref<1x200x64xf32, #tpu.memory_space<vmem>>
        %dma_start3A_998 = tpu.memref_squeeze %dma_start3A_997 : memref<1x200x64xf32, #tpu.memory_space<vmem>> -> memref<200x64xf32, #tpu.memory_space<vmem>>
        %dma_start3A_999 = arith.constant 128 : i32
        %dma_start3A_1000 = arith.constant 0 : i32
        %dma_start3A_1001 = tpu.memref_slice %dma_start3A_998[%dma_start3A_999, %dma_start3A_1000] : memref<200x64xf32, #tpu.memory_space<vmem>> -> memref<72x64xf32, #tpu.memory_space<vmem>>
        %dma_start3A_1002 = arith.constant 0 : i32
        %dma_start3A_1003 = tpu.memref_slice %arg5[%dma_start3A_993, %dma_start3A_1002] : memref<8x200xi32, #tpu.memory_space<vmem>> -> memref<1x200xi32, #tpu.memory_space<vmem>>
        %dma_start3A_1004 = tpu.memref_squeeze %dma_start3A_1003 : memref<1x200xi32, #tpu.memory_space<vmem>> -> memref<200xi32, #tpu.memory_space<vmem>>
        %dma_start3A_1005 = arith.constant 128 : i32
        %dma_start3A_1006 = tpu.memref_slice %dma_start3A_1004[%dma_start3A_1005] : memref<200xi32, #tpu.memory_space<vmem>> -> memref<72xi32, #tpu.memory_space<vmem>>
        %dma_start3A_1007 = arith.constant 0 : i32
        %dma_start3A_1008 = arith.constant 0 : i32
        %dma_start3A_1009 = tpu.memref_slice %arg3[%dma_start3A_1007, %dma_start3A_1008] : memref<1000000x64xf32, #tpu.memory_space<hbm>> -> memref<1000000x64xf32, #tpu.memory_space<hbm>>
        tpu.enqueue_indirect_dma source(%dma_start3A_1009 : memref<1000000x64xf32, #tpu.memory_space<hbm>>) target(%dma_start3A_1001 : memref<72x64xf32, #tpu.memory_space<vmem>>) offsets(%dma_start3A_1006 : memref<72xi32, #tpu.memory_space<vmem>>) semaphore(%arg8 : memref<!tpu.dma_semaphore, #tpu.memory_space<semaphore_mem>>)
      } else {
      }
      %lt3A_260 = arith.constant 506 : i32
      %lt3A_261 = arith.cmpi slt, %add3A_254, %lt3A_260 : i32
      %convert_element_type3A_262 = arith.extui %lt3A_261 : i1 to i32
      %cond3A_263 = arith.constant 0 : i32
      %cond3A_264 = arith.cmpi ne, %convert_element_type3A_262, %cond3A_263 : i32
      scf.if %cond3A_264 {
        %add3A_965 = arith.constant 6 : i32
        %add3A_966 = arith.addi %add3A_254, %add3A_965 : i32
        %mul3A_967 = arith.constant 200 : i32
        %mul3A_968 = arith.muli %add3A_966, %mul3A_967 : i32
        %add3A_969 = arith.addi %mul3A_4, %mul3A_968 : i32
        %dma_start3A_970 = arith.constant 7 : i32
        %dma_start3A_971 = arith.constant 0 : i32
        %dma_start3A_972 = tpu.memref_slice %arg5[%dma_start3A_970, %dma_start3A_971] : memref<8x200xi32, #tpu.memory_space<vmem>> -> memref<1x200xi32, #tpu.memory_space<vmem>>
        %dma_start3A_973 = tpu.memref_squeeze %dma_start3A_972 : memref<1x200xi32, #tpu.memory_space<vmem>> -> memref<200xi32, #tpu.memory_space<vmem>>
        %dma_start3A_974 = tpu.memref_slice %arg2[%add3A_969] : memref<3276800xi32, #tpu.memory_space<hbm>> -> memref<200xi32, #tpu.memory_space<hbm>>
        %dma_start3A_975 = arith.constant 0 : i32
        %dma_start3A_976 = tpu.memref_slice %arg5[%dma_start3A_970, %dma_start3A_975] : memref<8x200xi32, #tpu.memory_space<vmem>> -> memref<1x200xi32, #tpu.memory_space<vmem>>
        %dma_start3A_977 = tpu.memref_squeeze %dma_start3A_976 : memref<1x200xi32, #tpu.memory_space<vmem>> -> memref<200xi32, #tpu.memory_space<vmem>>
        %dma_start3A_978 = tpu.memref_slice %arg2[%add3A_969] : memref<3276800xi32, #tpu.memory_space<hbm>> -> memref<200xi32, #tpu.memory_space<hbm>>
        tpu.enqueue_dma source(%dma_start3A_978 : memref<200xi32, #tpu.memory_space<hbm>>) target(%dma_start3A_977 : memref<200xi32, #tpu.memory_space<vmem>>) target_semaphore(%arg9 : memref<!tpu.dma_semaphore, #tpu.memory_space<semaphore_mem>>)
      } else {
      }
      %dma_wait3A_265 = arith.constant 1 : i32
      %dma_wait3A_266 = arith.constant 0 : i32
      %dma_wait3A_267 = arith.constant 0 : i32
      %dma_wait3A_268 = tpu.memref_slice %arg6[%dma_wait3A_265, %dma_wait3A_266, %dma_wait3A_267] : memref<4x200x64xf32, #tpu.memory_space<vmem>> -> memref<1x200x64xf32, #tpu.memory_space<vmem>>
      %dma_wait3A_269 = tpu.memref_squeeze %dma_wait3A_268 : memref<1x200x64xf32, #tpu.memory_space<vmem>> -> memref<200x64xf32, #tpu.memory_space<vmem>>
      %dma_wait3A_270 = arith.constant 0 : i32
      %dma_wait3A_271 = arith.constant 0 : i32
      %dma_wait3A_272 = tpu.memref_slice %dma_wait3A_269[%dma_wait3A_270, %dma_wait3A_271] : memref<200x64xf32, #tpu.memory_space<vmem>> -> memref<128x64xf32, #tpu.memory_space<vmem>>
      %dma_wait3A_273 = arith.constant 0 : i32
      %dma_wait3A_274 = arith.constant 0 : i32
      %dma_wait3A_275 = tpu.memref_slice %arg3[%dma_wait3A_273, %dma_wait3A_274] : memref<1000000x64xf32, #tpu.memory_space<hbm>> -> memref<128x64xf32, #tpu.memory_space<hbm>>
      %dma_wait3A_276 = arith.constant 0 : i32
      %dma_wait3A_277 = arith.constant 0 : i32
      %dma_wait3A_278 = tpu.memref_slice %arg6[%dma_wait3A_265, %dma_wait3A_276, %dma_wait3A_277] : memref<4x200x64xf32, #tpu.memory_space<vmem>> -> memref<1x200x64xf32, #tpu.memory_space<vmem>>
      %dma_wait3A_279 = tpu.memref_squeeze %dma_wait3A_278 : memref<1x200x64xf32, #tpu.memory_space<vmem>> -> memref<200x64xf32, #tpu.memory_space<vmem>>
      %dma_wait3A_280 = arith.constant 0 : i32
      %dma_wait3A_281 = arith.constant 0 : i32
      %dma_wait3A_282 = tpu.memref_slice %dma_wait3A_279[%dma_wait3A_280, %dma_wait3A_281] : memref<200x64xf32, #tpu.memory_space<vmem>> -> memref<128x64xf32, #tpu.memory_space<vmem>>
      %dma_wait3A_283 = arith.constant 0 : i32
      %dma_wait3A_284 = arith.constant 0 : i32
      %dma_wait3A_285 = tpu.memref_slice %arg3[%dma_wait3A_283, %dma_wait3A_284] : memref<1000000x64xf32, #tpu.memory_space<hbm>> -> memref<128x64xf32, #tpu.memory_space<hbm>>
      tpu.wait_dma2 semaphore(%arg8 : memref<!tpu.dma_semaphore, #tpu.memory_space<semaphore_mem>>) src(%dma_wait3A_285 : memref<128x64xf32, #tpu.memory_space<hbm>>) dst(%dma_wait3A_282 : memref<128x64xf32, #tpu.memory_space<vmem>>)
      %dma_wait3A_286 = arith.constant 1 : i32
      %dma_wait3A_287 = arith.constant 0 : i32
      %dma_wait3A_288 = arith.constant 0 : i32
      %dma_wait3A_289 = tpu.memref_slice %arg6[%dma_wait3A_286, %dma_wait3A_287, %dma_wait3A_288] : memref<4x200x64xf32, #tpu.memory_space<vmem>> -> memref<1x200x64xf32, #tpu.memory_space<vmem>>
      %dma_wait3A_290 = tpu.memref_squeeze %dma_wait3A_289 : memref<1x200x64xf32, #tpu.memory_space<vmem>> -> memref<200x64xf32, #tpu.memory_space<vmem>>
      %dma_wait3A_291 = arith.constant 128 : i32
      %dma_wait3A_292 = arith.constant 0 : i32
      %dma_wait3A_293 = tpu.memref_slice %dma_wait3A_290[%dma_wait3A_291, %dma_wait3A_292] : memref<200x64xf32, #tpu.memory_space<vmem>> -> memref<72x64xf32, #tpu.memory_space<vmem>>
      %dma_wait3A_294 = arith.constant 0 : i32
      %dma_wait3A_295 = arith.constant 0 : i32
      %dma_wait3A_296 = tpu.memref_slice %arg3[%dma_wait3A_294, %dma_wait3A_295] : memref<1000000x64xf32, #tpu.memory_space<hbm>> -> memref<72x64xf32, #tpu.memory_space<hbm>>
      %dma_wait3A_297 = arith.constant 0 : i32
      %dma_wait3A_298 = arith.constant 0 : i32
      %dma_wait3A_299 = tpu.memref_slice %arg6[%dma_wait3A_286, %dma_wait3A_297, %dma_wait3A_298] : memref<4x200x64xf32, #tpu.memory_space<vmem>> -> memref<1x200x64xf32, #tpu.memory_space<vmem>>
      %dma_wait3A_300 = tpu.memref_squeeze %dma_wait3A_299 : memref<1x200x64xf32, #tpu.memory_space<vmem>> -> memref<200x64xf32, #tpu.memory_space<vmem>>
      %dma_wait3A_301 = arith.constant 128 : i32
      %dma_wait3A_302 = arith.constant 0 : i32
      %dma_wait3A_303 = tpu.memref_slice %dma_wait3A_300[%dma_wait3A_301, %dma_wait3A_302] : memref<200x64xf32, #tpu.memory_space<vmem>> -> memref<72x64xf32, #tpu.memory_space<vmem>>
      %dma_wait3A_304 = arith.constant 0 : i32
      %dma_wait3A_305 = arith.constant 0 : i32
      %dma_wait3A_306 = tpu.memref_slice %arg3[%dma_wait3A_304, %dma_wait3A_305] : memref<1000000x64xf32, #tpu.memory_space<hbm>> -> memref<72x64xf32, #tpu.memory_space<hbm>>
      tpu.wait_dma2 semaphore(%arg8 : memref<!tpu.dma_semaphore, #tpu.memory_space<semaphore_mem>>) src(%dma_wait3A_306 : memref<72x64xf32, #tpu.memory_space<hbm>>) dst(%dma_wait3A_303 : memref<72x64xf32, #tpu.memory_space<vmem>>)
      %broadcast_in_dim3A_307 = arith.constant 0.000000e+00 : f32
      %broadcast_in_dim3A_308 = vector.broadcast %broadcast_in_dim3A_307 : f32 to vector<16xf32>
      %broadcast_in_dim3A_309 = arith.constant 0.000000e+00 : f32
      %broadcast_in_dim3A_310 = vector.broadcast %broadcast_in_dim3A_309 : f32 to vector<16xf32>
      %broadcast_in_dim3A_311 = arith.constant 0.000000e+00 : f32
      %broadcast_in_dim3A_312 = vector.broadcast %broadcast_in_dim3A_311 : f32 to vector<16xf32>
      %broadcast_in_dim3A_313 = arith.constant 0.000000e+00 : f32
      %broadcast_in_dim3A_314 = vector.broadcast %broadcast_in_dim3A_313 : f32 to vector<16xf32>
      %scan3A_315 = arith.constant 0 : i32
      %scan3A_316 = arith.constant 200 : i32
      %scan3A_317 = arith.addi %scan3A_315, %scan3A_316 : i32
      %scan3A_318 = arith.constant 8 : i32
      %scan3A_319:4 = scf.for %scan3A_965 = %scan3A_315 to %scan3A_317 step %scan3A_318 iter_args(%scan3A_966 = %broadcast_in_dim3A_308, %scan3A_967 = %broadcast_in_dim3A_310, %scan3A_968 = %broadcast_in_dim3A_312, %scan3A_969 = %broadcast_in_dim3A_314) -> (vector<16xf32>, vector<16xf32>, vector<16xf32>, vector<16xf32>)  : i32 {
        %get3A = arith.constant 1 : i32
        %get3A_970 = arith.index_cast %get3A : i32 to index
        %get3A_971 = arith.index_cast %scan3A_965 : i32 to index
        %get3A_972 = arith.constant 0 : index
        %get3A_973 = tpu.vector_load %arg6[%get3A_970, %get3A_971, %get3A_972] {strides = array<i32>} : memref<4x200x64xf32, #tpu.memory_space<vmem>>, vector<1x1x16xf32>,
        %get3A_974 = vector.shape_cast %get3A_973 : vector<1x1x16xf32> to vector<16xf32>
        %add3A_975 = arith.addf %scan3A_966, %get3A_974 : vector<16xf32>
        %get3A_976 = arith.constant 1 : i32
        %get3A_977 = arith.index_cast %get3A_976 : i32 to index
        %get3A_978 = arith.index_cast %scan3A_965 : i32 to index
        %get3A_979 = arith.constant 16 : index
        %get3A_980 = tpu.vector_load %arg6[%get3A_977, %get3A_978, %get3A_979] {strides = array<i32>} : memref<4x200x64xf32, #tpu.memory_space<vmem>>, vector<1x1x16xf32>,
        %get3A_981 = vector.shape_cast %get3A_980 : vector<1x1x16xf32> to vector<16xf32>
        %add3A_982 = arith.addf %scan3A_967, %get3A_981 : vector<16xf32>
        %get3A_983 = arith.constant 1 : i32
        %get3A_984 = arith.index_cast %get3A_983 : i32 to index
        %get3A_985 = arith.index_cast %scan3A_965 : i32 to index
        %get3A_986 = arith.constant 32 : index
        %get3A_987 = tpu.vector_load %arg6[%get3A_984, %get3A_985, %get3A_986] {strides = array<i32>} : memref<4x200x64xf32, #tpu.memory_space<vmem>>, vector<1x1x16xf32>,
        %get3A_988 = vector.shape_cast %get3A_987 : vector<1x1x16xf32> to vector<16xf32>
        %add3A_989 = arith.addf %scan3A_968, %get3A_988 : vector<16xf32>
        %get3A_990 = arith.constant 1 : i32
        %get3A_991 = arith.index_cast %get3A_990 : i32 to index
        %get3A_992 = arith.index_cast %scan3A_965 : i32 to index
        %get3A_993 = arith.constant 48 : index
        %get3A_994 = tpu.vector_load %arg6[%get3A_991, %get3A_992, %get3A_993] {strides = array<i32>} : memref<4x200x64xf32, #tpu.memory_space<vmem>>, vector<1x1x16xf32>,
        %get3A_995 = vector.shape_cast %get3A_994 : vector<1x1x16xf32> to vector<16xf32>
        %add3A_996 = arith.addf %scan3A_969, %get3A_995 : vector<16xf32>
        %scan3A_997 = arith.constant 1 : i32
        %scan3A_998 = arith.addi %scan3A_965, %scan3A_997 : i32
        %get3A_999 = arith.constant 1 : i32
        %get3A_1000 = arith.index_cast %get3A_999 : i32 to index
        %get3A_1001 = arith.index_cast %scan3A_998 : i32 to index
        %get3A_1002 = arith.constant 0 : index
        %get3A_1003 = tpu.vector_load %arg6[%get3A_1000, %get3A_1001, %get3A_1002] {strides = array<i32>} : memref<4x200x64xf32, #tpu.memory_space<vmem>>, vector<1x1x16xf32>,
        %get3A_1004 = vector.shape_cast %get3A_1003 : vector<1x1x16xf32> to vector<16xf32>
        %add3A_1005 = arith.addf %add3A_975, %get3A_1004 : vector<16xf32>
        %get3A_1006 = arith.constant 1 : i32
        %get3A_1007 = arith.index_cast %get3A_1006 : i32 to index
        %get3A_1008 = arith.index_cast %scan3A_998 : i32 to index
        %get3A_1009 = arith.constant 16 : index
        %get3A_1010 = tpu.vector_load %arg6[%get3A_1007, %get3A_1008, %get3A_1009] {strides = array<i32>} : memref<4x200x64xf32, #tpu.memory_space<vmem>>, vector<1x1x16xf32>,
        %get3A_1011 = vector.shape_cast %get3A_1010 : vector<1x1x16xf32> to vector<16xf32>
        %add3A_1012 = arith.addf %add3A_982, %get3A_1011 : vector<16xf32>
        %get3A_1013 = arith.constant 1 : i32
        %get3A_1014 = arith.index_cast %get3A_1013 : i32 to index
        %get3A_1015 = arith.index_cast %scan3A_998 : i32 to index
        %get3A_1016 = arith.constant 32 : index
        %get3A_1017 = tpu.vector_load %arg6[%get3A_1014, %get3A_1015, %get3A_1016] {strides = array<i32>} : memref<4x200x64xf32, #tpu.memory_space<vmem>>, vector<1x1x16xf32>,
        %get3A_1018 = vector.shape_cast %get3A_1017 : vector<1x1x16xf32> to vector<16xf32>
        %add3A_1019 = arith.addf %add3A_989, %get3A_1018 : vector<16xf32>
        %get3A_1020 = arith.constant 1 : i32
        %get3A_1021 = arith.index_cast %get3A_1020 : i32 to index
        %get3A_1022 = arith.index_cast %scan3A_998 : i32 to index
        %get3A_1023 = arith.constant 48 : index
        %get3A_1024 = tpu.vector_load %arg6[%get3A_1021, %get3A_1022, %get3A_1023] {strides = array<i32>} : memref<4x200x64xf32, #tpu.memory_space<vmem>>, vector<1x1x16xf32>,
        %get3A_1025 = vector.shape_cast %get3A_1024 : vector<1x1x16xf32> to vector<16xf32>
        %add3A_1026 = arith.addf %add3A_996, %get3A_1025 : vector<16xf32>
        %scan3A_1027 = arith.constant 2 : i32
        %scan3A_1028 = arith.addi %scan3A_965, %scan3A_1027 : i32
        %get3A_1029 = arith.constant 1 : i32
        %get3A_1030 = arith.index_cast %get3A_1029 : i32 to index
        %get3A_1031 = arith.index_cast %scan3A_1028 : i32 to index
        %get3A_1032 = arith.constant 0 : index
        %get3A_1033 = tpu.vector_load %arg6[%get3A_1030, %get3A_1031, %get3A_1032] {strides = array<i32>} : memref<4x200x64xf32, #tpu.memory_space<vmem>>, vector<1x1x16xf32>,
        %get3A_1034 = vector.shape_cast %get3A_1033 : vector<1x1x16xf32> to vector<16xf32>
        %add3A_1035 = arith.addf %add3A_1005, %get3A_1034 : vector<16xf32>
        %get3A_1036 = arith.constant 1 : i32
        %get3A_1037 = arith.index_cast %get3A_1036 : i32 to index
        %get3A_1038 = arith.index_cast %scan3A_1028 : i32 to index
        %get3A_1039 = arith.constant 16 : index
        %get3A_1040 = tpu.vector_load %arg6[%get3A_1037, %get3A_1038, %get3A_1039] {strides = array<i32>} : memref<4x200x64xf32, #tpu.memory_space<vmem>>, vector<1x1x16xf32>,
        %get3A_1041 = vector.shape_cast %get3A_1040 : vector<1x1x16xf32> to vector<16xf32>
        %add3A_1042 = arith.addf %add3A_1012, %get3A_1041 : vector<16xf32>
        %get3A_1043 = arith.constant 1 : i32
        %get3A_1044 = arith.index_cast %get3A_1043 : i32 to index
        %get3A_1045 = arith.index_cast %scan3A_1028 : i32 to index
        %get3A_1046 = arith.constant 32 : index
        %get3A_1047 = tpu.vector_load %arg6[%get3A_1044, %get3A_1045, %get3A_1046] {strides = array<i32>} : memref<4x200x64xf32, #tpu.memory_space<vmem>>, vector<1x1x16xf32>,
        %get3A_1048 = vector.shape_cast %get3A_1047 : vector<1x1x16xf32> to vector<16xf32>
        %add3A_1049 = arith.addf %add3A_1019, %get3A_1048 : vector<16xf32>
        %get3A_1050 = arith.constant 1 : i32
        %get3A_1051 = arith.index_cast %get3A_1050 : i32 to index
        %get3A_1052 = arith.index_cast %scan3A_1028 : i32 to index
        %get3A_1053 = arith.constant 48 : index
        %get3A_1054 = tpu.vector_load %arg6[%get3A_1051, %get3A_1052, %get3A_1053] {strides = array<i32>} : memref<4x200x64xf32, #tpu.memory_space<vmem>>, vector<1x1x16xf32>,
        %get3A_1055 = vector.shape_cast %get3A_1054 : vector<1x1x16xf32> to vector<16xf32>
        %add3A_1056 = arith.addf %add3A_1026, %get3A_1055 : vector<16xf32>
        %scan3A_1057 = arith.constant 3 : i32
        %scan3A_1058 = arith.addi %scan3A_965, %scan3A_1057 : i32
        %get3A_1059 = arith.constant 1 : i32
        %get3A_1060 = arith.index_cast %get3A_1059 : i32 to index
        %get3A_1061 = arith.index_cast %scan3A_1058 : i32 to index
        %get3A_1062 = arith.constant 0 : index
        %get3A_1063 = tpu.vector_load %arg6[%get3A_1060, %get3A_1061, %get3A_1062] {strides = array<i32>} : memref<4x200x64xf32, #tpu.memory_space<vmem>>, vector<1x1x16xf32>,
        %get3A_1064 = vector.shape_cast %get3A_1063 : vector<1x1x16xf32> to vector<16xf32>
        %add3A_1065 = arith.addf %add3A_1035, %get3A_1064 : vector<16xf32>
        %get3A_1066 = arith.constant 1 : i32
        %get3A_1067 = arith.index_cast %get3A_1066 : i32 to index
        %get3A_1068 = arith.index_cast %scan3A_1058 : i32 to index
        %get3A_1069 = arith.constant 16 : index
        %get3A_1070 = tpu.vector_load %arg6[%get3A_1067, %get3A_1068, %get3A_1069] {strides = array<i32>} : memref<4x200x64xf32, #tpu.memory_space<vmem>>, vector<1x1x16xf32>,
        %get3A_1071 = vector.shape_cast %get3A_1070 : vector<1x1x16xf32> to vector<16xf32>
        %add3A_1072 = arith.addf %add3A_1042, %get3A_1071 : vector<16xf32>
        %get3A_1073 = arith.constant 1 : i32
        %get3A_1074 = arith.index_cast %get3A_1073 : i32 to index
        %get3A_1075 = arith.index_cast %scan3A_1058 : i32 to index
        %get3A_1076 = arith.constant 32 : index
        %get3A_1077 = tpu.vector_load %arg6[%get3A_1074, %get3A_1075, %get3A_1076] {strides = array<i32>} : memref<4x200x64xf32, #tpu.memory_space<vmem>>, vector<1x1x16xf32>,
        %get3A_1078 = vector.shape_cast %get3A_1077 : vector<1x1x16xf32> to vector<16xf32>
        %add3A_1079 = arith.addf %add3A_1049, %get3A_1078 : vector<16xf32>
        %get3A_1080 = arith.constant 1 : i32
        %get3A_1081 = arith.index_cast %get3A_1080 : i32 to index
        %get3A_1082 = arith.index_cast %scan3A_1058 : i32 to index
        %get3A_1083 = arith.constant 48 : index
        %get3A_1084 = tpu.vector_load %arg6[%get3A_1081, %get3A_1082, %get3A_1083] {strides = array<i32>} : memref<4x200x64xf32, #tpu.memory_space<vmem>>, vector<1x1x16xf32>,
        %get3A_1085 = vector.shape_cast %get3A_1084 : vector<1x1x16xf32> to vector<16xf32>
        %add3A_1086 = arith.addf %add3A_1056, %get3A_1085 : vector<16xf32>
        %scan3A_1087 = arith.constant 4 : i32
        %scan3A_1088 = arith.addi %scan3A_965, %scan3A_1087 : i32
        %get3A_1089 = arith.constant 1 : i32
        %get3A_1090 = arith.index_cast %get3A_1089 : i32 to index
        %get3A_1091 = arith.index_cast %scan3A_1088 : i32 to index
        %get3A_1092 = arith.constant 0 : index
        %get3A_1093 = tpu.vector_load %arg6[%get3A_1090, %get3A_1091, %get3A_1092] {strides = array<i32>} : memref<4x200x64xf32, #tpu.memory_space<vmem>>, vector<1x1x16xf32>,
        %get3A_1094 = vector.shape_cast %get3A_1093 : vector<1x1x16xf32> to vector<16xf32>
        %add3A_1095 = arith.addf %add3A_1065, %get3A_1094 : vector<16xf32>
        %get3A_1096 = arith.constant 1 : i32
        %get3A_1097 = arith.index_cast %get3A_1096 : i32 to index
        %get3A_1098 = arith.index_cast %scan3A_1088 : i32 to index
        %get3A_1099 = arith.constant 16 : index
        %get3A_1100 = tpu.vector_load %arg6[%get3A_1097, %get3A_1098, %get3A_1099] {strides = array<i32>} : memref<4x200x64xf32, #tpu.memory_space<vmem>>, vector<1x1x16xf32>,
        %get3A_1101 = vector.shape_cast %get3A_1100 : vector<1x1x16xf32> to vector<16xf32>
        %add3A_1102 = arith.addf %add3A_1072, %get3A_1101 : vector<16xf32>
        %get3A_1103 = arith.constant 1 : i32
        %get3A_1104 = arith.index_cast %get3A_1103 : i32 to index
        %get3A_1105 = arith.index_cast %scan3A_1088 : i32 to index
        %get3A_1106 = arith.constant 32 : index
        %get3A_1107 = tpu.vector_load %arg6[%get3A_1104, %get3A_1105, %get3A_1106] {strides = array<i32>} : memref<4x200x64xf32, #tpu.memory_space<vmem>>, vector<1x1x16xf32>,
        %get3A_1108 = vector.shape_cast %get3A_1107 : vector<1x1x16xf32> to vector<16xf32>
        %add3A_1109 = arith.addf %add3A_1079, %get3A_1108 : vector<16xf32>
        %get3A_1110 = arith.constant 1 : i32
        %get3A_1111 = arith.index_cast %get3A_1110 : i32 to index
        %get3A_1112 = arith.index_cast %scan3A_1088 : i32 to index
        %get3A_1113 = arith.constant 48 : index
        %get3A_1114 = tpu.vector_load %arg6[%get3A_1111, %get3A_1112, %get3A_1113] {strides = array<i32>} : memref<4x200x64xf32, #tpu.memory_space<vmem>>, vector<1x1x16xf32>,
        %get3A_1115 = vector.shape_cast %get3A_1114 : vector<1x1x16xf32> to vector<16xf32>
        %add3A_1116 = arith.addf %add3A_1086, %get3A_1115 : vector<16xf32>
        %scan3A_1117 = arith.constant 5 : i32
        %scan3A_1118 = arith.addi %scan3A_965, %scan3A_1117 : i32
        %get3A_1119 = arith.constant 1 : i32
        %get3A_1120 = arith.index_cast %get3A_1119 : i32 to index
        %get3A_1121 = arith.index_cast %scan3A_1118 : i32 to index
        %get3A_1122 = arith.constant 0 : index
        %get3A_1123 = tpu.vector_load %arg6[%get3A_1120, %get3A_1121, %get3A_1122] {strides = array<i32>} : memref<4x200x64xf32, #tpu.memory_space<vmem>>, vector<1x1x16xf32>,
        %get3A_1124 = vector.shape_cast %get3A_1123 : vector<1x1x16xf32> to vector<16xf32>
        %add3A_1125 = arith.addf %add3A_1095, %get3A_1124 : vector<16xf32>
        %get3A_1126 = arith.constant 1 : i32
        %get3A_1127 = arith.index_cast %get3A_1126 : i32 to index
        %get3A_1128 = arith.index_cast %scan3A_1118 : i32 to index
        %get3A_1129 = arith.constant 16 : index
        %get3A_1130 = tpu.vector_load %arg6[%get3A_1127, %get3A_1128, %get3A_1129] {strides = array<i32>} : memref<4x200x64xf32, #tpu.memory_space<vmem>>, vector<1x1x16xf32>,
        %get3A_1131 = vector.shape_cast %get3A_1130 : vector<1x1x16xf32> to vector<16xf32>
        %add3A_1132 = arith.addf %add3A_1102, %get3A_1131 : vector<16xf32>
        %get3A_1133 = arith.constant 1 : i32
        %get3A_1134 = arith.index_cast %get3A_1133 : i32 to index
        %get3A_1135 = arith.index_cast %scan3A_1118 : i32 to index
        %get3A_1136 = arith.constant 32 : index
        %get3A_1137 = tpu.vector_load %arg6[%get3A_1134, %get3A_1135, %get3A_1136] {strides = array<i32>} : memref<4x200x64xf32, #tpu.memory_space<vmem>>, vector<1x1x16xf32>,
        %get3A_1138 = vector.shape_cast %get3A_1137 : vector<1x1x16xf32> to vector<16xf32>
        %add3A_1139 = arith.addf %add3A_1109, %get3A_1138 : vector<16xf32>
        %get3A_1140 = arith.constant 1 : i32
        %get3A_1141 = arith.index_cast %get3A_1140 : i32 to index
        %get3A_1142 = arith.index_cast %scan3A_1118 : i32 to index
        %get3A_1143 = arith.constant 48 : index
        %get3A_1144 = tpu.vector_load %arg6[%get3A_1141, %get3A_1142, %get3A_1143] {strides = array<i32>} : memref<4x200x64xf32, #tpu.memory_space<vmem>>, vector<1x1x16xf32>,
        %get3A_1145 = vector.shape_cast %get3A_1144 : vector<1x1x16xf32> to vector<16xf32>
        %add3A_1146 = arith.addf %add3A_1116, %get3A_1145 : vector<16xf32>
        %scan3A_1147 = arith.constant 6 : i32
        %scan3A_1148 = arith.addi %scan3A_965, %scan3A_1147 : i32
        %get3A_1149 = arith.constant 1 : i32
        %get3A_1150 = arith.index_cast %get3A_1149 : i32 to index
        %get3A_1151 = arith.index_cast %scan3A_1148 : i32 to index
        %get3A_1152 = arith.constant 0 : index
        %get3A_1153 = tpu.vector_load %arg6[%get3A_1150, %get3A_1151, %get3A_1152] {strides = array<i32>} : memref<4x200x64xf32, #tpu.memory_space<vmem>>, vector<1x1x16xf32>,
        %get3A_1154 = vector.shape_cast %get3A_1153 : vector<1x1x16xf32> to vector<16xf32>
        %add3A_1155 = arith.addf %add3A_1125, %get3A_1154 : vector<16xf32>
        %get3A_1156 = arith.constant 1 : i32
        %get3A_1157 = arith.index_cast %get3A_1156 : i32 to index
        %get3A_1158 = arith.index_cast %scan3A_1148 : i32 to index
        %get3A_1159 = arith.constant 16 : index
        %get3A_1160 = tpu.vector_load %arg6[%get3A_1157, %get3A_1158, %get3A_1159] {strides = array<i32>} : memref<4x200x64xf32, #tpu.memory_space<vmem>>, vector<1x1x16xf32>,
        %get3A_1161 = vector.shape_cast %get3A_1160 : vector<1x1x16xf32> to vector<16xf32>
        %add3A_1162 = arith.addf %add3A_1132, %get3A_1161 : vector<16xf32>
        %get3A_1163 = arith.constant 1 : i32
        %get3A_1164 = arith.index_cast %get3A_1163 : i32 to index
        %get3A_1165 = arith.index_cast %scan3A_1148 : i32 to index
        %get3A_1166 = arith.constant 32 : index
        %get3A_1167 = tpu.vector_load %arg6[%get3A_1164, %get3A_1165, %get3A_1166] {strides = array<i32>} : memref<4x200x64xf32, #tpu.memory_space<vmem>>, vector<1x1x16xf32>,
        %get3A_1168 = vector.shape_cast %get3A_1167 : vector<1x1x16xf32> to vector<16xf32>
        %add3A_1169 = arith.addf %add3A_1139, %get3A_1168 : vector<16xf32>
        %get3A_1170 = arith.constant 1 : i32
        %get3A_1171 = arith.index_cast %get3A_1170 : i32 to index
        %get3A_1172 = arith.index_cast %scan3A_1148 : i32 to index
        %get3A_1173 = arith.constant 48 : index
        %get3A_1174 = tpu.vector_load %arg6[%get3A_1171, %get3A_1172, %get3A_1173] {strides = array<i32>} : memref<4x200x64xf32, #tpu.memory_space<vmem>>, vector<1x1x16xf32>,
        %get3A_1175 = vector.shape_cast %get3A_1174 : vector<1x1x16xf32> to vector<16xf32>
        %add3A_1176 = arith.addf %add3A_1146, %get3A_1175 : vector<16xf32>
        %scan3A_1177 = arith.constant 7 : i32
        %scan3A_1178 = arith.addi %scan3A_965, %scan3A_1177 : i32
        %get3A_1179 = arith.constant 1 : i32
        %get3A_1180 = arith.index_cast %get3A_1179 : i32 to index
        %get3A_1181 = arith.index_cast %scan3A_1178 : i32 to index
        %get3A_1182 = arith.constant 0 : index
        %get3A_1183 = tpu.vector_load %arg6[%get3A_1180, %get3A_1181, %get3A_1182] {strides = array<i32>} : memref<4x200x64xf32, #tpu.memory_space<vmem>>, vector<1x1x16xf32>,
        %get3A_1184 = vector.shape_cast %get3A_1183 : vector<1x1x16xf32> to vector<16xf32>
        %add3A_1185 = arith.addf %add3A_1155, %get3A_1184 : vector<16xf32>
        %get3A_1186 = arith.constant 1 : i32
        %get3A_1187 = arith.index_cast %get3A_1186 : i32 to index
        %get3A_1188 = arith.index_cast %scan3A_1178 : i32 to index
        %get3A_1189 = arith.constant 16 : index
        %get3A_1190 = tpu.vector_load %arg6[%get3A_1187, %get3A_1188, %get3A_1189] {strides = array<i32>} : memref<4x200x64xf32, #tpu.memory_space<vmem>>, vector<1x1x16xf32>,
        %get3A_1191 = vector.shape_cast %get3A_1190 : vector<1x1x16xf32> to vector<16xf32>
        %add3A_1192 = arith.addf %add3A_1162, %get3A_1191 : vector<16xf32>
        %get3A_1193 = arith.constant 1 : i32
        %get3A_1194 = arith.index_cast %get3A_1193 : i32 to index
        %get3A_1195 = arith.index_cast %scan3A_1178 : i32 to index
        %get3A_1196 = arith.constant 32 : index
        %get3A_1197 = tpu.vector_load %arg6[%get3A_1194, %get3A_1195, %get3A_1196] {strides = array<i32>} : memref<4x200x64xf32, #tpu.memory_space<vmem>>, vector<1x1x16xf32>,
        %get3A_1198 = vector.shape_cast %get3A_1197 : vector<1x1x16xf32> to vector<16xf32>
        %add3A_1199 = arith.addf %add3A_1169, %get3A_1198 : vector<16xf32>
        %get3A_1200 = arith.constant 1 : i32
        %get3A_1201 = arith.index_cast %get3A_1200 : i32 to index
        %get3A_1202 = arith.index_cast %scan3A_1178 : i32 to index
        %get3A_1203 = arith.constant 48 : index
        %get3A_1204 = tpu.vector_load %arg6[%get3A_1201, %get3A_1202, %get3A_1203] {strides = array<i32>} : memref<4x200x64xf32, #tpu.memory_space<vmem>>, vector<1x1x16xf32>,
        %get3A_1205 = vector.shape_cast %get3A_1204 : vector<1x1x16xf32> to vector<16xf32>
        %add3A_1206 = arith.addf %add3A_1176, %get3A_1205 : vector<16xf32>
        scf.yield %add3A_1185, %add3A_1192, %add3A_1199, %add3A_1206 : vector<16xf32>, vector<16xf32>, vector<16xf32>, vector<16xf32>
      }
      %scan3A_320 = arith.constant 200 : i32
      %mul3A_321 = arith.constant 5.000000e-03 : f32
      %mul3A_322 = vector.broadcast %mul3A_321 : f32 to vector<16xf32>
      %mul3A_323 = arith.mulf %scan3A_319#0, %mul3A_322 : vector<16xf32>
      %swap3A_324 = arith.index_cast %add3A_254 : i32 to index
      %swap3A_325 = arith.constant 0 : index
      %swap3A_326 = tpu.vector_load %arg7[%swap3A_324, %swap3A_325] {strides = array<i32>} : memref<512x64xf32, #tpu.memory_space<vmem>>, vector<1x16xf32>,
      %swap3A_327 = vector.shape_cast %swap3A_326 : vector<1x16xf32> to vector<16xf32>
      %swap3A_328 = vector.shape_cast %mul3A_323 : vector<16xf32> to vector<1x16xf32>
      tpu.vector_store %arg7[%swap3A_324, %swap3A_325], %swap3A_328 {strides = array<i32>} : memref<512x64xf32, #tpu.memory_space<vmem>>, vector<1x16xf32>,
      %mul3A_329 = arith.constant 5.000000e-03 : f32
      %mul3A_330 = vector.broadcast %mul3A_329 : f32 to vector<16xf32>
      %mul3A_331 = arith.mulf %scan3A_319#1, %mul3A_330 : vector<16xf32>
      %swap3A_332 = arith.index_cast %add3A_254 : i32 to index
      %swap3A_333 = arith.constant 16 : index
      %swap3A_334 = tpu.vector_load %arg7[%swap3A_332, %swap3A_333] {strides = array<i32>} : memref<512x64xf32, #tpu.memory_space<vmem>>, vector<1x16xf32>,
      %swap3A_335 = vector.shape_cast %swap3A_334 : vector<1x16xf32> to vector<16xf32>
      %swap3A_336 = vector.shape_cast %mul3A_331 : vector<16xf32> to vector<1x16xf32>
      tpu.vector_store %arg7[%swap3A_332, %swap3A_333], %swap3A_336 {strides = array<i32>} : memref<512x64xf32, #tpu.memory_space<vmem>>, vector<1x16xf32>,
      %mul3A_337 = arith.constant 5.000000e-03 : f32
      %mul3A_338 = vector.broadcast %mul3A_337 : f32 to vector<16xf32>
      %mul3A_339 = arith.mulf %scan3A_319#2, %mul3A_338 : vector<16xf32>
      %swap3A_340 = arith.index_cast %add3A_254 : i32 to index
      %swap3A_341 = arith.constant 32 : index
      %swap3A_342 = tpu.vector_load %arg7[%swap3A_340, %swap3A_341] {strides = array<i32>} : memref<512x64xf32, #tpu.memory_space<vmem>>, vector<1x16xf32>,
      %swap3A_343 = vector.shape_cast %swap3A_342 : vector<1x16xf32> to vector<16xf32>
      %swap3A_344 = vector.shape_cast %mul3A_339 : vector<16xf32> to vector<1x16xf32>
      tpu.vector_store %arg7[%swap3A_340, %swap3A_341], %swap3A_344 {strides = array<i32>} : memref<512x64xf32, #tpu.memory_space<vmem>>, vector<1x16xf32>,
      %mul3A_345 = arith.constant 5.000000e-03 : f32
      %mul3A_346 = vector.broadcast %mul3A_345 : f32 to vector<16xf32>
      %mul3A_347 = arith.mulf %scan3A_319#3, %mul3A_346 : vector<16xf32>
      %swap3A_348 = arith.index_cast %add3A_254 : i32 to index
      %swap3A_349 = arith.constant 48 : index
      %swap3A_350 = tpu.vector_load %arg7[%swap3A_348, %swap3A_349] {strides = array<i32>} : memref<512x64xf32, #tpu.memory_space<vmem>>, vector<1x16xf32>,
      %swap3A_351 = vector.shape_cast %swap3A_350 : vector<1x16xf32> to vector<16xf32>
      %swap3A_352 = vector.shape_cast %mul3A_347 : vector<16xf32> to vector<1x16xf32>
      tpu.vector_store %arg7[%swap3A_348, %swap3A_349], %swap3A_352 {strides = array<i32>} : memref<512x64xf32, #tpu.memory_space<vmem>>, vector<1x16xf32>,
      %mul3A_353 = arith.constant 8 : i32
      %mul3A_354 = arith.muli %scan3A_154, %mul3A_353 : i32
      %add3A_355 = arith.constant 2 : i32
      %add3A_356 = arith.addi %mul3A_354, %add3A_355 : i32
      %lt3A_357 = arith.constant 509 : i32
      %lt3A_358 = arith.cmpi slt, %add3A_356, %lt3A_357 : i32
      %convert_element_type3A_359 = arith.extui %lt3A_358 : i1 to i32
      %cond3A_360 = arith.constant 0 : i32
      %cond3A_361 = arith.cmpi ne, %convert_element_type3A_359, %cond3A_360 : i32
      scf.if %cond3A_361 {
        %dma_wait3A_965 = arith.constant 5 : i32
        %dma_wait3A_966 = arith.constant 0 : i32
        %dma_wait3A_967 = tpu.memref_slice %arg5[%dma_wait3A_965, %dma_wait3A_966] : memref<8x200xi32, #tpu.memory_space<vmem>> -> memref<1x200xi32, #tpu.memory_space<vmem>>
        %dma_wait3A_968 = tpu.memref_squeeze %dma_wait3A_967 : memref<1x200xi32, #tpu.memory_space<vmem>> -> memref<200xi32, #tpu.memory_space<vmem>>
        %dma_wait3A_969 = arith.constant 0 : i32
        %dma_wait3A_970 = tpu.memref_slice %arg2[%dma_wait3A_969] : memref<3276800xi32, #tpu.memory_space<hbm>> -> memref<200xi32, #tpu.memory_space<hbm>>
        %dma_wait3A_971 = arith.constant 0 : i32
        %dma_wait3A_972 = tpu.memref_slice %arg5[%dma_wait3A_965, %dma_wait3A_971] : memref<8x200xi32, #tpu.memory_space<vmem>> -> memref<1x200xi32, #tpu.memory_space<vmem>>
        %dma_wait3A_973 = tpu.memref_squeeze %dma_wait3A_972 : memref<1x200xi32, #tpu.memory_space<vmem>> -> memref<200xi32, #tpu.memory_space<vmem>>
        %dma_wait3A_974 = arith.constant 0 : i32
        %dma_wait3A_975 = tpu.memref_slice %arg2[%dma_wait3A_974] : memref<3276800xi32, #tpu.memory_space<hbm>> -> memref<200xi32, #tpu.memory_space<hbm>>
        tpu.wait_dma2 semaphore(%arg9 : memref<!tpu.dma_semaphore, #tpu.memory_space<semaphore_mem>>) src(%dma_wait3A_975 : memref<200xi32, #tpu.memory_space<hbm>>) dst(%dma_wait3A_973 : memref<200xi32, #tpu.memory_space<vmem>>)
        %dma_start3A_976 = arith.constant 5 : i32
        %dma_start3A_977 = arith.constant 1 : i32
        %dma_start3A_978 = arith.constant 0 : i32
        %dma_start3A_979 = arith.constant 0 : i32
        %dma_start3A_980 = tpu.memref_slice %arg6[%dma_start3A_977, %dma_start3A_978, %dma_start3A_979] : memref<4x200x64xf32, #tpu.memory_space<vmem>> -> memref<1x200x64xf32, #tpu.memory_space<vmem>>
        %dma_start3A_981 = tpu.memref_squeeze %dma_start3A_980 : memref<1x200x64xf32, #tpu.memory_space<vmem>> -> memref<200x64xf32, #tpu.memory_space<vmem>>
        %dma_start3A_982 = arith.constant 0 : i32
        %dma_start3A_983 = arith.constant 0 : i32
        %dma_start3A_984 = tpu.memref_slice %dma_start3A_981[%dma_start3A_982, %dma_start3A_983] : memref<200x64xf32, #tpu.memory_space<vmem>> -> memref<128x64xf32, #tpu.memory_space<vmem>>
        %dma_start3A_985 = arith.constant 0 : i32
        %dma_start3A_986 = tpu.memref_slice %arg5[%dma_start3A_976, %dma_start3A_985] : memref<8x200xi32, #tpu.memory_space<vmem>> -> memref<1x200xi32, #tpu.memory_space<vmem>>
        %dma_start3A_987 = tpu.memref_squeeze %dma_start3A_986 : memref<1x200xi32, #tpu.memory_space<vmem>> -> memref<200xi32, #tpu.memory_space<vmem>>
        %dma_start3A_988 = arith.constant 0 : i32
        %dma_start3A_989 = tpu.memref_slice %dma_start3A_987[%dma_start3A_988] : memref<200xi32, #tpu.memory_space<vmem>> -> memref<128xi32, #tpu.memory_space<vmem>>
        %dma_start3A_990 = arith.constant 0 : i32
        %dma_start3A_991 = arith.constant 0 : i32
        %dma_start3A_992 = tpu.memref_slice %arg3[%dma_start3A_990, %dma_start3A_991] : memref<1000000x64xf32, #tpu.memory_space<hbm>> -> memref<1000000x64xf32, #tpu.memory_space<hbm>>
        tpu.enqueue_indirect_dma source(%dma_start3A_992 : memref<1000000x64xf32, #tpu.memory_space<hbm>>) target(%dma_start3A_984 : memref<128x64xf32, #tpu.memory_space<vmem>>) offsets(%dma_start3A_989 : memref<128xi32, #tpu.memory_space<vmem>>) semaphore(%arg8 : memref<!tpu.dma_semaphore, #tpu.memory_space<semaphore_mem>>)
        %dma_start3A_993 = arith.constant 5 : i32
        %dma_start3A_994 = arith.constant 1 : i32
        %dma_start3A_995 = arith.constant 0 : i32
        %dma_start3A_996 = arith.constant 0 : i32
        %dma_start3A_997 = tpu.memref_slice %arg6[%dma_start3A_994, %dma_start3A_995, %dma_start3A_996] : memref<4x200x64xf32, #tpu.memory_space<vmem>> -> memref<1x200x64xf32, #tpu.memory_space<vmem>>
        %dma_start3A_998 = tpu.memref_squeeze %dma_start3A_997 : memref<1x200x64xf32, #tpu.memory_space<vmem>> -> memref<200x64xf32, #tpu.memory_space<vmem>>
        %dma_start3A_999 = arith.constant 128 : i32
        %dma_start3A_1000 = arith.constant 0 : i32
        %dma_start3A_1001 = tpu.memref_slice %dma_start3A_998[%dma_start3A_999, %dma_start3A_1000] : memref<200x64xf32, #tpu.memory_space<vmem>> -> memref<72x64xf32, #tpu.memory_space<vmem>>
        %dma_start3A_1002 = arith.constant 0 : i32
        %dma_start3A_1003 = tpu.memref_slice %arg5[%dma_start3A_993, %dma_start3A_1002] : memref<8x200xi32, #tpu.memory_space<vmem>> -> memref<1x200xi32, #tpu.memory_space<vmem>>
        %dma_start3A_1004 = tpu.memref_squeeze %dma_start3A_1003 : memref<1x200xi32, #tpu.memory_space<vmem>> -> memref<200xi32, #tpu.memory_space<vmem>>
        %dma_start3A_1005 = arith.constant 128 : i32
        %dma_start3A_1006 = tpu.memref_slice %dma_start3A_1004[%dma_start3A_1005] : memref<200xi32, #tpu.memory_space<vmem>> -> memref<72xi32, #tpu.memory_space<vmem>>
        %dma_start3A_1007 = arith.constant 0 : i32
        %dma_start3A_1008 = arith.constant 0 : i32
        %dma_start3A_1009 = tpu.memref_slice %arg3[%dma_start3A_1007, %dma_start3A_1008] : memref<1000000x64xf32, #tpu.memory_space<hbm>> -> memref<1000000x64xf32, #tpu.memory_space<hbm>>
        tpu.enqueue_indirect_dma source(%dma_start3A_1009 : memref<1000000x64xf32, #tpu.memory_space<hbm>>) target(%dma_start3A_1001 : memref<72x64xf32, #tpu.memory_space<vmem>>) offsets(%dma_start3A_1006 : memref<72xi32, #tpu.memory_space<vmem>>) semaphore(%arg8 : memref<!tpu.dma_semaphore, #tpu.memory_space<semaphore_mem>>)
      } else {
      }
      %lt3A_362 = arith.constant 506 : i32
      %lt3A_363 = arith.cmpi slt, %add3A_356, %lt3A_362 : i32
      %convert_element_type3A_364 = arith.extui %lt3A_363 : i1 to i32
      %cond3A_365 = arith.constant 0 : i32
      %cond3A_366 = arith.cmpi ne, %convert_element_type3A_364, %cond3A_365 : i32
      scf.if %cond3A_366 {
        %add3A_965 = arith.constant 6 : i32
        %add3A_966 = arith.addi %add3A_356, %add3A_965 : i32
        %mul3A_967 = arith.constant 200 : i32
        %mul3A_968 = arith.muli %add3A_966, %mul3A_967 : i32
        %add3A_969 = arith.addi %mul3A_4, %mul3A_968 : i32
        %dma_start3A_970 = arith.constant 0 : i32
        %dma_start3A_971 = arith.constant 0 : i32
        %dma_start3A_972 = tpu.memref_slice %arg5[%dma_start3A_970, %dma_start3A_971] : memref<8x200xi32, #tpu.memory_space<vmem>> -> memref<1x200xi32, #tpu.memory_space<vmem>>
        %dma_start3A_973 = tpu.memref_squeeze %dma_start3A_972 : memref<1x200xi32, #tpu.memory_space<vmem>> -> memref<200xi32, #tpu.memory_space<vmem>>
        %dma_start3A_974 = tpu.memref_slice %arg2[%add3A_969] : memref<3276800xi32, #tpu.memory_space<hbm>> -> memref<200xi32, #tpu.memory_space<hbm>>
        %dma_start3A_975 = arith.constant 0 : i32
        %dma_start3A_976 = tpu.memref_slice %arg5[%dma_start3A_970, %dma_start3A_975] : memref<8x200xi32, #tpu.memory_space<vmem>> -> memref<1x200xi32, #tpu.memory_space<vmem>>
        %dma_start3A_977 = tpu.memref_squeeze %dma_start3A_976 : memref<1x200xi32, #tpu.memory_space<vmem>> -> memref<200xi32, #tpu.memory_space<vmem>>
        %dma_start3A_978 = tpu.memref_slice %arg2[%add3A_969] : memref<3276800xi32, #tpu.memory_space<hbm>> -> memref<200xi32, #tpu.memory_space<hbm>>
        tpu.enqueue_dma source(%dma_start3A_978 : memref<200xi32, #tpu.memory_space<hbm>>) target(%dma_start3A_977 : memref<200xi32, #tpu.memory_space<vmem>>) target_semaphore(%arg9 : memref<!tpu.dma_semaphore, #tpu.memory_space<semaphore_mem>>)
      } else {
      }
      %dma_wait3A_367 = arith.constant 2 : i32
      %dma_wait3A_368 = arith.constant 0 : i32
      %dma_wait3A_369 = arith.constant 0 : i32
      %dma_wait3A_370 = tpu.memref_slice %arg6[%dma_wait3A_367, %dma_wait3A_368, %dma_wait3A_369] : memref<4x200x64xf32, #tpu.memory_space<vmem>> -> memref<1x200x64xf32, #tpu.memory_space<vmem>>
      %dma_wait3A_371 = tpu.memref_squeeze %dma_wait3A_370 : memref<1x200x64xf32, #tpu.memory_space<vmem>> -> memref<200x64xf32, #tpu.memory_space<vmem>>
      %dma_wait3A_372 = arith.constant 0 : i32
      %dma_wait3A_373 = arith.constant 0 : i32
      %dma_wait3A_374 = tpu.memref_slice %dma_wait3A_371[%dma_wait3A_372, %dma_wait3A_373] : memref<200x64xf32, #tpu.memory_space<vmem>> -> memref<128x64xf32, #tpu.memory_space<vmem>>
      %dma_wait3A_375 = arith.constant 0 : i32
      %dma_wait3A_376 = arith.constant 0 : i32
      %dma_wait3A_377 = tpu.memref_slice %arg3[%dma_wait3A_375, %dma_wait3A_376] : memref<1000000x64xf32, #tpu.memory_space<hbm>> -> memref<128x64xf32, #tpu.memory_space<hbm>>
      %dma_wait3A_378 = arith.constant 0 : i32
      %dma_wait3A_379 = arith.constant 0 : i32
      %dma_wait3A_380 = tpu.memref_slice %arg6[%dma_wait3A_367, %dma_wait3A_378, %dma_wait3A_379] : memref<4x200x64xf32, #tpu.memory_space<vmem>> -> memref<1x200x64xf32, #tpu.memory_space<vmem>>
      %dma_wait3A_381 = tpu.memref_squeeze %dma_wait3A_380 : memref<1x200x64xf32, #tpu.memory_space<vmem>> -> memref<200x64xf32, #tpu.memory_space<vmem>>
      %dma_wait3A_382 = arith.constant 0 : i32
      %dma_wait3A_383 = arith.constant 0 : i32
      %dma_wait3A_384 = tpu.memref_slice %dma_wait3A_381[%dma_wait3A_382, %dma_wait3A_383] : memref<200x64xf32, #tpu.memory_space<vmem>> -> memref<128x64xf32, #tpu.memory_space<vmem>>
      %dma_wait3A_385 = arith.constant 0 : i32
      %dma_wait3A_386 = arith.constant 0 : i32
      %dma_wait3A_387 = tpu.memref_slice %arg3[%dma_wait3A_385, %dma_wait3A_386] : memref<1000000x64xf32, #tpu.memory_space<hbm>> -> memref<128x64xf32, #tpu.memory_space<hbm>>
      tpu.wait_dma2 semaphore(%arg8 : memref<!tpu.dma_semaphore, #tpu.memory_space<semaphore_mem>>) src(%dma_wait3A_387 : memref<128x64xf32, #tpu.memory_space<hbm>>) dst(%dma_wait3A_384 : memref<128x64xf32, #tpu.memory_space<vmem>>)
      %dma_wait3A_388 = arith.constant 2 : i32
      %dma_wait3A_389 = arith.constant 0 : i32
      %dma_wait3A_390 = arith.constant 0 : i32
      %dma_wait3A_391 = tpu.memref_slice %arg6[%dma_wait3A_388, %dma_wait3A_389, %dma_wait3A_390] : memref<4x200x64xf32, #tpu.memory_space<vmem>> -> memref<1x200x64xf32, #tpu.memory_space<vmem>>
      %dma_wait3A_392 = tpu.memref_squeeze %dma_wait3A_391 : memref<1x200x64xf32, #tpu.memory_space<vmem>> -> memref<200x64xf32, #tpu.memory_space<vmem>>
      %dma_wait3A_393 = arith.constant 128 : i32
      %dma_wait3A_394 = arith.constant 0 : i32
      %dma_wait3A_395 = tpu.memref_slice %dma_wait3A_392[%dma_wait3A_393, %dma_wait3A_394] : memref<200x64xf32, #tpu.memory_space<vmem>> -> memref<72x64xf32, #tpu.memory_space<vmem>>
      %dma_wait3A_396 = arith.constant 0 : i32
      %dma_wait3A_397 = arith.constant 0 : i32
      %dma_wait3A_398 = tpu.memref_slice %arg3[%dma_wait3A_396, %dma_wait3A_397] : memref<1000000x64xf32, #tpu.memory_space<hbm>> -> memref<72x64xf32, #tpu.memory_space<hbm>>
      %dma_wait3A_399 = arith.constant 0 : i32
      %dma_wait3A_400 = arith.constant 0 : i32
      %dma_wait3A_401 = tpu.memref_slice %arg6[%dma_wait3A_388, %dma_wait3A_399, %dma_wait3A_400] : memref<4x200x64xf32, #tpu.memory_space<vmem>> -> memref<1x200x64xf32, #tpu.memory_space<vmem>>
      %dma_wait3A_402 = tpu.memref_squeeze %dma_wait3A_401 : memref<1x200x64xf32, #tpu.memory_space<vmem>> -> memref<200x64xf32, #tpu.memory_space<vmem>>
      %dma_wait3A_403 = arith.constant 128 : i32
      %dma_wait3A_404 = arith.constant 0 : i32
      %dma_wait3A_405 = tpu.memref_slice %dma_wait3A_402[%dma_wait3A_403, %dma_wait3A_404] : memref<200x64xf32, #tpu.memory_space<vmem>> -> memref<72x64xf32, #tpu.memory_space<vmem>>
      %dma_wait3A_406 = arith.constant 0 : i32
      %dma_wait3A_407 = arith.constant 0 : i32
      %dma_wait3A_408 = tpu.memref_slice %arg3[%dma_wait3A_406, %dma_wait3A_407] : memref<1000000x64xf32, #tpu.memory_space<hbm>> -> memref<72x64xf32, #tpu.memory_space<hbm>>
      tpu.wait_dma2 semaphore(%arg8 : memref<!tpu.dma_semaphore, #tpu.memory_space<semaphore_mem>>) src(%dma_wait3A_408 : memref<72x64xf32, #tpu.memory_space<hbm>>) dst(%dma_wait3A_405 : memref<72x64xf32, #tpu.memory_space<vmem>>)
      %broadcast_in_dim3A_409 = arith.constant 0.000000e+00 : f32
      %broadcast_in_dim3A_410 = vector.broadcast %broadcast_in_dim3A_409 : f32 to vector<16xf32>
      %broadcast_in_dim3A_411 = arith.constant 0.000000e+00 : f32
      %broadcast_in_dim3A_412 = vector.broadcast %broadcast_in_dim3A_411 : f32 to vector<16xf32>
      %broadcast_in_dim3A_413 = arith.constant 0.000000e+00 : f32
      %broadcast_in_dim3A_414 = vector.broadcast %broadcast_in_dim3A_413 : f32 to vector<16xf32>
      %broadcast_in_dim3A_415 = arith.constant 0.000000e+00 : f32
      %broadcast_in_dim3A_416 = vector.broadcast %broadcast_in_dim3A_415 : f32 to vector<16xf32>
      %scan3A_417 = arith.constant 0 : i32
      %scan3A_418 = arith.constant 200 : i32
      %scan3A_419 = arith.addi %scan3A_417, %scan3A_418 : i32
      %scan3A_420 = arith.constant 8 : i32
      %scan3A_421:4 = scf.for %scan3A_965 = %scan3A_417 to %scan3A_419 step %scan3A_420 iter_args(%scan3A_966 = %broadcast_in_dim3A_410, %scan3A_967 = %broadcast_in_dim3A_412, %scan3A_968 = %broadcast_in_dim3A_414, %scan3A_969 = %broadcast_in_dim3A_416) -> (vector<16xf32>, vector<16xf32>, vector<16xf32>, vector<16xf32>)  : i32 {
        %get3A = arith.constant 2 : i32
        %get3A_970 = arith.index_cast %get3A : i32 to index
        %get3A_971 = arith.index_cast %scan3A_965 : i32 to index
        %get3A_972 = arith.constant 0 : index
        %get3A_973 = tpu.vector_load %arg6[%get3A_970, %get3A_971, %get3A_972] {strides = array<i32>} : memref<4x200x64xf32, #tpu.memory_space<vmem>>, vector<1x1x16xf32>,
        %get3A_974 = vector.shape_cast %get3A_973 : vector<1x1x16xf32> to vector<16xf32>
        %add3A_975 = arith.addf %scan3A_966, %get3A_974 : vector<16xf32>
        %get3A_976 = arith.constant 2 : i32
        %get3A_977 = arith.index_cast %get3A_976 : i32 to index
        %get3A_978 = arith.index_cast %scan3A_965 : i32 to index
        %get3A_979 = arith.constant 16 : index
        %get3A_980 = tpu.vector_load %arg6[%get3A_977, %get3A_978, %get3A_979] {strides = array<i32>} : memref<4x200x64xf32, #tpu.memory_space<vmem>>, vector<1x1x16xf32>,
        %get3A_981 = vector.shape_cast %get3A_980 : vector<1x1x16xf32> to vector<16xf32>
        %add3A_982 = arith.addf %scan3A_967, %get3A_981 : vector<16xf32>
        %get3A_983 = arith.constant 2 : i32
        %get3A_984 = arith.index_cast %get3A_983 : i32 to index
        %get3A_985 = arith.index_cast %scan3A_965 : i32 to index
        %get3A_986 = arith.constant 32 : index
        %get3A_987 = tpu.vector_load %arg6[%get3A_984, %get3A_985, %get3A_986] {strides = array<i32>} : memref<4x200x64xf32, #tpu.memory_space<vmem>>, vector<1x1x16xf32>,
        %get3A_988 = vector.shape_cast %get3A_987 : vector<1x1x16xf32> to vector<16xf32>
        %add3A_989 = arith.addf %scan3A_968, %get3A_988 : vector<16xf32>
        %get3A_990 = arith.constant 2 : i32
        %get3A_991 = arith.index_cast %get3A_990 : i32 to index
        %get3A_992 = arith.index_cast %scan3A_965 : i32 to index
        %get3A_993 = arith.constant 48 : index
        %get3A_994 = tpu.vector_load %arg6[%get3A_991, %get3A_992, %get3A_993] {strides = array<i32>} : memref<4x200x64xf32, #tpu.memory_space<vmem>>, vector<1x1x16xf32>,
        %get3A_995 = vector.shape_cast %get3A_994 : vector<1x1x16xf32> to vector<16xf32>
        %add3A_996 = arith.addf %scan3A_969, %get3A_995 : vector<16xf32>
        %scan3A_997 = arith.constant 1 : i32
        %scan3A_998 = arith.addi %scan3A_965, %scan3A_997 : i32
        %get3A_999 = arith.constant 2 : i32
        %get3A_1000 = arith.index_cast %get3A_999 : i32 to index
        %get3A_1001 = arith.index_cast %scan3A_998 : i32 to index
        %get3A_1002 = arith.constant 0 : index
        %get3A_1003 = tpu.vector_load %arg6[%get3A_1000, %get3A_1001, %get3A_1002] {strides = array<i32>} : memref<4x200x64xf32, #tpu.memory_space<vmem>>, vector<1x1x16xf32>,
        %get3A_1004 = vector.shape_cast %get3A_1003 : vector<1x1x16xf32> to vector<16xf32>
        %add3A_1005 = arith.addf %add3A_975, %get3A_1004 : vector<16xf32>
        %get3A_1006 = arith.constant 2 : i32
        %get3A_1007 = arith.index_cast %get3A_1006 : i32 to index
        %get3A_1008 = arith.index_cast %scan3A_998 : i32 to index
        %get3A_1009 = arith.constant 16 : index
        %get3A_1010 = tpu.vector_load %arg6[%get3A_1007, %get3A_1008, %get3A_1009] {strides = array<i32>} : memref<4x200x64xf32, #tpu.memory_space<vmem>>, vector<1x1x16xf32>,
        %get3A_1011 = vector.shape_cast %get3A_1010 : vector<1x1x16xf32> to vector<16xf32>
        %add3A_1012 = arith.addf %add3A_982, %get3A_1011 : vector<16xf32>
        %get3A_1013 = arith.constant 2 : i32
        %get3A_1014 = arith.index_cast %get3A_1013 : i32 to index
        %get3A_1015 = arith.index_cast %scan3A_998 : i32 to index
        %get3A_1016 = arith.constant 32 : index
        %get3A_1017 = tpu.vector_load %arg6[%get3A_1014, %get3A_1015, %get3A_1016] {strides = array<i32>} : memref<4x200x64xf32, #tpu.memory_space<vmem>>, vector<1x1x16xf32>,
        %get3A_1018 = vector.shape_cast %get3A_1017 : vector<1x1x16xf32> to vector<16xf32>
        %add3A_1019 = arith.addf %add3A_989, %get3A_1018 : vector<16xf32>
        %get3A_1020 = arith.constant 2 : i32
        %get3A_1021 = arith.index_cast %get3A_1020 : i32 to index
        %get3A_1022 = arith.index_cast %scan3A_998 : i32 to index
        %get3A_1023 = arith.constant 48 : index
        %get3A_1024 = tpu.vector_load %arg6[%get3A_1021, %get3A_1022, %get3A_1023] {strides = array<i32>} : memref<4x200x64xf32, #tpu.memory_space<vmem>>, vector<1x1x16xf32>,
        %get3A_1025 = vector.shape_cast %get3A_1024 : vector<1x1x16xf32> to vector<16xf32>
        %add3A_1026 = arith.addf %add3A_996, %get3A_1025 : vector<16xf32>
        %scan3A_1027 = arith.constant 2 : i32
        %scan3A_1028 = arith.addi %scan3A_965, %scan3A_1027 : i32
        %get3A_1029 = arith.constant 2 : i32
        %get3A_1030 = arith.index_cast %get3A_1029 : i32 to index
        %get3A_1031 = arith.index_cast %scan3A_1028 : i32 to index
        %get3A_1032 = arith.constant 0 : index
        %get3A_1033 = tpu.vector_load %arg6[%get3A_1030, %get3A_1031, %get3A_1032] {strides = array<i32>} : memref<4x200x64xf32, #tpu.memory_space<vmem>>, vector<1x1x16xf32>,
        %get3A_1034 = vector.shape_cast %get3A_1033 : vector<1x1x16xf32> to vector<16xf32>
        %add3A_1035 = arith.addf %add3A_1005, %get3A_1034 : vector<16xf32>
        %get3A_1036 = arith.constant 2 : i32
        %get3A_1037 = arith.index_cast %get3A_1036 : i32 to index
        %get3A_1038 = arith.index_cast %scan3A_1028 : i32 to index
        %get3A_1039 = arith.constant 16 : index
        %get3A_1040 = tpu.vector_load %arg6[%get3A_1037, %get3A_1038, %get3A_1039] {strides = array<i32>} : memref<4x200x64xf32, #tpu.memory_space<vmem>>, vector<1x1x16xf32>,
        %get3A_1041 = vector.shape_cast %get3A_1040 : vector<1x1x16xf32> to vector<16xf32>
        %add3A_1042 = arith.addf %add3A_1012, %get3A_1041 : vector<16xf32>
        %get3A_1043 = arith.constant 2 : i32
        %get3A_1044 = arith.index_cast %get3A_1043 : i32 to index
        %get3A_1045 = arith.index_cast %scan3A_1028 : i32 to index
        %get3A_1046 = arith.constant 32 : index
        %get3A_1047 = tpu.vector_load %arg6[%get3A_1044, %get3A_1045, %get3A_1046] {strides = array<i32>} : memref<4x200x64xf32, #tpu.memory_space<vmem>>, vector<1x1x16xf32>,
        %get3A_1048 = vector.shape_cast %get3A_1047 : vector<1x1x16xf32> to vector<16xf32>
        %add3A_1049 = arith.addf %add3A_1019, %get3A_1048 : vector<16xf32>
        %get3A_1050 = arith.constant 2 : i32
        %get3A_1051 = arith.index_cast %get3A_1050 : i32 to index
        %get3A_1052 = arith.index_cast %scan3A_1028 : i32 to index
        %get3A_1053 = arith.constant 48 : index
        %get3A_1054 = tpu.vector_load %arg6[%get3A_1051, %get3A_1052, %get3A_1053] {strides = array<i32>} : memref<4x200x64xf32, #tpu.memory_space<vmem>>, vector<1x1x16xf32>,
        %get3A_1055 = vector.shape_cast %get3A_1054 : vector<1x1x16xf32> to vector<16xf32>
        %add3A_1056 = arith.addf %add3A_1026, %get3A_1055 : vector<16xf32>
        %scan3A_1057 = arith.constant 3 : i32
        %scan3A_1058 = arith.addi %scan3A_965, %scan3A_1057 : i32
        %get3A_1059 = arith.constant 2 : i32
        %get3A_1060 = arith.index_cast %get3A_1059 : i32 to index
        %get3A_1061 = arith.index_cast %scan3A_1058 : i32 to index
        %get3A_1062 = arith.constant 0 : index
        %get3A_1063 = tpu.vector_load %arg6[%get3A_1060, %get3A_1061, %get3A_1062] {strides = array<i32>} : memref<4x200x64xf32, #tpu.memory_space<vmem>>, vector<1x1x16xf32>,
        %get3A_1064 = vector.shape_cast %get3A_1063 : vector<1x1x16xf32> to vector<16xf32>
        %add3A_1065 = arith.addf %add3A_1035, %get3A_1064 : vector<16xf32>
        %get3A_1066 = arith.constant 2 : i32
        %get3A_1067 = arith.index_cast %get3A_1066 : i32 to index
        %get3A_1068 = arith.index_cast %scan3A_1058 : i32 to index
        %get3A_1069 = arith.constant 16 : index
        %get3A_1070 = tpu.vector_load %arg6[%get3A_1067, %get3A_1068, %get3A_1069] {strides = array<i32>} : memref<4x200x64xf32, #tpu.memory_space<vmem>>, vector<1x1x16xf32>,
        %get3A_1071 = vector.shape_cast %get3A_1070 : vector<1x1x16xf32> to vector<16xf32>
        %add3A_1072 = arith.addf %add3A_1042, %get3A_1071 : vector<16xf32>
        %get3A_1073 = arith.constant 2 : i32
        %get3A_1074 = arith.index_cast %get3A_1073 : i32 to index
        %get3A_1075 = arith.index_cast %scan3A_1058 : i32 to index
        %get3A_1076 = arith.constant 32 : index
        %get3A_1077 = tpu.vector_load %arg6[%get3A_1074, %get3A_1075, %get3A_1076] {strides = array<i32>} : memref<4x200x64xf32, #tpu.memory_space<vmem>>, vector<1x1x16xf32>,
        %get3A_1078 = vector.shape_cast %get3A_1077 : vector<1x1x16xf32> to vector<16xf32>
        %add3A_1079 = arith.addf %add3A_1049, %get3A_1078 : vector<16xf32>
        %get3A_1080 = arith.constant 2 : i32
        %get3A_1081 = arith.index_cast %get3A_1080 : i32 to index
        %get3A_1082 = arith.index_cast %scan3A_1058 : i32 to index
        %get3A_1083 = arith.constant 48 : index
        %get3A_1084 = tpu.vector_load %arg6[%get3A_1081, %get3A_1082, %get3A_1083] {strides = array<i32>} : memref<4x200x64xf32, #tpu.memory_space<vmem>>, vector<1x1x16xf32>,
        %get3A_1085 = vector.shape_cast %get3A_1084 : vector<1x1x16xf32> to vector<16xf32>
        %add3A_1086 = arith.addf %add3A_1056, %get3A_1085 : vector<16xf32>
        %scan3A_1087 = arith.constant 4 : i32
        %scan3A_1088 = arith.addi %scan3A_965, %scan3A_1087 : i32
        %get3A_1089 = arith.constant 2 : i32
        %get3A_1090 = arith.index_cast %get3A_1089 : i32 to index
        %get3A_1091 = arith.index_cast %scan3A_1088 : i32 to index
        %get3A_1092 = arith.constant 0 : index
        %get3A_1093 = tpu.vector_load %arg6[%get3A_1090, %get3A_1091, %get3A_1092] {strides = array<i32>} : memref<4x200x64xf32, #tpu.memory_space<vmem>>, vector<1x1x16xf32>,
        %get3A_1094 = vector.shape_cast %get3A_1093 : vector<1x1x16xf32> to vector<16xf32>
        %add3A_1095 = arith.addf %add3A_1065, %get3A_1094 : vector<16xf32>
        %get3A_1096 = arith.constant 2 : i32
        %get3A_1097 = arith.index_cast %get3A_1096 : i32 to index
        %get3A_1098 = arith.index_cast %scan3A_1088 : i32 to index
        %get3A_1099 = arith.constant 16 : index
        %get3A_1100 = tpu.vector_load %arg6[%get3A_1097, %get3A_1098, %get3A_1099] {strides = array<i32>} : memref<4x200x64xf32, #tpu.memory_space<vmem>>, vector<1x1x16xf32>,
        %get3A_1101 = vector.shape_cast %get3A_1100 : vector<1x1x16xf32> to vector<16xf32>
        %add3A_1102 = arith.addf %add3A_1072, %get3A_1101 : vector<16xf32>
        %get3A_1103 = arith.constant 2 : i32
        %get3A_1104 = arith.index_cast %get3A_1103 : i32 to index
        %get3A_1105 = arith.index_cast %scan3A_1088 : i32 to index
        %get3A_1106 = arith.constant 32 : index
        %get3A_1107 = tpu.vector_load %arg6[%get3A_1104, %get3A_1105, %get3A_1106] {strides = array<i32>} : memref<4x200x64xf32, #tpu.memory_space<vmem>>, vector<1x1x16xf32>,
        %get3A_1108 = vector.shape_cast %get3A_1107 : vector<1x1x16xf32> to vector<16xf32>
        %add3A_1109 = arith.addf %add3A_1079, %get3A_1108 : vector<16xf32>
        %get3A_1110 = arith.constant 2 : i32
        %get3A_1111 = arith.index_cast %get3A_1110 : i32 to index
        %get3A_1112 = arith.index_cast %scan3A_1088 : i32 to index
        %get3A_1113 = arith.constant 48 : index
        %get3A_1114 = tpu.vector_load %arg6[%get3A_1111, %get3A_1112, %get3A_1113] {strides = array<i32>} : memref<4x200x64xf32, #tpu.memory_space<vmem>>, vector<1x1x16xf32>,
        %get3A_1115 = vector.shape_cast %get3A_1114 : vector<1x1x16xf32> to vector<16xf32>
        %add3A_1116 = arith.addf %add3A_1086, %get3A_1115 : vector<16xf32>
        %scan3A_1117 = arith.constant 5 : i32
        %scan3A_1118 = arith.addi %scan3A_965, %scan3A_1117 : i32
        %get3A_1119 = arith.constant 2 : i32
        %get3A_1120 = arith.index_cast %get3A_1119 : i32 to index
        %get3A_1121 = arith.index_cast %scan3A_1118 : i32 to index
        %get3A_1122 = arith.constant 0 : index
        %get3A_1123 = tpu.vector_load %arg6[%get3A_1120, %get3A_1121, %get3A_1122] {strides = array<i32>} : memref<4x200x64xf32, #tpu.memory_space<vmem>>, vector<1x1x16xf32>,
        %get3A_1124 = vector.shape_cast %get3A_1123 : vector<1x1x16xf32> to vector<16xf32>
        %add3A_1125 = arith.addf %add3A_1095, %get3A_1124 : vector<16xf32>
        %get3A_1126 = arith.constant 2 : i32
        %get3A_1127 = arith.index_cast %get3A_1126 : i32 to index
        %get3A_1128 = arith.index_cast %scan3A_1118 : i32 to index
        %get3A_1129 = arith.constant 16 : index
        %get3A_1130 = tpu.vector_load %arg6[%get3A_1127, %get3A_1128, %get3A_1129] {strides = array<i32>} : memref<4x200x64xf32, #tpu.memory_space<vmem>>, vector<1x1x16xf32>,
        %get3A_1131 = vector.shape_cast %get3A_1130 : vector<1x1x16xf32> to vector<16xf32>
        %add3A_1132 = arith.addf %add3A_1102, %get3A_1131 : vector<16xf32>
        %get3A_1133 = arith.constant 2 : i32
        %get3A_1134 = arith.index_cast %get3A_1133 : i32 to index
        %get3A_1135 = arith.index_cast %scan3A_1118 : i32 to index
        %get3A_1136 = arith.constant 32 : index
        %get3A_1137 = tpu.vector_load %arg6[%get3A_1134, %get3A_1135, %get3A_1136] {strides = array<i32>} : memref<4x200x64xf32, #tpu.memory_space<vmem>>, vector<1x1x16xf32>,
        %get3A_1138 = vector.shape_cast %get3A_1137 : vector<1x1x16xf32> to vector<16xf32>
        %add3A_1139 = arith.addf %add3A_1109, %get3A_1138 : vector<16xf32>
        %get3A_1140 = arith.constant 2 : i32
        %get3A_1141 = arith.index_cast %get3A_1140 : i32 to index
        %get3A_1142 = arith.index_cast %scan3A_1118 : i32 to index
        %get3A_1143 = arith.constant 48 : index
        %get3A_1144 = tpu.vector_load %arg6[%get3A_1141, %get3A_1142, %get3A_1143] {strides = array<i32>} : memref<4x200x64xf32, #tpu.memory_space<vmem>>, vector<1x1x16xf32>,
        %get3A_1145 = vector.shape_cast %get3A_1144 : vector<1x1x16xf32> to vector<16xf32>
        %add3A_1146 = arith.addf %add3A_1116, %get3A_1145 : vector<16xf32>
        %scan3A_1147 = arith.constant 6 : i32
        %scan3A_1148 = arith.addi %scan3A_965, %scan3A_1147 : i32
        %get3A_1149 = arith.constant 2 : i32
        %get3A_1150 = arith.index_cast %get3A_1149 : i32 to index
        %get3A_1151 = arith.index_cast %scan3A_1148 : i32 to index
        %get3A_1152 = arith.constant 0 : index
        %get3A_1153 = tpu.vector_load %arg6[%get3A_1150, %get3A_1151, %get3A_1152] {strides = array<i32>} : memref<4x200x64xf32, #tpu.memory_space<vmem>>, vector<1x1x16xf32>,
        %get3A_1154 = vector.shape_cast %get3A_1153 : vector<1x1x16xf32> to vector<16xf32>
        %add3A_1155 = arith.addf %add3A_1125, %get3A_1154 : vector<16xf32>
        %get3A_1156 = arith.constant 2 : i32
        %get3A_1157 = arith.index_cast %get3A_1156 : i32 to index
        %get3A_1158 = arith.index_cast %scan3A_1148 : i32 to index
        %get3A_1159 = arith.constant 16 : index
        %get3A_1160 = tpu.vector_load %arg6[%get3A_1157, %get3A_1158, %get3A_1159] {strides = array<i32>} : memref<4x200x64xf32, #tpu.memory_space<vmem>>, vector<1x1x16xf32>,
        %get3A_1161 = vector.shape_cast %get3A_1160 : vector<1x1x16xf32> to vector<16xf32>
        %add3A_1162 = arith.addf %add3A_1132, %get3A_1161 : vector<16xf32>
        %get3A_1163 = arith.constant 2 : i32
        %get3A_1164 = arith.index_cast %get3A_1163 : i32 to index
        %get3A_1165 = arith.index_cast %scan3A_1148 : i32 to index
        %get3A_1166 = arith.constant 32 : index
        %get3A_1167 = tpu.vector_load %arg6[%get3A_1164, %get3A_1165, %get3A_1166] {strides = array<i32>} : memref<4x200x64xf32, #tpu.memory_space<vmem>>, vector<1x1x16xf32>,
        %get3A_1168 = vector.shape_cast %get3A_1167 : vector<1x1x16xf32> to vector<16xf32>
        %add3A_1169 = arith.addf %add3A_1139, %get3A_1168 : vector<16xf32>
        %get3A_1170 = arith.constant 2 : i32
        %get3A_1171 = arith.index_cast %get3A_1170 : i32 to index
        %get3A_1172 = arith.index_cast %scan3A_1148 : i32 to index
        %get3A_1173 = arith.constant 48 : index
        %get3A_1174 = tpu.vector_load %arg6[%get3A_1171, %get3A_1172, %get3A_1173] {strides = array<i32>} : memref<4x200x64xf32, #tpu.memory_space<vmem>>, vector<1x1x16xf32>,
        %get3A_1175 = vector.shape_cast %get3A_1174 : vector<1x1x16xf32> to vector<16xf32>
        %add3A_1176 = arith.addf %add3A_1146, %get3A_1175 : vector<16xf32>
        %scan3A_1177 = arith.constant 7 : i32
        %scan3A_1178 = arith.addi %scan3A_965, %scan3A_1177 : i32
        %get3A_1179 = arith.constant 2 : i32
        %get3A_1180 = arith.index_cast %get3A_1179 : i32 to index
        %get3A_1181 = arith.index_cast %scan3A_1178 : i32 to index
        %get3A_1182 = arith.constant 0 : index
        %get3A_1183 = tpu.vector_load %arg6[%get3A_1180, %get3A_1181, %get3A_1182] {strides = array<i32>} : memref<4x200x64xf32, #tpu.memory_space<vmem>>, vector<1x1x16xf32>,
        %get3A_1184 = vector.shape_cast %get3A_1183 : vector<1x1x16xf32> to vector<16xf32>
        %add3A_1185 = arith.addf %add3A_1155, %get3A_1184 : vector<16xf32>
        %get3A_1186 = arith.constant 2 : i32
        %get3A_1187 = arith.index_cast %get3A_1186 : i32 to index
        %get3A_1188 = arith.index_cast %scan3A_1178 : i32 to index
        %get3A_1189 = arith.constant 16 : index
        %get3A_1190 = tpu.vector_load %arg6[%get3A_1187, %get3A_1188, %get3A_1189] {strides = array<i32>} : memref<4x200x64xf32, #tpu.memory_space<vmem>>, vector<1x1x16xf32>,
        %get3A_1191 = vector.shape_cast %get3A_1190 : vector<1x1x16xf32> to vector<16xf32>
        %add3A_1192 = arith.addf %add3A_1162, %get3A_1191 : vector<16xf32>
        %get3A_1193 = arith.constant 2 : i32
        %get3A_1194 = arith.index_cast %get3A_1193 : i32 to index
        %get3A_1195 = arith.index_cast %scan3A_1178 : i32 to index
        %get3A_1196 = arith.constant 32 : index
        %get3A_1197 = tpu.vector_load %arg6[%get3A_1194, %get3A_1195, %get3A_1196] {strides = array<i32>} : memref<4x200x64xf32, #tpu.memory_space<vmem>>, vector<1x1x16xf32>,
        %get3A_1198 = vector.shape_cast %get3A_1197 : vector<1x1x16xf32> to vector<16xf32>
        %add3A_1199 = arith.addf %add3A_1169, %get3A_1198 : vector<16xf32>
        %get3A_1200 = arith.constant 2 : i32
        %get3A_1201 = arith.index_cast %get3A_1200 : i32 to index
        %get3A_1202 = arith.index_cast %scan3A_1178 : i32 to index
        %get3A_1203 = arith.constant 48 : index
        %get3A_1204 = tpu.vector_load %arg6[%get3A_1201, %get3A_1202, %get3A_1203] {strides = array<i32>} : memref<4x200x64xf32, #tpu.memory_space<vmem>>, vector<1x1x16xf32>,
        %get3A_1205 = vector.shape_cast %get3A_1204 : vector<1x1x16xf32> to vector<16xf32>
        %add3A_1206 = arith.addf %add3A_1176, %get3A_1205 : vector<16xf32>
        scf.yield %add3A_1185, %add3A_1192, %add3A_1199, %add3A_1206 : vector<16xf32>, vector<16xf32>, vector<16xf32>, vector<16xf32>
      }
      %scan3A_422 = arith.constant 200 : i32
      %mul3A_423 = arith.constant 5.000000e-03 : f32
      %mul3A_424 = vector.broadcast %mul3A_423 : f32 to vector<16xf32>
      %mul3A_425 = arith.mulf %scan3A_421#0, %mul3A_424 : vector<16xf32>
      %swap3A_426 = arith.index_cast %add3A_356 : i32 to index
      %swap3A_427 = arith.constant 0 : index
      %swap3A_428 = tpu.vector_load %arg7[%swap3A_426, %swap3A_427] {strides = array<i32>} : memref<512x64xf32, #tpu.memory_space<vmem>>, vector<1x16xf32>,
      %swap3A_429 = vector.shape_cast %swap3A_428 : vector<1x16xf32> to vector<16xf32>
      %swap3A_430 = vector.shape_cast %mul3A_425 : vector<16xf32> to vector<1x16xf32>
      tpu.vector_store %arg7[%swap3A_426, %swap3A_427], %swap3A_430 {strides = array<i32>} : memref<512x64xf32, #tpu.memory_space<vmem>>, vector<1x16xf32>,
      %mul3A_431 = arith.constant 5.000000e-03 : f32
      %mul3A_432 = vector.broadcast %mul3A_431 : f32 to vector<16xf32>
      %mul3A_433 = arith.mulf %scan3A_421#1, %mul3A_432 : vector<16xf32>
      %swap3A_434 = arith.index_cast %add3A_356 : i32 to index
      %swap3A_435 = arith.constant 16 : index
      %swap3A_436 = tpu.vector_load %arg7[%swap3A_434, %swap3A_435] {strides = array<i32>} : memref<512x64xf32, #tpu.memory_space<vmem>>, vector<1x16xf32>,
      %swap3A_437 = vector.shape_cast %swap3A_436 : vector<1x16xf32> to vector<16xf32>
      %swap3A_438 = vector.shape_cast %mul3A_433 : vector<16xf32> to vector<1x16xf32>
      tpu.vector_store %arg7[%swap3A_434, %swap3A_435], %swap3A_438 {strides = array<i32>} : memref<512x64xf32, #tpu.memory_space<vmem>>, vector<1x16xf32>,
      %mul3A_439 = arith.constant 5.000000e-03 : f32
      %mul3A_440 = vector.broadcast %mul3A_439 : f32 to vector<16xf32>
      %mul3A_441 = arith.mulf %scan3A_421#2, %mul3A_440 : vector<16xf32>
      %swap3A_442 = arith.index_cast %add3A_356 : i32 to index
      %swap3A_443 = arith.constant 32 : index
      %swap3A_444 = tpu.vector_load %arg7[%swap3A_442, %swap3A_443] {strides = array<i32>} : memref<512x64xf32, #tpu.memory_space<vmem>>, vector<1x16xf32>,
      %swap3A_445 = vector.shape_cast %swap3A_444 : vector<1x16xf32> to vector<16xf32>
      %swap3A_446 = vector.shape_cast %mul3A_441 : vector<16xf32> to vector<1x16xf32>
      tpu.vector_store %arg7[%swap3A_442, %swap3A_443], %swap3A_446 {strides = array<i32>} : memref<512x64xf32, #tpu.memory_space<vmem>>, vector<1x16xf32>,
      %mul3A_447 = arith.constant 5.000000e-03 : f32
      %mul3A_448 = vector.broadcast %mul3A_447 : f32 to vector<16xf32>
      %mul3A_449 = arith.mulf %scan3A_421#3, %mul3A_448 : vector<16xf32>
      %swap3A_450 = arith.index_cast %add3A_356 : i32 to index
      %swap3A_451 = arith.constant 48 : index
      %swap3A_452 = tpu.vector_load %arg7[%swap3A_450, %swap3A_451] {strides = array<i32>} : memref<512x64xf32, #tpu.memory_space<vmem>>, vector<1x16xf32>,
      %swap3A_453 = vector.shape_cast %swap3A_452 : vector<1x16xf32> to vector<16xf32>
      %swap3A_454 = vector.shape_cast %mul3A_449 : vector<16xf32> to vector<1x16xf32>
      tpu.vector_store %arg7[%swap3A_450, %swap3A_451], %swap3A_454 {strides = array<i32>} : memref<512x64xf32, #tpu.memory_space<vmem>>, vector<1x16xf32>,
      %mul3A_455 = arith.constant 8 : i32
      %mul3A_456 = arith.muli %scan3A_154, %mul3A_455 : i32
      %add3A_457 = arith.constant 3 : i32
      %add3A_458 = arith.addi %mul3A_456, %add3A_457 : i32
      %lt3A_459 = arith.constant 509 : i32
      %lt3A_460 = arith.cmpi slt, %add3A_458, %lt3A_459 : i32
      %convert_element_type3A_461 = arith.extui %lt3A_460 : i1 to i32
      %cond3A_462 = arith.constant 0 : i32
      %cond3A_463 = arith.cmpi ne, %convert_element_type3A_461, %cond3A_462 : i32
      scf.if %cond3A_463 {
        %dma_wait3A_965 = arith.constant 6 : i32
        %dma_wait3A_966 = arith.constant 0 : i32
        %dma_wait3A_967 = tpu.memref_slice %arg5[%dma_wait3A_965, %dma_wait3A_966] : memref<8x200xi32, #tpu.memory_space<vmem>> -> memref<1x200xi32, #tpu.memory_space<vmem>>
        %dma_wait3A_968 = tpu.memref_squeeze %dma_wait3A_967 : memref<1x200xi32, #tpu.memory_space<vmem>> -> memref<200xi32, #tpu.memory_space<vmem>>
        %dma_wait3A_969 = arith.constant 0 : i32
        %dma_wait3A_970 = tpu.memref_slice %arg2[%dma_wait3A_969] : memref<3276800xi32, #tpu.memory_space<hbm>> -> memref<200xi32, #tpu.memory_space<hbm>>
        %dma_wait3A_971 = arith.constant 0 : i32
        %dma_wait3A_972 = tpu.memref_slice %arg5[%dma_wait3A_965, %dma_wait3A_971] : memref<8x200xi32, #tpu.memory_space<vmem>> -> memref<1x200xi32, #tpu.memory_space<vmem>>
        %dma_wait3A_973 = tpu.memref_squeeze %dma_wait3A_972 : memref<1x200xi32, #tpu.memory_space<vmem>> -> memref<200xi32, #tpu.memory_space<vmem>>
        %dma_wait3A_974 = arith.constant 0 : i32
        %dma_wait3A_975 = tpu.memref_slice %arg2[%dma_wait3A_974] : memref<3276800xi32, #tpu.memory_space<hbm>> -> memref<200xi32, #tpu.memory_space<hbm>>
        tpu.wait_dma2 semaphore(%arg9 : memref<!tpu.dma_semaphore, #tpu.memory_space<semaphore_mem>>) src(%dma_wait3A_975 : memref<200xi32, #tpu.memory_space<hbm>>) dst(%dma_wait3A_973 : memref<200xi32, #tpu.memory_space<vmem>>)
        %dma_start3A_976 = arith.constant 6 : i32
        %dma_start3A_977 = arith.constant 2 : i32
        %dma_start3A_978 = arith.constant 0 : i32
        %dma_start3A_979 = arith.constant 0 : i32
        %dma_start3A_980 = tpu.memref_slice %arg6[%dma_start3A_977, %dma_start3A_978, %dma_start3A_979] : memref<4x200x64xf32, #tpu.memory_space<vmem>> -> memref<1x200x64xf32, #tpu.memory_space<vmem>>
        %dma_start3A_981 = tpu.memref_squeeze %dma_start3A_980 : memref<1x200x64xf32, #tpu.memory_space<vmem>> -> memref<200x64xf32, #tpu.memory_space<vmem>>
        %dma_start3A_982 = arith.constant 0 : i32
        %dma_start3A_983 = arith.constant 0 : i32
        %dma_start3A_984 = tpu.memref_slice %dma_start3A_981[%dma_start3A_982, %dma_start3A_983] : memref<200x64xf32, #tpu.memory_space<vmem>> -> memref<128x64xf32, #tpu.memory_space<vmem>>
        %dma_start3A_985 = arith.constant 0 : i32
        %dma_start3A_986 = tpu.memref_slice %arg5[%dma_start3A_976, %dma_start3A_985] : memref<8x200xi32, #tpu.memory_space<vmem>> -> memref<1x200xi32, #tpu.memory_space<vmem>>
        %dma_start3A_987 = tpu.memref_squeeze %dma_start3A_986 : memref<1x200xi32, #tpu.memory_space<vmem>> -> memref<200xi32, #tpu.memory_space<vmem>>
        %dma_start3A_988 = arith.constant 0 : i32
        %dma_start3A_989 = tpu.memref_slice %dma_start3A_987[%dma_start3A_988] : memref<200xi32, #tpu.memory_space<vmem>> -> memref<128xi32, #tpu.memory_space<vmem>>
        %dma_start3A_990 = arith.constant 0 : i32
        %dma_start3A_991 = arith.constant 0 : i32
        %dma_start3A_992 = tpu.memref_slice %arg3[%dma_start3A_990, %dma_start3A_991] : memref<1000000x64xf32, #tpu.memory_space<hbm>> -> memref<1000000x64xf32, #tpu.memory_space<hbm>>
        tpu.enqueue_indirect_dma source(%dma_start3A_992 : memref<1000000x64xf32, #tpu.memory_space<hbm>>) target(%dma_start3A_984 : memref<128x64xf32, #tpu.memory_space<vmem>>) offsets(%dma_start3A_989 : memref<128xi32, #tpu.memory_space<vmem>>) semaphore(%arg8 : memref<!tpu.dma_semaphore, #tpu.memory_space<semaphore_mem>>)
        %dma_start3A_993 = arith.constant 6 : i32
        %dma_start3A_994 = arith.constant 2 : i32
        %dma_start3A_995 = arith.constant 0 : i32
        %dma_start3A_996 = arith.constant 0 : i32
        %dma_start3A_997 = tpu.memref_slice %arg6[%dma_start3A_994, %dma_start3A_995, %dma_start3A_996] : memref<4x200x64xf32, #tpu.memory_space<vmem>> -> memref<1x200x64xf32, #tpu.memory_space<vmem>>
        %dma_start3A_998 = tpu.memref_squeeze %dma_start3A_997 : memref<1x200x64xf32, #tpu.memory_space<vmem>> -> memref<200x64xf32, #tpu.memory_space<vmem>>
        %dma_start3A_999 = arith.constant 128 : i32
        %dma_start3A_1000 = arith.constant 0 : i32
        %dma_start3A_1001 = tpu.memref_slice %dma_start3A_998[%dma_start3A_999, %dma_start3A_1000] : memref<200x64xf32, #tpu.memory_space<vmem>> -> memref<72x64xf32, #tpu.memory_space<vmem>>
        %dma_start3A_1002 = arith.constant 0 : i32
        %dma_start3A_1003 = tpu.memref_slice %arg5[%dma_start3A_993, %dma_start3A_1002] : memref<8x200xi32, #tpu.memory_space<vmem>> -> memref<1x200xi32, #tpu.memory_space<vmem>>
        %dma_start3A_1004 = tpu.memref_squeeze %dma_start3A_1003 : memref<1x200xi32, #tpu.memory_space<vmem>> -> memref<200xi32, #tpu.memory_space<vmem>>
        %dma_start3A_1005 = arith.constant 128 : i32
        %dma_start3A_1006 = tpu.memref_slice %dma_start3A_1004[%dma_start3A_1005] : memref<200xi32, #tpu.memory_space<vmem>> -> memref<72xi32, #tpu.memory_space<vmem>>
        %dma_start3A_1007 = arith.constant 0 : i32
        %dma_start3A_1008 = arith.constant 0 : i32
        %dma_start3A_1009 = tpu.memref_slice %arg3[%dma_start3A_1007, %dma_start3A_1008] : memref<1000000x64xf32, #tpu.memory_space<hbm>> -> memref<1000000x64xf32, #tpu.memory_space<hbm>>
        tpu.enqueue_indirect_dma source(%dma_start3A_1009 : memref<1000000x64xf32, #tpu.memory_space<hbm>>) target(%dma_start3A_1001 : memref<72x64xf32, #tpu.memory_space<vmem>>) offsets(%dma_start3A_1006 : memref<72xi32, #tpu.memory_space<vmem>>) semaphore(%arg8 : memref<!tpu.dma_semaphore, #tpu.memory_space<semaphore_mem>>)
      } else {
      }
      %lt3A_464 = arith.constant 506 : i32
      %lt3A_465 = arith.cmpi slt, %add3A_458, %lt3A_464 : i32
      %convert_element_type3A_466 = arith.extui %lt3A_465 : i1 to i32
      %cond3A_467 = arith.constant 0 : i32
      %cond3A_468 = arith.cmpi ne, %convert_element_type3A_466, %cond3A_467 : i32
      scf.if %cond3A_468 {
        %add3A_965 = arith.constant 6 : i32
        %add3A_966 = arith.addi %add3A_458, %add3A_965 : i32
        %mul3A_967 = arith.constant 200 : i32
        %mul3A_968 = arith.muli %add3A_966, %mul3A_967 : i32
        %add3A_969 = arith.addi %mul3A_4, %mul3A_968 : i32
        %dma_start3A_970 = arith.constant 1 : i32
        %dma_start3A_971 = arith.constant 0 : i32
        %dma_start3A_972 = tpu.memref_slice %arg5[%dma_start3A_970, %dma_start3A_971] : memref<8x200xi32, #tpu.memory_space<vmem>> -> memref<1x200xi32, #tpu.memory_space<vmem>>
        %dma_start3A_973 = tpu.memref_squeeze %dma_start3A_972 : memref<1x200xi32, #tpu.memory_space<vmem>> -> memref<200xi32, #tpu.memory_space<vmem>>
        %dma_start3A_974 = tpu.memref_slice %arg2[%add3A_969] : memref<3276800xi32, #tpu.memory_space<hbm>> -> memref<200xi32, #tpu.memory_space<hbm>>
        %dma_start3A_975 = arith.constant 0 : i32
        %dma_start3A_976 = tpu.memref_slice %arg5[%dma_start3A_970, %dma_start3A_975] : memref<8x200xi32, #tpu.memory_space<vmem>> -> memref<1x200xi32, #tpu.memory_space<vmem>>
        %dma_start3A_977 = tpu.memref_squeeze %dma_start3A_976 : memref<1x200xi32, #tpu.memory_space<vmem>> -> memref<200xi32, #tpu.memory_space<vmem>>
        %dma_start3A_978 = tpu.memref_slice %arg2[%add3A_969] : memref<3276800xi32, #tpu.memory_space<hbm>> -> memref<200xi32, #tpu.memory_space<hbm>>
        tpu.enqueue_dma source(%dma_start3A_978 : memref<200xi32, #tpu.memory_space<hbm>>) target(%dma_start3A_977 : memref<200xi32, #tpu.memory_space<vmem>>) target_semaphore(%arg9 : memref<!tpu.dma_semaphore, #tpu.memory_space<semaphore_mem>>)
      } else {
      }
      %dma_wait3A_469 = arith.constant 3 : i32
      %dma_wait3A_470 = arith.constant 0 : i32
      %dma_wait3A_471 = arith.constant 0 : i32
      %dma_wait3A_472 = tpu.memref_slice %arg6[%dma_wait3A_469, %dma_wait3A_470, %dma_wait3A_471] : memref<4x200x64xf32, #tpu.memory_space<vmem>> -> memref<1x200x64xf32, #tpu.memory_space<vmem>>
      %dma_wait3A_473 = tpu.memref_squeeze %dma_wait3A_472 : memref<1x200x64xf32, #tpu.memory_space<vmem>> -> memref<200x64xf32, #tpu.memory_space<vmem>>
      %dma_wait3A_474 = arith.constant 0 : i32
      %dma_wait3A_475 = arith.constant 0 : i32
      %dma_wait3A_476 = tpu.memref_slice %dma_wait3A_473[%dma_wait3A_474, %dma_wait3A_475] : memref<200x64xf32, #tpu.memory_space<vmem>> -> memref<128x64xf32, #tpu.memory_space<vmem>>
      %dma_wait3A_477 = arith.constant 0 : i32
      %dma_wait3A_478 = arith.constant 0 : i32
      %dma_wait3A_479 = tpu.memref_slice %arg3[%dma_wait3A_477, %dma_wait3A_478] : memref<1000000x64xf32, #tpu.memory_space<hbm>> -> memref<128x64xf32, #tpu.memory_space<hbm>>
      %dma_wait3A_480 = arith.constant 0 : i32
      %dma_wait3A_481 = arith.constant 0 : i32
      %dma_wait3A_482 = tpu.memref_slice %arg6[%dma_wait3A_469, %dma_wait3A_480, %dma_wait3A_481] : memref<4x200x64xf32, #tpu.memory_space<vmem>> -> memref<1x200x64xf32, #tpu.memory_space<vmem>>
      %dma_wait3A_483 = tpu.memref_squeeze %dma_wait3A_482 : memref<1x200x64xf32, #tpu.memory_space<vmem>> -> memref<200x64xf32, #tpu.memory_space<vmem>>
      %dma_wait3A_484 = arith.constant 0 : i32
      %dma_wait3A_485 = arith.constant 0 : i32
      %dma_wait3A_486 = tpu.memref_slice %dma_wait3A_483[%dma_wait3A_484, %dma_wait3A_485] : memref<200x64xf32, #tpu.memory_space<vmem>> -> memref<128x64xf32, #tpu.memory_space<vmem>>
      %dma_wait3A_487 = arith.constant 0 : i32
      %dma_wait3A_488 = arith.constant 0 : i32
      %dma_wait3A_489 = tpu.memref_slice %arg3[%dma_wait3A_487, %dma_wait3A_488] : memref<1000000x64xf32, #tpu.memory_space<hbm>> -> memref<128x64xf32, #tpu.memory_space<hbm>>
      tpu.wait_dma2 semaphore(%arg8 : memref<!tpu.dma_semaphore, #tpu.memory_space<semaphore_mem>>) src(%dma_wait3A_489 : memref<128x64xf32, #tpu.memory_space<hbm>>) dst(%dma_wait3A_486 : memref<128x64xf32, #tpu.memory_space<vmem>>)
      %dma_wait3A_490 = arith.constant 3 : i32
      %dma_wait3A_491 = arith.constant 0 : i32
      %dma_wait3A_492 = arith.constant 0 : i32
      %dma_wait3A_493 = tpu.memref_slice %arg6[%dma_wait3A_490, %dma_wait3A_491, %dma_wait3A_492] : memref<4x200x64xf32, #tpu.memory_space<vmem>> -> memref<1x200x64xf32, #tpu.memory_space<vmem>>
      %dma_wait3A_494 = tpu.memref_squeeze %dma_wait3A_493 : memref<1x200x64xf32, #tpu.memory_space<vmem>> -> memref<200x64xf32, #tpu.memory_space<vmem>>
      %dma_wait3A_495 = arith.constant 128 : i32
      %dma_wait3A_496 = arith.constant 0 : i32
      %dma_wait3A_497 = tpu.memref_slice %dma_wait3A_494[%dma_wait3A_495, %dma_wait3A_496] : memref<200x64xf32, #tpu.memory_space<vmem>> -> memref<72x64xf32, #tpu.memory_space<vmem>>
      %dma_wait3A_498 = arith.constant 0 : i32
      %dma_wait3A_499 = arith.constant 0 : i32
      %dma_wait3A_500 = tpu.memref_slice %arg3[%dma_wait3A_498, %dma_wait3A_499] : memref<1000000x64xf32, #tpu.memory_space<hbm>> -> memref<72x64xf32, #tpu.memory_space<hbm>>
      %dma_wait3A_501 = arith.constant 0 : i32
      %dma_wait3A_502 = arith.constant 0 : i32
      %dma_wait3A_503 = tpu.memref_slice %arg6[%dma_wait3A_490, %dma_wait3A_501, %dma_wait3A_502] : memref<4x200x64xf32, #tpu.memory_space<vmem>> -> memref<1x200x64xf32, #tpu.memory_space<vmem>>
      %dma_wait3A_504 = tpu.memref_squeeze %dma_wait3A_503 : memref<1x200x64xf32, #tpu.memory_space<vmem>> -> memref<200x64xf32, #tpu.memory_space<vmem>>
      %dma_wait3A_505 = arith.constant 128 : i32
      %dma_wait3A_506 = arith.constant 0 : i32
      %dma_wait3A_507 = tpu.memref_slice %dma_wait3A_504[%dma_wait3A_505, %dma_wait3A_506] : memref<200x64xf32, #tpu.memory_space<vmem>> -> memref<72x64xf32, #tpu.memory_space<vmem>>
      %dma_wait3A_508 = arith.constant 0 : i32
      %dma_wait3A_509 = arith.constant 0 : i32
      %dma_wait3A_510 = tpu.memref_slice %arg3[%dma_wait3A_508, %dma_wait3A_509] : memref<1000000x64xf32, #tpu.memory_space<hbm>> -> memref<72x64xf32, #tpu.memory_space<hbm>>
      tpu.wait_dma2 semaphore(%arg8 : memref<!tpu.dma_semaphore, #tpu.memory_space<semaphore_mem>>) src(%dma_wait3A_510 : memref<72x64xf32, #tpu.memory_space<hbm>>) dst(%dma_wait3A_507 : memref<72x64xf32, #tpu.memory_space<vmem>>)
      %broadcast_in_dim3A_511 = arith.constant 0.000000e+00 : f32
      %broadcast_in_dim3A_512 = vector.broadcast %broadcast_in_dim3A_511 : f32 to vector<16xf32>
      %broadcast_in_dim3A_513 = arith.constant 0.000000e+00 : f32
      %broadcast_in_dim3A_514 = vector.broadcast %broadcast_in_dim3A_513 : f32 to vector<16xf32>
      %broadcast_in_dim3A_515 = arith.constant 0.000000e+00 : f32
      %broadcast_in_dim3A_516 = vector.broadcast %broadcast_in_dim3A_515 : f32 to vector<16xf32>
      %broadcast_in_dim3A_517 = arith.constant 0.000000e+00 : f32
      %broadcast_in_dim3A_518 = vector.broadcast %broadcast_in_dim3A_517 : f32 to vector<16xf32>
      %scan3A_519 = arith.constant 0 : i32
      %scan3A_520 = arith.constant 200 : i32
      %scan3A_521 = arith.addi %scan3A_519, %scan3A_520 : i32
      %scan3A_522 = arith.constant 8 : i32
      %scan3A_523:4 = scf.for %scan3A_965 = %scan3A_519 to %scan3A_521 step %scan3A_522 iter_args(%scan3A_966 = %broadcast_in_dim3A_512, %scan3A_967 = %broadcast_in_dim3A_514, %scan3A_968 = %broadcast_in_dim3A_516, %scan3A_969 = %broadcast_in_dim3A_518) -> (vector<16xf32>, vector<16xf32>, vector<16xf32>, vector<16xf32>)  : i32 {
        %get3A = arith.constant 3 : i32
        %get3A_970 = arith.index_cast %get3A : i32 to index
        %get3A_971 = arith.index_cast %scan3A_965 : i32 to index
        %get3A_972 = arith.constant 0 : index
        %get3A_973 = tpu.vector_load %arg6[%get3A_970, %get3A_971, %get3A_972] {strides = array<i32>} : memref<4x200x64xf32, #tpu.memory_space<vmem>>, vector<1x1x16xf32>,
        %get3A_974 = vector.shape_cast %get3A_973 : vector<1x1x16xf32> to vector<16xf32>
        %add3A_975 = arith.addf %scan3A_966, %get3A_974 : vector<16xf32>
        %get3A_976 = arith.constant 3 : i32
        %get3A_977 = arith.index_cast %get3A_976 : i32 to index
        %get3A_978 = arith.index_cast %scan3A_965 : i32 to index
        %get3A_979 = arith.constant 16 : index
        %get3A_980 = tpu.vector_load %arg6[%get3A_977, %get3A_978, %get3A_979] {strides = array<i32>} : memref<4x200x64xf32, #tpu.memory_space<vmem>>, vector<1x1x16xf32>,
        %get3A_981 = vector.shape_cast %get3A_980 : vector<1x1x16xf32> to vector<16xf32>
        %add3A_982 = arith.addf %scan3A_967, %get3A_981 : vector<16xf32>
        %get3A_983 = arith.constant 3 : i32
        %get3A_984 = arith.index_cast %get3A_983 : i32 to index
        %get3A_985 = arith.index_cast %scan3A_965 : i32 to index
        %get3A_986 = arith.constant 32 : index
        %get3A_987 = tpu.vector_load %arg6[%get3A_984, %get3A_985, %get3A_986] {strides = array<i32>} : memref<4x200x64xf32, #tpu.memory_space<vmem>>, vector<1x1x16xf32>,
        %get3A_988 = vector.shape_cast %get3A_987 : vector<1x1x16xf32> to vector<16xf32>
        %add3A_989 = arith.addf %scan3A_968, %get3A_988 : vector<16xf32>
        %get3A_990 = arith.constant 3 : i32
        %get3A_991 = arith.index_cast %get3A_990 : i32 to index
        %get3A_992 = arith.index_cast %scan3A_965 : i32 to index
        %get3A_993 = arith.constant 48 : index
        %get3A_994 = tpu.vector_load %arg6[%get3A_991, %get3A_992, %get3A_993] {strides = array<i32>} : memref<4x200x64xf32, #tpu.memory_space<vmem>>, vector<1x1x16xf32>,
        %get3A_995 = vector.shape_cast %get3A_994 : vector<1x1x16xf32> to vector<16xf32>
        %add3A_996 = arith.addf %scan3A_969, %get3A_995 : vector<16xf32>
        %scan3A_997 = arith.constant 1 : i32
        %scan3A_998 = arith.addi %scan3A_965, %scan3A_997 : i32
        %get3A_999 = arith.constant 3 : i32
        %get3A_1000 = arith.index_cast %get3A_999 : i32 to index
        %get3A_1001 = arith.index_cast %scan3A_998 : i32 to index
        %get3A_1002 = arith.constant 0 : index
        %get3A_1003 = tpu.vector_load %arg6[%get3A_1000, %get3A_1001, %get3A_1002] {strides = array<i32>} : memref<4x200x64xf32, #tpu.memory_space<vmem>>, vector<1x1x16xf32>,
        %get3A_1004 = vector.shape_cast %get3A_1003 : vector<1x1x16xf32> to vector<16xf32>
        %add3A_1005 = arith.addf %add3A_975, %get3A_1004 : vector<16xf32>
        %get3A_1006 = arith.constant 3 : i32
        %get3A_1007 = arith.index_cast %get3A_1006 : i32 to index
        %get3A_1008 = arith.index_cast %scan3A_998 : i32 to index
        %get3A_1009 = arith.constant 16 : index
        %get3A_1010 = tpu.vector_load %arg6[%get3A_1007, %get3A_1008, %get3A_1009] {strides = array<i32>} : memref<4x200x64xf32, #tpu.memory_space<vmem>>, vector<1x1x16xf32>,
        %get3A_1011 = vector.shape_cast %get3A_1010 : vector<1x1x16xf32> to vector<16xf32>
        %add3A_1012 = arith.addf %add3A_982, %get3A_1011 : vector<16xf32>
        %get3A_1013 = arith.constant 3 : i32
        %get3A_1014 = arith.index_cast %get3A_1013 : i32 to index
        %get3A_1015 = arith.index_cast %scan3A_998 : i32 to index
        %get3A_1016 = arith.constant 32 : index
        %get3A_1017 = tpu.vector_load %arg6[%get3A_1014, %get3A_1015, %get3A_1016] {strides = array<i32>} : memref<4x200x64xf32, #tpu.memory_space<vmem>>, vector<1x1x16xf32>,
        %get3A_1018 = vector.shape_cast %get3A_1017 : vector<1x1x16xf32> to vector<16xf32>
        %add3A_1019 = arith.addf %add3A_989, %get3A_1018 : vector<16xf32>
        %get3A_1020 = arith.constant 3 : i32
        %get3A_1021 = arith.index_cast %get3A_1020 : i32 to index
        %get3A_1022 = arith.index_cast %scan3A_998 : i32 to index
        %get3A_1023 = arith.constant 48 : index
        %get3A_1024 = tpu.vector_load %arg6[%get3A_1021, %get3A_1022, %get3A_1023] {strides = array<i32>} : memref<4x200x64xf32, #tpu.memory_space<vmem>>, vector<1x1x16xf32>,
        %get3A_1025 = vector.shape_cast %get3A_1024 : vector<1x1x16xf32> to vector<16xf32>
        %add3A_1026 = arith.addf %add3A_996, %get3A_1025 : vector<16xf32>
        %scan3A_1027 = arith.constant 2 : i32
        %scan3A_1028 = arith.addi %scan3A_965, %scan3A_1027 : i32
        %get3A_1029 = arith.constant 3 : i32
        %get3A_1030 = arith.index_cast %get3A_1029 : i32 to index
        %get3A_1031 = arith.index_cast %scan3A_1028 : i32 to index
        %get3A_1032 = arith.constant 0 : index
        %get3A_1033 = tpu.vector_load %arg6[%get3A_1030, %get3A_1031, %get3A_1032] {strides = array<i32>} : memref<4x200x64xf32, #tpu.memory_space<vmem>>, vector<1x1x16xf32>,
        %get3A_1034 = vector.shape_cast %get3A_1033 : vector<1x1x16xf32> to vector<16xf32>
        %add3A_1035 = arith.addf %add3A_1005, %get3A_1034 : vector<16xf32>
        %get3A_1036 = arith.constant 3 : i32
        %get3A_1037 = arith.index_cast %get3A_1036 : i32 to index
        %get3A_1038 = arith.index_cast %scan3A_1028 : i32 to index
        %get3A_1039 = arith.constant 16 : index
        %get3A_1040 = tpu.vector_load %arg6[%get3A_1037, %get3A_1038, %get3A_1039] {strides = array<i32>} : memref<4x200x64xf32, #tpu.memory_space<vmem>>, vector<1x1x16xf32>,
        %get3A_1041 = vector.shape_cast %get3A_1040 : vector<1x1x16xf32> to vector<16xf32>
        %add3A_1042 = arith.addf %add3A_1012, %get3A_1041 : vector<16xf32>
        %get3A_1043 = arith.constant 3 : i32
        %get3A_1044 = arith.index_cast %get3A_1043 : i32 to index
        %get3A_1045 = arith.index_cast %scan3A_1028 : i32 to index
        %get3A_1046 = arith.constant 32 : index
        %get3A_1047 = tpu.vector_load %arg6[%get3A_1044, %get3A_1045, %get3A_1046] {strides = array<i32>} : memref<4x200x64xf32, #tpu.memory_space<vmem>>, vector<1x1x16xf32>,
        %get3A_1048 = vector.shape_cast %get3A_1047 : vector<1x1x16xf32> to vector<16xf32>
        %add3A_1049 = arith.addf %add3A_1019, %get3A_1048 : vector<16xf32>
        %get3A_1050 = arith.constant 3 : i32
        %get3A_1051 = arith.index_cast %get3A_1050 : i32 to index
        %get3A_1052 = arith.index_cast %scan3A_1028 : i32 to index
        %get3A_1053 = arith.constant 48 : index
        %get3A_1054 = tpu.vector_load %arg6[%get3A_1051, %get3A_1052, %get3A_1053] {strides = array<i32>} : memref<4x200x64xf32, #tpu.memory_space<vmem>>, vector<1x1x16xf32>,
        %get3A_1055 = vector.shape_cast %get3A_1054 : vector<1x1x16xf32> to vector<16xf32>
        %add3A_1056 = arith.addf %add3A_1026, %get3A_1055 : vector<16xf32>
        %scan3A_1057 = arith.constant 3 : i32
        %scan3A_1058 = arith.addi %scan3A_965, %scan3A_1057 : i32
        %get3A_1059 = arith.constant 3 : i32
        %get3A_1060 = arith.index_cast %get3A_1059 : i32 to index
        %get3A_1061 = arith.index_cast %scan3A_1058 : i32 to index
        %get3A_1062 = arith.constant 0 : index
        %get3A_1063 = tpu.vector_load %arg6[%get3A_1060, %get3A_1061, %get3A_1062] {strides = array<i32>} : memref<4x200x64xf32, #tpu.memory_space<vmem>>, vector<1x1x16xf32>,
        %get3A_1064 = vector.shape_cast %get3A_1063 : vector<1x1x16xf32> to vector<16xf32>
        %add3A_1065 = arith.addf %add3A_1035, %get3A_1064 : vector<16xf32>
        %get3A_1066 = arith.constant 3 : i32
        %get3A_1067 = arith.index_cast %get3A_1066 : i32 to index
        %get3A_1068 = arith.index_cast %scan3A_1058 : i32 to index
        %get3A_1069 = arith.constant 16 : index
        %get3A_1070 = tpu.vector_load %arg6[%get3A_1067, %get3A_1068, %get3A_1069] {strides = array<i32>} : memref<4x200x64xf32, #tpu.memory_space<vmem>>, vector<1x1x16xf32>,
        %get3A_1071 = vector.shape_cast %get3A_1070 : vector<1x1x16xf32> to vector<16xf32>
        %add3A_1072 = arith.addf %add3A_1042, %get3A_1071 : vector<16xf32>
        %get3A_1073 = arith.constant 3 : i32
        %get3A_1074 = arith.index_cast %get3A_1073 : i32 to index
        %get3A_1075 = arith.index_cast %scan3A_1058 : i32 to index
        %get3A_1076 = arith.constant 32 : index
        %get3A_1077 = tpu.vector_load %arg6[%get3A_1074, %get3A_1075, %get3A_1076] {strides = array<i32>} : memref<4x200x64xf32, #tpu.memory_space<vmem>>, vector<1x1x16xf32>,
        %get3A_1078 = vector.shape_cast %get3A_1077 : vector<1x1x16xf32> to vector<16xf32>
        %add3A_1079 = arith.addf %add3A_1049, %get3A_1078 : vector<16xf32>
        %get3A_1080 = arith.constant 3 : i32
        %get3A_1081 = arith.index_cast %get3A_1080 : i32 to index
        %get3A_1082 = arith.index_cast %scan3A_1058 : i32 to index
        %get3A_1083 = arith.constant 48 : index
        %get3A_1084 = tpu.vector_load %arg6[%get3A_1081, %get3A_1082, %get3A_1083] {strides = array<i32>} : memref<4x200x64xf32, #tpu.memory_space<vmem>>, vector<1x1x16xf32>,
        %get3A_1085 = vector.shape_cast %get3A_1084 : vector<1x1x16xf32> to vector<16xf32>
        %add3A_1086 = arith.addf %add3A_1056, %get3A_1085 : vector<16xf32>
        %scan3A_1087 = arith.constant 4 : i32
        %scan3A_1088 = arith.addi %scan3A_965, %scan3A_1087 : i32
        %get3A_1089 = arith.constant 3 : i32
        %get3A_1090 = arith.index_cast %get3A_1089 : i32 to index
        %get3A_1091 = arith.index_cast %scan3A_1088 : i32 to index
        %get3A_1092 = arith.constant 0 : index
        %get3A_1093 = tpu.vector_load %arg6[%get3A_1090, %get3A_1091, %get3A_1092] {strides = array<i32>} : memref<4x200x64xf32, #tpu.memory_space<vmem>>, vector<1x1x16xf32>,
        %get3A_1094 = vector.shape_cast %get3A_1093 : vector<1x1x16xf32> to vector<16xf32>
        %add3A_1095 = arith.addf %add3A_1065, %get3A_1094 : vector<16xf32>
        %get3A_1096 = arith.constant 3 : i32
        %get3A_1097 = arith.index_cast %get3A_1096 : i32 to index
        %get3A_1098 = arith.index_cast %scan3A_1088 : i32 to index
        %get3A_1099 = arith.constant 16 : index
        %get3A_1100 = tpu.vector_load %arg6[%get3A_1097, %get3A_1098, %get3A_1099] {strides = array<i32>} : memref<4x200x64xf32, #tpu.memory_space<vmem>>, vector<1x1x16xf32>,
        %get3A_1101 = vector.shape_cast %get3A_1100 : vector<1x1x16xf32> to vector<16xf32>
        %add3A_1102 = arith.addf %add3A_1072, %get3A_1101 : vector<16xf32>
        %get3A_1103 = arith.constant 3 : i32
        %get3A_1104 = arith.index_cast %get3A_1103 : i32 to index
        %get3A_1105 = arith.index_cast %scan3A_1088 : i32 to index
        %get3A_1106 = arith.constant 32 : index
        %get3A_1107 = tpu.vector_load %arg6[%get3A_1104, %get3A_1105, %get3A_1106] {strides = array<i32>} : memref<4x200x64xf32, #tpu.memory_space<vmem>>, vector<1x1x16xf32>,
        %get3A_1108 = vector.shape_cast %get3A_1107 : vector<1x1x16xf32> to vector<16xf32>
        %add3A_1109 = arith.addf %add3A_1079, %get3A_1108 : vector<16xf32>
        %get3A_1110 = arith.constant 3 : i32
        %get3A_1111 = arith.index_cast %get3A_1110 : i32 to index
        %get3A_1112 = arith.index_cast %scan3A_1088 : i32 to index
        %get3A_1113 = arith.constant 48 : index
        %get3A_1114 = tpu.vector_load %arg6[%get3A_1111, %get3A_1112, %get3A_1113] {strides = array<i32>} : memref<4x200x64xf32, #tpu.memory_space<vmem>>, vector<1x1x16xf32>,
        %get3A_1115 = vector.shape_cast %get3A_1114 : vector<1x1x16xf32> to vector<16xf32>
        %add3A_1116 = arith.addf %add3A_1086, %get3A_1115 : vector<16xf32>
        %scan3A_1117 = arith.constant 5 : i32
        %scan3A_1118 = arith.addi %scan3A_965, %scan3A_1117 : i32
        %get3A_1119 = arith.constant 3 : i32
        %get3A_1120 = arith.index_cast %get3A_1119 : i32 to index
        %get3A_1121 = arith.index_cast %scan3A_1118 : i32 to index
        %get3A_1122 = arith.constant 0 : index
        %get3A_1123 = tpu.vector_load %arg6[%get3A_1120, %get3A_1121, %get3A_1122] {strides = array<i32>} : memref<4x200x64xf32, #tpu.memory_space<vmem>>, vector<1x1x16xf32>,
        %get3A_1124 = vector.shape_cast %get3A_1123 : vector<1x1x16xf32> to vector<16xf32>
        %add3A_1125 = arith.addf %add3A_1095, %get3A_1124 : vector<16xf32>
        %get3A_1126 = arith.constant 3 : i32
        %get3A_1127 = arith.index_cast %get3A_1126 : i32 to index
        %get3A_1128 = arith.index_cast %scan3A_1118 : i32 to index
        %get3A_1129 = arith.constant 16 : index
        %get3A_1130 = tpu.vector_load %arg6[%get3A_1127, %get3A_1128, %get3A_1129] {strides = array<i32>} : memref<4x200x64xf32, #tpu.memory_space<vmem>>, vector<1x1x16xf32>,
        %get3A_1131 = vector.shape_cast %get3A_1130 : vector<1x1x16xf32> to vector<16xf32>
        %add3A_1132 = arith.addf %add3A_1102, %get3A_1131 : vector<16xf32>
        %get3A_1133 = arith.constant 3 : i32
        %get3A_1134 = arith.index_cast %get3A_1133 : i32 to index
        %get3A_1135 = arith.index_cast %scan3A_1118 : i32 to index
        %get3A_1136 = arith.constant 32 : index
        %get3A_1137 = tpu.vector_load %arg6[%get3A_1134, %get3A_1135, %get3A_1136] {strides = array<i32>} : memref<4x200x64xf32, #tpu.memory_space<vmem>>, vector<1x1x16xf32>,
        %get3A_1138 = vector.shape_cast %get3A_1137 : vector<1x1x16xf32> to vector<16xf32>
        %add3A_1139 = arith.addf %add3A_1109, %get3A_1138 : vector<16xf32>
        %get3A_1140 = arith.constant 3 : i32
        %get3A_1141 = arith.index_cast %get3A_1140 : i32 to index
        %get3A_1142 = arith.index_cast %scan3A_1118 : i32 to index
        %get3A_1143 = arith.constant 48 : index
        %get3A_1144 = tpu.vector_load %arg6[%get3A_1141, %get3A_1142, %get3A_1143] {strides = array<i32>} : memref<4x200x64xf32, #tpu.memory_space<vmem>>, vector<1x1x16xf32>,
        %get3A_1145 = vector.shape_cast %get3A_1144 : vector<1x1x16xf32> to vector<16xf32>
        %add3A_1146 = arith.addf %add3A_1116, %get3A_1145 : vector<16xf32>
        %scan3A_1147 = arith.constant 6 : i32
        %scan3A_1148 = arith.addi %scan3A_965, %scan3A_1147 : i32
        %get3A_1149 = arith.constant 3 : i32
        %get3A_1150 = arith.index_cast %get3A_1149 : i32 to index
        %get3A_1151 = arith.index_cast %scan3A_1148 : i32 to index
        %get3A_1152 = arith.constant 0 : index
        %get3A_1153 = tpu.vector_load %arg6[%get3A_1150, %get3A_1151, %get3A_1152] {strides = array<i32>} : memref<4x200x64xf32, #tpu.memory_space<vmem>>, vector<1x1x16xf32>,
        %get3A_1154 = vector.shape_cast %get3A_1153 : vector<1x1x16xf32> to vector<16xf32>
        %add3A_1155 = arith.addf %add3A_1125, %get3A_1154 : vector<16xf32>
        %get3A_1156 = arith.constant 3 : i32
        %get3A_1157 = arith.index_cast %get3A_1156 : i32 to index
        %get3A_1158 = arith.index_cast %scan3A_1148 : i32 to index
        %get3A_1159 = arith.constant 16 : index
        %get3A_1160 = tpu.vector_load %arg6[%get3A_1157, %get3A_1158, %get3A_1159] {strides = array<i32>} : memref<4x200x64xf32, #tpu.memory_space<vmem>>, vector<1x1x16xf32>,
        %get3A_1161 = vector.shape_cast %get3A_1160 : vector<1x1x16xf32> to vector<16xf32>
        %add3A_1162 = arith.addf %add3A_1132, %get3A_1161 : vector<16xf32>
        %get3A_1163 = arith.constant 3 : i32
        %get3A_1164 = arith.index_cast %get3A_1163 : i32 to index
        %get3A_1165 = arith.index_cast %scan3A_1148 : i32 to index
        %get3A_1166 = arith.constant 32 : index
        %get3A_1167 = tpu.vector_load %arg6[%get3A_1164, %get3A_1165, %get3A_1166] {strides = array<i32>} : memref<4x200x64xf32, #tpu.memory_space<vmem>>, vector<1x1x16xf32>,
        %get3A_1168 = vector.shape_cast %get3A_1167 : vector<1x1x16xf32> to vector<16xf32>
        %add3A_1169 = arith.addf %add3A_1139, %get3A_1168 : vector<16xf32>
        %get3A_1170 = arith.constant 3 : i32
        %get3A_1171 = arith.index_cast %get3A_1170 : i32 to index
        %get3A_1172 = arith.index_cast %scan3A_1148 : i32 to index
        %get3A_1173 = arith.constant 48 : index
        %get3A_1174 = tpu.vector_load %arg6[%get3A_1171, %get3A_1172, %get3A_1173] {strides = array<i32>} : memref<4x200x64xf32, #tpu.memory_space<vmem>>, vector<1x1x16xf32>,
        %get3A_1175 = vector.shape_cast %get3A_1174 : vector<1x1x16xf32> to vector<16xf32>
        %add3A_1176 = arith.addf %add3A_1146, %get3A_1175 : vector<16xf32>
        %scan3A_1177 = arith.constant 7 : i32
        %scan3A_1178 = arith.addi %scan3A_965, %scan3A_1177 : i32
        %get3A_1179 = arith.constant 3 : i32
        %get3A_1180 = arith.index_cast %get3A_1179 : i32 to index
        %get3A_1181 = arith.index_cast %scan3A_1178 : i32 to index
        %get3A_1182 = arith.constant 0 : index
        %get3A_1183 = tpu.vector_load %arg6[%get3A_1180, %get3A_1181, %get3A_1182] {strides = array<i32>} : memref<4x200x64xf32, #tpu.memory_space<vmem>>, vector<1x1x16xf32>,
        %get3A_1184 = vector.shape_cast %get3A_1183 : vector<1x1x16xf32> to vector<16xf32>
        %add3A_1185 = arith.addf %add3A_1155, %get3A_1184 : vector<16xf32>
        %get3A_1186 = arith.constant 3 : i32
        %get3A_1187 = arith.index_cast %get3A_1186 : i32 to index
        %get3A_1188 = arith.index_cast %scan3A_1178 : i32 to index
        %get3A_1189 = arith.constant 16 : index
        %get3A_1190 = tpu.vector_load %arg6[%get3A_1187, %get3A_1188, %get3A_1189] {strides = array<i32>} : memref<4x200x64xf32, #tpu.memory_space<vmem>>, vector<1x1x16xf32>,
        %get3A_1191 = vector.shape_cast %get3A_1190 : vector<1x1x16xf32> to vector<16xf32>
        %add3A_1192 = arith.addf %add3A_1162, %get3A_1191 : vector<16xf32>
        %get3A_1193 = arith.constant 3 : i32
        %get3A_1194 = arith.index_cast %get3A_1193 : i32 to index
        %get3A_1195 = arith.index_cast %scan3A_1178 : i32 to index
        %get3A_1196 = arith.constant 32 : index
        %get3A_1197 = tpu.vector_load %arg6[%get3A_1194, %get3A_1195, %get3A_1196] {strides = array<i32>} : memref<4x200x64xf32, #tpu.memory_space<vmem>>, vector<1x1x16xf32>,
        %get3A_1198 = vector.shape_cast %get3A_1197 : vector<1x1x16xf32> to vector<16xf32>
        %add3A_1199 = arith.addf %add3A_1169, %get3A_1198 : vector<16xf32>
        %get3A_1200 = arith.constant 3 : i32
        %get3A_1201 = arith.index_cast %get3A_1200 : i32 to index
        %get3A_1202 = arith.index_cast %scan3A_1178 : i32 to index
        %get3A_1203 = arith.constant 48 : index
        %get3A_1204 = tpu.vector_load %arg6[%get3A_1201, %get3A_1202, %get3A_1203] {strides = array<i32>} : memref<4x200x64xf32, #tpu.memory_space<vmem>>, vector<1x1x16xf32>,
        %get3A_1205 = vector.shape_cast %get3A_1204 : vector<1x1x16xf32> to vector<16xf32>
        %add3A_1206 = arith.addf %add3A_1176, %get3A_1205 : vector<16xf32>
        scf.yield %add3A_1185, %add3A_1192, %add3A_1199, %add3A_1206 : vector<16xf32>, vector<16xf32>, vector<16xf32>, vector<16xf32>
      }
      %scan3A_524 = arith.constant 200 : i32
      %mul3A_525 = arith.constant 5.000000e-03 : f32
      %mul3A_526 = vector.broadcast %mul3A_525 : f32 to vector<16xf32>
      %mul3A_527 = arith.mulf %scan3A_523#0, %mul3A_526 : vector<16xf32>
      %swap3A_528 = arith.index_cast %add3A_458 : i32 to index
      %swap3A_529 = arith.constant 0 : index
      %swap3A_530 = tpu.vector_load %arg7[%swap3A_528, %swap3A_529] {strides = array<i32>} : memref<512x64xf32, #tpu.memory_space<vmem>>, vector<1x16xf32>,
      %swap3A_531 = vector.shape_cast %swap3A_530 : vector<1x16xf32> to vector<16xf32>
      %swap3A_532 = vector.shape_cast %mul3A_527 : vector<16xf32> to vector<1x16xf32>
      tpu.vector_store %arg7[%swap3A_528, %swap3A_529], %swap3A_532 {strides = array<i32>} : memref<512x64xf32, #tpu.memory_space<vmem>>, vector<1x16xf32>,
      %mul3A_533 = arith.constant 5.000000e-03 : f32
      %mul3A_534 = vector.broadcast %mul3A_533 : f32 to vector<16xf32>
      %mul3A_535 = arith.mulf %scan3A_523#1, %mul3A_534 : vector<16xf32>
      %swap3A_536 = arith.index_cast %add3A_458 : i32 to index
      %swap3A_537 = arith.constant 16 : index
      %swap3A_538 = tpu.vector_load %arg7[%swap3A_536, %swap3A_537] {strides = array<i32>} : memref<512x64xf32, #tpu.memory_space<vmem>>, vector<1x16xf32>,
      %swap3A_539 = vector.shape_cast %swap3A_538 : vector<1x16xf32> to vector<16xf32>
      %swap3A_540 = vector.shape_cast %mul3A_535 : vector<16xf32> to vector<1x16xf32>
      tpu.vector_store %arg7[%swap3A_536, %swap3A_537], %swap3A_540 {strides = array<i32>} : memref<512x64xf32, #tpu.memory_space<vmem>>, vector<1x16xf32>,
      %mul3A_541 = arith.constant 5.000000e-03 : f32
      %mul3A_542 = vector.broadcast %mul3A_541 : f32 to vector<16xf32>
      %mul3A_543 = arith.mulf %scan3A_523#2, %mul3A_542 : vector<16xf32>
      %swap3A_544 = arith.index_cast %add3A_458 : i32 to index
      %swap3A_545 = arith.constant 32 : index
      %swap3A_546 = tpu.vector_load %arg7[%swap3A_544, %swap3A_545] {strides = array<i32>} : memref<512x64xf32, #tpu.memory_space<vmem>>, vector<1x16xf32>,
      %swap3A_547 = vector.shape_cast %swap3A_546 : vector<1x16xf32> to vector<16xf32>
      %swap3A_548 = vector.shape_cast %mul3A_543 : vector<16xf32> to vector<1x16xf32>
      tpu.vector_store %arg7[%swap3A_544, %swap3A_545], %swap3A_548 {strides = array<i32>} : memref<512x64xf32, #tpu.memory_space<vmem>>, vector<1x16xf32>,
      %mul3A_549 = arith.constant 5.000000e-03 : f32
      %mul3A_550 = vector.broadcast %mul3A_549 : f32 to vector<16xf32>
      %mul3A_551 = arith.mulf %scan3A_523#3, %mul3A_550 : vector<16xf32>
      %swap3A_552 = arith.index_cast %add3A_458 : i32 to index
      %swap3A_553 = arith.constant 48 : index
      %swap3A_554 = tpu.vector_load %arg7[%swap3A_552, %swap3A_553] {strides = array<i32>} : memref<512x64xf32, #tpu.memory_space<vmem>>, vector<1x16xf32>,
      %swap3A_555 = vector.shape_cast %swap3A_554 : vector<1x16xf32> to vector<16xf32>
      %swap3A_556 = vector.shape_cast %mul3A_551 : vector<16xf32> to vector<1x16xf32>
      tpu.vector_store %arg7[%swap3A_552, %swap3A_553], %swap3A_556 {strides = array<i32>} : memref<512x64xf32, #tpu.memory_space<vmem>>, vector<1x16xf32>,
      %mul3A_557 = arith.constant 8 : i32
      %mul3A_558 = arith.muli %scan3A_154, %mul3A_557 : i32
      %add3A_559 = arith.constant 4 : i32
      %add3A_560 = arith.addi %mul3A_558, %add3A_559 : i32
      %lt3A_561 = arith.constant 509 : i32
      %lt3A_562 = arith.cmpi slt, %add3A_560, %lt3A_561 : i32
      %convert_element_type3A_563 = arith.extui %lt3A_562 : i1 to i32
      %cond3A_564 = arith.constant 0 : i32
      %cond3A_565 = arith.cmpi ne, %convert_element_type3A_563, %cond3A_564 : i32
      scf.if %cond3A_565 {
        %dma_wait3A_965 = arith.constant 7 : i32
        %dma_wait3A_966 = arith.constant 0 : i32
        %dma_wait3A_967 = tpu.memref_slice %arg5[%dma_wait3A_965, %dma_wait3A_966] : memref<8x200xi32, #tpu.memory_space<vmem>> -> memref<1x200xi32, #tpu.memory_space<vmem>>
        %dma_wait3A_968 = tpu.memref_squeeze %dma_wait3A_967 : memref<1x200xi32, #tpu.memory_space<vmem>> -> memref<200xi32, #tpu.memory_space<vmem>>
        %dma_wait3A_969 = arith.constant 0 : i32
        %dma_wait3A_970 = tpu.memref_slice %arg2[%dma_wait3A_969] : memref<3276800xi32, #tpu.memory_space<hbm>> -> memref<200xi32, #tpu.memory_space<hbm>>
        %dma_wait3A_971 = arith.constant 0 : i32
        %dma_wait3A_972 = tpu.memref_slice %arg5[%dma_wait3A_965, %dma_wait3A_971] : memref<8x200xi32, #tpu.memory_space<vmem>> -> memref<1x200xi32, #tpu.memory_space<vmem>>
        %dma_wait3A_973 = tpu.memref_squeeze %dma_wait3A_972 : memref<1x200xi32, #tpu.memory_space<vmem>> -> memref<200xi32, #tpu.memory_space<vmem>>
        %dma_wait3A_974 = arith.constant 0 : i32
        %dma_wait3A_975 = tpu.memref_slice %arg2[%dma_wait3A_974] : memref<3276800xi32, #tpu.memory_space<hbm>> -> memref<200xi32, #tpu.memory_space<hbm>>
        tpu.wait_dma2 semaphore(%arg9 : memref<!tpu.dma_semaphore, #tpu.memory_space<semaphore_mem>>) src(%dma_wait3A_975 : memref<200xi32, #tpu.memory_space<hbm>>) dst(%dma_wait3A_973 : memref<200xi32, #tpu.memory_space<vmem>>)
        %dma_start3A_976 = arith.constant 7 : i32
        %dma_start3A_977 = arith.constant 3 : i32
        %dma_start3A_978 = arith.constant 0 : i32
        %dma_start3A_979 = arith.constant 0 : i32
        %dma_start3A_980 = tpu.memref_slice %arg6[%dma_start3A_977, %dma_start3A_978, %dma_start3A_979] : memref<4x200x64xf32, #tpu.memory_space<vmem>> -> memref<1x200x64xf32, #tpu.memory_space<vmem>>
        %dma_start3A_981 = tpu.memref_squeeze %dma_start3A_980 : memref<1x200x64xf32, #tpu.memory_space<vmem>> -> memref<200x64xf32, #tpu.memory_space<vmem>>
        %dma_start3A_982 = arith.constant 0 : i32
        %dma_start3A_983 = arith.constant 0 : i32
        %dma_start3A_984 = tpu.memref_slice %dma_start3A_981[%dma_start3A_982, %dma_start3A_983] : memref<200x64xf32, #tpu.memory_space<vmem>> -> memref<128x64xf32, #tpu.memory_space<vmem>>
        %dma_start3A_985 = arith.constant 0 : i32
        %dma_start3A_986 = tpu.memref_slice %arg5[%dma_start3A_976, %dma_start3A_985] : memref<8x200xi32, #tpu.memory_space<vmem>> -> memref<1x200xi32, #tpu.memory_space<vmem>>
        %dma_start3A_987 = tpu.memref_squeeze %dma_start3A_986 : memref<1x200xi32, #tpu.memory_space<vmem>> -> memref<200xi32, #tpu.memory_space<vmem>>
        %dma_start3A_988 = arith.constant 0 : i32
        %dma_start3A_989 = tpu.memref_slice %dma_start3A_987[%dma_start3A_988] : memref<200xi32, #tpu.memory_space<vmem>> -> memref<128xi32, #tpu.memory_space<vmem>>
        %dma_start3A_990 = arith.constant 0 : i32
        %dma_start3A_991 = arith.constant 0 : i32
        %dma_start3A_992 = tpu.memref_slice %arg3[%dma_start3A_990, %dma_start3A_991] : memref<1000000x64xf32, #tpu.memory_space<hbm>> -> memref<1000000x64xf32, #tpu.memory_space<hbm>>
        tpu.enqueue_indirect_dma source(%dma_start3A_992 : memref<1000000x64xf32, #tpu.memory_space<hbm>>) target(%dma_start3A_984 : memref<128x64xf32, #tpu.memory_space<vmem>>) offsets(%dma_start3A_989 : memref<128xi32, #tpu.memory_space<vmem>>) semaphore(%arg8 : memref<!tpu.dma_semaphore, #tpu.memory_space<semaphore_mem>>)
        %dma_start3A_993 = arith.constant 7 : i32
        %dma_start3A_994 = arith.constant 3 : i32
        %dma_start3A_995 = arith.constant 0 : i32
        %dma_start3A_996 = arith.constant 0 : i32
        %dma_start3A_997 = tpu.memref_slice %arg6[%dma_start3A_994, %dma_start3A_995, %dma_start3A_996] : memref<4x200x64xf32, #tpu.memory_space<vmem>> -> memref<1x200x64xf32, #tpu.memory_space<vmem>>
        %dma_start3A_998 = tpu.memref_squeeze %dma_start3A_997 : memref<1x200x64xf32, #tpu.memory_space<vmem>> -> memref<200x64xf32, #tpu.memory_space<vmem>>
        %dma_start3A_999 = arith.constant 128 : i32
        %dma_start3A_1000 = arith.constant 0 : i32
        %dma_start3A_1001 = tpu.memref_slice %dma_start3A_998[%dma_start3A_999, %dma_start3A_1000] : memref<200x64xf32, #tpu.memory_space<vmem>> -> memref<72x64xf32, #tpu.memory_space<vmem>>
        %dma_start3A_1002 = arith.constant 0 : i32
        %dma_start3A_1003 = tpu.memref_slice %arg5[%dma_start3A_993, %dma_start3A_1002] : memref<8x200xi32, #tpu.memory_space<vmem>> -> memref<1x200xi32, #tpu.memory_space<vmem>>
        %dma_start3A_1004 = tpu.memref_squeeze %dma_start3A_1003 : memref<1x200xi32, #tpu.memory_space<vmem>> -> memref<200xi32, #tpu.memory_space<vmem>>
        %dma_start3A_1005 = arith.constant 128 : i32
        %dma_start3A_1006 = tpu.memref_slice %dma_start3A_1004[%dma_start3A_1005] : memref<200xi32, #tpu.memory_space<vmem>> -> memref<72xi32, #tpu.memory_space<vmem>>
        %dma_start3A_1007 = arith.constant 0 : i32
        %dma_start3A_1008 = arith.constant 0 : i32
        %dma_start3A_1009 = tpu.memref_slice %arg3[%dma_start3A_1007, %dma_start3A_1008] : memref<1000000x64xf32, #tpu.memory_space<hbm>> -> memref<1000000x64xf32, #tpu.memory_space<hbm>>
        tpu.enqueue_indirect_dma source(%dma_start3A_1009 : memref<1000000x64xf32, #tpu.memory_space<hbm>>) target(%dma_start3A_1001 : memref<72x64xf32, #tpu.memory_space<vmem>>) offsets(%dma_start3A_1006 : memref<72xi32, #tpu.memory_space<vmem>>) semaphore(%arg8 : memref<!tpu.dma_semaphore, #tpu.memory_space<semaphore_mem>>)
      } else {
      }
      %lt3A_566 = arith.constant 506 : i32
      %lt3A_567 = arith.cmpi slt, %add3A_560, %lt3A_566 : i32
      %convert_element_type3A_568 = arith.extui %lt3A_567 : i1 to i32
      %cond3A_569 = arith.constant 0 : i32
      %cond3A_570 = arith.cmpi ne, %convert_element_type3A_568, %cond3A_569 : i32
      scf.if %cond3A_570 {
        %add3A_965 = arith.constant 6 : i32
        %add3A_966 = arith.addi %add3A_560, %add3A_965 : i32
        %mul3A_967 = arith.constant 200 : i32
        %mul3A_968 = arith.muli %add3A_966, %mul3A_967 : i32
        %add3A_969 = arith.addi %mul3A_4, %mul3A_968 : i32
        %dma_start3A_970 = arith.constant 2 : i32
        %dma_start3A_971 = arith.constant 0 : i32
        %dma_start3A_972 = tpu.memref_slice %arg5[%dma_start3A_970, %dma_start3A_971] : memref<8x200xi32, #tpu.memory_space<vmem>> -> memref<1x200xi32, #tpu.memory_space<vmem>>
        %dma_start3A_973 = tpu.memref_squeeze %dma_start3A_972 : memref<1x200xi32, #tpu.memory_space<vmem>> -> memref<200xi32, #tpu.memory_space<vmem>>
        %dma_start3A_974 = tpu.memref_slice %arg2[%add3A_969] : memref<3276800xi32, #tpu.memory_space<hbm>> -> memref<200xi32, #tpu.memory_space<hbm>>
        %dma_start3A_975 = arith.constant 0 : i32
        %dma_start3A_976 = tpu.memref_slice %arg5[%dma_start3A_970, %dma_start3A_975] : memref<8x200xi32, #tpu.memory_space<vmem>> -> memref<1x200xi32, #tpu.memory_space<vmem>>
        %dma_start3A_977 = tpu.memref_squeeze %dma_start3A_976 : memref<1x200xi32, #tpu.memory_space<vmem>> -> memref<200xi32, #tpu.memory_space<vmem>>
        %dma_start3A_978 = tpu.memref_slice %arg2[%add3A_969] : memref<3276800xi32, #tpu.memory_space<hbm>> -> memref<200xi32, #tpu.memory_space<hbm>>
        tpu.enqueue_dma source(%dma_start3A_978 : memref<200xi32, #tpu.memory_space<hbm>>) target(%dma_start3A_977 : memref<200xi32, #tpu.memory_space<vmem>>) target_semaphore(%arg9 : memref<!tpu.dma_semaphore, #tpu.memory_space<semaphore_mem>>)
      } else {
      }
      %dma_wait3A_571 = arith.constant 0 : i32
      %dma_wait3A_572 = arith.constant 0 : i32
      %dma_wait3A_573 = arith.constant 0 : i32
      %dma_wait3A_574 = tpu.memref_slice %arg6[%dma_wait3A_571, %dma_wait3A_572, %dma_wait3A_573] : memref<4x200x64xf32, #tpu.memory_space<vmem>> -> memref<1x200x64xf32, #tpu.memory_space<vmem>>
      %dma_wait3A_575 = tpu.memref_squeeze %dma_wait3A_574 : memref<1x200x64xf32, #tpu.memory_space<vmem>> -> memref<200x64xf32, #tpu.memory_space<vmem>>
      %dma_wait3A_576 = arith.constant 0 : i32
      %dma_wait3A_577 = arith.constant 0 : i32
      %dma_wait3A_578 = tpu.memref_slice %dma_wait3A_575[%dma_wait3A_576, %dma_wait3A_577] : memref<200x64xf32, #tpu.memory_space<vmem>> -> memref<128x64xf32, #tpu.memory_space<vmem>>
      %dma_wait3A_579 = arith.constant 0 : i32
      %dma_wait3A_580 = arith.constant 0 : i32
      %dma_wait3A_581 = tpu.memref_slice %arg3[%dma_wait3A_579, %dma_wait3A_580] : memref<1000000x64xf32, #tpu.memory_space<hbm>> -> memref<128x64xf32, #tpu.memory_space<hbm>>
      %dma_wait3A_582 = arith.constant 0 : i32
      %dma_wait3A_583 = arith.constant 0 : i32
      %dma_wait3A_584 = tpu.memref_slice %arg6[%dma_wait3A_571, %dma_wait3A_582, %dma_wait3A_583] : memref<4x200x64xf32, #tpu.memory_space<vmem>> -> memref<1x200x64xf32, #tpu.memory_space<vmem>>
      %dma_wait3A_585 = tpu.memref_squeeze %dma_wait3A_584 : memref<1x200x64xf32, #tpu.memory_space<vmem>> -> memref<200x64xf32, #tpu.memory_space<vmem>>
      %dma_wait3A_586 = arith.constant 0 : i32
      %dma_wait3A_587 = arith.constant 0 : i32
      %dma_wait3A_588 = tpu.memref_slice %dma_wait3A_585[%dma_wait3A_586, %dma_wait3A_587] : memref<200x64xf32, #tpu.memory_space<vmem>> -> memref<128x64xf32, #tpu.memory_space<vmem>>
      %dma_wait3A_589 = arith.constant 0 : i32
      %dma_wait3A_590 = arith.constant 0 : i32
      %dma_wait3A_591 = tpu.memref_slice %arg3[%dma_wait3A_589, %dma_wait3A_590] : memref<1000000x64xf32, #tpu.memory_space<hbm>> -> memref<128x64xf32, #tpu.memory_space<hbm>>
      tpu.wait_dma2 semaphore(%arg8 : memref<!tpu.dma_semaphore, #tpu.memory_space<semaphore_mem>>) src(%dma_wait3A_591 : memref<128x64xf32, #tpu.memory_space<hbm>>) dst(%dma_wait3A_588 : memref<128x64xf32, #tpu.memory_space<vmem>>)
      %dma_wait3A_592 = arith.constant 0 : i32
      %dma_wait3A_593 = arith.constant 0 : i32
      %dma_wait3A_594 = arith.constant 0 : i32
      %dma_wait3A_595 = tpu.memref_slice %arg6[%dma_wait3A_592, %dma_wait3A_593, %dma_wait3A_594] : memref<4x200x64xf32, #tpu.memory_space<vmem>> -> memref<1x200x64xf32, #tpu.memory_space<vmem>>
      %dma_wait3A_596 = tpu.memref_squeeze %dma_wait3A_595 : memref<1x200x64xf32, #tpu.memory_space<vmem>> -> memref<200x64xf32, #tpu.memory_space<vmem>>
      %dma_wait3A_597 = arith.constant 128 : i32
      %dma_wait3A_598 = arith.constant 0 : i32
      %dma_wait3A_599 = tpu.memref_slice %dma_wait3A_596[%dma_wait3A_597, %dma_wait3A_598] : memref<200x64xf32, #tpu.memory_space<vmem>> -> memref<72x64xf32, #tpu.memory_space<vmem>>
      %dma_wait3A_600 = arith.constant 0 : i32
      %dma_wait3A_601 = arith.constant 0 : i32
      %dma_wait3A_602 = tpu.memref_slice %arg3[%dma_wait3A_600, %dma_wait3A_601] : memref<1000000x64xf32, #tpu.memory_space<hbm>> -> memref<72x64xf32, #tpu.memory_space<hbm>>
      %dma_wait3A_603 = arith.constant 0 : i32
      %dma_wait3A_604 = arith.constant 0 : i32
      %dma_wait3A_605 = tpu.memref_slice %arg6[%dma_wait3A_592, %dma_wait3A_603, %dma_wait3A_604] : memref<4x200x64xf32, #tpu.memory_space<vmem>> -> memref<1x200x64xf32, #tpu.memory_space<vmem>>
      %dma_wait3A_606 = tpu.memref_squeeze %dma_wait3A_605 : memref<1x200x64xf32, #tpu.memory_space<vmem>> -> memref<200x64xf32, #tpu.memory_space<vmem>>
      %dma_wait3A_607 = arith.constant 128 : i32
      %dma_wait3A_608 = arith.constant 0 : i32
      %dma_wait3A_609 = tpu.memref_slice %dma_wait3A_606[%dma_wait3A_607, %dma_wait3A_608] : memref<200x64xf32, #tpu.memory_space<vmem>> -> memref<72x64xf32, #tpu.memory_space<vmem>>
      %dma_wait3A_610 = arith.constant 0 : i32
      %dma_wait3A_611 = arith.constant 0 : i32
      %dma_wait3A_612 = tpu.memref_slice %arg3[%dma_wait3A_610, %dma_wait3A_611] : memref<1000000x64xf32, #tpu.memory_space<hbm>> -> memref<72x64xf32, #tpu.memory_space<hbm>>
      tpu.wait_dma2 semaphore(%arg8 : memref<!tpu.dma_semaphore, #tpu.memory_space<semaphore_mem>>) src(%dma_wait3A_612 : memref<72x64xf32, #tpu.memory_space<hbm>>) dst(%dma_wait3A_609 : memref<72x64xf32, #tpu.memory_space<vmem>>)
      %broadcast_in_dim3A_613 = arith.constant 0.000000e+00 : f32
      %broadcast_in_dim3A_614 = vector.broadcast %broadcast_in_dim3A_613 : f32 to vector<16xf32>
      %broadcast_in_dim3A_615 = arith.constant 0.000000e+00 : f32
      %broadcast_in_dim3A_616 = vector.broadcast %broadcast_in_dim3A_615 : f32 to vector<16xf32>
      %broadcast_in_dim3A_617 = arith.constant 0.000000e+00 : f32
      %broadcast_in_dim3A_618 = vector.broadcast %broadcast_in_dim3A_617 : f32 to vector<16xf32>
      %broadcast_in_dim3A_619 = arith.constant 0.000000e+00 : f32
      %broadcast_in_dim3A_620 = vector.broadcast %broadcast_in_dim3A_619 : f32 to vector<16xf32>
      %scan3A_621 = arith.constant 0 : i32
      %scan3A_622 = arith.constant 200 : i32
      %scan3A_623 = arith.addi %scan3A_621, %scan3A_622 : i32
      %scan3A_624 = arith.constant 8 : i32
      %scan3A_625:4 = scf.for %scan3A_965 = %scan3A_621 to %scan3A_623 step %scan3A_624 iter_args(%scan3A_966 = %broadcast_in_dim3A_614, %scan3A_967 = %broadcast_in_dim3A_616, %scan3A_968 = %broadcast_in_dim3A_618, %scan3A_969 = %broadcast_in_dim3A_620) -> (vector<16xf32>, vector<16xf32>, vector<16xf32>, vector<16xf32>)  : i32 {
        %get3A = arith.constant 0 : i32
        %get3A_970 = arith.index_cast %get3A : i32 to index
        %get3A_971 = arith.index_cast %scan3A_965 : i32 to index
        %get3A_972 = arith.constant 0 : index
        %get3A_973 = tpu.vector_load %arg6[%get3A_970, %get3A_971, %get3A_972] {strides = array<i32>} : memref<4x200x64xf32, #tpu.memory_space<vmem>>, vector<1x1x16xf32>,
        %get3A_974 = vector.shape_cast %get3A_973 : vector<1x1x16xf32> to vector<16xf32>
        %add3A_975 = arith.addf %scan3A_966, %get3A_974 : vector<16xf32>
        %get3A_976 = arith.constant 0 : i32
        %get3A_977 = arith.index_cast %get3A_976 : i32 to index
        %get3A_978 = arith.index_cast %scan3A_965 : i32 to index
        %get3A_979 = arith.constant 16 : index
        %get3A_980 = tpu.vector_load %arg6[%get3A_977, %get3A_978, %get3A_979] {strides = array<i32>} : memref<4x200x64xf32, #tpu.memory_space<vmem>>, vector<1x1x16xf32>,
        %get3A_981 = vector.shape_cast %get3A_980 : vector<1x1x16xf32> to vector<16xf32>
        %add3A_982 = arith.addf %scan3A_967, %get3A_981 : vector<16xf32>
        %get3A_983 = arith.constant 0 : i32
        %get3A_984 = arith.index_cast %get3A_983 : i32 to index
        %get3A_985 = arith.index_cast %scan3A_965 : i32 to index
        %get3A_986 = arith.constant 32 : index
        %get3A_987 = tpu.vector_load %arg6[%get3A_984, %get3A_985, %get3A_986] {strides = array<i32>} : memref<4x200x64xf32, #tpu.memory_space<vmem>>, vector<1x1x16xf32>,
        %get3A_988 = vector.shape_cast %get3A_987 : vector<1x1x16xf32> to vector<16xf32>
        %add3A_989 = arith.addf %scan3A_968, %get3A_988 : vector<16xf32>
        %get3A_990 = arith.constant 0 : i32
        %get3A_991 = arith.index_cast %get3A_990 : i32 to index
        %get3A_992 = arith.index_cast %scan3A_965 : i32 to index
        %get3A_993 = arith.constant 48 : index
        %get3A_994 = tpu.vector_load %arg6[%get3A_991, %get3A_992, %get3A_993] {strides = array<i32>} : memref<4x200x64xf32, #tpu.memory_space<vmem>>, vector<1x1x16xf32>,
        %get3A_995 = vector.shape_cast %get3A_994 : vector<1x1x16xf32> to vector<16xf32>
        %add3A_996 = arith.addf %scan3A_969, %get3A_995 : vector<16xf32>
        %scan3A_997 = arith.constant 1 : i32
        %scan3A_998 = arith.addi %scan3A_965, %scan3A_997 : i32
        %get3A_999 = arith.constant 0 : i32
        %get3A_1000 = arith.index_cast %get3A_999 : i32 to index
        %get3A_1001 = arith.index_cast %scan3A_998 : i32 to index
        %get3A_1002 = arith.constant 0 : index
        %get3A_1003 = tpu.vector_load %arg6[%get3A_1000, %get3A_1001, %get3A_1002] {strides = array<i32>} : memref<4x200x64xf32, #tpu.memory_space<vmem>>, vector<1x1x16xf32>,
        %get3A_1004 = vector.shape_cast %get3A_1003 : vector<1x1x16xf32> to vector<16xf32>
        %add3A_1005 = arith.addf %add3A_975, %get3A_1004 : vector<16xf32>
        %get3A_1006 = arith.constant 0 : i32
        %get3A_1007 = arith.index_cast %get3A_1006 : i32 to index
        %get3A_1008 = arith.index_cast %scan3A_998 : i32 to index
        %get3A_1009 = arith.constant 16 : index
        %get3A_1010 = tpu.vector_load %arg6[%get3A_1007, %get3A_1008, %get3A_1009] {strides = array<i32>} : memref<4x200x64xf32, #tpu.memory_space<vmem>>, vector<1x1x16xf32>,
        %get3A_1011 = vector.shape_cast %get3A_1010 : vector<1x1x16xf32> to vector<16xf32>
        %add3A_1012 = arith.addf %add3A_982, %get3A_1011 : vector<16xf32>
        %get3A_1013 = arith.constant 0 : i32
        %get3A_1014 = arith.index_cast %get3A_1013 : i32 to index
        %get3A_1015 = arith.index_cast %scan3A_998 : i32 to index
        %get3A_1016 = arith.constant 32 : index
        %get3A_1017 = tpu.vector_load %arg6[%get3A_1014, %get3A_1015, %get3A_1016] {strides = array<i32>} : memref<4x200x64xf32, #tpu.memory_space<vmem>>, vector<1x1x16xf32>,
        %get3A_1018 = vector.shape_cast %get3A_1017 : vector<1x1x16xf32> to vector<16xf32>
        %add3A_1019 = arith.addf %add3A_989, %get3A_1018 : vector<16xf32>
        %get3A_1020 = arith.constant 0 : i32
        %get3A_1021 = arith.index_cast %get3A_1020 : i32 to index
        %get3A_1022 = arith.index_cast %scan3A_998 : i32 to index
        %get3A_1023 = arith.constant 48 : index
        %get3A_1024 = tpu.vector_load %arg6[%get3A_1021, %get3A_1022, %get3A_1023] {strides = array<i32>} : memref<4x200x64xf32, #tpu.memory_space<vmem>>, vector<1x1x16xf32>,
        %get3A_1025 = vector.shape_cast %get3A_1024 : vector<1x1x16xf32> to vector<16xf32>
        %add3A_1026 = arith.addf %add3A_996, %get3A_1025 : vector<16xf32>
        %scan3A_1027 = arith.constant 2 : i32
        %scan3A_1028 = arith.addi %scan3A_965, %scan3A_1027 : i32
        %get3A_1029 = arith.constant 0 : i32
        %get3A_1030 = arith.index_cast %get3A_1029 : i32 to index
        %get3A_1031 = arith.index_cast %scan3A_1028 : i32 to index
        %get3A_1032 = arith.constant 0 : index
        %get3A_1033 = tpu.vector_load %arg6[%get3A_1030, %get3A_1031, %get3A_1032] {strides = array<i32>} : memref<4x200x64xf32, #tpu.memory_space<vmem>>, vector<1x1x16xf32>,
        %get3A_1034 = vector.shape_cast %get3A_1033 : vector<1x1x16xf32> to vector<16xf32>
        %add3A_1035 = arith.addf %add3A_1005, %get3A_1034 : vector<16xf32>
        %get3A_1036 = arith.constant 0 : i32
        %get3A_1037 = arith.index_cast %get3A_1036 : i32 to index
        %get3A_1038 = arith.index_cast %scan3A_1028 : i32 to index
        %get3A_1039 = arith.constant 16 : index
        %get3A_1040 = tpu.vector_load %arg6[%get3A_1037, %get3A_1038, %get3A_1039] {strides = array<i32>} : memref<4x200x64xf32, #tpu.memory_space<vmem>>, vector<1x1x16xf32>,
        %get3A_1041 = vector.shape_cast %get3A_1040 : vector<1x1x16xf32> to vector<16xf32>
        %add3A_1042 = arith.addf %add3A_1012, %get3A_1041 : vector<16xf32>
        %get3A_1043 = arith.constant 0 : i32
        %get3A_1044 = arith.index_cast %get3A_1043 : i32 to index
        %get3A_1045 = arith.index_cast %scan3A_1028 : i32 to index
        %get3A_1046 = arith.constant 32 : index
        %get3A_1047 = tpu.vector_load %arg6[%get3A_1044, %get3A_1045, %get3A_1046] {strides = array<i32>} : memref<4x200x64xf32, #tpu.memory_space<vmem>>, vector<1x1x16xf32>,
        %get3A_1048 = vector.shape_cast %get3A_1047 : vector<1x1x16xf32> to vector<16xf32>
        %add3A_1049 = arith.addf %add3A_1019, %get3A_1048 : vector<16xf32>
        %get3A_1050 = arith.constant 0 : i32
        %get3A_1051 = arith.index_cast %get3A_1050 : i32 to index
        %get3A_1052 = arith.index_cast %scan3A_1028 : i32 to index
        %get3A_1053 = arith.constant 48 : index
        %get3A_1054 = tpu.vector_load %arg6[%get3A_1051, %get3A_1052, %get3A_1053] {strides = array<i32>} : memref<4x200x64xf32, #tpu.memory_space<vmem>>, vector<1x1x16xf32>,
        %get3A_1055 = vector.shape_cast %get3A_1054 : vector<1x1x16xf32> to vector<16xf32>
        %add3A_1056 = arith.addf %add3A_1026, %get3A_1055 : vector<16xf32>
        %scan3A_1057 = arith.constant 3 : i32
        %scan3A_1058 = arith.addi %scan3A_965, %scan3A_1057 : i32
        %get3A_1059 = arith.constant 0 : i32
        %get3A_1060 = arith.index_cast %get3A_1059 : i32 to index
        %get3A_1061 = arith.index_cast %scan3A_1058 : i32 to index
        %get3A_1062 = arith.constant 0 : index
        %get3A_1063 = tpu.vector_load %arg6[%get3A_1060, %get3A_1061, %get3A_1062] {strides = array<i32>} : memref<4x200x64xf32, #tpu.memory_space<vmem>>, vector<1x1x16xf32>,
        %get3A_1064 = vector.shape_cast %get3A_1063 : vector<1x1x16xf32> to vector<16xf32>
        %add3A_1065 = arith.addf %add3A_1035, %get3A_1064 : vector<16xf32>
        %get3A_1066 = arith.constant 0 : i32
        %get3A_1067 = arith.index_cast %get3A_1066 : i32 to index
        %get3A_1068 = arith.index_cast %scan3A_1058 : i32 to index
        %get3A_1069 = arith.constant 16 : index
        %get3A_1070 = tpu.vector_load %arg6[%get3A_1067, %get3A_1068, %get3A_1069] {strides = array<i32>} : memref<4x200x64xf32, #tpu.memory_space<vmem>>, vector<1x1x16xf32>,
        %get3A_1071 = vector.shape_cast %get3A_1070 : vector<1x1x16xf32> to vector<16xf32>
        %add3A_1072 = arith.addf %add3A_1042, %get3A_1071 : vector<16xf32>
        %get3A_1073 = arith.constant 0 : i32
        %get3A_1074 = arith.index_cast %get3A_1073 : i32 to index
        %get3A_1075 = arith.index_cast %scan3A_1058 : i32 to index
        %get3A_1076 = arith.constant 32 : index
        %get3A_1077 = tpu.vector_load %arg6[%get3A_1074, %get3A_1075, %get3A_1076] {strides = array<i32>} : memref<4x200x64xf32, #tpu.memory_space<vmem>>, vector<1x1x16xf32>,
        %get3A_1078 = vector.shape_cast %get3A_1077 : vector<1x1x16xf32> to vector<16xf32>
        %add3A_1079 = arith.addf %add3A_1049, %get3A_1078 : vector<16xf32>
        %get3A_1080 = arith.constant 0 : i32
        %get3A_1081 = arith.index_cast %get3A_1080 : i32 to index
        %get3A_1082 = arith.index_cast %scan3A_1058 : i32 to index
        %get3A_1083 = arith.constant 48 : index
        %get3A_1084 = tpu.vector_load %arg6[%get3A_1081, %get3A_1082, %get3A_1083] {strides = array<i32>} : memref<4x200x64xf32, #tpu.memory_space<vmem>>, vector<1x1x16xf32>,
        %get3A_1085 = vector.shape_cast %get3A_1084 : vector<1x1x16xf32> to vector<16xf32>
        %add3A_1086 = arith.addf %add3A_1056, %get3A_1085 : vector<16xf32>
        %scan3A_1087 = arith.constant 4 : i32
        %scan3A_1088 = arith.addi %scan3A_965, %scan3A_1087 : i32
        %get3A_1089 = arith.constant 0 : i32
        %get3A_1090 = arith.index_cast %get3A_1089 : i32 to index
        %get3A_1091 = arith.index_cast %scan3A_1088 : i32 to index
        %get3A_1092 = arith.constant 0 : index
        %get3A_1093 = tpu.vector_load %arg6[%get3A_1090, %get3A_1091, %get3A_1092] {strides = array<i32>} : memref<4x200x64xf32, #tpu.memory_space<vmem>>, vector<1x1x16xf32>,
        %get3A_1094 = vector.shape_cast %get3A_1093 : vector<1x1x16xf32> to vector<16xf32>
        %add3A_1095 = arith.addf %add3A_1065, %get3A_1094 : vector<16xf32>
        %get3A_1096 = arith.constant 0 : i32
        %get3A_1097 = arith.index_cast %get3A_1096 : i32 to index
        %get3A_1098 = arith.index_cast %scan3A_1088 : i32 to index
        %get3A_1099 = arith.constant 16 : index
        %get3A_1100 = tpu.vector_load %arg6[%get3A_1097, %get3A_1098, %get3A_1099] {strides = array<i32>} : memref<4x200x64xf32, #tpu.memory_space<vmem>>, vector<1x1x16xf32>,
        %get3A_1101 = vector.shape_cast %get3A_1100 : vector<1x1x16xf32> to vector<16xf32>
        %add3A_1102 = arith.addf %add3A_1072, %get3A_1101 : vector<16xf32>
        %get3A_1103 = arith.constant 0 : i32
        %get3A_1104 = arith.index_cast %get3A_1103 : i32 to index
        %get3A_1105 = arith.index_cast %scan3A_1088 : i32 to index
        %get3A_1106 = arith.constant 32 : index
        %get3A_1107 = tpu.vector_load %arg6[%get3A_1104, %get3A_1105, %get3A_1106] {strides = array<i32>} : memref<4x200x64xf32, #tpu.memory_space<vmem>>, vector<1x1x16xf32>,
        %get3A_1108 = vector.shape_cast %get3A_1107 : vector<1x1x16xf32> to vector<16xf32>
        %add3A_1109 = arith.addf %add3A_1079, %get3A_1108 : vector<16xf32>
        %get3A_1110 = arith.constant 0 : i32
        %get3A_1111 = arith.index_cast %get3A_1110 : i32 to index
        %get3A_1112 = arith.index_cast %scan3A_1088 : i32 to index
        %get3A_1113 = arith.constant 48 : index
        %get3A_1114 = tpu.vector_load %arg6[%get3A_1111, %get3A_1112, %get3A_1113] {strides = array<i32>} : memref<4x200x64xf32, #tpu.memory_space<vmem>>, vector<1x1x16xf32>,
        %get3A_1115 = vector.shape_cast %get3A_1114 : vector<1x1x16xf32> to vector<16xf32>
        %add3A_1116 = arith.addf %add3A_1086, %get3A_1115 : vector<16xf32>
        %scan3A_1117 = arith.constant 5 : i32
        %scan3A_1118 = arith.addi %scan3A_965, %scan3A_1117 : i32
        %get3A_1119 = arith.constant 0 : i32
        %get3A_1120 = arith.index_cast %get3A_1119 : i32 to index
        %get3A_1121 = arith.index_cast %scan3A_1118 : i32 to index
        %get3A_1122 = arith.constant 0 : index
        %get3A_1123 = tpu.vector_load %arg6[%get3A_1120, %get3A_1121, %get3A_1122] {strides = array<i32>} : memref<4x200x64xf32, #tpu.memory_space<vmem>>, vector<1x1x16xf32>,
        %get3A_1124 = vector.shape_cast %get3A_1123 : vector<1x1x16xf32> to vector<16xf32>
        %add3A_1125 = arith.addf %add3A_1095, %get3A_1124 : vector<16xf32>
        %get3A_1126 = arith.constant 0 : i32
        %get3A_1127 = arith.index_cast %get3A_1126 : i32 to index
        %get3A_1128 = arith.index_cast %scan3A_1118 : i32 to index
        %get3A_1129 = arith.constant 16 : index
        %get3A_1130 = tpu.vector_load %arg6[%get3A_1127, %get3A_1128, %get3A_1129] {strides = array<i32>} : memref<4x200x64xf32, #tpu.memory_space<vmem>>, vector<1x1x16xf32>,
        %get3A_1131 = vector.shape_cast %get3A_1130 : vector<1x1x16xf32> to vector<16xf32>
        %add3A_1132 = arith.addf %add3A_1102, %get3A_1131 : vector<16xf32>
        %get3A_1133 = arith.constant 0 : i32
        %get3A_1134 = arith.index_cast %get3A_1133 : i32 to index
        %get3A_1135 = arith.index_cast %scan3A_1118 : i32 to index
        %get3A_1136 = arith.constant 32 : index
        %get3A_1137 = tpu.vector_load %arg6[%get3A_1134, %get3A_1135, %get3A_1136] {strides = array<i32>} : memref<4x200x64xf32, #tpu.memory_space<vmem>>, vector<1x1x16xf32>,
        %get3A_1138 = vector.shape_cast %get3A_1137 : vector<1x1x16xf32> to vector<16xf32>
        %add3A_1139 = arith.addf %add3A_1109, %get3A_1138 : vector<16xf32>
        %get3A_1140 = arith.constant 0 : i32
        %get3A_1141 = arith.index_cast %get3A_1140 : i32 to index
        %get3A_1142 = arith.index_cast %scan3A_1118 : i32 to index
        %get3A_1143 = arith.constant 48 : index
        %get3A_1144 = tpu.vector_load %arg6[%get3A_1141, %get3A_1142, %get3A_1143] {strides = array<i32>} : memref<4x200x64xf32, #tpu.memory_space<vmem>>, vector<1x1x16xf32>,
        %get3A_1145 = vector.shape_cast %get3A_1144 : vector<1x1x16xf32> to vector<16xf32>
        %add3A_1146 = arith.addf %add3A_1116, %get3A_1145 : vector<16xf32>
        %scan3A_1147 = arith.constant 6 : i32
        %scan3A_1148 = arith.addi %scan3A_965, %scan3A_1147 : i32
        %get3A_1149 = arith.constant 0 : i32
        %get3A_1150 = arith.index_cast %get3A_1149 : i32 to index
        %get3A_1151 = arith.index_cast %scan3A_1148 : i32 to index
        %get3A_1152 = arith.constant 0 : index
        %get3A_1153 = tpu.vector_load %arg6[%get3A_1150, %get3A_1151, %get3A_1152] {strides = array<i32>} : memref<4x200x64xf32, #tpu.memory_space<vmem>>, vector<1x1x16xf32>,
        %get3A_1154 = vector.shape_cast %get3A_1153 : vector<1x1x16xf32> to vector<16xf32>
        %add3A_1155 = arith.addf %add3A_1125, %get3A_1154 : vector<16xf32>
        %get3A_1156 = arith.constant 0 : i32
        %get3A_1157 = arith.index_cast %get3A_1156 : i32 to index
        %get3A_1158 = arith.index_cast %scan3A_1148 : i32 to index
        %get3A_1159 = arith.constant 16 : index
        %get3A_1160 = tpu.vector_load %arg6[%get3A_1157, %get3A_1158, %get3A_1159] {strides = array<i32>} : memref<4x200x64xf32, #tpu.memory_space<vmem>>, vector<1x1x16xf32>,
        %get3A_1161 = vector.shape_cast %get3A_1160 : vector<1x1x16xf32> to vector<16xf32>
        %add3A_1162 = arith.addf %add3A_1132, %get3A_1161 : vector<16xf32>
        %get3A_1163 = arith.constant 0 : i32
        %get3A_1164 = arith.index_cast %get3A_1163 : i32 to index
        %get3A_1165 = arith.index_cast %scan3A_1148 : i32 to index
        %get3A_1166 = arith.constant 32 : index
        %get3A_1167 = tpu.vector_load %arg6[%get3A_1164, %get3A_1165, %get3A_1166] {strides = array<i32>} : memref<4x200x64xf32, #tpu.memory_space<vmem>>, vector<1x1x16xf32>,
        %get3A_1168 = vector.shape_cast %get3A_1167 : vector<1x1x16xf32> to vector<16xf32>
        %add3A_1169 = arith.addf %add3A_1139, %get3A_1168 : vector<16xf32>
        %get3A_1170 = arith.constant 0 : i32
        %get3A_1171 = arith.index_cast %get3A_1170 : i32 to index
        %get3A_1172 = arith.index_cast %scan3A_1148 : i32 to index
        %get3A_1173 = arith.constant 48 : index
        %get3A_1174 = tpu.vector_load %arg6[%get3A_1171, %get3A_1172, %get3A_1173] {strides = array<i32>} : memref<4x200x64xf32, #tpu.memory_space<vmem>>, vector<1x1x16xf32>,
        %get3A_1175 = vector.shape_cast %get3A_1174 : vector<1x1x16xf32> to vector<16xf32>
        %add3A_1176 = arith.addf %add3A_1146, %get3A_1175 : vector<16xf32>
        %scan3A_1177 = arith.constant 7 : i32
        %scan3A_1178 = arith.addi %scan3A_965, %scan3A_1177 : i32
        %get3A_1179 = arith.constant 0 : i32
        %get3A_1180 = arith.index_cast %get3A_1179 : i32 to index
        %get3A_1181 = arith.index_cast %scan3A_1178 : i32 to index
        %get3A_1182 = arith.constant 0 : index
        %get3A_1183 = tpu.vector_load %arg6[%get3A_1180, %get3A_1181, %get3A_1182] {strides = array<i32>} : memref<4x200x64xf32, #tpu.memory_space<vmem>>, vector<1x1x16xf32>,
        %get3A_1184 = vector.shape_cast %get3A_1183 : vector<1x1x16xf32> to vector<16xf32>
        %add3A_1185 = arith.addf %add3A_1155, %get3A_1184 : vector<16xf32>
        %get3A_1186 = arith.constant 0 : i32
        %get3A_1187 = arith.index_cast %get3A_1186 : i32 to index
        %get3A_1188 = arith.index_cast %scan3A_1178 : i32 to index
        %get3A_1189 = arith.constant 16 : index
        %get3A_1190 = tpu.vector_load %arg6[%get3A_1187, %get3A_1188, %get3A_1189] {strides = array<i32>} : memref<4x200x64xf32, #tpu.memory_space<vmem>>, vector<1x1x16xf32>,
        %get3A_1191 = vector.shape_cast %get3A_1190 : vector<1x1x16xf32> to vector<16xf32>
        %add3A_1192 = arith.addf %add3A_1162, %get3A_1191 : vector<16xf32>
        %get3A_1193 = arith.constant 0 : i32
        %get3A_1194 = arith.index_cast %get3A_1193 : i32 to index
        %get3A_1195 = arith.index_cast %scan3A_1178 : i32 to index
        %get3A_1196 = arith.constant 32 : index
        %get3A_1197 = tpu.vector_load %arg6[%get3A_1194, %get3A_1195, %get3A_1196] {strides = array<i32>} : memref<4x200x64xf32, #tpu.memory_space<vmem>>, vector<1x1x16xf32>,
        %get3A_1198 = vector.shape_cast %get3A_1197 : vector<1x1x16xf32> to vector<16xf32>
        %add3A_1199 = arith.addf %add3A_1169, %get3A_1198 : vector<16xf32>
        %get3A_1200 = arith.constant 0 : i32
        %get3A_1201 = arith.index_cast %get3A_1200 : i32 to index
        %get3A_1202 = arith.index_cast %scan3A_1178 : i32 to index
        %get3A_1203 = arith.constant 48 : index
        %get3A_1204 = tpu.vector_load %arg6[%get3A_1201, %get3A_1202, %get3A_1203] {strides = array<i32>} : memref<4x200x64xf32, #tpu.memory_space<vmem>>, vector<1x1x16xf32>,
        %get3A_1205 = vector.shape_cast %get3A_1204 : vector<1x1x16xf32> to vector<16xf32>
        %add3A_1206 = arith.addf %add3A_1176, %get3A_1205 : vector<16xf32>
        scf.yield %add3A_1185, %add3A_1192, %add3A_1199, %add3A_1206 : vector<16xf32>, vector<16xf32>, vector<16xf32>, vector<16xf32>
      }
      %scan3A_626 = arith.constant 200 : i32
      %mul3A_627 = arith.constant 5.000000e-03 : f32
      %mul3A_628 = vector.broadcast %mul3A_627 : f32 to vector<16xf32>
      %mul3A_629 = arith.mulf %scan3A_625#0, %mul3A_628 : vector<16xf32>
      %swap3A_630 = arith.index_cast %add3A_560 : i32 to index
      %swap3A_631 = arith.constant 0 : index
      %swap3A_632 = tpu.vector_load %arg7[%swap3A_630, %swap3A_631] {strides = array<i32>} : memref<512x64xf32, #tpu.memory_space<vmem>>, vector<1x16xf32>,
      %swap3A_633 = vector.shape_cast %swap3A_632 : vector<1x16xf32> to vector<16xf32>
      %swap3A_634 = vector.shape_cast %mul3A_629 : vector<16xf32> to vector<1x16xf32>
      tpu.vector_store %arg7[%swap3A_630, %swap3A_631], %swap3A_634 {strides = array<i32>} : memref<512x64xf32, #tpu.memory_space<vmem>>, vector<1x16xf32>,
      %mul3A_635 = arith.constant 5.000000e-03 : f32
      %mul3A_636 = vector.broadcast %mul3A_635 : f32 to vector<16xf32>
      %mul3A_637 = arith.mulf %scan3A_625#1, %mul3A_636 : vector<16xf32>
      %swap3A_638 = arith.index_cast %add3A_560 : i32 to index
      %swap3A_639 = arith.constant 16 : index
      %swap3A_640 = tpu.vector_load %arg7[%swap3A_638, %swap3A_639] {strides = array<i32>} : memref<512x64xf32, #tpu.memory_space<vmem>>, vector<1x16xf32>,
      %swap3A_641 = vector.shape_cast %swap3A_640 : vector<1x16xf32> to vector<16xf32>
      %swap3A_642 = vector.shape_cast %mul3A_637 : vector<16xf32> to vector<1x16xf32>
      tpu.vector_store %arg7[%swap3A_638, %swap3A_639], %swap3A_642 {strides = array<i32>} : memref<512x64xf32, #tpu.memory_space<vmem>>, vector<1x16xf32>,
      %mul3A_643 = arith.constant 5.000000e-03 : f32
      %mul3A_644 = vector.broadcast %mul3A_643 : f32 to vector<16xf32>
      %mul3A_645 = arith.mulf %scan3A_625#2, %mul3A_644 : vector<16xf32>
      %swap3A_646 = arith.index_cast %add3A_560 : i32 to index
      %swap3A_647 = arith.constant 32 : index
      %swap3A_648 = tpu.vector_load %arg7[%swap3A_646, %swap3A_647] {strides = array<i32>} : memref<512x64xf32, #tpu.memory_space<vmem>>, vector<1x16xf32>,
      %swap3A_649 = vector.shape_cast %swap3A_648 : vector<1x16xf32> to vector<16xf32>
      %swap3A_650 = vector.shape_cast %mul3A_645 : vector<16xf32> to vector<1x16xf32>
      tpu.vector_store %arg7[%swap3A_646, %swap3A_647], %swap3A_650 {strides = array<i32>} : memref<512x64xf32, #tpu.memory_space<vmem>>, vector<1x16xf32>,
      %mul3A_651 = arith.constant 5.000000e-03 : f32
      %mul3A_652 = vector.broadcast %mul3A_651 : f32 to vector<16xf32>
      %mul3A_653 = arith.mulf %scan3A_625#3, %mul3A_652 : vector<16xf32>
      %swap3A_654 = arith.index_cast %add3A_560 : i32 to index
      %swap3A_655 = arith.constant 48 : index
      %swap3A_656 = tpu.vector_load %arg7[%swap3A_654, %swap3A_655] {strides = array<i32>} : memref<512x64xf32, #tpu.memory_space<vmem>>, vector<1x16xf32>,
      %swap3A_657 = vector.shape_cast %swap3A_656 : vector<1x16xf32> to vector<16xf32>
      %swap3A_658 = vector.shape_cast %mul3A_653 : vector<16xf32> to vector<1x16xf32>
      tpu.vector_store %arg7[%swap3A_654, %swap3A_655], %swap3A_658 {strides = array<i32>} : memref<512x64xf32, #tpu.memory_space<vmem>>, vector<1x16xf32>,
      %mul3A_659 = arith.constant 8 : i32
      %mul3A_660 = arith.muli %scan3A_154, %mul3A_659 : i32
      %add3A_661 = arith.constant 5 : i32
      %add3A_662 = arith.addi %mul3A_660, %add3A_661 : i32
      %lt3A_663 = arith.constant 509 : i32
      %lt3A_664 = arith.cmpi slt, %add3A_662, %lt3A_663 : i32
      %convert_element_type3A_665 = arith.extui %lt3A_664 : i1 to i32
      %cond3A_666 = arith.constant 0 : i32
      %cond3A_667 = arith.cmpi ne, %convert_element_type3A_665, %cond3A_666 : i32
      scf.if %cond3A_667 {
        %dma_wait3A_965 = arith.constant 0 : i32
        %dma_wait3A_966 = arith.constant 0 : i32
        %dma_wait3A_967 = tpu.memref_slice %arg5[%dma_wait3A_965, %dma_wait3A_966] : memref<8x200xi32, #tpu.memory_space<vmem>> -> memref<1x200xi32, #tpu.memory_space<vmem>>
        %dma_wait3A_968 = tpu.memref_squeeze %dma_wait3A_967 : memref<1x200xi32, #tpu.memory_space<vmem>> -> memref<200xi32, #tpu.memory_space<vmem>>
        %dma_wait3A_969 = arith.constant 0 : i32
        %dma_wait3A_970 = tpu.memref_slice %arg2[%dma_wait3A_969] : memref<3276800xi32, #tpu.memory_space<hbm>> -> memref<200xi32, #tpu.memory_space<hbm>>
        %dma_wait3A_971 = arith.constant 0 : i32
        %dma_wait3A_972 = tpu.memref_slice %arg5[%dma_wait3A_965, %dma_wait3A_971] : memref<8x200xi32, #tpu.memory_space<vmem>> -> memref<1x200xi32, #tpu.memory_space<vmem>>
        %dma_wait3A_973 = tpu.memref_squeeze %dma_wait3A_972 : memref<1x200xi32, #tpu.memory_space<vmem>> -> memref<200xi32, #tpu.memory_space<vmem>>
        %dma_wait3A_974 = arith.constant 0 : i32
        %dma_wait3A_975 = tpu.memref_slice %arg2[%dma_wait3A_974] : memref<3276800xi32, #tpu.memory_space<hbm>> -> memref<200xi32, #tpu.memory_space<hbm>>
        tpu.wait_dma2 semaphore(%arg9 : memref<!tpu.dma_semaphore, #tpu.memory_space<semaphore_mem>>) src(%dma_wait3A_975 : memref<200xi32, #tpu.memory_space<hbm>>) dst(%dma_wait3A_973 : memref<200xi32, #tpu.memory_space<vmem>>)
        %dma_start3A_976 = arith.constant 0 : i32
        %dma_start3A_977 = arith.constant 0 : i32
        %dma_start3A_978 = arith.constant 0 : i32
        %dma_start3A_979 = arith.constant 0 : i32
        %dma_start3A_980 = tpu.memref_slice %arg6[%dma_start3A_977, %dma_start3A_978, %dma_start3A_979] : memref<4x200x64xf32, #tpu.memory_space<vmem>> -> memref<1x200x64xf32, #tpu.memory_space<vmem>>
        %dma_start3A_981 = tpu.memref_squeeze %dma_start3A_980 : memref<1x200x64xf32, #tpu.memory_space<vmem>> -> memref<200x64xf32, #tpu.memory_space<vmem>>
        %dma_start3A_982 = arith.constant 0 : i32
        %dma_start3A_983 = arith.constant 0 : i32
        %dma_start3A_984 = tpu.memref_slice %dma_start3A_981[%dma_start3A_982, %dma_start3A_983] : memref<200x64xf32, #tpu.memory_space<vmem>> -> memref<128x64xf32, #tpu.memory_space<vmem>>
        %dma_start3A_985 = arith.constant 0 : i32
        %dma_start3A_986 = tpu.memref_slice %arg5[%dma_start3A_976, %dma_start3A_985] : memref<8x200xi32, #tpu.memory_space<vmem>> -> memref<1x200xi32, #tpu.memory_space<vmem>>
        %dma_start3A_987 = tpu.memref_squeeze %dma_start3A_986 : memref<1x200xi32, #tpu.memory_space<vmem>> -> memref<200xi32, #tpu.memory_space<vmem>>
        %dma_start3A_988 = arith.constant 0 : i32
        %dma_start3A_989 = tpu.memref_slice %dma_start3A_987[%dma_start3A_988] : memref<200xi32, #tpu.memory_space<vmem>> -> memref<128xi32, #tpu.memory_space<vmem>>
        %dma_start3A_990 = arith.constant 0 : i32
        %dma_start3A_991 = arith.constant 0 : i32
        %dma_start3A_992 = tpu.memref_slice %arg3[%dma_start3A_990, %dma_start3A_991] : memref<1000000x64xf32, #tpu.memory_space<hbm>> -> memref<1000000x64xf32, #tpu.memory_space<hbm>>
        tpu.enqueue_indirect_dma source(%dma_start3A_992 : memref<1000000x64xf32, #tpu.memory_space<hbm>>) target(%dma_start3A_984 : memref<128x64xf32, #tpu.memory_space<vmem>>) offsets(%dma_start3A_989 : memref<128xi32, #tpu.memory_space<vmem>>) semaphore(%arg8 : memref<!tpu.dma_semaphore, #tpu.memory_space<semaphore_mem>>)
        %dma_start3A_993 = arith.constant 0 : i32
        %dma_start3A_994 = arith.constant 0 : i32
        %dma_start3A_995 = arith.constant 0 : i32
        %dma_start3A_996 = arith.constant 0 : i32
        %dma_start3A_997 = tpu.memref_slice %arg6[%dma_start3A_994, %dma_start3A_995, %dma_start3A_996] : memref<4x200x64xf32, #tpu.memory_space<vmem>> -> memref<1x200x64xf32, #tpu.memory_space<vmem>>
        %dma_start3A_998 = tpu.memref_squeeze %dma_start3A_997 : memref<1x200x64xf32, #tpu.memory_space<vmem>> -> memref<200x64xf32, #tpu.memory_space<vmem>>
        %dma_start3A_999 = arith.constant 128 : i32
        %dma_start3A_1000 = arith.constant 0 : i32
        %dma_start3A_1001 = tpu.memref_slice %dma_start3A_998[%dma_start3A_999, %dma_start3A_1000] : memref<200x64xf32, #tpu.memory_space<vmem>> -> memref<72x64xf32, #tpu.memory_space<vmem>>
        %dma_start3A_1002 = arith.constant 0 : i32
        %dma_start3A_1003 = tpu.memref_slice %arg5[%dma_start3A_993, %dma_start3A_1002] : memref<8x200xi32, #tpu.memory_space<vmem>> -> memref<1x200xi32, #tpu.memory_space<vmem>>
        %dma_start3A_1004 = tpu.memref_squeeze %dma_start3A_1003 : memref<1x200xi32, #tpu.memory_space<vmem>> -> memref<200xi32, #tpu.memory_space<vmem>>
        %dma_start3A_1005 = arith.constant 128 : i32
        %dma_start3A_1006 = tpu.memref_slice %dma_start3A_1004[%dma_start3A_1005] : memref<200xi32, #tpu.memory_space<vmem>> -> memref<72xi32, #tpu.memory_space<vmem>>
        %dma_start3A_1007 = arith.constant 0 : i32
        %dma_start3A_1008 = arith.constant 0 : i32
        %dma_start3A_1009 = tpu.memref_slice %arg3[%dma_start3A_1007, %dma_start3A_1008] : memref<1000000x64xf32, #tpu.memory_space<hbm>> -> memref<1000000x64xf32, #tpu.memory_space<hbm>>
        tpu.enqueue_indirect_dma source(%dma_start3A_1009 : memref<1000000x64xf32, #tpu.memory_space<hbm>>) target(%dma_start3A_1001 : memref<72x64xf32, #tpu.memory_space<vmem>>) offsets(%dma_start3A_1006 : memref<72xi32, #tpu.memory_space<vmem>>) semaphore(%arg8 : memref<!tpu.dma_semaphore, #tpu.memory_space<semaphore_mem>>)
      } else {
      }
      %lt3A_668 = arith.constant 506 : i32
      %lt3A_669 = arith.cmpi slt, %add3A_662, %lt3A_668 : i32
      %convert_element_type3A_670 = arith.extui %lt3A_669 : i1 to i32
      %cond3A_671 = arith.constant 0 : i32
      %cond3A_672 = arith.cmpi ne, %convert_element_type3A_670, %cond3A_671 : i32
      scf.if %cond3A_672 {
        %add3A_965 = arith.constant 6 : i32
        %add3A_966 = arith.addi %add3A_662, %add3A_965 : i32
        %mul3A_967 = arith.constant 200 : i32
        %mul3A_968 = arith.muli %add3A_966, %mul3A_967 : i32
        %add3A_969 = arith.addi %mul3A_4, %mul3A_968 : i32
        %dma_start3A_970 = arith.constant 3 : i32
        %dma_start3A_971 = arith.constant 0 : i32
        %dma_start3A_972 = tpu.memref_slice %arg5[%dma_start3A_970, %dma_start3A_971] : memref<8x200xi32, #tpu.memory_space<vmem>> -> memref<1x200xi32, #tpu.memory_space<vmem>>
        %dma_start3A_973 = tpu.memref_squeeze %dma_start3A_972 : memref<1x200xi32, #tpu.memory_space<vmem>> -> memref<200xi32, #tpu.memory_space<vmem>>
        %dma_start3A_974 = tpu.memref_slice %arg2[%add3A_969] : memref<3276800xi32, #tpu.memory_space<hbm>> -> memref<200xi32, #tpu.memory_space<hbm>>
        %dma_start3A_975 = arith.constant 0 : i32
        %dma_start3A_976 = tpu.memref_slice %arg5[%dma_start3A_970, %dma_start3A_975] : memref<8x200xi32, #tpu.memory_space<vmem>> -> memref<1x200xi32, #tpu.memory_space<vmem>>
        %dma_start3A_977 = tpu.memref_squeeze %dma_start3A_976 : memref<1x200xi32, #tpu.memory_space<vmem>> -> memref<200xi32, #tpu.memory_space<vmem>>
        %dma_start3A_978 = tpu.memref_slice %arg2[%add3A_969] : memref<3276800xi32, #tpu.memory_space<hbm>> -> memref<200xi32, #tpu.memory_space<hbm>>
        tpu.enqueue_dma source(%dma_start3A_978 : memref<200xi32, #tpu.memory_space<hbm>>) target(%dma_start3A_977 : memref<200xi32, #tpu.memory_space<vmem>>) target_semaphore(%arg9 : memref<!tpu.dma_semaphore, #tpu.memory_space<semaphore_mem>>)
      } else {
      }
      %dma_wait3A_673 = arith.constant 1 : i32
      %dma_wait3A_674 = arith.constant 0 : i32
      %dma_wait3A_675 = arith.constant 0 : i32
      %dma_wait3A_676 = tpu.memref_slice %arg6[%dma_wait3A_673, %dma_wait3A_674, %dma_wait3A_675] : memref<4x200x64xf32, #tpu.memory_space<vmem>> -> memref<1x200x64xf32, #tpu.memory_space<vmem>>
      %dma_wait3A_677 = tpu.memref_squeeze %dma_wait3A_676 : memref<1x200x64xf32, #tpu.memory_space<vmem>> -> memref<200x64xf32, #tpu.memory_space<vmem>>
      %dma_wait3A_678 = arith.constant 0 : i32
      %dma_wait3A_679 = arith.constant 0 : i32
      %dma_wait3A_680 = tpu.memref_slice %dma_wait3A_677[%dma_wait3A_678, %dma_wait3A_679] : memref<200x64xf32, #tpu.memory_space<vmem>> -> memref<128x64xf32, #tpu.memory_space<vmem>>
      %dma_wait3A_681 = arith.constant 0 : i32
      %dma_wait3A_682 = arith.constant 0 : i32
      %dma_wait3A_683 = tpu.memref_slice %arg3[%dma_wait3A_681, %dma_wait3A_682] : memref<1000000x64xf32, #tpu.memory_space<hbm>> -> memref<128x64xf32, #tpu.memory_space<hbm>>
      %dma_wait3A_684 = arith.constant 0 : i32
      %dma_wait3A_685 = arith.constant 0 : i32
      %dma_wait3A_686 = tpu.memref_slice %arg6[%dma_wait3A_673, %dma_wait3A_684, %dma_wait3A_685] : memref<4x200x64xf32, #tpu.memory_space<vmem>> -> memref<1x200x64xf32, #tpu.memory_space<vmem>>
      %dma_wait3A_687 = tpu.memref_squeeze %dma_wait3A_686 : memref<1x200x64xf32, #tpu.memory_space<vmem>> -> memref<200x64xf32, #tpu.memory_space<vmem>>
      %dma_wait3A_688 = arith.constant 0 : i32
      %dma_wait3A_689 = arith.constant 0 : i32
      %dma_wait3A_690 = tpu.memref_slice %dma_wait3A_687[%dma_wait3A_688, %dma_wait3A_689] : memref<200x64xf32, #tpu.memory_space<vmem>> -> memref<128x64xf32, #tpu.memory_space<vmem>>
      %dma_wait3A_691 = arith.constant 0 : i32
      %dma_wait3A_692 = arith.constant 0 : i32
      %dma_wait3A_693 = tpu.memref_slice %arg3[%dma_wait3A_691, %dma_wait3A_692] : memref<1000000x64xf32, #tpu.memory_space<hbm>> -> memref<128x64xf32, #tpu.memory_space<hbm>>
      tpu.wait_dma2 semaphore(%arg8 : memref<!tpu.dma_semaphore, #tpu.memory_space<semaphore_mem>>) src(%dma_wait3A_693 : memref<128x64xf32, #tpu.memory_space<hbm>>) dst(%dma_wait3A_690 : memref<128x64xf32, #tpu.memory_space<vmem>>)
      %dma_wait3A_694 = arith.constant 1 : i32
      %dma_wait3A_695 = arith.constant 0 : i32
      %dma_wait3A_696 = arith.constant 0 : i32
      %dma_wait3A_697 = tpu.memref_slice %arg6[%dma_wait3A_694, %dma_wait3A_695, %dma_wait3A_696] : memref<4x200x64xf32, #tpu.memory_space<vmem>> -> memref<1x200x64xf32, #tpu.memory_space<vmem>>
      %dma_wait3A_698 = tpu.memref_squeeze %dma_wait3A_697 : memref<1x200x64xf32, #tpu.memory_space<vmem>> -> memref<200x64xf32, #tpu.memory_space<vmem>>
      %dma_wait3A_699 = arith.constant 128 : i32
      %dma_wait3A_700 = arith.constant 0 : i32
      %dma_wait3A_701 = tpu.memref_slice %dma_wait3A_698[%dma_wait3A_699, %dma_wait3A_700] : memref<200x64xf32, #tpu.memory_space<vmem>> -> memref<72x64xf32, #tpu.memory_space<vmem>>
      %dma_wait3A_702 = arith.constant 0 : i32
      %dma_wait3A_703 = arith.constant 0 : i32
      %dma_wait3A_704 = tpu.memref_slice %arg3[%dma_wait3A_702, %dma_wait3A_703] : memref<1000000x64xf32, #tpu.memory_space<hbm>> -> memref<72x64xf32, #tpu.memory_space<hbm>>
      %dma_wait3A_705 = arith.constant 0 : i32
      %dma_wait3A_706 = arith.constant 0 : i32
      %dma_wait3A_707 = tpu.memref_slice %arg6[%dma_wait3A_694, %dma_wait3A_705, %dma_wait3A_706] : memref<4x200x64xf32, #tpu.memory_space<vmem>> -> memref<1x200x64xf32, #tpu.memory_space<vmem>>
      %dma_wait3A_708 = tpu.memref_squeeze %dma_wait3A_707 : memref<1x200x64xf32, #tpu.memory_space<vmem>> -> memref<200x64xf32, #tpu.memory_space<vmem>>
      %dma_wait3A_709 = arith.constant 128 : i32
      %dma_wait3A_710 = arith.constant 0 : i32
      %dma_wait3A_711 = tpu.memref_slice %dma_wait3A_708[%dma_wait3A_709, %dma_wait3A_710] : memref<200x64xf32, #tpu.memory_space<vmem>> -> memref<72x64xf32, #tpu.memory_space<vmem>>
      %dma_wait3A_712 = arith.constant 0 : i32
      %dma_wait3A_713 = arith.constant 0 : i32
      %dma_wait3A_714 = tpu.memref_slice %arg3[%dma_wait3A_712, %dma_wait3A_713] : memref<1000000x64xf32, #tpu.memory_space<hbm>> -> memref<72x64xf32, #tpu.memory_space<hbm>>
      tpu.wait_dma2 semaphore(%arg8 : memref<!tpu.dma_semaphore, #tpu.memory_space<semaphore_mem>>) src(%dma_wait3A_714 : memref<72x64xf32, #tpu.memory_space<hbm>>) dst(%dma_wait3A_711 : memref<72x64xf32, #tpu.memory_space<vmem>>)
      %broadcast_in_dim3A_715 = arith.constant 0.000000e+00 : f32
      %broadcast_in_dim3A_716 = vector.broadcast %broadcast_in_dim3A_715 : f32 to vector<16xf32>
      %broadcast_in_dim3A_717 = arith.constant 0.000000e+00 : f32
      %broadcast_in_dim3A_718 = vector.broadcast %broadcast_in_dim3A_717 : f32 to vector<16xf32>
      %broadcast_in_dim3A_719 = arith.constant 0.000000e+00 : f32
      %broadcast_in_dim3A_720 = vector.broadcast %broadcast_in_dim3A_719 : f32 to vector<16xf32>
      %broadcast_in_dim3A_721 = arith.constant 0.000000e+00 : f32
      %broadcast_in_dim3A_722 = vector.broadcast %broadcast_in_dim3A_721 : f32 to vector<16xf32>
      %scan3A_723 = arith.constant 0 : i32
      %scan3A_724 = arith.constant 200 : i32
      %scan3A_725 = arith.addi %scan3A_723, %scan3A_724 : i32
      %scan3A_726 = arith.constant 8 : i32
      %scan3A_727:4 = scf.for %scan3A_965 = %scan3A_723 to %scan3A_725 step %scan3A_726 iter_args(%scan3A_966 = %broadcast_in_dim3A_716, %scan3A_967 = %broadcast_in_dim3A_718, %scan3A_968 = %broadcast_in_dim3A_720, %scan3A_969 = %broadcast_in_dim3A_722) -> (vector<16xf32>, vector<16xf32>, vector<16xf32>, vector<16xf32>)  : i32 {
        %get3A = arith.constant 1 : i32
        %get3A_970 = arith.index_cast %get3A : i32 to index
        %get3A_971 = arith.index_cast %scan3A_965 : i32 to index
        %get3A_972 = arith.constant 0 : index
        %get3A_973 = tpu.vector_load %arg6[%get3A_970, %get3A_971, %get3A_972] {strides = array<i32>} : memref<4x200x64xf32, #tpu.memory_space<vmem>>, vector<1x1x16xf32>,
        %get3A_974 = vector.shape_cast %get3A_973 : vector<1x1x16xf32> to vector<16xf32>
        %add3A_975 = arith.addf %scan3A_966, %get3A_974 : vector<16xf32>
        %get3A_976 = arith.constant 1 : i32
        %get3A_977 = arith.index_cast %get3A_976 : i32 to index
        %get3A_978 = arith.index_cast %scan3A_965 : i32 to index
        %get3A_979 = arith.constant 16 : index
        %get3A_980 = tpu.vector_load %arg6[%get3A_977, %get3A_978, %get3A_979] {strides = array<i32>} : memref<4x200x64xf32, #tpu.memory_space<vmem>>, vector<1x1x16xf32>,
        %get3A_981 = vector.shape_cast %get3A_980 : vector<1x1x16xf32> to vector<16xf32>
        %add3A_982 = arith.addf %scan3A_967, %get3A_981 : vector<16xf32>
        %get3A_983 = arith.constant 1 : i32
        %get3A_984 = arith.index_cast %get3A_983 : i32 to index
        %get3A_985 = arith.index_cast %scan3A_965 : i32 to index
        %get3A_986 = arith.constant 32 : index
        %get3A_987 = tpu.vector_load %arg6[%get3A_984, %get3A_985, %get3A_986] {strides = array<i32>} : memref<4x200x64xf32, #tpu.memory_space<vmem>>, vector<1x1x16xf32>,
        %get3A_988 = vector.shape_cast %get3A_987 : vector<1x1x16xf32> to vector<16xf32>
        %add3A_989 = arith.addf %scan3A_968, %get3A_988 : vector<16xf32>
        %get3A_990 = arith.constant 1 : i32
        %get3A_991 = arith.index_cast %get3A_990 : i32 to index
        %get3A_992 = arith.index_cast %scan3A_965 : i32 to index
        %get3A_993 = arith.constant 48 : index
        %get3A_994 = tpu.vector_load %arg6[%get3A_991, %get3A_992, %get3A_993] {strides = array<i32>} : memref<4x200x64xf32, #tpu.memory_space<vmem>>, vector<1x1x16xf32>,
        %get3A_995 = vector.shape_cast %get3A_994 : vector<1x1x16xf32> to vector<16xf32>
        %add3A_996 = arith.addf %scan3A_969, %get3A_995 : vector<16xf32>
        %scan3A_997 = arith.constant 1 : i32
        %scan3A_998 = arith.addi %scan3A_965, %scan3A_997 : i32
        %get3A_999 = arith.constant 1 : i32
        %get3A_1000 = arith.index_cast %get3A_999 : i32 to index
        %get3A_1001 = arith.index_cast %scan3A_998 : i32 to index
        %get3A_1002 = arith.constant 0 : index
        %get3A_1003 = tpu.vector_load %arg6[%get3A_1000, %get3A_1001, %get3A_1002] {strides = array<i32>} : memref<4x200x64xf32, #tpu.memory_space<vmem>>, vector<1x1x16xf32>,
        %get3A_1004 = vector.shape_cast %get3A_1003 : vector<1x1x16xf32> to vector<16xf32>
        %add3A_1005 = arith.addf %add3A_975, %get3A_1004 : vector<16xf32>
        %get3A_1006 = arith.constant 1 : i32
        %get3A_1007 = arith.index_cast %get3A_1006 : i32 to index
        %get3A_1008 = arith.index_cast %scan3A_998 : i32 to index
        %get3A_1009 = arith.constant 16 : index
        %get3A_1010 = tpu.vector_load %arg6[%get3A_1007, %get3A_1008, %get3A_1009] {strides = array<i32>} : memref<4x200x64xf32, #tpu.memory_space<vmem>>, vector<1x1x16xf32>,
        %get3A_1011 = vector.shape_cast %get3A_1010 : vector<1x1x16xf32> to vector<16xf32>
        %add3A_1012 = arith.addf %add3A_982, %get3A_1011 : vector<16xf32>
        %get3A_1013 = arith.constant 1 : i32
        %get3A_1014 = arith.index_cast %get3A_1013 : i32 to index
        %get3A_1015 = arith.index_cast %scan3A_998 : i32 to index
        %get3A_1016 = arith.constant 32 : index
        %get3A_1017 = tpu.vector_load %arg6[%get3A_1014, %get3A_1015, %get3A_1016] {strides = array<i32>} : memref<4x200x64xf32, #tpu.memory_space<vmem>>, vector<1x1x16xf32>,
        %get3A_1018 = vector.shape_cast %get3A_1017 : vector<1x1x16xf32> to vector<16xf32>
        %add3A_1019 = arith.addf %add3A_989, %get3A_1018 : vector<16xf32>
        %get3A_1020 = arith.constant 1 : i32
        %get3A_1021 = arith.index_cast %get3A_1020 : i32 to index
        %get3A_1022 = arith.index_cast %scan3A_998 : i32 to index
        %get3A_1023 = arith.constant 48 : index
        %get3A_1024 = tpu.vector_load %arg6[%get3A_1021, %get3A_1022, %get3A_1023] {strides = array<i32>} : memref<4x200x64xf32, #tpu.memory_space<vmem>>, vector<1x1x16xf32>,
        %get3A_1025 = vector.shape_cast %get3A_1024 : vector<1x1x16xf32> to vector<16xf32>
        %add3A_1026 = arith.addf %add3A_996, %get3A_1025 : vector<16xf32>
        %scan3A_1027 = arith.constant 2 : i32
        %scan3A_1028 = arith.addi %scan3A_965, %scan3A_1027 : i32
        %get3A_1029 = arith.constant 1 : i32
        %get3A_1030 = arith.index_cast %get3A_1029 : i32 to index
        %get3A_1031 = arith.index_cast %scan3A_1028 : i32 to index
        %get3A_1032 = arith.constant 0 : index
        %get3A_1033 = tpu.vector_load %arg6[%get3A_1030, %get3A_1031, %get3A_1032] {strides = array<i32>} : memref<4x200x64xf32, #tpu.memory_space<vmem>>, vector<1x1x16xf32>,
        %get3A_1034 = vector.shape_cast %get3A_1033 : vector<1x1x16xf32> to vector<16xf32>
        %add3A_1035 = arith.addf %add3A_1005, %get3A_1034 : vector<16xf32>
        %get3A_1036 = arith.constant 1 : i32
        %get3A_1037 = arith.index_cast %get3A_1036 : i32 to index
        %get3A_1038 = arith.index_cast %scan3A_1028 : i32 to index
        %get3A_1039 = arith.constant 16 : index
        %get3A_1040 = tpu.vector_load %arg6[%get3A_1037, %get3A_1038, %get3A_1039] {strides = array<i32>} : memref<4x200x64xf32, #tpu.memory_space<vmem>>, vector<1x1x16xf32>,
        %get3A_1041 = vector.shape_cast %get3A_1040 : vector<1x1x16xf32> to vector<16xf32>
        %add3A_1042 = arith.addf %add3A_1012, %get3A_1041 : vector<16xf32>
        %get3A_1043 = arith.constant 1 : i32
        %get3A_1044 = arith.index_cast %get3A_1043 : i32 to index
        %get3A_1045 = arith.index_cast %scan3A_1028 : i32 to index
        %get3A_1046 = arith.constant 32 : index
        %get3A_1047 = tpu.vector_load %arg6[%get3A_1044, %get3A_1045, %get3A_1046] {strides = array<i32>} : memref<4x200x64xf32, #tpu.memory_space<vmem>>, vector<1x1x16xf32>,
        %get3A_1048 = vector.shape_cast %get3A_1047 : vector<1x1x16xf32> to vector<16xf32>
        %add3A_1049 = arith.addf %add3A_1019, %get3A_1048 : vector<16xf32>
        %get3A_1050 = arith.constant 1 : i32
        %get3A_1051 = arith.index_cast %get3A_1050 : i32 to index
        %get3A_1052 = arith.index_cast %scan3A_1028 : i32 to index
        %get3A_1053 = arith.constant 48 : index
        %get3A_1054 = tpu.vector_load %arg6[%get3A_1051, %get3A_1052, %get3A_1053] {strides = array<i32>} : memref<4x200x64xf32, #tpu.memory_space<vmem>>, vector<1x1x16xf32>,
        %get3A_1055 = vector.shape_cast %get3A_1054 : vector<1x1x16xf32> to vector<16xf32>
        %add3A_1056 = arith.addf %add3A_1026, %get3A_1055 : vector<16xf32>
        %scan3A_1057 = arith.constant 3 : i32
        %scan3A_1058 = arith.addi %scan3A_965, %scan3A_1057 : i32
        %get3A_1059 = arith.constant 1 : i32
        %get3A_1060 = arith.index_cast %get3A_1059 : i32 to index
        %get3A_1061 = arith.index_cast %scan3A_1058 : i32 to index
        %get3A_1062 = arith.constant 0 : index
        %get3A_1063 = tpu.vector_load %arg6[%get3A_1060, %get3A_1061, %get3A_1062] {strides = array<i32>} : memref<4x200x64xf32, #tpu.memory_space<vmem>>, vector<1x1x16xf32>,
        %get3A_1064 = vector.shape_cast %get3A_1063 : vector<1x1x16xf32> to vector<16xf32>
        %add3A_1065 = arith.addf %add3A_1035, %get3A_1064 : vector<16xf32>
        %get3A_1066 = arith.constant 1 : i32
        %get3A_1067 = arith.index_cast %get3A_1066 : i32 to index
        %get3A_1068 = arith.index_cast %scan3A_1058 : i32 to index
        %get3A_1069 = arith.constant 16 : index
        %get3A_1070 = tpu.vector_load %arg6[%get3A_1067, %get3A_1068, %get3A_1069] {strides = array<i32>} : memref<4x200x64xf32, #tpu.memory_space<vmem>>, vector<1x1x16xf32>,
        %get3A_1071 = vector.shape_cast %get3A_1070 : vector<1x1x16xf32> to vector<16xf32>
        %add3A_1072 = arith.addf %add3A_1042, %get3A_1071 : vector<16xf32>
        %get3A_1073 = arith.constant 1 : i32
        %get3A_1074 = arith.index_cast %get3A_1073 : i32 to index
        %get3A_1075 = arith.index_cast %scan3A_1058 : i32 to index
        %get3A_1076 = arith.constant 32 : index
        %get3A_1077 = tpu.vector_load %arg6[%get3A_1074, %get3A_1075, %get3A_1076] {strides = array<i32>} : memref<4x200x64xf32, #tpu.memory_space<vmem>>, vector<1x1x16xf32>,
        %get3A_1078 = vector.shape_cast %get3A_1077 : vector<1x1x16xf32> to vector<16xf32>
        %add3A_1079 = arith.addf %add3A_1049, %get3A_1078 : vector<16xf32>
        %get3A_1080 = arith.constant 1 : i32
        %get3A_1081 = arith.index_cast %get3A_1080 : i32 to index
        %get3A_1082 = arith.index_cast %scan3A_1058 : i32 to index
        %get3A_1083 = arith.constant 48 : index
        %get3A_1084 = tpu.vector_load %arg6[%get3A_1081, %get3A_1082, %get3A_1083] {strides = array<i32>} : memref<4x200x64xf32, #tpu.memory_space<vmem>>, vector<1x1x16xf32>,
        %get3A_1085 = vector.shape_cast %get3A_1084 : vector<1x1x16xf32> to vector<16xf32>
        %add3A_1086 = arith.addf %add3A_1056, %get3A_1085 : vector<16xf32>
        %scan3A_1087 = arith.constant 4 : i32
        %scan3A_1088 = arith.addi %scan3A_965, %scan3A_1087 : i32
        %get3A_1089 = arith.constant 1 : i32
        %get3A_1090 = arith.index_cast %get3A_1089 : i32 to index
        %get3A_1091 = arith.index_cast %scan3A_1088 : i32 to index
        %get3A_1092 = arith.constant 0 : index
        %get3A_1093 = tpu.vector_load %arg6[%get3A_1090, %get3A_1091, %get3A_1092] {strides = array<i32>} : memref<4x200x64xf32, #tpu.memory_space<vmem>>, vector<1x1x16xf32>,
        %get3A_1094 = vector.shape_cast %get3A_1093 : vector<1x1x16xf32> to vector<16xf32>
        %add3A_1095 = arith.addf %add3A_1065, %get3A_1094 : vector<16xf32>
        %get3A_1096 = arith.constant 1 : i32
        %get3A_1097 = arith.index_cast %get3A_1096 : i32 to index
        %get3A_1098 = arith.index_cast %scan3A_1088 : i32 to index
        %get3A_1099 = arith.constant 16 : index
        %get3A_1100 = tpu.vector_load %arg6[%get3A_1097, %get3A_1098, %get3A_1099] {strides = array<i32>} : memref<4x200x64xf32, #tpu.memory_space<vmem>>, vector<1x1x16xf32>,
        %get3A_1101 = vector.shape_cast %get3A_1100 : vector<1x1x16xf32> to vector<16xf32>
        %add3A_1102 = arith.addf %add3A_1072, %get3A_1101 : vector<16xf32>
        %get3A_1103 = arith.constant 1 : i32
        %get3A_1104 = arith.index_cast %get3A_1103 : i32 to index
        %get3A_1105 = arith.index_cast %scan3A_1088 : i32 to index
        %get3A_1106 = arith.constant 32 : index
        %get3A_1107 = tpu.vector_load %arg6[%get3A_1104, %get3A_1105, %get3A_1106] {strides = array<i32>} : memref<4x200x64xf32, #tpu.memory_space<vmem>>, vector<1x1x16xf32>,
        %get3A_1108 = vector.shape_cast %get3A_1107 : vector<1x1x16xf32> to vector<16xf32>
        %add3A_1109 = arith.addf %add3A_1079, %get3A_1108 : vector<16xf32>
        %get3A_1110 = arith.constant 1 : i32
        %get3A_1111 = arith.index_cast %get3A_1110 : i32 to index
        %get3A_1112 = arith.index_cast %scan3A_1088 : i32 to index
        %get3A_1113 = arith.constant 48 : index
        %get3A_1114 = tpu.vector_load %arg6[%get3A_1111, %get3A_1112, %get3A_1113] {strides = array<i32>} : memref<4x200x64xf32, #tpu.memory_space<vmem>>, vector<1x1x16xf32>,
        %get3A_1115 = vector.shape_cast %get3A_1114 : vector<1x1x16xf32> to vector<16xf32>
        %add3A_1116 = arith.addf %add3A_1086, %get3A_1115 : vector<16xf32>
        %scan3A_1117 = arith.constant 5 : i32
        %scan3A_1118 = arith.addi %scan3A_965, %scan3A_1117 : i32
        %get3A_1119 = arith.constant 1 : i32
        %get3A_1120 = arith.index_cast %get3A_1119 : i32 to index
        %get3A_1121 = arith.index_cast %scan3A_1118 : i32 to index
        %get3A_1122 = arith.constant 0 : index
        %get3A_1123 = tpu.vector_load %arg6[%get3A_1120, %get3A_1121, %get3A_1122] {strides = array<i32>} : memref<4x200x64xf32, #tpu.memory_space<vmem>>, vector<1x1x16xf32>,
        %get3A_1124 = vector.shape_cast %get3A_1123 : vector<1x1x16xf32> to vector<16xf32>
        %add3A_1125 = arith.addf %add3A_1095, %get3A_1124 : vector<16xf32>
        %get3A_1126 = arith.constant 1 : i32
        %get3A_1127 = arith.index_cast %get3A_1126 : i32 to index
        %get3A_1128 = arith.index_cast %scan3A_1118 : i32 to index
        %get3A_1129 = arith.constant 16 : index
        %get3A_1130 = tpu.vector_load %arg6[%get3A_1127, %get3A_1128, %get3A_1129] {strides = array<i32>} : memref<4x200x64xf32, #tpu.memory_space<vmem>>, vector<1x1x16xf32>,
        %get3A_1131 = vector.shape_cast %get3A_1130 : vector<1x1x16xf32> to vector<16xf32>
        %add3A_1132 = arith.addf %add3A_1102, %get3A_1131 : vector<16xf32>
        %get3A_1133 = arith.constant 1 : i32
        %get3A_1134 = arith.index_cast %get3A_1133 : i32 to index
        %get3A_1135 = arith.index_cast %scan3A_1118 : i32 to index
        %get3A_1136 = arith.constant 32 : index
        %get3A_1137 = tpu.vector_load %arg6[%get3A_1134, %get3A_1135, %get3A_1136] {strides = array<i32>} : memref<4x200x64xf32, #tpu.memory_space<vmem>>, vector<1x1x16xf32>,
        %get3A_1138 = vector.shape_cast %get3A_1137 : vector<1x1x16xf32> to vector<16xf32>
        %add3A_1139 = arith.addf %add3A_1109, %get3A_1138 : vector<16xf32>
        %get3A_1140 = arith.constant 1 : i32
        %get3A_1141 = arith.index_cast %get3A_1140 : i32 to index
        %get3A_1142 = arith.index_cast %scan3A_1118 : i32 to index
        %get3A_1143 = arith.constant 48 : index
        %get3A_1144 = tpu.vector_load %arg6[%get3A_1141, %get3A_1142, %get3A_1143] {strides = array<i32>} : memref<4x200x64xf32, #tpu.memory_space<vmem>>, vector<1x1x16xf32>,
        %get3A_1145 = vector.shape_cast %get3A_1144 : vector<1x1x16xf32> to vector<16xf32>
        %add3A_1146 = arith.addf %add3A_1116, %get3A_1145 : vector<16xf32>
        %scan3A_1147 = arith.constant 6 : i32
        %scan3A_1148 = arith.addi %scan3A_965, %scan3A_1147 : i32
        %get3A_1149 = arith.constant 1 : i32
        %get3A_1150 = arith.index_cast %get3A_1149 : i32 to index
        %get3A_1151 = arith.index_cast %scan3A_1148 : i32 to index
        %get3A_1152 = arith.constant 0 : index
        %get3A_1153 = tpu.vector_load %arg6[%get3A_1150, %get3A_1151, %get3A_1152] {strides = array<i32>} : memref<4x200x64xf32, #tpu.memory_space<vmem>>, vector<1x1x16xf32>,
        %get3A_1154 = vector.shape_cast %get3A_1153 : vector<1x1x16xf32> to vector<16xf32>
        %add3A_1155 = arith.addf %add3A_1125, %get3A_1154 : vector<16xf32>
        %get3A_1156 = arith.constant 1 : i32
        %get3A_1157 = arith.index_cast %get3A_1156 : i32 to index
        %get3A_1158 = arith.index_cast %scan3A_1148 : i32 to index
        %get3A_1159 = arith.constant 16 : index
        %get3A_1160 = tpu.vector_load %arg6[%get3A_1157, %get3A_1158, %get3A_1159] {strides = array<i32>} : memref<4x200x64xf32, #tpu.memory_space<vmem>>, vector<1x1x16xf32>,
        %get3A_1161 = vector.shape_cast %get3A_1160 : vector<1x1x16xf32> to vector<16xf32>
        %add3A_1162 = arith.addf %add3A_1132, %get3A_1161 : vector<16xf32>
        %get3A_1163 = arith.constant 1 : i32
        %get3A_1164 = arith.index_cast %get3A_1163 : i32 to index
        %get3A_1165 = arith.index_cast %scan3A_1148 : i32 to index
        %get3A_1166 = arith.constant 32 : index
        %get3A_1167 = tpu.vector_load %arg6[%get3A_1164, %get3A_1165, %get3A_1166] {strides = array<i32>} : memref<4x200x64xf32, #tpu.memory_space<vmem>>, vector<1x1x16xf32>,
        %get3A_1168 = vector.shape_cast %get3A_1167 : vector<1x1x16xf32> to vector<16xf32>
        %add3A_1169 = arith.addf %add3A_1139, %get3A_1168 : vector<16xf32>
        %get3A_1170 = arith.constant 1 : i32
        %get3A_1171 = arith.index_cast %get3A_1170 : i32 to index
        %get3A_1172 = arith.index_cast %scan3A_1148 : i32 to index
        %get3A_1173 = arith.constant 48 : index
        %get3A_1174 = tpu.vector_load %arg6[%get3A_1171, %get3A_1172, %get3A_1173] {strides = array<i32>} : memref<4x200x64xf32, #tpu.memory_space<vmem>>, vector<1x1x16xf32>,
        %get3A_1175 = vector.shape_cast %get3A_1174 : vector<1x1x16xf32> to vector<16xf32>
        %add3A_1176 = arith.addf %add3A_1146, %get3A_1175 : vector<16xf32>
        %scan3A_1177 = arith.constant 7 : i32
        %scan3A_1178 = arith.addi %scan3A_965, %scan3A_1177 : i32
        %get3A_1179 = arith.constant 1 : i32
        %get3A_1180 = arith.index_cast %get3A_1179 : i32 to index
        %get3A_1181 = arith.index_cast %scan3A_1178 : i32 to index
        %get3A_1182 = arith.constant 0 : index
        %get3A_1183 = tpu.vector_load %arg6[%get3A_1180, %get3A_1181, %get3A_1182] {strides = array<i32>} : memref<4x200x64xf32, #tpu.memory_space<vmem>>, vector<1x1x16xf32>,
        %get3A_1184 = vector.shape_cast %get3A_1183 : vector<1x1x16xf32> to vector<16xf32>
        %add3A_1185 = arith.addf %add3A_1155, %get3A_1184 : vector<16xf32>
        %get3A_1186 = arith.constant 1 : i32
        %get3A_1187 = arith.index_cast %get3A_1186 : i32 to index
        %get3A_1188 = arith.index_cast %scan3A_1178 : i32 to index
        %get3A_1189 = arith.constant 16 : index
        %get3A_1190 = tpu.vector_load %arg6[%get3A_1187, %get3A_1188, %get3A_1189] {strides = array<i32>} : memref<4x200x64xf32, #tpu.memory_space<vmem>>, vector<1x1x16xf32>,
        %get3A_1191 = vector.shape_cast %get3A_1190 : vector<1x1x16xf32> to vector<16xf32>
        %add3A_1192 = arith.addf %add3A_1162, %get3A_1191 : vector<16xf32>
        %get3A_1193 = arith.constant 1 : i32
        %get3A_1194 = arith.index_cast %get3A_1193 : i32 to index
        %get3A_1195 = arith.index_cast %scan3A_1178 : i32 to index
        %get3A_1196 = arith.constant 32 : index
        %get3A_1197 = tpu.vector_load %arg6[%get3A_1194, %get3A_1195, %get3A_1196] {strides = array<i32>} : memref<4x200x64xf32, #tpu.memory_space<vmem>>, vector<1x1x16xf32>,
        %get3A_1198 = vector.shape_cast %get3A_1197 : vector<1x1x16xf32> to vector<16xf32>
        %add3A_1199 = arith.addf %add3A_1169, %get3A_1198 : vector<16xf32>
        %get3A_1200 = arith.constant 1 : i32
        %get3A_1201 = arith.index_cast %get3A_1200 : i32 to index
        %get3A_1202 = arith.index_cast %scan3A_1178 : i32 to index
        %get3A_1203 = arith.constant 48 : index
        %get3A_1204 = tpu.vector_load %arg6[%get3A_1201, %get3A_1202, %get3A_1203] {strides = array<i32>} : memref<4x200x64xf32, #tpu.memory_space<vmem>>, vector<1x1x16xf32>,
        %get3A_1205 = vector.shape_cast %get3A_1204 : vector<1x1x16xf32> to vector<16xf32>
        %add3A_1206 = arith.addf %add3A_1176, %get3A_1205 : vector<16xf32>
        scf.yield %add3A_1185, %add3A_1192, %add3A_1199, %add3A_1206 : vector<16xf32>, vector<16xf32>, vector<16xf32>, vector<16xf32>
      }
      %scan3A_728 = arith.constant 200 : i32
      %mul3A_729 = arith.constant 5.000000e-03 : f32
      %mul3A_730 = vector.broadcast %mul3A_729 : f32 to vector<16xf32>
      %mul3A_731 = arith.mulf %scan3A_727#0, %mul3A_730 : vector<16xf32>
      %swap3A_732 = arith.index_cast %add3A_662 : i32 to index
      %swap3A_733 = arith.constant 0 : index
      %swap3A_734 = tpu.vector_load %arg7[%swap3A_732, %swap3A_733] {strides = array<i32>} : memref<512x64xf32, #tpu.memory_space<vmem>>, vector<1x16xf32>,
      %swap3A_735 = vector.shape_cast %swap3A_734 : vector<1x16xf32> to vector<16xf32>
      %swap3A_736 = vector.shape_cast %mul3A_731 : vector<16xf32> to vector<1x16xf32>
      tpu.vector_store %arg7[%swap3A_732, %swap3A_733], %swap3A_736 {strides = array<i32>} : memref<512x64xf32, #tpu.memory_space<vmem>>, vector<1x16xf32>,
      %mul3A_737 = arith.constant 5.000000e-03 : f32
      %mul3A_738 = vector.broadcast %mul3A_737 : f32 to vector<16xf32>
      %mul3A_739 = arith.mulf %scan3A_727#1, %mul3A_738 : vector<16xf32>
      %swap3A_740 = arith.index_cast %add3A_662 : i32 to index
      %swap3A_741 = arith.constant 16 : index
      %swap3A_742 = tpu.vector_load %arg7[%swap3A_740, %swap3A_741] {strides = array<i32>} : memref<512x64xf32, #tpu.memory_space<vmem>>, vector<1x16xf32>,
      %swap3A_743 = vector.shape_cast %swap3A_742 : vector<1x16xf32> to vector<16xf32>
      %swap3A_744 = vector.shape_cast %mul3A_739 : vector<16xf32> to vector<1x16xf32>
      tpu.vector_store %arg7[%swap3A_740, %swap3A_741], %swap3A_744 {strides = array<i32>} : memref<512x64xf32, #tpu.memory_space<vmem>>, vector<1x16xf32>,
      %mul3A_745 = arith.constant 5.000000e-03 : f32
      %mul3A_746 = vector.broadcast %mul3A_745 : f32 to vector<16xf32>
      %mul3A_747 = arith.mulf %scan3A_727#2, %mul3A_746 : vector<16xf32>
      %swap3A_748 = arith.index_cast %add3A_662 : i32 to index
      %swap3A_749 = arith.constant 32 : index
      %swap3A_750 = tpu.vector_load %arg7[%swap3A_748, %swap3A_749] {strides = array<i32>} : memref<512x64xf32, #tpu.memory_space<vmem>>, vector<1x16xf32>,
      %swap3A_751 = vector.shape_cast %swap3A_750 : vector<1x16xf32> to vector<16xf32>
      %swap3A_752 = vector.shape_cast %mul3A_747 : vector<16xf32> to vector<1x16xf32>
      tpu.vector_store %arg7[%swap3A_748, %swap3A_749], %swap3A_752 {strides = array<i32>} : memref<512x64xf32, #tpu.memory_space<vmem>>, vector<1x16xf32>,
      %mul3A_753 = arith.constant 5.000000e-03 : f32
      %mul3A_754 = vector.broadcast %mul3A_753 : f32 to vector<16xf32>
      %mul3A_755 = arith.mulf %scan3A_727#3, %mul3A_754 : vector<16xf32>
      %swap3A_756 = arith.index_cast %add3A_662 : i32 to index
      %swap3A_757 = arith.constant 48 : index
      %swap3A_758 = tpu.vector_load %arg7[%swap3A_756, %swap3A_757] {strides = array<i32>} : memref<512x64xf32, #tpu.memory_space<vmem>>, vector<1x16xf32>,
      %swap3A_759 = vector.shape_cast %swap3A_758 : vector<1x16xf32> to vector<16xf32>
      %swap3A_760 = vector.shape_cast %mul3A_755 : vector<16xf32> to vector<1x16xf32>
      tpu.vector_store %arg7[%swap3A_756, %swap3A_757], %swap3A_760 {strides = array<i32>} : memref<512x64xf32, #tpu.memory_space<vmem>>, vector<1x16xf32>,
      %mul3A_761 = arith.constant 8 : i32
      %mul3A_762 = arith.muli %scan3A_154, %mul3A_761 : i32
      %add3A_763 = arith.constant 6 : i32
      %add3A_764 = arith.addi %mul3A_762, %add3A_763 : i32
      %lt3A_765 = arith.constant 509 : i32
      %lt3A_766 = arith.cmpi slt, %add3A_764, %lt3A_765 : i32
      %convert_element_type3A_767 = arith.extui %lt3A_766 : i1 to i32
      %cond3A_768 = arith.constant 0 : i32
      %cond3A_769 = arith.cmpi ne, %convert_element_type3A_767, %cond3A_768 : i32
      scf.if %cond3A_769 {
        %dma_wait3A_965 = arith.constant 1 : i32
        %dma_wait3A_966 = arith.constant 0 : i32
        %dma_wait3A_967 = tpu.memref_slice %arg5[%dma_wait3A_965, %dma_wait3A_966] : memref<8x200xi32, #tpu.memory_space<vmem>> -> memref<1x200xi32, #tpu.memory_space<vmem>>
        %dma_wait3A_968 = tpu.memref_squeeze %dma_wait3A_967 : memref<1x200xi32, #tpu.memory_space<vmem>> -> memref<200xi32, #tpu.memory_space<vmem>>
        %dma_wait3A_969 = arith.constant 0 : i32
        %dma_wait3A_970 = tpu.memref_slice %arg2[%dma_wait3A_969] : memref<3276800xi32, #tpu.memory_space<hbm>> -> memref<200xi32, #tpu.memory_space<hbm>>
        %dma_wait3A_971 = arith.constant 0 : i32
        %dma_wait3A_972 = tpu.memref_slice %arg5[%dma_wait3A_965, %dma_wait3A_971] : memref<8x200xi32, #tpu.memory_space<vmem>> -> memref<1x200xi32, #tpu.memory_space<vmem>>
        %dma_wait3A_973 = tpu.memref_squeeze %dma_wait3A_972 : memref<1x200xi32, #tpu.memory_space<vmem>> -> memref<200xi32, #tpu.memory_space<vmem>>
        %dma_wait3A_974 = arith.constant 0 : i32
        %dma_wait3A_975 = tpu.memref_slice %arg2[%dma_wait3A_974] : memref<3276800xi32, #tpu.memory_space<hbm>> -> memref<200xi32, #tpu.memory_space<hbm>>
        tpu.wait_dma2 semaphore(%arg9 : memref<!tpu.dma_semaphore, #tpu.memory_space<semaphore_mem>>) src(%dma_wait3A_975 : memref<200xi32, #tpu.memory_space<hbm>>) dst(%dma_wait3A_973 : memref<200xi32, #tpu.memory_space<vmem>>)
        %dma_start3A_976 = arith.constant 1 : i32
        %dma_start3A_977 = arith.constant 1 : i32
        %dma_start3A_978 = arith.constant 0 : i32
        %dma_start3A_979 = arith.constant 0 : i32
        %dma_start3A_980 = tpu.memref_slice %arg6[%dma_start3A_977, %dma_start3A_978, %dma_start3A_979] : memref<4x200x64xf32, #tpu.memory_space<vmem>> -> memref<1x200x64xf32, #tpu.memory_space<vmem>>
        %dma_start3A_981 = tpu.memref_squeeze %dma_start3A_980 : memref<1x200x64xf32, #tpu.memory_space<vmem>> -> memref<200x64xf32, #tpu.memory_space<vmem>>
        %dma_start3A_982 = arith.constant 0 : i32
        %dma_start3A_983 = arith.constant 0 : i32
        %dma_start3A_984 = tpu.memref_slice %dma_start3A_981[%dma_start3A_982, %dma_start3A_983] : memref<200x64xf32, #tpu.memory_space<vmem>> -> memref<128x64xf32, #tpu.memory_space<vmem>>
        %dma_start3A_985 = arith.constant 0 : i32
        %dma_start3A_986 = tpu.memref_slice %arg5[%dma_start3A_976, %dma_start3A_985] : memref<8x200xi32, #tpu.memory_space<vmem>> -> memref<1x200xi32, #tpu.memory_space<vmem>>
        %dma_start3A_987 = tpu.memref_squeeze %dma_start3A_986 : memref<1x200xi32, #tpu.memory_space<vmem>> -> memref<200xi32, #tpu.memory_space<vmem>>
        %dma_start3A_988 = arith.constant 0 : i32
        %dma_start3A_989 = tpu.memref_slice %dma_start3A_987[%dma_start3A_988] : memref<200xi32, #tpu.memory_space<vmem>> -> memref<128xi32, #tpu.memory_space<vmem>>
        %dma_start3A_990 = arith.constant 0 : i32
        %dma_start3A_991 = arith.constant 0 : i32
        %dma_start3A_992 = tpu.memref_slice %arg3[%dma_start3A_990, %dma_start3A_991] : memref<1000000x64xf32, #tpu.memory_space<hbm>> -> memref<1000000x64xf32, #tpu.memory_space<hbm>>
        tpu.enqueue_indirect_dma source(%dma_start3A_992 : memref<1000000x64xf32, #tpu.memory_space<hbm>>) target(%dma_start3A_984 : memref<128x64xf32, #tpu.memory_space<vmem>>) offsets(%dma_start3A_989 : memref<128xi32, #tpu.memory_space<vmem>>) semaphore(%arg8 : memref<!tpu.dma_semaphore, #tpu.memory_space<semaphore_mem>>)
        %dma_start3A_993 = arith.constant 1 : i32
        %dma_start3A_994 = arith.constant 1 : i32
        %dma_start3A_995 = arith.constant 0 : i32
        %dma_start3A_996 = arith.constant 0 : i32
        %dma_start3A_997 = tpu.memref_slice %arg6[%dma_start3A_994, %dma_start3A_995, %dma_start3A_996] : memref<4x200x64xf32, #tpu.memory_space<vmem>> -> memref<1x200x64xf32, #tpu.memory_space<vmem>>
        %dma_start3A_998 = tpu.memref_squeeze %dma_start3A_997 : memref<1x200x64xf32, #tpu.memory_space<vmem>> -> memref<200x64xf32, #tpu.memory_space<vmem>>
        %dma_start3A_999 = arith.constant 128 : i32
        %dma_start3A_1000 = arith.constant 0 : i32
        %dma_start3A_1001 = tpu.memref_slice %dma_start3A_998[%dma_start3A_999, %dma_start3A_1000] : memref<200x64xf32, #tpu.memory_space<vmem>> -> memref<72x64xf32, #tpu.memory_space<vmem>>
        %dma_start3A_1002 = arith.constant 0 : i32
        %dma_start3A_1003 = tpu.memref_slice %arg5[%dma_start3A_993, %dma_start3A_1002] : memref<8x200xi32, #tpu.memory_space<vmem>> -> memref<1x200xi32, #tpu.memory_space<vmem>>
        %dma_start3A_1004 = tpu.memref_squeeze %dma_start3A_1003 : memref<1x200xi32, #tpu.memory_space<vmem>> -> memref<200xi32, #tpu.memory_space<vmem>>
        %dma_start3A_1005 = arith.constant 128 : i32
        %dma_start3A_1006 = tpu.memref_slice %dma_start3A_1004[%dma_start3A_1005] : memref<200xi32, #tpu.memory_space<vmem>> -> memref<72xi32, #tpu.memory_space<vmem>>
        %dma_start3A_1007 = arith.constant 0 : i32
        %dma_start3A_1008 = arith.constant 0 : i32
        %dma_start3A_1009 = tpu.memref_slice %arg3[%dma_start3A_1007, %dma_start3A_1008] : memref<1000000x64xf32, #tpu.memory_space<hbm>> -> memref<1000000x64xf32, #tpu.memory_space<hbm>>
        tpu.enqueue_indirect_dma source(%dma_start3A_1009 : memref<1000000x64xf32, #tpu.memory_space<hbm>>) target(%dma_start3A_1001 : memref<72x64xf32, #tpu.memory_space<vmem>>) offsets(%dma_start3A_1006 : memref<72xi32, #tpu.memory_space<vmem>>) semaphore(%arg8 : memref<!tpu.dma_semaphore, #tpu.memory_space<semaphore_mem>>)
      } else {
      }
      %lt3A_770 = arith.constant 506 : i32
      %lt3A_771 = arith.cmpi slt, %add3A_764, %lt3A_770 : i32
      %convert_element_type3A_772 = arith.extui %lt3A_771 : i1 to i32
      %cond3A_773 = arith.constant 0 : i32
      %cond3A_774 = arith.cmpi ne, %convert_element_type3A_772, %cond3A_773 : i32
      scf.if %cond3A_774 {
        %add3A_965 = arith.constant 6 : i32
        %add3A_966 = arith.addi %add3A_764, %add3A_965 : i32
        %mul3A_967 = arith.constant 200 : i32
        %mul3A_968 = arith.muli %add3A_966, %mul3A_967 : i32
        %add3A_969 = arith.addi %mul3A_4, %mul3A_968 : i32
        %dma_start3A_970 = arith.constant 4 : i32
        %dma_start3A_971 = arith.constant 0 : i32
        %dma_start3A_972 = tpu.memref_slice %arg5[%dma_start3A_970, %dma_start3A_971] : memref<8x200xi32, #tpu.memory_space<vmem>> -> memref<1x200xi32, #tpu.memory_space<vmem>>
        %dma_start3A_973 = tpu.memref_squeeze %dma_start3A_972 : memref<1x200xi32, #tpu.memory_space<vmem>> -> memref<200xi32, #tpu.memory_space<vmem>>
        %dma_start3A_974 = tpu.memref_slice %arg2[%add3A_969] : memref<3276800xi32, #tpu.memory_space<hbm>> -> memref<200xi32, #tpu.memory_space<hbm>>
        %dma_start3A_975 = arith.constant 0 : i32
        %dma_start3A_976 = tpu.memref_slice %arg5[%dma_start3A_970, %dma_start3A_975] : memref<8x200xi32, #tpu.memory_space<vmem>> -> memref<1x200xi32, #tpu.memory_space<vmem>>
        %dma_start3A_977 = tpu.memref_squeeze %dma_start3A_976 : memref<1x200xi32, #tpu.memory_space<vmem>> -> memref<200xi32, #tpu.memory_space<vmem>>
        %dma_start3A_978 = tpu.memref_slice %arg2[%add3A_969] : memref<3276800xi32, #tpu.memory_space<hbm>> -> memref<200xi32, #tpu.memory_space<hbm>>
        tpu.enqueue_dma source(%dma_start3A_978 : memref<200xi32, #tpu.memory_space<hbm>>) target(%dma_start3A_977 : memref<200xi32, #tpu.memory_space<vmem>>) target_semaphore(%arg9 : memref<!tpu.dma_semaphore, #tpu.memory_space<semaphore_mem>>)
      } else {
      }
      %dma_wait3A_775 = arith.constant 2 : i32
      %dma_wait3A_776 = arith.constant 0 : i32
      %dma_wait3A_777 = arith.constant 0 : i32
      %dma_wait3A_778 = tpu.memref_slice %arg6[%dma_wait3A_775, %dma_wait3A_776, %dma_wait3A_777] : memref<4x200x64xf32, #tpu.memory_space<vmem>> -> memref<1x200x64xf32, #tpu.memory_space<vmem>>
      %dma_wait3A_779 = tpu.memref_squeeze %dma_wait3A_778 : memref<1x200x64xf32, #tpu.memory_space<vmem>> -> memref<200x64xf32, #tpu.memory_space<vmem>>
      %dma_wait3A_780 = arith.constant 0 : i32
      %dma_wait3A_781 = arith.constant 0 : i32
      %dma_wait3A_782 = tpu.memref_slice %dma_wait3A_779[%dma_wait3A_780, %dma_wait3A_781] : memref<200x64xf32, #tpu.memory_space<vmem>> -> memref<128x64xf32, #tpu.memory_space<vmem>>
      %dma_wait3A_783 = arith.constant 0 : i32
      %dma_wait3A_784 = arith.constant 0 : i32
      %dma_wait3A_785 = tpu.memref_slice %arg3[%dma_wait3A_783, %dma_wait3A_784] : memref<1000000x64xf32, #tpu.memory_space<hbm>> -> memref<128x64xf32, #tpu.memory_space<hbm>>
      %dma_wait3A_786 = arith.constant 0 : i32
      %dma_wait3A_787 = arith.constant 0 : i32
      %dma_wait3A_788 = tpu.memref_slice %arg6[%dma_wait3A_775, %dma_wait3A_786, %dma_wait3A_787] : memref<4x200x64xf32, #tpu.memory_space<vmem>> -> memref<1x200x64xf32, #tpu.memory_space<vmem>>
      %dma_wait3A_789 = tpu.memref_squeeze %dma_wait3A_788 : memref<1x200x64xf32, #tpu.memory_space<vmem>> -> memref<200x64xf32, #tpu.memory_space<vmem>>
      %dma_wait3A_790 = arith.constant 0 : i32
      %dma_wait3A_791 = arith.constant 0 : i32
      %dma_wait3A_792 = tpu.memref_slice %dma_wait3A_789[%dma_wait3A_790, %dma_wait3A_791] : memref<200x64xf32, #tpu.memory_space<vmem>> -> memref<128x64xf32, #tpu.memory_space<vmem>>
      %dma_wait3A_793 = arith.constant 0 : i32
      %dma_wait3A_794 = arith.constant 0 : i32
      %dma_wait3A_795 = tpu.memref_slice %arg3[%dma_wait3A_793, %dma_wait3A_794] : memref<1000000x64xf32, #tpu.memory_space<hbm>> -> memref<128x64xf32, #tpu.memory_space<hbm>>
      tpu.wait_dma2 semaphore(%arg8 : memref<!tpu.dma_semaphore, #tpu.memory_space<semaphore_mem>>) src(%dma_wait3A_795 : memref<128x64xf32, #tpu.memory_space<hbm>>) dst(%dma_wait3A_792 : memref<128x64xf32, #tpu.memory_space<vmem>>)
      %dma_wait3A_796 = arith.constant 2 : i32
      %dma_wait3A_797 = arith.constant 0 : i32
      %dma_wait3A_798 = arith.constant 0 : i32
      %dma_wait3A_799 = tpu.memref_slice %arg6[%dma_wait3A_796, %dma_wait3A_797, %dma_wait3A_798] : memref<4x200x64xf32, #tpu.memory_space<vmem>> -> memref<1x200x64xf32, #tpu.memory_space<vmem>>
      %dma_wait3A_800 = tpu.memref_squeeze %dma_wait3A_799 : memref<1x200x64xf32, #tpu.memory_space<vmem>> -> memref<200x64xf32, #tpu.memory_space<vmem>>
      %dma_wait3A_801 = arith.constant 128 : i32
      %dma_wait3A_802 = arith.constant 0 : i32
      %dma_wait3A_803 = tpu.memref_slice %dma_wait3A_800[%dma_wait3A_801, %dma_wait3A_802] : memref<200x64xf32, #tpu.memory_space<vmem>> -> memref<72x64xf32, #tpu.memory_space<vmem>>
      %dma_wait3A_804 = arith.constant 0 : i32
      %dma_wait3A_805 = arith.constant 0 : i32
      %dma_wait3A_806 = tpu.memref_slice %arg3[%dma_wait3A_804, %dma_wait3A_805] : memref<1000000x64xf32, #tpu.memory_space<hbm>> -> memref<72x64xf32, #tpu.memory_space<hbm>>
      %dma_wait3A_807 = arith.constant 0 : i32
      %dma_wait3A_808 = arith.constant 0 : i32
      %dma_wait3A_809 = tpu.memref_slice %arg6[%dma_wait3A_796, %dma_wait3A_807, %dma_wait3A_808] : memref<4x200x64xf32, #tpu.memory_space<vmem>> -> memref<1x200x64xf32, #tpu.memory_space<vmem>>
      %dma_wait3A_810 = tpu.memref_squeeze %dma_wait3A_809 : memref<1x200x64xf32, #tpu.memory_space<vmem>> -> memref<200x64xf32, #tpu.memory_space<vmem>>
      %dma_wait3A_811 = arith.constant 128 : i32
      %dma_wait3A_812 = arith.constant 0 : i32
      %dma_wait3A_813 = tpu.memref_slice %dma_wait3A_810[%dma_wait3A_811, %dma_wait3A_812] : memref<200x64xf32, #tpu.memory_space<vmem>> -> memref<72x64xf32, #tpu.memory_space<vmem>>
      %dma_wait3A_814 = arith.constant 0 : i32
      %dma_wait3A_815 = arith.constant 0 : i32
      %dma_wait3A_816 = tpu.memref_slice %arg3[%dma_wait3A_814, %dma_wait3A_815] : memref<1000000x64xf32, #tpu.memory_space<hbm>> -> memref<72x64xf32, #tpu.memory_space<hbm>>
      tpu.wait_dma2 semaphore(%arg8 : memref<!tpu.dma_semaphore, #tpu.memory_space<semaphore_mem>>) src(%dma_wait3A_816 : memref<72x64xf32, #tpu.memory_space<hbm>>) dst(%dma_wait3A_813 : memref<72x64xf32, #tpu.memory_space<vmem>>)
      %broadcast_in_dim3A_817 = arith.constant 0.000000e+00 : f32
      %broadcast_in_dim3A_818 = vector.broadcast %broadcast_in_dim3A_817 : f32 to vector<16xf32>
      %broadcast_in_dim3A_819 = arith.constant 0.000000e+00 : f32
      %broadcast_in_dim3A_820 = vector.broadcast %broadcast_in_dim3A_819 : f32 to vector<16xf32>
      %broadcast_in_dim3A_821 = arith.constant 0.000000e+00 : f32
      %broadcast_in_dim3A_822 = vector.broadcast %broadcast_in_dim3A_821 : f32 to vector<16xf32>
      %broadcast_in_dim3A_823 = arith.constant 0.000000e+00 : f32
      %broadcast_in_dim3A_824 = vector.broadcast %broadcast_in_dim3A_823 : f32 to vector<16xf32>
      %scan3A_825 = arith.constant 0 : i32
      %scan3A_826 = arith.constant 200 : i32
      %scan3A_827 = arith.addi %scan3A_825, %scan3A_826 : i32
      %scan3A_828 = arith.constant 8 : i32
      %scan3A_829:4 = scf.for %scan3A_965 = %scan3A_825 to %scan3A_827 step %scan3A_828 iter_args(%scan3A_966 = %broadcast_in_dim3A_818, %scan3A_967 = %broadcast_in_dim3A_820, %scan3A_968 = %broadcast_in_dim3A_822, %scan3A_969 = %broadcast_in_dim3A_824) -> (vector<16xf32>, vector<16xf32>, vector<16xf32>, vector<16xf32>)  : i32 {
        %get3A = arith.constant 2 : i32
        %get3A_970 = arith.index_cast %get3A : i32 to index
        %get3A_971 = arith.index_cast %scan3A_965 : i32 to index
        %get3A_972 = arith.constant 0 : index
        %get3A_973 = tpu.vector_load %arg6[%get3A_970, %get3A_971, %get3A_972] {strides = array<i32>} : memref<4x200x64xf32, #tpu.memory_space<vmem>>, vector<1x1x16xf32>,
        %get3A_974 = vector.shape_cast %get3A_973 : vector<1x1x16xf32> to vector<16xf32>
        %add3A_975 = arith.addf %scan3A_966, %get3A_974 : vector<16xf32>
        %get3A_976 = arith.constant 2 : i32
        %get3A_977 = arith.index_cast %get3A_976 : i32 to index
        %get3A_978 = arith.index_cast %scan3A_965 : i32 to index
        %get3A_979 = arith.constant 16 : index
        %get3A_980 = tpu.vector_load %arg6[%get3A_977, %get3A_978, %get3A_979] {strides = array<i32>} : memref<4x200x64xf32, #tpu.memory_space<vmem>>, vector<1x1x16xf32>,
        %get3A_981 = vector.shape_cast %get3A_980 : vector<1x1x16xf32> to vector<16xf32>
        %add3A_982 = arith.addf %scan3A_967, %get3A_981 : vector<16xf32>
        %get3A_983 = arith.constant 2 : i32
        %get3A_984 = arith.index_cast %get3A_983 : i32 to index
        %get3A_985 = arith.index_cast %scan3A_965 : i32 to index
        %get3A_986 = arith.constant 32 : index
        %get3A_987 = tpu.vector_load %arg6[%get3A_984, %get3A_985, %get3A_986] {strides = array<i32>} : memref<4x200x64xf32, #tpu.memory_space<vmem>>, vector<1x1x16xf32>,
        %get3A_988 = vector.shape_cast %get3A_987 : vector<1x1x16xf32> to vector<16xf32>
        %add3A_989 = arith.addf %scan3A_968, %get3A_988 : vector<16xf32>
        %get3A_990 = arith.constant 2 : i32
        %get3A_991 = arith.index_cast %get3A_990 : i32 to index
        %get3A_992 = arith.index_cast %scan3A_965 : i32 to index
        %get3A_993 = arith.constant 48 : index
        %get3A_994 = tpu.vector_load %arg6[%get3A_991, %get3A_992, %get3A_993] {strides = array<i32>} : memref<4x200x64xf32, #tpu.memory_space<vmem>>, vector<1x1x16xf32>,
        %get3A_995 = vector.shape_cast %get3A_994 : vector<1x1x16xf32> to vector<16xf32>
        %add3A_996 = arith.addf %scan3A_969, %get3A_995 : vector<16xf32>
        %scan3A_997 = arith.constant 1 : i32
        %scan3A_998 = arith.addi %scan3A_965, %scan3A_997 : i32
        %get3A_999 = arith.constant 2 : i32
        %get3A_1000 = arith.index_cast %get3A_999 : i32 to index
        %get3A_1001 = arith.index_cast %scan3A_998 : i32 to index
        %get3A_1002 = arith.constant 0 : index
        %get3A_1003 = tpu.vector_load %arg6[%get3A_1000, %get3A_1001, %get3A_1002] {strides = array<i32>} : memref<4x200x64xf32, #tpu.memory_space<vmem>>, vector<1x1x16xf32>,
        %get3A_1004 = vector.shape_cast %get3A_1003 : vector<1x1x16xf32> to vector<16xf32>
        %add3A_1005 = arith.addf %add3A_975, %get3A_1004 : vector<16xf32>
        %get3A_1006 = arith.constant 2 : i32
        %get3A_1007 = arith.index_cast %get3A_1006 : i32 to index
        %get3A_1008 = arith.index_cast %scan3A_998 : i32 to index
        %get3A_1009 = arith.constant 16 : index
        %get3A_1010 = tpu.vector_load %arg6[%get3A_1007, %get3A_1008, %get3A_1009] {strides = array<i32>} : memref<4x200x64xf32, #tpu.memory_space<vmem>>, vector<1x1x16xf32>,
        %get3A_1011 = vector.shape_cast %get3A_1010 : vector<1x1x16xf32> to vector<16xf32>
        %add3A_1012 = arith.addf %add3A_982, %get3A_1011 : vector<16xf32>
        %get3A_1013 = arith.constant 2 : i32
        %get3A_1014 = arith.index_cast %get3A_1013 : i32 to index
        %get3A_1015 = arith.index_cast %scan3A_998 : i32 to index
        %get3A_1016 = arith.constant 32 : index
        %get3A_1017 = tpu.vector_load %arg6[%get3A_1014, %get3A_1015, %get3A_1016] {strides = array<i32>} : memref<4x200x64xf32, #tpu.memory_space<vmem>>, vector<1x1x16xf32>,
        %get3A_1018 = vector.shape_cast %get3A_1017 : vector<1x1x16xf32> to vector<16xf32>
        %add3A_1019 = arith.addf %add3A_989, %get3A_1018 : vector<16xf32>
        %get3A_1020 = arith.constant 2 : i32
        %get3A_1021 = arith.index_cast %get3A_1020 : i32 to index
        %get3A_1022 = arith.index_cast %scan3A_998 : i32 to index
        %get3A_1023 = arith.constant 48 : index
        %get3A_1024 = tpu.vector_load %arg6[%get3A_1021, %get3A_1022, %get3A_1023] {strides = array<i32>} : memref<4x200x64xf32, #tpu.memory_space<vmem>>, vector<1x1x16xf32>,
        %get3A_1025 = vector.shape_cast %get3A_1024 : vector<1x1x16xf32> to vector<16xf32>
        %add3A_1026 = arith.addf %add3A_996, %get3A_1025 : vector<16xf32>
        %scan3A_1027 = arith.constant 2 : i32
        %scan3A_1028 = arith.addi %scan3A_965, %scan3A_1027 : i32
        %get3A_1029 = arith.constant 2 : i32
        %get3A_1030 = arith.index_cast %get3A_1029 : i32 to index
        %get3A_1031 = arith.index_cast %scan3A_1028 : i32 to index
        %get3A_1032 = arith.constant 0 : index
        %get3A_1033 = tpu.vector_load %arg6[%get3A_1030, %get3A_1031, %get3A_1032] {strides = array<i32>} : memref<4x200x64xf32, #tpu.memory_space<vmem>>, vector<1x1x16xf32>,
        %get3A_1034 = vector.shape_cast %get3A_1033 : vector<1x1x16xf32> to vector<16xf32>
        %add3A_1035 = arith.addf %add3A_1005, %get3A_1034 : vector<16xf32>
        %get3A_1036 = arith.constant 2 : i32
        %get3A_1037 = arith.index_cast %get3A_1036 : i32 to index
        %get3A_1038 = arith.index_cast %scan3A_1028 : i32 to index
        %get3A_1039 = arith.constant 16 : index
        %get3A_1040 = tpu.vector_load %arg6[%get3A_1037, %get3A_1038, %get3A_1039] {strides = array<i32>} : memref<4x200x64xf32, #tpu.memory_space<vmem>>, vector<1x1x16xf32>,
        %get3A_1041 = vector.shape_cast %get3A_1040 : vector<1x1x16xf32> to vector<16xf32>
        %add3A_1042 = arith.addf %add3A_1012, %get3A_1041 : vector<16xf32>
        %get3A_1043 = arith.constant 2 : i32
        %get3A_1044 = arith.index_cast %get3A_1043 : i32 to index
        %get3A_1045 = arith.index_cast %scan3A_1028 : i32 to index
        %get3A_1046 = arith.constant 32 : index
        %get3A_1047 = tpu.vector_load %arg6[%get3A_1044, %get3A_1045, %get3A_1046] {strides = array<i32>} : memref<4x200x64xf32, #tpu.memory_space<vmem>>, vector<1x1x16xf32>,
        %get3A_1048 = vector.shape_cast %get3A_1047 : vector<1x1x16xf32> to vector<16xf32>
        %add3A_1049 = arith.addf %add3A_1019, %get3A_1048 : vector<16xf32>
        %get3A_1050 = arith.constant 2 : i32
        %get3A_1051 = arith.index_cast %get3A_1050 : i32 to index
        %get3A_1052 = arith.index_cast %scan3A_1028 : i32 to index
        %get3A_1053 = arith.constant 48 : index
        %get3A_1054 = tpu.vector_load %arg6[%get3A_1051, %get3A_1052, %get3A_1053] {strides = array<i32>} : memref<4x200x64xf32, #tpu.memory_space<vmem>>, vector<1x1x16xf32>,
        %get3A_1055 = vector.shape_cast %get3A_1054 : vector<1x1x16xf32> to vector<16xf32>
        %add3A_1056 = arith.addf %add3A_1026, %get3A_1055 : vector<16xf32>
        %scan3A_1057 = arith.constant 3 : i32
        %scan3A_1058 = arith.addi %scan3A_965, %scan3A_1057 : i32
        %get3A_1059 = arith.constant 2 : i32
        %get3A_1060 = arith.index_cast %get3A_1059 : i32 to index
        %get3A_1061 = arith.index_cast %scan3A_1058 : i32 to index
        %get3A_1062 = arith.constant 0 : index
        %get3A_1063 = tpu.vector_load %arg6[%get3A_1060, %get3A_1061, %get3A_1062] {strides = array<i32>} : memref<4x200x64xf32, #tpu.memory_space<vmem>>, vector<1x1x16xf32>,
        %get3A_1064 = vector.shape_cast %get3A_1063 : vector<1x1x16xf32> to vector<16xf32>
        %add3A_1065 = arith.addf %add3A_1035, %get3A_1064 : vector<16xf32>
        %get3A_1066 = arith.constant 2 : i32
        %get3A_1067 = arith.index_cast %get3A_1066 : i32 to index
        %get3A_1068 = arith.index_cast %scan3A_1058 : i32 to index
        %get3A_1069 = arith.constant 16 : index
        %get3A_1070 = tpu.vector_load %arg6[%get3A_1067, %get3A_1068, %get3A_1069] {strides = array<i32>} : memref<4x200x64xf32, #tpu.memory_space<vmem>>, vector<1x1x16xf32>,
        %get3A_1071 = vector.shape_cast %get3A_1070 : vector<1x1x16xf32> to vector<16xf32>
        %add3A_1072 = arith.addf %add3A_1042, %get3A_1071 : vector<16xf32>
        %get3A_1073 = arith.constant 2 : i32
        %get3A_1074 = arith.index_cast %get3A_1073 : i32 to index
        %get3A_1075 = arith.index_cast %scan3A_1058 : i32 to index
        %get3A_1076 = arith.constant 32 : index
        %get3A_1077 = tpu.vector_load %arg6[%get3A_1074, %get3A_1075, %get3A_1076] {strides = array<i32>} : memref<4x200x64xf32, #tpu.memory_space<vmem>>, vector<1x1x16xf32>,
        %get3A_1078 = vector.shape_cast %get3A_1077 : vector<1x1x16xf32> to vector<16xf32>
        %add3A_1079 = arith.addf %add3A_1049, %get3A_1078 : vector<16xf32>
        %get3A_1080 = arith.constant 2 : i32
        %get3A_1081 = arith.index_cast %get3A_1080 : i32 to index
        %get3A_1082 = arith.index_cast %scan3A_1058 : i32 to index
        %get3A_1083 = arith.constant 48 : index
        %get3A_1084 = tpu.vector_load %arg6[%get3A_1081, %get3A_1082, %get3A_1083] {strides = array<i32>} : memref<4x200x64xf32, #tpu.memory_space<vmem>>, vector<1x1x16xf32>,
        %get3A_1085 = vector.shape_cast %get3A_1084 : vector<1x1x16xf32> to vector<16xf32>
        %add3A_1086 = arith.addf %add3A_1056, %get3A_1085 : vector<16xf32>
        %scan3A_1087 = arith.constant 4 : i32
        %scan3A_1088 = arith.addi %scan3A_965, %scan3A_1087 : i32
        %get3A_1089 = arith.constant 2 : i32
        %get3A_1090 = arith.index_cast %get3A_1089 : i32 to index
        %get3A_1091 = arith.index_cast %scan3A_1088 : i32 to index
        %get3A_1092 = arith.constant 0 : index
        %get3A_1093 = tpu.vector_load %arg6[%get3A_1090, %get3A_1091, %get3A_1092] {strides = array<i32>} : memref<4x200x64xf32, #tpu.memory_space<vmem>>, vector<1x1x16xf32>,
        %get3A_1094 = vector.shape_cast %get3A_1093 : vector<1x1x16xf32> to vector<16xf32>
        %add3A_1095 = arith.addf %add3A_1065, %get3A_1094 : vector<16xf32>
        %get3A_1096 = arith.constant 2 : i32
        %get3A_1097 = arith.index_cast %get3A_1096 : i32 to index
        %get3A_1098 = arith.index_cast %scan3A_1088 : i32 to index
        %get3A_1099 = arith.constant 16 : index
        %get3A_1100 = tpu.vector_load %arg6[%get3A_1097, %get3A_1098, %get3A_1099] {strides = array<i32>} : memref<4x200x64xf32, #tpu.memory_space<vmem>>, vector<1x1x16xf32>,
        %get3A_1101 = vector.shape_cast %get3A_1100 : vector<1x1x16xf32> to vector<16xf32>
        %add3A_1102 = arith.addf %add3A_1072, %get3A_1101 : vector<16xf32>
        %get3A_1103 = arith.constant 2 : i32
        %get3A_1104 = arith.index_cast %get3A_1103 : i32 to index
        %get3A_1105 = arith.index_cast %scan3A_1088 : i32 to index
        %get3A_1106 = arith.constant 32 : index
        %get3A_1107 = tpu.vector_load %arg6[%get3A_1104, %get3A_1105, %get3A_1106] {strides = array<i32>} : memref<4x200x64xf32, #tpu.memory_space<vmem>>, vector<1x1x16xf32>,
        %get3A_1108 = vector.shape_cast %get3A_1107 : vector<1x1x16xf32> to vector<16xf32>
        %add3A_1109 = arith.addf %add3A_1079, %get3A_1108 : vector<16xf32>
        %get3A_1110 = arith.constant 2 : i32
        %get3A_1111 = arith.index_cast %get3A_1110 : i32 to index
        %get3A_1112 = arith.index_cast %scan3A_1088 : i32 to index
        %get3A_1113 = arith.constant 48 : index
        %get3A_1114 = tpu.vector_load %arg6[%get3A_1111, %get3A_1112, %get3A_1113] {strides = array<i32>} : memref<4x200x64xf32, #tpu.memory_space<vmem>>, vector<1x1x16xf32>,
        %get3A_1115 = vector.shape_cast %get3A_1114 : vector<1x1x16xf32> to vector<16xf32>
        %add3A_1116 = arith.addf %add3A_1086, %get3A_1115 : vector<16xf32>
        %scan3A_1117 = arith.constant 5 : i32
        %scan3A_1118 = arith.addi %scan3A_965, %scan3A_1117 : i32
        %get3A_1119 = arith.constant 2 : i32
        %get3A_1120 = arith.index_cast %get3A_1119 : i32 to index
        %get3A_1121 = arith.index_cast %scan3A_1118 : i32 to index
        %get3A_1122 = arith.constant 0 : index
        %get3A_1123 = tpu.vector_load %arg6[%get3A_1120, %get3A_1121, %get3A_1122] {strides = array<i32>} : memref<4x200x64xf32, #tpu.memory_space<vmem>>, vector<1x1x16xf32>,
        %get3A_1124 = vector.shape_cast %get3A_1123 : vector<1x1x16xf32> to vector<16xf32>
        %add3A_1125 = arith.addf %add3A_1095, %get3A_1124 : vector<16xf32>
        %get3A_1126 = arith.constant 2 : i32
        %get3A_1127 = arith.index_cast %get3A_1126 : i32 to index
        %get3A_1128 = arith.index_cast %scan3A_1118 : i32 to index
        %get3A_1129 = arith.constant 16 : index
        %get3A_1130 = tpu.vector_load %arg6[%get3A_1127, %get3A_1128, %get3A_1129] {strides = array<i32>} : memref<4x200x64xf32, #tpu.memory_space<vmem>>, vector<1x1x16xf32>,
        %get3A_1131 = vector.shape_cast %get3A_1130 : vector<1x1x16xf32> to vector<16xf32>
        %add3A_1132 = arith.addf %add3A_1102, %get3A_1131 : vector<16xf32>
        %get3A_1133 = arith.constant 2 : i32
        %get3A_1134 = arith.index_cast %get3A_1133 : i32 to index
        %get3A_1135 = arith.index_cast %scan3A_1118 : i32 to index
        %get3A_1136 = arith.constant 32 : index
        %get3A_1137 = tpu.vector_load %arg6[%get3A_1134, %get3A_1135, %get3A_1136] {strides = array<i32>} : memref<4x200x64xf32, #tpu.memory_space<vmem>>, vector<1x1x16xf32>,
        %get3A_1138 = vector.shape_cast %get3A_1137 : vector<1x1x16xf32> to vector<16xf32>
        %add3A_1139 = arith.addf %add3A_1109, %get3A_1138 : vector<16xf32>
        %get3A_1140 = arith.constant 2 : i32
        %get3A_1141 = arith.index_cast %get3A_1140 : i32 to index
        %get3A_1142 = arith.index_cast %scan3A_1118 : i32 to index
        %get3A_1143 = arith.constant 48 : index
        %get3A_1144 = tpu.vector_load %arg6[%get3A_1141, %get3A_1142, %get3A_1143] {strides = array<i32>} : memref<4x200x64xf32, #tpu.memory_space<vmem>>, vector<1x1x16xf32>,
        %get3A_1145 = vector.shape_cast %get3A_1144 : vector<1x1x16xf32> to vector<16xf32>
        %add3A_1146 = arith.addf %add3A_1116, %get3A_1145 : vector<16xf32>
        %scan3A_1147 = arith.constant 6 : i32
        %scan3A_1148 = arith.addi %scan3A_965, %scan3A_1147 : i32
        %get3A_1149 = arith.constant 2 : i32
        %get3A_1150 = arith.index_cast %get3A_1149 : i32 to index
        %get3A_1151 = arith.index_cast %scan3A_1148 : i32 to index
        %get3A_1152 = arith.constant 0 : index
        %get3A_1153 = tpu.vector_load %arg6[%get3A_1150, %get3A_1151, %get3A_1152] {strides = array<i32>} : memref<4x200x64xf32, #tpu.memory_space<vmem>>, vector<1x1x16xf32>,
        %get3A_1154 = vector.shape_cast %get3A_1153 : vector<1x1x16xf32> to vector<16xf32>
        %add3A_1155 = arith.addf %add3A_1125, %get3A_1154 : vector<16xf32>
        %get3A_1156 = arith.constant 2 : i32
        %get3A_1157 = arith.index_cast %get3A_1156 : i32 to index
        %get3A_1158 = arith.index_cast %scan3A_1148 : i32 to index
        %get3A_1159 = arith.constant 16 : index
        %get3A_1160 = tpu.vector_load %arg6[%get3A_1157, %get3A_1158, %get3A_1159] {strides = array<i32>} : memref<4x200x64xf32, #tpu.memory_space<vmem>>, vector<1x1x16xf32>,
        %get3A_1161 = vector.shape_cast %get3A_1160 : vector<1x1x16xf32> to vector<16xf32>
        %add3A_1162 = arith.addf %add3A_1132, %get3A_1161 : vector<16xf32>
        %get3A_1163 = arith.constant 2 : i32
        %get3A_1164 = arith.index_cast %get3A_1163 : i32 to index
        %get3A_1165 = arith.index_cast %scan3A_1148 : i32 to index
        %get3A_1166 = arith.constant 32 : index
        %get3A_1167 = tpu.vector_load %arg6[%get3A_1164, %get3A_1165, %get3A_1166] {strides = array<i32>} : memref<4x200x64xf32, #tpu.memory_space<vmem>>, vector<1x1x16xf32>,
        %get3A_1168 = vector.shape_cast %get3A_1167 : vector<1x1x16xf32> to vector<16xf32>
        %add3A_1169 = arith.addf %add3A_1139, %get3A_1168 : vector<16xf32>
        %get3A_1170 = arith.constant 2 : i32
        %get3A_1171 = arith.index_cast %get3A_1170 : i32 to index
        %get3A_1172 = arith.index_cast %scan3A_1148 : i32 to index
        %get3A_1173 = arith.constant 48 : index
        %get3A_1174 = tpu.vector_load %arg6[%get3A_1171, %get3A_1172, %get3A_1173] {strides = array<i32>} : memref<4x200x64xf32, #tpu.memory_space<vmem>>, vector<1x1x16xf32>,
        %get3A_1175 = vector.shape_cast %get3A_1174 : vector<1x1x16xf32> to vector<16xf32>
        %add3A_1176 = arith.addf %add3A_1146, %get3A_1175 : vector<16xf32>
        %scan3A_1177 = arith.constant 7 : i32
        %scan3A_1178 = arith.addi %scan3A_965, %scan3A_1177 : i32
        %get3A_1179 = arith.constant 2 : i32
        %get3A_1180 = arith.index_cast %get3A_1179 : i32 to index
        %get3A_1181 = arith.index_cast %scan3A_1178 : i32 to index
        %get3A_1182 = arith.constant 0 : index
        %get3A_1183 = tpu.vector_load %arg6[%get3A_1180, %get3A_1181, %get3A_1182] {strides = array<i32>} : memref<4x200x64xf32, #tpu.memory_space<vmem>>, vector<1x1x16xf32>,
        %get3A_1184 = vector.shape_cast %get3A_1183 : vector<1x1x16xf32> to vector<16xf32>
        %add3A_1185 = arith.addf %add3A_1155, %get3A_1184 : vector<16xf32>
        %get3A_1186 = arith.constant 2 : i32
        %get3A_1187 = arith.index_cast %get3A_1186 : i32 to index
        %get3A_1188 = arith.index_cast %scan3A_1178 : i32 to index
        %get3A_1189 = arith.constant 16 : index
        %get3A_1190 = tpu.vector_load %arg6[%get3A_1187, %get3A_1188, %get3A_1189] {strides = array<i32>} : memref<4x200x64xf32, #tpu.memory_space<vmem>>, vector<1x1x16xf32>,
        %get3A_1191 = vector.shape_cast %get3A_1190 : vector<1x1x16xf32> to vector<16xf32>
        %add3A_1192 = arith.addf %add3A_1162, %get3A_1191 : vector<16xf32>
        %get3A_1193 = arith.constant 2 : i32
        %get3A_1194 = arith.index_cast %get3A_1193 : i32 to index
        %get3A_1195 = arith.index_cast %scan3A_1178 : i32 to index
        %get3A_1196 = arith.constant 32 : index
        %get3A_1197 = tpu.vector_load %arg6[%get3A_1194, %get3A_1195, %get3A_1196] {strides = array<i32>} : memref<4x200x64xf32, #tpu.memory_space<vmem>>, vector<1x1x16xf32>,
        %get3A_1198 = vector.shape_cast %get3A_1197 : vector<1x1x16xf32> to vector<16xf32>
        %add3A_1199 = arith.addf %add3A_1169, %get3A_1198 : vector<16xf32>
        %get3A_1200 = arith.constant 2 : i32
        %get3A_1201 = arith.index_cast %get3A_1200 : i32 to index
        %get3A_1202 = arith.index_cast %scan3A_1178 : i32 to index
        %get3A_1203 = arith.constant 48 : index
        %get3A_1204 = tpu.vector_load %arg6[%get3A_1201, %get3A_1202, %get3A_1203] {strides = array<i32>} : memref<4x200x64xf32, #tpu.memory_space<vmem>>, vector<1x1x16xf32>,
        %get3A_1205 = vector.shape_cast %get3A_1204 : vector<1x1x16xf32> to vector<16xf32>
        %add3A_1206 = arith.addf %add3A_1176, %get3A_1205 : vector<16xf32>
        scf.yield %add3A_1185, %add3A_1192, %add3A_1199, %add3A_1206 : vector<16xf32>, vector<16xf32>, vector<16xf32>, vector<16xf32>
      }
      %scan3A_830 = arith.constant 200 : i32
      %mul3A_831 = arith.constant 5.000000e-03 : f32
      %mul3A_832 = vector.broadcast %mul3A_831 : f32 to vector<16xf32>
      %mul3A_833 = arith.mulf %scan3A_829#0, %mul3A_832 : vector<16xf32>
      %swap3A_834 = arith.index_cast %add3A_764 : i32 to index
      %swap3A_835 = arith.constant 0 : index
      %swap3A_836 = tpu.vector_load %arg7[%swap3A_834, %swap3A_835] {strides = array<i32>} : memref<512x64xf32, #tpu.memory_space<vmem>>, vector<1x16xf32>,
      %swap3A_837 = vector.shape_cast %swap3A_836 : vector<1x16xf32> to vector<16xf32>
      %swap3A_838 = vector.shape_cast %mul3A_833 : vector<16xf32> to vector<1x16xf32>
      tpu.vector_store %arg7[%swap3A_834, %swap3A_835], %swap3A_838 {strides = array<i32>} : memref<512x64xf32, #tpu.memory_space<vmem>>, vector<1x16xf32>,
      %mul3A_839 = arith.constant 5.000000e-03 : f32
      %mul3A_840 = vector.broadcast %mul3A_839 : f32 to vector<16xf32>
      %mul3A_841 = arith.mulf %scan3A_829#1, %mul3A_840 : vector<16xf32>
      %swap3A_842 = arith.index_cast %add3A_764 : i32 to index
      %swap3A_843 = arith.constant 16 : index
      %swap3A_844 = tpu.vector_load %arg7[%swap3A_842, %swap3A_843] {strides = array<i32>} : memref<512x64xf32, #tpu.memory_space<vmem>>, vector<1x16xf32>,
      %swap3A_845 = vector.shape_cast %swap3A_844 : vector<1x16xf32> to vector<16xf32>
      %swap3A_846 = vector.shape_cast %mul3A_841 : vector<16xf32> to vector<1x16xf32>
      tpu.vector_store %arg7[%swap3A_842, %swap3A_843], %swap3A_846 {strides = array<i32>} : memref<512x64xf32, #tpu.memory_space<vmem>>, vector<1x16xf32>,
      %mul3A_847 = arith.constant 5.000000e-03 : f32
      %mul3A_848 = vector.broadcast %mul3A_847 : f32 to vector<16xf32>
      %mul3A_849 = arith.mulf %scan3A_829#2, %mul3A_848 : vector<16xf32>
      %swap3A_850 = arith.index_cast %add3A_764 : i32 to index
      %swap3A_851 = arith.constant 32 : index
      %swap3A_852 = tpu.vector_load %arg7[%swap3A_850, %swap3A_851] {strides = array<i32>} : memref<512x64xf32, #tpu.memory_space<vmem>>, vector<1x16xf32>,
      %swap3A_853 = vector.shape_cast %swap3A_852 : vector<1x16xf32> to vector<16xf32>
      %swap3A_854 = vector.shape_cast %mul3A_849 : vector<16xf32> to vector<1x16xf32>
      tpu.vector_store %arg7[%swap3A_850, %swap3A_851], %swap3A_854 {strides = array<i32>} : memref<512x64xf32, #tpu.memory_space<vmem>>, vector<1x16xf32>,
      %mul3A_855 = arith.constant 5.000000e-03 : f32
      %mul3A_856 = vector.broadcast %mul3A_855 : f32 to vector<16xf32>
      %mul3A_857 = arith.mulf %scan3A_829#3, %mul3A_856 : vector<16xf32>
      %swap3A_858 = arith.index_cast %add3A_764 : i32 to index
      %swap3A_859 = arith.constant 48 : index
      %swap3A_860 = tpu.vector_load %arg7[%swap3A_858, %swap3A_859] {strides = array<i32>} : memref<512x64xf32, #tpu.memory_space<vmem>>, vector<1x16xf32>,
      %swap3A_861 = vector.shape_cast %swap3A_860 : vector<1x16xf32> to vector<16xf32>
      %swap3A_862 = vector.shape_cast %mul3A_857 : vector<16xf32> to vector<1x16xf32>
      tpu.vector_store %arg7[%swap3A_858, %swap3A_859], %swap3A_862 {strides = array<i32>} : memref<512x64xf32, #tpu.memory_space<vmem>>, vector<1x16xf32>,
      %mul3A_863 = arith.constant 8 : i32
      %mul3A_864 = arith.muli %scan3A_154, %mul3A_863 : i32
      %add3A_865 = arith.constant 7 : i32
      %add3A_866 = arith.addi %mul3A_864, %add3A_865 : i32
      %lt3A_867 = arith.constant 509 : i32
      %lt3A_868 = arith.cmpi slt, %add3A_866, %lt3A_867 : i32
      %convert_element_type3A_869 = arith.extui %lt3A_868 : i1 to i32
      %cond3A_870 = arith.constant 0 : i32
      %cond3A_871 = arith.cmpi ne, %convert_element_type3A_869, %cond3A_870 : i32
      scf.if %cond3A_871 {
        %dma_wait3A_965 = arith.constant 2 : i32
        %dma_wait3A_966 = arith.constant 0 : i32
        %dma_wait3A_967 = tpu.memref_slice %arg5[%dma_wait3A_965, %dma_wait3A_966] : memref<8x200xi32, #tpu.memory_space<vmem>> -> memref<1x200xi32, #tpu.memory_space<vmem>>
        %dma_wait3A_968 = tpu.memref_squeeze %dma_wait3A_967 : memref<1x200xi32, #tpu.memory_space<vmem>> -> memref<200xi32, #tpu.memory_space<vmem>>
        %dma_wait3A_969 = arith.constant 0 : i32
        %dma_wait3A_970 = tpu.memref_slice %arg2[%dma_wait3A_969] : memref<3276800xi32, #tpu.memory_space<hbm>> -> memref<200xi32, #tpu.memory_space<hbm>>
        %dma_wait3A_971 = arith.constant 0 : i32
        %dma_wait3A_972 = tpu.memref_slice %arg5[%dma_wait3A_965, %dma_wait3A_971] : memref<8x200xi32, #tpu.memory_space<vmem>> -> memref<1x200xi32, #tpu.memory_space<vmem>>
        %dma_wait3A_973 = tpu.memref_squeeze %dma_wait3A_972 : memref<1x200xi32, #tpu.memory_space<vmem>> -> memref<200xi32, #tpu.memory_space<vmem>>
        %dma_wait3A_974 = arith.constant 0 : i32
        %dma_wait3A_975 = tpu.memref_slice %arg2[%dma_wait3A_974] : memref<3276800xi32, #tpu.memory_space<hbm>> -> memref<200xi32, #tpu.memory_space<hbm>>
        tpu.wait_dma2 semaphore(%arg9 : memref<!tpu.dma_semaphore, #tpu.memory_space<semaphore_mem>>) src(%dma_wait3A_975 : memref<200xi32, #tpu.memory_space<hbm>>) dst(%dma_wait3A_973 : memref<200xi32, #tpu.memory_space<vmem>>)
        %dma_start3A_976 = arith.constant 2 : i32
        %dma_start3A_977 = arith.constant 2 : i32
        %dma_start3A_978 = arith.constant 0 : i32
        %dma_start3A_979 = arith.constant 0 : i32
        %dma_start3A_980 = tpu.memref_slice %arg6[%dma_start3A_977, %dma_start3A_978, %dma_start3A_979] : memref<4x200x64xf32, #tpu.memory_space<vmem>> -> memref<1x200x64xf32, #tpu.memory_space<vmem>>
        %dma_start3A_981 = tpu.memref_squeeze %dma_start3A_980 : memref<1x200x64xf32, #tpu.memory_space<vmem>> -> memref<200x64xf32, #tpu.memory_space<vmem>>
        %dma_start3A_982 = arith.constant 0 : i32
        %dma_start3A_983 = arith.constant 0 : i32
        %dma_start3A_984 = tpu.memref_slice %dma_start3A_981[%dma_start3A_982, %dma_start3A_983] : memref<200x64xf32, #tpu.memory_space<vmem>> -> memref<128x64xf32, #tpu.memory_space<vmem>>
        %dma_start3A_985 = arith.constant 0 : i32
        %dma_start3A_986 = tpu.memref_slice %arg5[%dma_start3A_976, %dma_start3A_985] : memref<8x200xi32, #tpu.memory_space<vmem>> -> memref<1x200xi32, #tpu.memory_space<vmem>>
        %dma_start3A_987 = tpu.memref_squeeze %dma_start3A_986 : memref<1x200xi32, #tpu.memory_space<vmem>> -> memref<200xi32, #tpu.memory_space<vmem>>
        %dma_start3A_988 = arith.constant 0 : i32
        %dma_start3A_989 = tpu.memref_slice %dma_start3A_987[%dma_start3A_988] : memref<200xi32, #tpu.memory_space<vmem>> -> memref<128xi32, #tpu.memory_space<vmem>>
        %dma_start3A_990 = arith.constant 0 : i32
        %dma_start3A_991 = arith.constant 0 : i32
        %dma_start3A_992 = tpu.memref_slice %arg3[%dma_start3A_990, %dma_start3A_991] : memref<1000000x64xf32, #tpu.memory_space<hbm>> -> memref<1000000x64xf32, #tpu.memory_space<hbm>>
        tpu.enqueue_indirect_dma source(%dma_start3A_992 : memref<1000000x64xf32, #tpu.memory_space<hbm>>) target(%dma_start3A_984 : memref<128x64xf32, #tpu.memory_space<vmem>>) offsets(%dma_start3A_989 : memref<128xi32, #tpu.memory_space<vmem>>) semaphore(%arg8 : memref<!tpu.dma_semaphore, #tpu.memory_space<semaphore_mem>>)
        %dma_start3A_993 = arith.constant 2 : i32
        %dma_start3A_994 = arith.constant 2 : i32
        %dma_start3A_995 = arith.constant 0 : i32
        %dma_start3A_996 = arith.constant 0 : i32
        %dma_start3A_997 = tpu.memref_slice %arg6[%dma_start3A_994, %dma_start3A_995, %dma_start3A_996] : memref<4x200x64xf32, #tpu.memory_space<vmem>> -> memref<1x200x64xf32, #tpu.memory_space<vmem>>
        %dma_start3A_998 = tpu.memref_squeeze %dma_start3A_997 : memref<1x200x64xf32, #tpu.memory_space<vmem>> -> memref<200x64xf32, #tpu.memory_space<vmem>>
        %dma_start3A_999 = arith.constant 128 : i32
        %dma_start3A_1000 = arith.constant 0 : i32
        %dma_start3A_1001 = tpu.memref_slice %dma_start3A_998[%dma_start3A_999, %dma_start3A_1000] : memref<200x64xf32, #tpu.memory_space<vmem>> -> memref<72x64xf32, #tpu.memory_space<vmem>>
        %dma_start3A_1002 = arith.constant 0 : i32
        %dma_start3A_1003 = tpu.memref_slice %arg5[%dma_start3A_993, %dma_start3A_1002] : memref<8x200xi32, #tpu.memory_space<vmem>> -> memref<1x200xi32, #tpu.memory_space<vmem>>
        %dma_start3A_1004 = tpu.memref_squeeze %dma_start3A_1003 : memref<1x200xi32, #tpu.memory_space<vmem>> -> memref<200xi32, #tpu.memory_space<vmem>>
        %dma_start3A_1005 = arith.constant 128 : i32
        %dma_start3A_1006 = tpu.memref_slice %dma_start3A_1004[%dma_start3A_1005] : memref<200xi32, #tpu.memory_space<vmem>> -> memref<72xi32, #tpu.memory_space<vmem>>
        %dma_start3A_1007 = arith.constant 0 : i32
        %dma_start3A_1008 = arith.constant 0 : i32
        %dma_start3A_1009 = tpu.memref_slice %arg3[%dma_start3A_1007, %dma_start3A_1008] : memref<1000000x64xf32, #tpu.memory_space<hbm>> -> memref<1000000x64xf32, #tpu.memory_space<hbm>>
        tpu.enqueue_indirect_dma source(%dma_start3A_1009 : memref<1000000x64xf32, #tpu.memory_space<hbm>>) target(%dma_start3A_1001 : memref<72x64xf32, #tpu.memory_space<vmem>>) offsets(%dma_start3A_1006 : memref<72xi32, #tpu.memory_space<vmem>>) semaphore(%arg8 : memref<!tpu.dma_semaphore, #tpu.memory_space<semaphore_mem>>)
      } else {
      }
      %lt3A_872 = arith.constant 506 : i32
      %lt3A_873 = arith.cmpi slt, %add3A_866, %lt3A_872 : i32
      %convert_element_type3A_874 = arith.extui %lt3A_873 : i1 to i32
      %cond3A_875 = arith.constant 0 : i32
      %cond3A_876 = arith.cmpi ne, %convert_element_type3A_874, %cond3A_875 : i32
      scf.if %cond3A_876 {
        %add3A_965 = arith.constant 6 : i32
        %add3A_966 = arith.addi %add3A_866, %add3A_965 : i32
        %mul3A_967 = arith.constant 200 : i32
        %mul3A_968 = arith.muli %add3A_966, %mul3A_967 : i32
        %add3A_969 = arith.addi %mul3A_4, %mul3A_968 : i32
        %dma_start3A_970 = arith.constant 5 : i32
        %dma_start3A_971 = arith.constant 0 : i32
        %dma_start3A_972 = tpu.memref_slice %arg5[%dma_start3A_970, %dma_start3A_971] : memref<8x200xi32, #tpu.memory_space<vmem>> -> memref<1x200xi32, #tpu.memory_space<vmem>>
        %dma_start3A_973 = tpu.memref_squeeze %dma_start3A_972 : memref<1x200xi32, #tpu.memory_space<vmem>> -> memref<200xi32, #tpu.memory_space<vmem>>
        %dma_start3A_974 = tpu.memref_slice %arg2[%add3A_969] : memref<3276800xi32, #tpu.memory_space<hbm>> -> memref<200xi32, #tpu.memory_space<hbm>>
        %dma_start3A_975 = arith.constant 0 : i32
        %dma_start3A_976 = tpu.memref_slice %arg5[%dma_start3A_970, %dma_start3A_975] : memref<8x200xi32, #tpu.memory_space<vmem>> -> memref<1x200xi32, #tpu.memory_space<vmem>>
        %dma_start3A_977 = tpu.memref_squeeze %dma_start3A_976 : memref<1x200xi32, #tpu.memory_space<vmem>> -> memref<200xi32, #tpu.memory_space<vmem>>
        %dma_start3A_978 = tpu.memref_slice %arg2[%add3A_969] : memref<3276800xi32, #tpu.memory_space<hbm>> -> memref<200xi32, #tpu.memory_space<hbm>>
        tpu.enqueue_dma source(%dma_start3A_978 : memref<200xi32, #tpu.memory_space<hbm>>) target(%dma_start3A_977 : memref<200xi32, #tpu.memory_space<vmem>>) target_semaphore(%arg9 : memref<!tpu.dma_semaphore, #tpu.memory_space<semaphore_mem>>)
      } else {
      }
      %dma_wait3A_877 = arith.constant 3 : i32
      %dma_wait3A_878 = arith.constant 0 : i32
      %dma_wait3A_879 = arith.constant 0 : i32
      %dma_wait3A_880 = tpu.memref_slice %arg6[%dma_wait3A_877, %dma_wait3A_878, %dma_wait3A_879] : memref<4x200x64xf32, #tpu.memory_space<vmem>> -> memref<1x200x64xf32, #tpu.memory_space<vmem>>
      %dma_wait3A_881 = tpu.memref_squeeze %dma_wait3A_880 : memref<1x200x64xf32, #tpu.memory_space<vmem>> -> memref<200x64xf32, #tpu.memory_space<vmem>>
      %dma_wait3A_882 = arith.constant 0 : i32
      %dma_wait3A_883 = arith.constant 0 : i32
      %dma_wait3A_884 = tpu.memref_slice %dma_wait3A_881[%dma_wait3A_882, %dma_wait3A_883] : memref<200x64xf32, #tpu.memory_space<vmem>> -> memref<128x64xf32, #tpu.memory_space<vmem>>
      %dma_wait3A_885 = arith.constant 0 : i32
      %dma_wait3A_886 = arith.constant 0 : i32
      %dma_wait3A_887 = tpu.memref_slice %arg3[%dma_wait3A_885, %dma_wait3A_886] : memref<1000000x64xf32, #tpu.memory_space<hbm>> -> memref<128x64xf32, #tpu.memory_space<hbm>>
      %dma_wait3A_888 = arith.constant 0 : i32
      %dma_wait3A_889 = arith.constant 0 : i32
      %dma_wait3A_890 = tpu.memref_slice %arg6[%dma_wait3A_877, %dma_wait3A_888, %dma_wait3A_889] : memref<4x200x64xf32, #tpu.memory_space<vmem>> -> memref<1x200x64xf32, #tpu.memory_space<vmem>>
      %dma_wait3A_891 = tpu.memref_squeeze %dma_wait3A_890 : memref<1x200x64xf32, #tpu.memory_space<vmem>> -> memref<200x64xf32, #tpu.memory_space<vmem>>
      %dma_wait3A_892 = arith.constant 0 : i32
      %dma_wait3A_893 = arith.constant 0 : i32
      %dma_wait3A_894 = tpu.memref_slice %dma_wait3A_891[%dma_wait3A_892, %dma_wait3A_893] : memref<200x64xf32, #tpu.memory_space<vmem>> -> memref<128x64xf32, #tpu.memory_space<vmem>>
      %dma_wait3A_895 = arith.constant 0 : i32
      %dma_wait3A_896 = arith.constant 0 : i32
      %dma_wait3A_897 = tpu.memref_slice %arg3[%dma_wait3A_895, %dma_wait3A_896] : memref<1000000x64xf32, #tpu.memory_space<hbm>> -> memref<128x64xf32, #tpu.memory_space<hbm>>
      tpu.wait_dma2 semaphore(%arg8 : memref<!tpu.dma_semaphore, #tpu.memory_space<semaphore_mem>>) src(%dma_wait3A_897 : memref<128x64xf32, #tpu.memory_space<hbm>>) dst(%dma_wait3A_894 : memref<128x64xf32, #tpu.memory_space<vmem>>)
      %dma_wait3A_898 = arith.constant 3 : i32
      %dma_wait3A_899 = arith.constant 0 : i32
      %dma_wait3A_900 = arith.constant 0 : i32
      %dma_wait3A_901 = tpu.memref_slice %arg6[%dma_wait3A_898, %dma_wait3A_899, %dma_wait3A_900] : memref<4x200x64xf32, #tpu.memory_space<vmem>> -> memref<1x200x64xf32, #tpu.memory_space<vmem>>
      %dma_wait3A_902 = tpu.memref_squeeze %dma_wait3A_901 : memref<1x200x64xf32, #tpu.memory_space<vmem>> -> memref<200x64xf32, #tpu.memory_space<vmem>>
      %dma_wait3A_903 = arith.constant 128 : i32
      %dma_wait3A_904 = arith.constant 0 : i32
      %dma_wait3A_905 = tpu.memref_slice %dma_wait3A_902[%dma_wait3A_903, %dma_wait3A_904] : memref<200x64xf32, #tpu.memory_space<vmem>> -> memref<72x64xf32, #tpu.memory_space<vmem>>
      %dma_wait3A_906 = arith.constant 0 : i32
      %dma_wait3A_907 = arith.constant 0 : i32
      %dma_wait3A_908 = tpu.memref_slice %arg3[%dma_wait3A_906, %dma_wait3A_907] : memref<1000000x64xf32, #tpu.memory_space<hbm>> -> memref<72x64xf32, #tpu.memory_space<hbm>>
      %dma_wait3A_909 = arith.constant 0 : i32
      %dma_wait3A_910 = arith.constant 0 : i32
      %dma_wait3A_911 = tpu.memref_slice %arg6[%dma_wait3A_898, %dma_wait3A_909, %dma_wait3A_910] : memref<4x200x64xf32, #tpu.memory_space<vmem>> -> memref<1x200x64xf32, #tpu.memory_space<vmem>>
      %dma_wait3A_912 = tpu.memref_squeeze %dma_wait3A_911 : memref<1x200x64xf32, #tpu.memory_space<vmem>> -> memref<200x64xf32, #tpu.memory_space<vmem>>
      %dma_wait3A_913 = arith.constant 128 : i32
      %dma_wait3A_914 = arith.constant 0 : i32
      %dma_wait3A_915 = tpu.memref_slice %dma_wait3A_912[%dma_wait3A_913, %dma_wait3A_914] : memref<200x64xf32, #tpu.memory_space<vmem>> -> memref<72x64xf32, #tpu.memory_space<vmem>>
      %dma_wait3A_916 = arith.constant 0 : i32
      %dma_wait3A_917 = arith.constant 0 : i32
      %dma_wait3A_918 = tpu.memref_slice %arg3[%dma_wait3A_916, %dma_wait3A_917] : memref<1000000x64xf32, #tpu.memory_space<hbm>> -> memref<72x64xf32, #tpu.memory_space<hbm>>
      tpu.wait_dma2 semaphore(%arg8 : memref<!tpu.dma_semaphore, #tpu.memory_space<semaphore_mem>>) src(%dma_wait3A_918 : memref<72x64xf32, #tpu.memory_space<hbm>>) dst(%dma_wait3A_915 : memref<72x64xf32, #tpu.memory_space<vmem>>)
      %broadcast_in_dim3A_919 = arith.constant 0.000000e+00 : f32
      %broadcast_in_dim3A_920 = vector.broadcast %broadcast_in_dim3A_919 : f32 to vector<16xf32>
      %broadcast_in_dim3A_921 = arith.constant 0.000000e+00 : f32
      %broadcast_in_dim3A_922 = vector.broadcast %broadcast_in_dim3A_921 : f32 to vector<16xf32>
      %broadcast_in_dim3A_923 = arith.constant 0.000000e+00 : f32
      %broadcast_in_dim3A_924 = vector.broadcast %broadcast_in_dim3A_923 : f32 to vector<16xf32>
      %broadcast_in_dim3A_925 = arith.constant 0.000000e+00 : f32
      %broadcast_in_dim3A_926 = vector.broadcast %broadcast_in_dim3A_925 : f32 to vector<16xf32>
      %scan3A_927 = arith.constant 0 : i32
      %scan3A_928 = arith.constant 200 : i32
      %scan3A_929 = arith.addi %scan3A_927, %scan3A_928 : i32
      %scan3A_930 = arith.constant 8 : i32
      %scan3A_931:4 = scf.for %scan3A_965 = %scan3A_927 to %scan3A_929 step %scan3A_930 iter_args(%scan3A_966 = %broadcast_in_dim3A_920, %scan3A_967 = %broadcast_in_dim3A_922, %scan3A_968 = %broadcast_in_dim3A_924, %scan3A_969 = %broadcast_in_dim3A_926) -> (vector<16xf32>, vector<16xf32>, vector<16xf32>, vector<16xf32>)  : i32 {
        %get3A = arith.constant 3 : i32
        %get3A_970 = arith.index_cast %get3A : i32 to index
        %get3A_971 = arith.index_cast %scan3A_965 : i32 to index
        %get3A_972 = arith.constant 0 : index
        %get3A_973 = tpu.vector_load %arg6[%get3A_970, %get3A_971, %get3A_972] {strides = array<i32>} : memref<4x200x64xf32, #tpu.memory_space<vmem>>, vector<1x1x16xf32>,
        %get3A_974 = vector.shape_cast %get3A_973 : vector<1x1x16xf32> to vector<16xf32>
        %add3A_975 = arith.addf %scan3A_966, %get3A_974 : vector<16xf32>
        %get3A_976 = arith.constant 3 : i32
        %get3A_977 = arith.index_cast %get3A_976 : i32 to index
        %get3A_978 = arith.index_cast %scan3A_965 : i32 to index
        %get3A_979 = arith.constant 16 : index
        %get3A_980 = tpu.vector_load %arg6[%get3A_977, %get3A_978, %get3A_979] {strides = array<i32>} : memref<4x200x64xf32, #tpu.memory_space<vmem>>, vector<1x1x16xf32>,
        %get3A_981 = vector.shape_cast %get3A_980 : vector<1x1x16xf32> to vector<16xf32>
        %add3A_982 = arith.addf %scan3A_967, %get3A_981 : vector<16xf32>
        %get3A_983 = arith.constant 3 : i32
        %get3A_984 = arith.index_cast %get3A_983 : i32 to index
        %get3A_985 = arith.index_cast %scan3A_965 : i32 to index
        %get3A_986 = arith.constant 32 : index
        %get3A_987 = tpu.vector_load %arg6[%get3A_984, %get3A_985, %get3A_986] {strides = array<i32>} : memref<4x200x64xf32, #tpu.memory_space<vmem>>, vector<1x1x16xf32>,
        %get3A_988 = vector.shape_cast %get3A_987 : vector<1x1x16xf32> to vector<16xf32>
        %add3A_989 = arith.addf %scan3A_968, %get3A_988 : vector<16xf32>
        %get3A_990 = arith.constant 3 : i32
        %get3A_991 = arith.index_cast %get3A_990 : i32 to index
        %get3A_992 = arith.index_cast %scan3A_965 : i32 to index
        %get3A_993 = arith.constant 48 : index
        %get3A_994 = tpu.vector_load %arg6[%get3A_991, %get3A_992, %get3A_993] {strides = array<i32>} : memref<4x200x64xf32, #tpu.memory_space<vmem>>, vector<1x1x16xf32>,
        %get3A_995 = vector.shape_cast %get3A_994 : vector<1x1x16xf32> to vector<16xf32>
        %add3A_996 = arith.addf %scan3A_969, %get3A_995 : vector<16xf32>
        %scan3A_997 = arith.constant 1 : i32
        %scan3A_998 = arith.addi %scan3A_965, %scan3A_997 : i32
        %get3A_999 = arith.constant 3 : i32
        %get3A_1000 = arith.index_cast %get3A_999 : i32 to index
        %get3A_1001 = arith.index_cast %scan3A_998 : i32 to index
        %get3A_1002 = arith.constant 0 : index
        %get3A_1003 = tpu.vector_load %arg6[%get3A_1000, %get3A_1001, %get3A_1002] {strides = array<i32>} : memref<4x200x64xf32, #tpu.memory_space<vmem>>, vector<1x1x16xf32>,
        %get3A_1004 = vector.shape_cast %get3A_1003 : vector<1x1x16xf32> to vector<16xf32>
        %add3A_1005 = arith.addf %add3A_975, %get3A_1004 : vector<16xf32>
        %get3A_1006 = arith.constant 3 : i32
        %get3A_1007 = arith.index_cast %get3A_1006 : i32 to index
        %get3A_1008 = arith.index_cast %scan3A_998 : i32 to index
        %get3A_1009 = arith.constant 16 : index
        %get3A_1010 = tpu.vector_load %arg6[%get3A_1007, %get3A_1008, %get3A_1009] {strides = array<i32>} : memref<4x200x64xf32, #tpu.memory_space<vmem>>, vector<1x1x16xf32>,
        %get3A_1011 = vector.shape_cast %get3A_1010 : vector<1x1x16xf32> to vector<16xf32>
        %add3A_1012 = arith.addf %add3A_982, %get3A_1011 : vector<16xf32>
        %get3A_1013 = arith.constant 3 : i32
        %get3A_1014 = arith.index_cast %get3A_1013 : i32 to index
        %get3A_1015 = arith.index_cast %scan3A_998 : i32 to index
        %get3A_1016 = arith.constant 32 : index
        %get3A_1017 = tpu.vector_load %arg6[%get3A_1014, %get3A_1015, %get3A_1016] {strides = array<i32>} : memref<4x200x64xf32, #tpu.memory_space<vmem>>, vector<1x1x16xf32>,
        %get3A_1018 = vector.shape_cast %get3A_1017 : vector<1x1x16xf32> to vector<16xf32>
        %add3A_1019 = arith.addf %add3A_989, %get3A_1018 : vector<16xf32>
        %get3A_1020 = arith.constant 3 : i32
        %get3A_1021 = arith.index_cast %get3A_1020 : i32 to index
        %get3A_1022 = arith.index_cast %scan3A_998 : i32 to index
        %get3A_1023 = arith.constant 48 : index
        %get3A_1024 = tpu.vector_load %arg6[%get3A_1021, %get3A_1022, %get3A_1023] {strides = array<i32>} : memref<4x200x64xf32, #tpu.memory_space<vmem>>, vector<1x1x16xf32>,
        %get3A_1025 = vector.shape_cast %get3A_1024 : vector<1x1x16xf32> to vector<16xf32>
        %add3A_1026 = arith.addf %add3A_996, %get3A_1025 : vector<16xf32>
        %scan3A_1027 = arith.constant 2 : i32
        %scan3A_1028 = arith.addi %scan3A_965, %scan3A_1027 : i32
        %get3A_1029 = arith.constant 3 : i32
        %get3A_1030 = arith.index_cast %get3A_1029 : i32 to index
        %get3A_1031 = arith.index_cast %scan3A_1028 : i32 to index
        %get3A_1032 = arith.constant 0 : index
        %get3A_1033 = tpu.vector_load %arg6[%get3A_1030, %get3A_1031, %get3A_1032] {strides = array<i32>} : memref<4x200x64xf32, #tpu.memory_space<vmem>>, vector<1x1x16xf32>,
        %get3A_1034 = vector.shape_cast %get3A_1033 : vector<1x1x16xf32> to vector<16xf32>
        %add3A_1035 = arith.addf %add3A_1005, %get3A_1034 : vector<16xf32>
        %get3A_1036 = arith.constant 3 : i32
        %get3A_1037 = arith.index_cast %get3A_1036 : i32 to index
        %get3A_1038 = arith.index_cast %scan3A_1028 : i32 to index
        %get3A_1039 = arith.constant 16 : index
        %get3A_1040 = tpu.vector_load %arg6[%get3A_1037, %get3A_1038, %get3A_1039] {strides = array<i32>} : memref<4x200x64xf32, #tpu.memory_space<vmem>>, vector<1x1x16xf32>,
        %get3A_1041 = vector.shape_cast %get3A_1040 : vector<1x1x16xf32> to vector<16xf32>
        %add3A_1042 = arith.addf %add3A_1012, %get3A_1041 : vector<16xf32>
        %get3A_1043 = arith.constant 3 : i32
        %get3A_1044 = arith.index_cast %get3A_1043 : i32 to index
        %get3A_1045 = arith.index_cast %scan3A_1028 : i32 to index
        %get3A_1046 = arith.constant 32 : index
        %get3A_1047 = tpu.vector_load %arg6[%get3A_1044, %get3A_1045, %get3A_1046] {strides = array<i32>} : memref<4x200x64xf32, #tpu.memory_space<vmem>>, vector<1x1x16xf32>,
        %get3A_1048 = vector.shape_cast %get3A_1047 : vector<1x1x16xf32> to vector<16xf32>
        %add3A_1049 = arith.addf %add3A_1019, %get3A_1048 : vector<16xf32>
        %get3A_1050 = arith.constant 3 : i32
        %get3A_1051 = arith.index_cast %get3A_1050 : i32 to index
        %get3A_1052 = arith.index_cast %scan3A_1028 : i32 to index
        %get3A_1053 = arith.constant 48 : index
        %get3A_1054 = tpu.vector_load %arg6[%get3A_1051, %get3A_1052, %get3A_1053] {strides = array<i32>} : memref<4x200x64xf32, #tpu.memory_space<vmem>>, vector<1x1x16xf32>,
        %get3A_1055 = vector.shape_cast %get3A_1054 : vector<1x1x16xf32> to vector<16xf32>
        %add3A_1056 = arith.addf %add3A_1026, %get3A_1055 : vector<16xf32>
        %scan3A_1057 = arith.constant 3 : i32
        %scan3A_1058 = arith.addi %scan3A_965, %scan3A_1057 : i32
        %get3A_1059 = arith.constant 3 : i32
        %get3A_1060 = arith.index_cast %get3A_1059 : i32 to index
        %get3A_1061 = arith.index_cast %scan3A_1058 : i32 to index
        %get3A_1062 = arith.constant 0 : index
        %get3A_1063 = tpu.vector_load %arg6[%get3A_1060, %get3A_1061, %get3A_1062] {strides = array<i32>} : memref<4x200x64xf32, #tpu.memory_space<vmem>>, vector<1x1x16xf32>,
        %get3A_1064 = vector.shape_cast %get3A_1063 : vector<1x1x16xf32> to vector<16xf32>
        %add3A_1065 = arith.addf %add3A_1035, %get3A_1064 : vector<16xf32>
        %get3A_1066 = arith.constant 3 : i32
        %get3A_1067 = arith.index_cast %get3A_1066 : i32 to index
        %get3A_1068 = arith.index_cast %scan3A_1058 : i32 to index
        %get3A_1069 = arith.constant 16 : index
        %get3A_1070 = tpu.vector_load %arg6[%get3A_1067, %get3A_1068, %get3A_1069] {strides = array<i32>} : memref<4x200x64xf32, #tpu.memory_space<vmem>>, vector<1x1x16xf32>,
        %get3A_1071 = vector.shape_cast %get3A_1070 : vector<1x1x16xf32> to vector<16xf32>
        %add3A_1072 = arith.addf %add3A_1042, %get3A_1071 : vector<16xf32>
        %get3A_1073 = arith.constant 3 : i32
        %get3A_1074 = arith.index_cast %get3A_1073 : i32 to index
        %get3A_1075 = arith.index_cast %scan3A_1058 : i32 to index
        %get3A_1076 = arith.constant 32 : index
        %get3A_1077 = tpu.vector_load %arg6[%get3A_1074, %get3A_1075, %get3A_1076] {strides = array<i32>} : memref<4x200x64xf32, #tpu.memory_space<vmem>>, vector<1x1x16xf32>,
        %get3A_1078 = vector.shape_cast %get3A_1077 : vector<1x1x16xf32> to vector<16xf32>
        %add3A_1079 = arith.addf %add3A_1049, %get3A_1078 : vector<16xf32>
        %get3A_1080 = arith.constant 3 : i32
        %get3A_1081 = arith.index_cast %get3A_1080 : i32 to index
        %get3A_1082 = arith.index_cast %scan3A_1058 : i32 to index
        %get3A_1083 = arith.constant 48 : index
        %get3A_1084 = tpu.vector_load %arg6[%get3A_1081, %get3A_1082, %get3A_1083] {strides = array<i32>} : memref<4x200x64xf32, #tpu.memory_space<vmem>>, vector<1x1x16xf32>,
        %get3A_1085 = vector.shape_cast %get3A_1084 : vector<1x1x16xf32> to vector<16xf32>
        %add3A_1086 = arith.addf %add3A_1056, %get3A_1085 : vector<16xf32>
        %scan3A_1087 = arith.constant 4 : i32
        %scan3A_1088 = arith.addi %scan3A_965, %scan3A_1087 : i32
        %get3A_1089 = arith.constant 3 : i32
        %get3A_1090 = arith.index_cast %get3A_1089 : i32 to index
        %get3A_1091 = arith.index_cast %scan3A_1088 : i32 to index
        %get3A_1092 = arith.constant 0 : index
        %get3A_1093 = tpu.vector_load %arg6[%get3A_1090, %get3A_1091, %get3A_1092] {strides = array<i32>} : memref<4x200x64xf32, #tpu.memory_space<vmem>>, vector<1x1x16xf32>,
        %get3A_1094 = vector.shape_cast %get3A_1093 : vector<1x1x16xf32> to vector<16xf32>
        %add3A_1095 = arith.addf %add3A_1065, %get3A_1094 : vector<16xf32>
        %get3A_1096 = arith.constant 3 : i32
        %get3A_1097 = arith.index_cast %get3A_1096 : i32 to index
        %get3A_1098 = arith.index_cast %scan3A_1088 : i32 to index
        %get3A_1099 = arith.constant 16 : index
        %get3A_1100 = tpu.vector_load %arg6[%get3A_1097, %get3A_1098, %get3A_1099] {strides = array<i32>} : memref<4x200x64xf32, #tpu.memory_space<vmem>>, vector<1x1x16xf32>,
        %get3A_1101 = vector.shape_cast %get3A_1100 : vector<1x1x16xf32> to vector<16xf32>
        %add3A_1102 = arith.addf %add3A_1072, %get3A_1101 : vector<16xf32>
        %get3A_1103 = arith.constant 3 : i32
        %get3A_1104 = arith.index_cast %get3A_1103 : i32 to index
        %get3A_1105 = arith.index_cast %scan3A_1088 : i32 to index
        %get3A_1106 = arith.constant 32 : index
        %get3A_1107 = tpu.vector_load %arg6[%get3A_1104, %get3A_1105, %get3A_1106] {strides = array<i32>} : memref<4x200x64xf32, #tpu.memory_space<vmem>>, vector<1x1x16xf32>,
        %get3A_1108 = vector.shape_cast %get3A_1107 : vector<1x1x16xf32> to vector<16xf32>
        %add3A_1109 = arith.addf %add3A_1079, %get3A_1108 : vector<16xf32>
        %get3A_1110 = arith.constant 3 : i32
        %get3A_1111 = arith.index_cast %get3A_1110 : i32 to index
        %get3A_1112 = arith.index_cast %scan3A_1088 : i32 to index
        %get3A_1113 = arith.constant 48 : index
        %get3A_1114 = tpu.vector_load %arg6[%get3A_1111, %get3A_1112, %get3A_1113] {strides = array<i32>} : memref<4x200x64xf32, #tpu.memory_space<vmem>>, vector<1x1x16xf32>,
        %get3A_1115 = vector.shape_cast %get3A_1114 : vector<1x1x16xf32> to vector<16xf32>
        %add3A_1116 = arith.addf %add3A_1086, %get3A_1115 : vector<16xf32>
        %scan3A_1117 = arith.constant 5 : i32
        %scan3A_1118 = arith.addi %scan3A_965, %scan3A_1117 : i32
        %get3A_1119 = arith.constant 3 : i32
        %get3A_1120 = arith.index_cast %get3A_1119 : i32 to index
        %get3A_1121 = arith.index_cast %scan3A_1118 : i32 to index
        %get3A_1122 = arith.constant 0 : index
        %get3A_1123 = tpu.vector_load %arg6[%get3A_1120, %get3A_1121, %get3A_1122] {strides = array<i32>} : memref<4x200x64xf32, #tpu.memory_space<vmem>>, vector<1x1x16xf32>,
        %get3A_1124 = vector.shape_cast %get3A_1123 : vector<1x1x16xf32> to vector<16xf32>
        %add3A_1125 = arith.addf %add3A_1095, %get3A_1124 : vector<16xf32>
        %get3A_1126 = arith.constant 3 : i32
        %get3A_1127 = arith.index_cast %get3A_1126 : i32 to index
        %get3A_1128 = arith.index_cast %scan3A_1118 : i32 to index
        %get3A_1129 = arith.constant 16 : index
        %get3A_1130 = tpu.vector_load %arg6[%get3A_1127, %get3A_1128, %get3A_1129] {strides = array<i32>} : memref<4x200x64xf32, #tpu.memory_space<vmem>>, vector<1x1x16xf32>,
        %get3A_1131 = vector.shape_cast %get3A_1130 : vector<1x1x16xf32> to vector<16xf32>
        %add3A_1132 = arith.addf %add3A_1102, %get3A_1131 : vector<16xf32>
        %get3A_1133 = arith.constant 3 : i32
        %get3A_1134 = arith.index_cast %get3A_1133 : i32 to index
        %get3A_1135 = arith.index_cast %scan3A_1118 : i32 to index
        %get3A_1136 = arith.constant 32 : index
        %get3A_1137 = tpu.vector_load %arg6[%get3A_1134, %get3A_1135, %get3A_1136] {strides = array<i32>} : memref<4x200x64xf32, #tpu.memory_space<vmem>>, vector<1x1x16xf32>,
        %get3A_1138 = vector.shape_cast %get3A_1137 : vector<1x1x16xf32> to vector<16xf32>
        %add3A_1139 = arith.addf %add3A_1109, %get3A_1138 : vector<16xf32>
        %get3A_1140 = arith.constant 3 : i32
        %get3A_1141 = arith.index_cast %get3A_1140 : i32 to index
        %get3A_1142 = arith.index_cast %scan3A_1118 : i32 to index
        %get3A_1143 = arith.constant 48 : index
        %get3A_1144 = tpu.vector_load %arg6[%get3A_1141, %get3A_1142, %get3A_1143] {strides = array<i32>} : memref<4x200x64xf32, #tpu.memory_space<vmem>>, vector<1x1x16xf32>,
        %get3A_1145 = vector.shape_cast %get3A_1144 : vector<1x1x16xf32> to vector<16xf32>
        %add3A_1146 = arith.addf %add3A_1116, %get3A_1145 : vector<16xf32>
        %scan3A_1147 = arith.constant 6 : i32
        %scan3A_1148 = arith.addi %scan3A_965, %scan3A_1147 : i32
        %get3A_1149 = arith.constant 3 : i32
        %get3A_1150 = arith.index_cast %get3A_1149 : i32 to index
        %get3A_1151 = arith.index_cast %scan3A_1148 : i32 to index
        %get3A_1152 = arith.constant 0 : index
        %get3A_1153 = tpu.vector_load %arg6[%get3A_1150, %get3A_1151, %get3A_1152] {strides = array<i32>} : memref<4x200x64xf32, #tpu.memory_space<vmem>>, vector<1x1x16xf32>,
        %get3A_1154 = vector.shape_cast %get3A_1153 : vector<1x1x16xf32> to vector<16xf32>
        %add3A_1155 = arith.addf %add3A_1125, %get3A_1154 : vector<16xf32>
        %get3A_1156 = arith.constant 3 : i32
        %get3A_1157 = arith.index_cast %get3A_1156 : i32 to index
        %get3A_1158 = arith.index_cast %scan3A_1148 : i32 to index
        %get3A_1159 = arith.constant 16 : index
        %get3A_1160 = tpu.vector_load %arg6[%get3A_1157, %get3A_1158, %get3A_1159] {strides = array<i32>} : memref<4x200x64xf32, #tpu.memory_space<vmem>>, vector<1x1x16xf32>,
        %get3A_1161 = vector.shape_cast %get3A_1160 : vector<1x1x16xf32> to vector<16xf32>
        %add3A_1162 = arith.addf %add3A_1132, %get3A_1161 : vector<16xf32>
        %get3A_1163 = arith.constant 3 : i32
        %get3A_1164 = arith.index_cast %get3A_1163 : i32 to index
        %get3A_1165 = arith.index_cast %scan3A_1148 : i32 to index
        %get3A_1166 = arith.constant 32 : index
        %get3A_1167 = tpu.vector_load %arg6[%get3A_1164, %get3A_1165, %get3A_1166] {strides = array<i32>} : memref<4x200x64xf32, #tpu.memory_space<vmem>>, vector<1x1x16xf32>,
        %get3A_1168 = vector.shape_cast %get3A_1167 : vector<1x1x16xf32> to vector<16xf32>
        %add3A_1169 = arith.addf %add3A_1139, %get3A_1168 : vector<16xf32>
        %get3A_1170 = arith.constant 3 : i32
        %get3A_1171 = arith.index_cast %get3A_1170 : i32 to index
        %get3A_1172 = arith.index_cast %scan3A_1148 : i32 to index
        %get3A_1173 = arith.constant 48 : index
        %get3A_1174 = tpu.vector_load %arg6[%get3A_1171, %get3A_1172, %get3A_1173] {strides = array<i32>} : memref<4x200x64xf32, #tpu.memory_space<vmem>>, vector<1x1x16xf32>,
        %get3A_1175 = vector.shape_cast %get3A_1174 : vector<1x1x16xf32> to vector<16xf32>
        %add3A_1176 = arith.addf %add3A_1146, %get3A_1175 : vector<16xf32>
        %scan3A_1177 = arith.constant 7 : i32
        %scan3A_1178 = arith.addi %scan3A_965, %scan3A_1177 : i32
        %get3A_1179 = arith.constant 3 : i32
        %get3A_1180 = arith.index_cast %get3A_1179 : i32 to index
        %get3A_1181 = arith.index_cast %scan3A_1178 : i32 to index
        %get3A_1182 = arith.constant 0 : index
        %get3A_1183 = tpu.vector_load %arg6[%get3A_1180, %get3A_1181, %get3A_1182] {strides = array<i32>} : memref<4x200x64xf32, #tpu.memory_space<vmem>>, vector<1x1x16xf32>,
        %get3A_1184 = vector.shape_cast %get3A_1183 : vector<1x1x16xf32> to vector<16xf32>
        %add3A_1185 = arith.addf %add3A_1155, %get3A_1184 : vector<16xf32>
        %get3A_1186 = arith.constant 3 : i32
        %get3A_1187 = arith.index_cast %get3A_1186 : i32 to index
        %get3A_1188 = arith.index_cast %scan3A_1178 : i32 to index
        %get3A_1189 = arith.constant 16 : index
        %get3A_1190 = tpu.vector_load %arg6[%get3A_1187, %get3A_1188, %get3A_1189] {strides = array<i32>} : memref<4x200x64xf32, #tpu.memory_space<vmem>>, vector<1x1x16xf32>,
        %get3A_1191 = vector.shape_cast %get3A_1190 : vector<1x1x16xf32> to vector<16xf32>
        %add3A_1192 = arith.addf %add3A_1162, %get3A_1191 : vector<16xf32>
        %get3A_1193 = arith.constant 3 : i32
        %get3A_1194 = arith.index_cast %get3A_1193 : i32 to index
        %get3A_1195 = arith.index_cast %scan3A_1178 : i32 to index
        %get3A_1196 = arith.constant 32 : index
        %get3A_1197 = tpu.vector_load %arg6[%get3A_1194, %get3A_1195, %get3A_1196] {strides = array<i32>} : memref<4x200x64xf32, #tpu.memory_space<vmem>>, vector<1x1x16xf32>,
        %get3A_1198 = vector.shape_cast %get3A_1197 : vector<1x1x16xf32> to vector<16xf32>
        %add3A_1199 = arith.addf %add3A_1169, %get3A_1198 : vector<16xf32>
        %get3A_1200 = arith.constant 3 : i32
        %get3A_1201 = arith.index_cast %get3A_1200 : i32 to index
        %get3A_1202 = arith.index_cast %scan3A_1178 : i32 to index
        %get3A_1203 = arith.constant 48 : index
        %get3A_1204 = tpu.vector_load %arg6[%get3A_1201, %get3A_1202, %get3A_1203] {strides = array<i32>} : memref<4x200x64xf32, #tpu.memory_space<vmem>>, vector<1x1x16xf32>,
        %get3A_1205 = vector.shape_cast %get3A_1204 : vector<1x1x16xf32> to vector<16xf32>
        %add3A_1206 = arith.addf %add3A_1176, %get3A_1205 : vector<16xf32>
        scf.yield %add3A_1185, %add3A_1192, %add3A_1199, %add3A_1206 : vector<16xf32>, vector<16xf32>, vector<16xf32>, vector<16xf32>
      }
      %scan3A_932 = arith.constant 200 : i32
      %mul3A_933 = arith.constant 5.000000e-03 : f32
      %mul3A_934 = vector.broadcast %mul3A_933 : f32 to vector<16xf32>
      %mul3A_935 = arith.mulf %scan3A_931#0, %mul3A_934 : vector<16xf32>
      %swap3A_936 = arith.index_cast %add3A_866 : i32 to index
      %swap3A_937 = arith.constant 0 : index
      %swap3A_938 = tpu.vector_load %arg7[%swap3A_936, %swap3A_937] {strides = array<i32>} : memref<512x64xf32, #tpu.memory_space<vmem>>, vector<1x16xf32>,
      %swap3A_939 = vector.shape_cast %swap3A_938 : vector<1x16xf32> to vector<16xf32>
      %swap3A_940 = vector.shape_cast %mul3A_935 : vector<16xf32> to vector<1x16xf32>
      tpu.vector_store %arg7[%swap3A_936, %swap3A_937], %swap3A_940 {strides = array<i32>} : memref<512x64xf32, #tpu.memory_space<vmem>>, vector<1x16xf32>,
      %mul3A_941 = arith.constant 5.000000e-03 : f32
      %mul3A_942 = vector.broadcast %mul3A_941 : f32 to vector<16xf32>
      %mul3A_943 = arith.mulf %scan3A_931#1, %mul3A_942 : vector<16xf32>
      %swap3A_944 = arith.index_cast %add3A_866 : i32 to index
      %swap3A_945 = arith.constant 16 : index
      %swap3A_946 = tpu.vector_load %arg7[%swap3A_944, %swap3A_945] {strides = array<i32>} : memref<512x64xf32, #tpu.memory_space<vmem>>, vector<1x16xf32>,
      %swap3A_947 = vector.shape_cast %swap3A_946 : vector<1x16xf32> to vector<16xf32>
      %swap3A_948 = vector.shape_cast %mul3A_943 : vector<16xf32> to vector<1x16xf32>
      tpu.vector_store %arg7[%swap3A_944, %swap3A_945], %swap3A_948 {strides = array<i32>} : memref<512x64xf32, #tpu.memory_space<vmem>>, vector<1x16xf32>,
      %mul3A_949 = arith.constant 5.000000e-03 : f32
      %mul3A_950 = vector.broadcast %mul3A_949 : f32 to vector<16xf32>
      %mul3A_951 = arith.mulf %scan3A_931#2, %mul3A_950 : vector<16xf32>
      %swap3A_952 = arith.index_cast %add3A_866 : i32 to index
      %swap3A_953 = arith.constant 32 : index
      %swap3A_954 = tpu.vector_load %arg7[%swap3A_952, %swap3A_953] {strides = array<i32>} : memref<512x64xf32, #tpu.memory_space<vmem>>, vector<1x16xf32>,
      %swap3A_955 = vector.shape_cast %swap3A_954 : vector<1x16xf32> to vector<16xf32>
      %swap3A_956 = vector.shape_cast %mul3A_951 : vector<16xf32> to vector<1x16xf32>
      tpu.vector_store %arg7[%swap3A_952, %swap3A_953], %swap3A_956 {strides = array<i32>} : memref<512x64xf32, #tpu.memory_space<vmem>>, vector<1x16xf32>,
      %mul3A_957 = arith.constant 5.000000e-03 : f32
      %mul3A_958 = vector.broadcast %mul3A_957 : f32 to vector<16xf32>
      %mul3A_959 = arith.mulf %scan3A_931#3, %mul3A_958 : vector<16xf32>
      %swap3A_960 = arith.index_cast %add3A_866 : i32 to index
      %swap3A_961 = arith.constant 48 : index
      %swap3A_962 = tpu.vector_load %arg7[%swap3A_960, %swap3A_961] {strides = array<i32>} : memref<512x64xf32, #tpu.memory_space<vmem>>, vector<1x16xf32>,
      %swap3A_963 = vector.shape_cast %swap3A_962 : vector<1x16xf32> to vector<16xf32>
      %swap3A_964 = vector.shape_cast %mul3A_959 : vector<16xf32> to vector<1x16xf32>
      tpu.vector_store %arg7[%swap3A_960, %swap3A_961], %swap3A_964 {strides = array<i32>} : memref<512x64xf32, #tpu.memory_space<vmem>>, vector<1x16xf32>,
    }
    %scan3A_151 = arith.constant 64 : i32
    %mul3A_152 = arith.constant 512 : i32
    %mul3A_153 = arith.muli %add3A, %mul3A_152 : i32
    "tpu.region"() ({
      %run_scoped3A_154 = tpu.sem_alloc : memref<!tpu.dma_semaphore, #tpu.memory_space<semaphore_mem>>
      %dma_start3A_155 = arith.constant 0 : i32
      %dma_start3A_156 = tpu.memref_slice %arg4[%mul3A_153, %dma_start3A_155] : memref<16384x64xf32, #tpu.memory_space<hbm>> -> memref<512x64xf32, #tpu.memory_space<hbm>>
      %dma_start3A_157 = arith.constant 0 : i32
      %dma_start3A_158 = tpu.memref_slice %arg4[%mul3A_153, %dma_start3A_157] : memref<16384x64xf32, #tpu.memory_space<hbm>> -> memref<512x64xf32, #tpu.memory_space<hbm>>
      tpu.enqueue_dma source(%arg7 : memref<512x64xf32, #tpu.memory_space<vmem>>) target(%dma_start3A_158 : memref<512x64xf32, #tpu.memory_space<hbm>>) target_semaphore(%run_scoped3A_154 : memref<!tpu.dma_semaphore, #tpu.memory_space<semaphore_mem>>)
      %dma_wait3A = arith.constant 0 : i32
      %dma_wait3A_159 = tpu.memref_slice %arg4[%mul3A_153, %dma_wait3A] : memref<16384x64xf32, #tpu.memory_space<hbm>> -> memref<512x64xf32, #tpu.memory_space<hbm>>
      %dma_wait3A_160 = arith.constant 0 : i32
      %dma_wait3A_161 = tpu.memref_slice %arg4[%mul3A_153, %dma_wait3A_160] : memref<16384x64xf32, #tpu.memory_space<hbm>> -> memref<512x64xf32, #tpu.memory_space<hbm>>
      tpu.wait_dma2 semaphore(%run_scoped3A_154 : memref<!tpu.dma_semaphore, #tpu.memory_space<semaphore_mem>>) src(%arg7 : memref<512x64xf32, #tpu.memory_space<vmem>>) dst(%dma_wait3A_161 : memref<512x64xf32, #tpu.memory_space<hbm>>)
      tpu.yield
    }) : () -> ()
    return
  }
}

module attributes {stable_mosaic.version = 14 : i64} {
  func.func @_mlp_body(%arg0: i32, %arg1: memref<1024x64xf32, #tpu.memory_space<vmem>>, %arg2: memref<64x128xf32, #tpu.memory_space<vmem>>, %arg3: memref<1x128xf32, #tpu.memory_space<vmem>>, %arg4: memref<128x20xf32, #tpu.memory_space<vmem>>, %arg5: memref<1x20xf32, #tpu.memory_space<vmem>>, %arg6: memref<1024x20xf32, #tpu.memory_space<vmem>>) attributes {dimension_semantics = [#tpu.dimension_semantics<arbitrary>], iteration_bounds = array<i64: 16>, scalar_prefetch = 0 : i64, scratch_operands = 0 : i64, tpu.core_type = #tpu.core_type<tc>, window_params = [{transform_indices = @transform_0, window_bounds = array<i64: 1024, 64>}, {pipeline_mode = #tpu.pipeline_mode<synchronous>, transform_indices = @transform_1, window_bounds = array<i64: 64, 128>}, {pipeline_mode = #tpu.pipeline_mode<synchronous>, transform_indices = @transform_2, window_bounds = array<i64: 1, 128>}, {pipeline_mode = #tpu.pipeline_mode<synchronous>, transform_indices = @transform_3, window_bounds = array<i64: 128, 20>}, {pipeline_mode = #tpu.pipeline_mode<synchronous>, transform_indices = @transform_4, window_bounds = array<i64: 1, 20>}, {transform_indices = @transform_5, window_bounds = array<i64: 1024, 20>}]} {
    %get3A = arith.constant 0 : index
    %get3A_0 = arith.constant 0 : index
    %get3A_1 = vector.load %arg1[%get3A, %get3A_0] : memref<1024x64xf32, #tpu.memory_space<vmem>>, vector<1024x64xf32>
    %get3A_2 = arith.constant 0 : index
    %get3A_3 = arith.constant 0 : index
    %get3A_4 = vector.load %arg2[%get3A_2, %get3A_3] : memref<64x128xf32, #tpu.memory_space<vmem>>, vector<64x128xf32>
    %dot_general3A = arith.constant dense<0.000000e+00> : vector<1024x128xf32>
    %dot_general3A_5 = tpu.matmul %get3A_1, %get3A_4, %dot_general3A {dimension_numbers = #tpu.dot_dimension_numbers<[1], [0], [0], [1], [0, 0, 1, 1], [], []>, transpose_lhs_hint = false} : vector<1024x64xf32>, vector<64x128xf32>, vector<1024x128xf32> -> vector<1024x128xf32>
    %get3A_6 = arith.constant 0 : index
    %get3A_7 = arith.constant 0 : index
    %get3A_8 = vector.load %arg3[%get3A_6, %get3A_7] : memref<1x128xf32, #tpu.memory_space<vmem>>, vector<1x128xf32>
    %add3A = vector.broadcast %get3A_8 : vector<1x128xf32> to vector<1024x128xf32>
    %add3A_9 = arith.addf %dot_general3A_5, %add3A : vector<1024x128xf32>
    %max3A = arith.constant 0.000000e+00 : f32
    %max3A_10 = vector.broadcast %max3A : f32 to vector<1024x128xf32>
    %max3A_11 = arith.maximumf %add3A_9, %max3A_10 : vector<1024x128xf32>
    %get3A_12 = arith.constant 0 : index
    %get3A_13 = arith.constant 0 : index
    %get3A_14 = vector.load %arg4[%get3A_12, %get3A_13] : memref<128x20xf32, #tpu.memory_space<vmem>>, vector<128x20xf32>
    %dot_general3A_15 = arith.constant dense<0.000000e+00> : vector<1024x20xf32>
    %dot_general3A_16 = tpu.matmul %max3A_11, %get3A_14, %dot_general3A_15 {dimension_numbers = #tpu.dot_dimension_numbers<[1], [0], [0], [1], [0, 0, 1, 1], [], []>, transpose_lhs_hint = false} : vector<1024x128xf32>, vector<128x20xf32>, vector<1024x20xf32> -> vector<1024x20xf32>
    %get3A_17 = arith.constant 0 : index
    %get3A_18 = arith.constant 0 : index
    %get3A_19 = vector.load %arg5[%get3A_17, %get3A_18] : memref<1x20xf32, #tpu.memory_space<vmem>>, vector<1x20xf32>
    %add3A_20 = vector.broadcast %get3A_19 : vector<1x20xf32> to vector<1024x20xf32>
    %add3A_21 = arith.addf %dot_general3A_16, %add3A_20 : vector<1024x20xf32>
    %swap3A = arith.constant 0 : index
    %swap3A_22 = arith.constant 0 : index
    %swap3A_23 = vector.load %arg6[%swap3A, %swap3A_22] : memref<1024x20xf32, #tpu.memory_space<vmem>>, vector<1024x20xf32>
    tpu.vector_store %arg6[%swap3A, %swap3A_22], %add3A_21 {strides = array<i32>} : memref<1024x20xf32, #tpu.memory_space<vmem>>, vector<1024x20xf32>,
    return
  }
  func.func @transform_0(%arg0: i32) -> (i32, i32) {
    %c0_i32 = arith.constant 0 : i32
    %c0_i32_0 = arith.constant 0 : i32
    return %arg0, %c0_i32 : i32, i32
  }
  func.func @transform_1(%arg0: i32) -> (i32, i32) {
    %c0_i32 = arith.constant 0 : i32
    %c0_i32_0 = arith.constant 0 : i32
    %c0_i32_1 = arith.constant 0 : i32
    return %c0_i32, %c0_i32_0 : i32, i32
  }
  func.func @transform_2(%arg0: i32) -> (i32, i32) {
    %c0_i32 = arith.constant 0 : i32
    %c0_i32_0 = arith.constant 0 : i32
    %c0_i32_1 = arith.constant 0 : i32
    return %c0_i32, %c0_i32_0 : i32, i32
  }
  func.func @transform_3(%arg0: i32) -> (i32, i32) {
    %c0_i32 = arith.constant 0 : i32
    %c0_i32_0 = arith.constant 0 : i32
    %c0_i32_1 = arith.constant 0 : i32
    return %c0_i32, %c0_i32_0 : i32, i32
  }
  func.func @transform_4(%arg0: i32) -> (i32, i32) {
    %c0_i32 = arith.constant 0 : i32
    %c0_i32_0 = arith.constant 0 : i32
    %c0_i32_1 = arith.constant 0 : i32
    return %c0_i32, %c0_i32_0 : i32, i32
  }
  func.func @transform_5(%arg0: i32) -> (i32, i32) {
    %c0_i32 = arith.constant 0 : i32
    %c0_i32_0 = arith.constant 0 : i32
    return %arg0, %c0_i32 : i32, i32
  }
}

</mosaic_0001>

<sc_bundles>
// kernel: kernel.4.cloned.1.call-start
scs
__scs_entry_jumppad:
0x0: {  	(pc) =	sbr.rel $0x88, $3  }
0x1: {  	(tag) =	ssettag $0x0;
	lr =	simm.s32 $0x1  }
0x2: {  	[smem:$0x3F9B] =	sst lr;
	_ =	strace $0xD0000000  }
0x3: {  	_ = 	snop  }
0x4: {  	_ = 	snop  }
0x5: {  	_ = 	snop  }
0x6: {  	_ = 	snop  }
0x7: {  	_ = 	snop  }
__scs_overlays_trampoline_lowered:
0x8: {  	[smem:$0x3FAA] =	sst s0  }
0x9: {  	[smem:$0x3FAB] =	sst s1  }
0xa: {  	[smem:$0x3FAC] =	sst s2  }
0xb: {  	[smem:$0x3FAD] =	sst s3  }
0xc: {  	[smem:$0x3FAE] =	sst s4  }
0xd: {  	[smem:$0x3FAF] =	sst s5  }
0xe: {  	[smem:$0x3FB0] =	sst s6  }
0xf: {  	[smem:$0x3FB1] =	sst s7  }
0x10: {  	[smem:$0x3FB2] =	sst s8  }
0x11: {  	[smem:$0x3FB3] =	sst s9;
	s0 =	simm.s32 @!p0 $0x0  }
0x12: {  	s1 =	sld [smem:$0x3F99];
	s0 =	simm.s32 @p0 $0x1  }
0x13: {  	[smem:$0x3FB4] =	sst s0;
	s0 =	simm.s32 @!p1 $0x0  }
0x14: {  	s2 =	sld [smem:$0x3F98];
	s0 =	simm.s32 @p1 $0x1  }
0x15: {  	[smem:$0x3FB5] =	sst s0;
	s0 =	simm.s32 @!p2 $0x0  }
0x16: {  	s3 =	sld [smem:$0x3FDB];
	s0 =	simm.s32 @p2 $0x1  }
0x17: {  	s4 =	simm.s32 $0x1BF5;
	[smem:$0x3FB7] =	sst s0  }
0x18: {  	s0 =	sld [smem:$0x3F9A];
	_ =	swait.ge [sflag:s4], $0x0  }
0x19: {  	s7 =	sld [smem:$0x3F9B]  }
0x1a: {  	s8 =	sadd.s32 $0xFFFFE003, lr  }
0x1b: {  	s9 =	sadd.s32 $0xFFFFFEF7, lr;
	s5 =	simm.s32 $0xFFFFFFFF;
	p2 =	slt.u32 s8, $0xFFFFF086  }
0x1c: {  	p1 =	slt.u32 s9, $0xF7A;
	s5 =	simm.s32 @!p2 $0x0  }
0x1d: {  	s5 =	simm.s32 @p1 $0x1;
	p0 =	seq.s32 s7, s2  }
0x1e: {  	s7 =	smul.u32 @!p0 $0xF7A, s2;
	p2 =	seq.s32 @!p0 s5, $0x0  }
0x1f: {  	s9 =	smul.u32 $0xF7A, s1;
	s8 =	simm.s32 @!p0 $0x1BF5;
	p2 =	por !p2, p0  }
0x20: {  	[sflag:s8] =	ssyncset.s32 @!p0 $0xFFFFF086;
	s6 =	sadd.s32 @!p0 s3, s7;
	s7 =	simm.s32 @!p0 $0x108  }
0x21: {  	s3 =	sadd.s32 s3, s9;
	s6 =	sadd.s32 @!p0 $0x88, s6;
	s7 =	simm.s32 @p2 $0x1082  }
0x22: {  	[simem:s7], [sflag:s8] =	dma.local @!p0 [hbm:s6], $0xF7A  }
0x23: {  	s9 =	sor.u32 $0xD0000000, s2;
	s6 =	simm.s32 $0x108;
	_ =	swait.ge @!p0 [sflag:s8], $0x0  }
0x24: {  	s3 =	sadd.s32 $0x88, s3;
	s6 =	simm.s32 @!p1 $0x1082;
	[sflag:s4] =	ssyncset.s32 $0xFFFFF086  }
0x25: {  	[simem:s6], [sflag:s4] =	dma.local [hbm:s3], $0xF7A  }
0x26: {  	[smem:$0x3F9B] =	sst s1;
	(tag) =	ssettag s2;
	_ =	strace s9  }
0x27: {  	s1 =	sld [smem:$0x3FAB]  }
0x28: {  	s2 =	sld [smem:$0x3FAC]  }
0x29: {  	s4 =	sld [smem:$0x3FAE]  }
0x2a: {  	p0 =	seq.s32 s5, $0x0;
	s5 =	sld [smem:$0x3FAF]  }
0x2b: {  	s6 =	sld [smem:$0x3FB0]  }
0x2c: {  	s7 =	sld [smem:$0x3FB1]  }
0x2d: {  	s3 =	simm.s32 $0x108;
	s8 =	sld [smem:$0x3FB2]  }
0x2e: {  	s3 =	simm.s32 @!p0 $0x1082;
	s9 =	sld [smem:$0x3FB3]  }
0x2f: {  	lr =	sadd.s32 s0, s3;
	s0 =	sld [smem:$0x3FAA]  }
0x30: {  	s3 =	sld [smem:$0x3FAD]  }
0x31: {  	[smem:$0x3FB6] =	sst s10  }
0x32: {  	s10 =	sld [smem:$0x3FB4];
	_ =	sdelay $0x3  }
0x33: {  	p0 =	seq.s32 s10, $0x1;
	s10 =	sld [smem:$0x3FB6];
	_ =	sdelay $0x3  }
0x34: {  	[smem:$0x3FB6] =	sst s10  }
0x35: {  	s10 =	sld [smem:$0x3FB5];
	_ =	sdelay $0x3  }
0x36: {  	p1 =	seq.s32 s10, $0x1;
	s10 =	sld [smem:$0x3FB6];
	_ =	sdelay $0x3  }
0x37: {  	[smem:$0x3FB6] =	sst s10  }
0x38: {  	s10 =	sld [smem:$0x3FB7]  }
0x39: {  	_ = 	snop;
	(pc) =	sbr.ind lr, $3  }
0x3a: {  	_ = 	snop  }
0x3b: {  	_ = 	snop  }
0x3c: {  	p2 =	seq.s32 s10, $0x1;
	s10 =	sld [smem:$0x3FB6]  }
0x3d: {  	_ =	shalt  }
0x3e: {  	_ =	shalt  }
0x3f: {  	_ =	shalt  }
0x40: {  	_ =	shalt  }
0x41: {  	_ =	shalt  }
0x42: {  	_ =	shalt  }
0x43: {  	_ =	shalt  }
0x44: {  	_ =	shalt  }
0x45: {  	_ =	shalt  }
0x46: {  	_ =	shalt  }
0x47: {  	_ =	shalt  }
0x48: {  	_ =	shalt  }
0x49: {  	_ =	shalt  }
0x4a: {  	_ =	shalt  }
0x4b: {  	_ =	shalt  }
0x4c: {  	_ =	shalt  }
0x4d: {  	_ =	shalt  }
0x4e: {  	_ =	shalt  }
0x4f: {  	_ =	shalt  }
0x50: {  	_ =	shalt  }
0x51: {  	_ =	shalt  }
0x52: {  	_ =	shalt  }
0x53: {  	_ =	shalt  }
0x54: {  	_ =	shalt  }
0x55: {  	_ =	shalt  }
0x56: {  	_ =	shalt  }
0x57: {  	_ =	shalt  }
0x58: {  	_ =	shalt  }
0x59: {  	_ =	shalt  }
0x5a: {  	_ =	shalt  }
0x5b: {  	_ =	shalt  }
0x5c: {  	_ =	shalt  }
0x5d: {  	_ =	shalt  }
0x5e: {  	_ =	shalt  }
0x5f: {  	_ =	shalt  }
0x60: {  	_ =	shalt  }
0x61: {  	_ =	shalt  }
0x62: {  	_ =	shalt  }
0x63: {  	_ =	shalt  }
0x64: {  	_ =	shalt  }
0x65: {  	_ =	shalt  }
0x66: {  	_ =	shalt  }
0x67: {  	_ =	shalt  }
0x68: {  	_ =	shalt  }
0x69: {  	_ =	shalt  }
0x6a: {  	_ =	shalt  }
0x6b: {  	_ =	shalt  }
0x6c: {  	_ =	shalt  }
0x6d: {  	_ =	shalt  }
0x6e: {  	_ =	shalt  }
0x6f: {  	_ =	shalt  }
0x70: {  	_ =	shalt  }
0x71: {  	_ =	shalt  }
0x72: {  	_ =	shalt  }
0x73: {  	_ =	shalt  }
0x74: {  	_ =	shalt  }
0x75: {  	_ =	shalt  }
0x76: {  	_ =	shalt  }
0x77: {  	_ =	shalt  }
0x78: {  	_ =	shalt  }
0x79: {  	_ =	shalt  }
0x7a: {  	_ =	shalt  }
0x7b: {  	_ =	shalt  }
0x7c: {  	_ =	shalt  }
0x7d: {  	_ =	shalt  }
0x7e: {  	_ =	shalt  }
0x7f: {  	_ =	shalt  }
0x80: {  	_ =	shalt  }
0x81: {  	_ =	shalt  }
0x82: {  	_ =	shalt  }
0x83: {  	_ =	shalt  }
0x84: {  	_ =	shalt  }
0x85: {  	_ =	shalt  }
0x86: {  	_ =	shalt  }
0x87: {  	_ =	shalt  }
.Lfunc_end0:
.L_simem_size_0:
called_computation_lowered:
.L_overlay_start_0:
0x88: {  	s2 =	sld [smem:$0x3FD9]  }
0x89: {  	s3 =	sld [smem:$0x3FFE];
	_ =	sdelay $0x1  }
0x8a: {  	s1 =	srdreg.scid  }
0x8b: {  	s0 =	sand.u32 $0x1, s1  }
0x8c: {  	s16 =	sshll.u32 s0, $0xA;
	s2 =	sadd.s32 s3, s2  }
0x8d: {  	s2 =	sadd.s32 s2, s16  }
0x8e: {  	[smem:$0x3FC2] =	sst s2  }
0x8f: {  	_ = 	snop  }
0x90: {  	(tm) =	ssettm $0x1  }
0x91: {  	s17 =	sld [smem:$0x3FFB];
	_ =	sdelay $0x3  }
0x92: {  	_ =	strace s17  }
0x93: {  	s2 =	sld [smem:$0x3FFC];
	_ =	sdelay $0x3  }
0x94: {  	_ =	strace s2  }
0x95: {  	s2 =	sld [smem:$0x3FFD];
	_ =	sdelay $0x3  }
0x96: {  	_ =	strace s2  }
0x97: {  	_ =	strace $0x8FFFFFFF  }
0x98: {  	s18 =	sld [smem:$0x3FDB];
	_ =	sdelay $0x1  }
0x99: {  	s19 =	simm.s32 $_scs_section_size  }
0x9a: {  	s4 =	simm.s32 $_size__tile_overlayer_lowered;
	s5 =	simm.s32 $_tile_overlayer_lowered  }
0x9b: {  	s22 =	simm.s32 $0x1BFF;
	s21 =	sshll.u32 s5, $0x1;
	s2 =	sadd.s32 s19, s18  }
0x9c: {  	s6 =	simm.s32 $0x0;
	s20 =	sshll.u32 s4, $0x1;
	s4 =	sadd.s32 s21, s2  }
0x9d: {  	[timem:s6], [sflag:s22] =	dma.local [hbm:s4], s20  }
0x9e: {  	_ =	swait.ge [sflag:s22], s20  }
0x9f: {  	s3 =	ssub.s32 $0x0, s20;
	[sflag:s22] =	ssyncset.done $0x0  }
0xa0: {  	[sflag:s22] =	ssyncadd.s32 s3;
	_ =	sdelay $0x1  }
0xa1: {  	s23 =	simm.s32 $0x1B8B  }
0xa2: {  	_ =	swait.ge [sflag:s23], $0x1  }
0xa3: {  	[sflag:s23] =	ssyncset.done $0x0  }
0xa4: {  	s25 =	simm.s32 $0x1B8E;
	s24 =	sld [smem:$0x3FFE];
	[sflag:s23] =	ssyncadd.s32 $0xFFFFFFFF  }
0xa5: {  	s26 =	simm.s32 $execute0_lowered;
	[smem:$0x3FD2] =	sst s25  }
0xa6: {  	s4 =	sshll.u32 s26, $0x1;
	_ =	strace $0x80000046;
	[dreg:$0x1] =	wrdreg $0xFFFFFFFF  }
0xa7: {  	s28 =	simm.s32 $_size_execute0_lowered;
	s2 =	sadd.s32 s2, s4;
	[dreg:$0x0] =	wrdreg $0x0  }
0xa8: {  	s4 =	sshll.u32 s28, $0x1;
	[dreg:$0x2] =	wrdreg s2  }
0xa9: {  	[dreg:$0x3] =	wrdreg s4  }
0xaa: {  	[dreg:$0x4] =	wrdreg $0xC0  }
0xab: {  	_ =	task [dreg:s6], $0x5FFFF  }
0xac: {  	[dreg:$0x1] =	wrdreg $0xFFFFFFFF  }
0xad: {  	[dreg:$0x0] =	wrdreg $0x60  }
0xae: {  	[dreg:$0x2] =	wrdreg s24  }
0xaf: {  	[dreg:$0x3] =	wrdreg $0x9  }
0xb0: {  	_ =	task.clear_ibuf [dreg:s6], $0x4FFFF;
	_ =	strace $0x90000046  }
0xb1: {  	s29 =	simm.s32 $0x9;
	_ =	strace $0x80000048  }
0xb2: {  	_ =	swait.ge [sflag:s29], $0x1  }
0xb3: {  	[sflag:s29] =	ssyncadd.s32 $0xFFFFFFFF  }
0xb4: {  	_ =	strace $0x90000048  }
0xb5: {  	_ =	sfence  }
0xb6: {  	s30 =	sld [smem:$0x0];
	_ =	sdelay $0x2  }
0xb7: {  	s31 =	sshll.u32 s1, $0xD;
	s1 =	sshrl.u32 s1, $0x2  }
0xb8: {  	s3 =	sand.u32 $0x4000, s31;
	s1 =	sadd.s32 s1, s30  }
0xb9: {  	s0 =	sor.u32 s3, s0;
	s1 =	sshll.u32 s1, $0x11  }
0xba: {  	s0 =	sor.u32 s1, s0  }
0xbb: {  	s0 =	sadd.s32 $0x8F2B, s0  }
0xbc: {  	[sflag:s0] =	ssyncadd.remote.s32 $0x1  }
0xbd: {  	_ =	sfence.sel $0xFFFF  }
0xbe: {  	[dreg:$0x0] =	wrdreg $0xFFFFFFFF;
	(pc) =	sbr.abs _section_cstart, $3  }
0xbf: {  	[dreg:$0x1] =	wrdreg $0xFFFFFFFF  }
0xc0: {  	_ =	task.clear_ibuf [dreg:s6], $0x2FFFF;
	_ =	strace $0x9FFFFFFF  }
0xc1: {  	(tm) =	ssettm $0x7FFFFFFF  }
tec
execute0_lowered:
.L_overlay_start_1:
0x0: {  	(tag) =	ssettag $0x1  }
0x1: {  	s0 =	rddreg [dreg:$0x0]  }
0x2: {  	s1 =	srdreg.scid;
	s3 =	stileid.u32  }
0x3: {  	s2 =	simm.s32 $0x0;
	s20 =	simm.s32 $0x3;
	s30 =	simm.s32 $0x8A40  }
0x4: {  	s22 =	simm.s32 $0x320;
	s9 =	simm.s32 $0xBC40;
	s10 =	simm.s32 $0x4B0  }
0x5: {  	s19 =	simm.s32 $0x1;
	s21 =	simm.s32 $0x0;
	s1 =	sand.u32 $0x1, s1  }
0x6: {  	s3 =	sshll.u32 s3, $0x1;
	[smem:$0x7FF] =	sst s2;
	s4 =	sadd.s32 $0xF43200, s0  }
0x7: {  	s5 =	sor.u32 s1, s3;
	_ =	strace $0x80000047;
	s1 =	ssub.s32 $0x2, s1  }
0x8: {  	s6 =	smul.u32 $0x19000, s5;
	s5 =	sshll.u32 s5, $0xC;
	s23 =	sshrl.u32 s1, $0x1  }
0x9: {  	s3 =	sadd.s32 $0xE00, s0;
	s0 =	sadd.s32 s5, s0;
	s1 =	ssub.s32 s1, s23  }
0xa: {  	s23 =	simm.s32 $0x3E8;
	s5 =	simm.s32 $0x578;
	s7 =	sshrl.u32 s6, $0x3  }
0xb: {  	s11 =	sor.u32 $0x4B0, s6;
	s12 =	sor.u32 $0x578, s6;
	s13 =	sor.u32 $0x640, s6  }
0xc: {  	s14 =	sor.u32 $0x708, s6;
	s15 =	sor.u32 $0x7D0, s6;
	s0 =	sadd.s32 $0x64E00, s0  }
0xd: {  	s16 =	sor.u32 $0x898, s6;
	s31 =	smax.u32 s1, $0x1;
	[dreg:$0x8] =	wrdreg s0  }
0xe: {  	s17 =	sor.u32 $0x960, s6;
	s7 =	sadd.s32 s3, s7;
	[dreg:$0x9] =	wrdreg s31  }
0xf: {  	s18 =	sor.u32 $0xA28, s6;
	s24 =	sadd.s32 $0x19, s7;
	[dreg:$0x2] =	wrdreg s7  }
0x10: {  	s1 =	simm.s32 $0x258;
	s25 =	sadd.s32 $0x32, s7;
	[dreg:$0x3] =	wrdreg s24  }
0x11: {  	s6 =	simm.s32 $0x2;
	s26 =	sadd.s32 $0x4B, s7;
	[dreg:$0x4] =	wrdreg s25  }
0x12: {  	s0 =	simm.s32 $0x6A40;
	s28 =	sadd.s32 $0x64, s7;
	[dreg:$0x5] =	wrdreg s26  }
0x13: {  	s29 =	sadd.s32 $0x7D, s7;
	s7 =	simm.s32 $0x9C40;
	[dreg:$0x6] =	wrdreg s28  }
0x14: {  	[dreg:$0x7] =	wrdreg s29;
	s24 =	simm.s32 $0x80;
	s26 =	simm.s32 $0x48  }
.LBB2_1:
0x15: {  	[dreg:$0xa] =	wrdreg s21  }
0x16: {  	s8 =	rddreg [dreg:$0x2]  }
0x17: {  	[tilespmem:s2], [sflag:$0x3] =	stream.linear.gather [hbm4b:s8+s2], $0xC8, $0x38;
	[tilespmem:$0x14E40] =	vst v63  }
0x18: {  	_ =	swait.ge [sflag:s20], $0xC8  }
0x19: {  	[sflag:s20] =	ssyncset.done $0x0  }
0x1a: {  	s21 =	simm.s32 $0xC8;
	s29 =	rddreg [dreg:$0x3];
	[sflag:s20] =	ssyncadd.s32 $0xFFFFFF38  }
0x1b: {  	[tilespmem:s21], [sflag:$0x3] =	stream.linear.gather [hbm4b:s29+s2], $0xC8, $0x38;
	[tilespmem:$0x14E40] =	vst v63  }
0x1c: {  	_ =	swait.ge [sflag:s20], $0xC8  }
0x1d: {  	[sflag:s20] =	ssyncset.done $0x0  }
0x1e: {  	s25 =	simm.s32 $0x190;
	s31 =	rddreg [dreg:$0x4];
	[sflag:s20] =	ssyncadd.s32 $0xFFFFFF38  }
0x1f: {  	[tilespmem:s25], [sflag:$0x3] =	stream.linear.gather [hbm4b:s31+s2], $0xC8, $0x38;
	[tilespmem:$0x14E40] =	vst v63  }
0x20: {  	_ =	swait.ge [sflag:s20], $0xC8  }
0x21: {  	[sflag:s20] =	ssyncset.done $0x0  }
0x22: {  	s28 =	simm.s32 $0x640;
	[sflag:s20] =	ssyncadd.s32 $0xFFFFFF38  }
0x23: {  	[tilespmem:s28], [sflag:$0x1] =	stream.indirect.gather [hbm4b:s4+s24], $0x40, s2, s24, $0xb8;
	[tilespmem:$0x14E40] =	vst v63  }
0x24: {  	s29 =	simm.s32 $0x2640  }
0x25: {  	[tilespmem:s29], [sflag:$0x1] =	stream.indirect.gather [hbm4b:s4+s26], $0x40, s24, s26, $0xb8;
	[tilespmem:$0x14E40] =	vst v63  }
0x26: {  	s31 =	simm.s32 $0x3840  }
0x27: {  	[tilespmem:s31], [sflag:$0x1] =	stream.indirect.gather [hbm4b:s4+s24], $0x40, s21, s24, $0xb8;
	[tilespmem:$0x14E40] =	vst v63  }
0x28: {  	s20 =	simm.s32 $0x148;
	s21 =	simm.s32 $0x5840  }
0x29: {  	[tilespmem:s21], [sflag:$0x1] =	stream.indirect.gather [hbm4b:s4+s26], $0x40, s20, s26, $0xb8;
	[tilespmem:$0x14E40] =	vst v63  }
0x2a: {  	_ = 	snop  }
0x2b: {  	[tilespmem:s0], [sflag:$0x1] =	stream.indirect.gather [hbm4b:s4+s24], $0x40, s25, s24, $0xb8;
	[tilespmem:$0x14E40] =	vst v63  }
0x2c: {  	s25 =	simm.s32 $0x210  }
0x2d: {  	[tilespmem:s30], [sflag:$0x1] =	stream.indirect.gather [hbm4b:s4+s26], $0x40, s25, s26, $0xb8;
	[tilespmem:$0x14E40] =	vst v63  }
0x2e: {  	s28 =	rddreg [dreg:$0x5]  }
0x2f: {  	[tilespmem:s1], [sflag:$0x2] =	stream.linear.gather [hbm4b:s28+s2], $0xC8, $0x38;
	[tilespmem:$0x14E40] =	vst v63  }
0x30: {  	s29 =	rddreg [dreg:$0x6]  }
0x31: {  	[tilespmem:s22], [sflag:$0x2] =	stream.linear.gather [hbm4b:s29+s2], $0xC8, $0x38;
	[tilespmem:$0x14E40] =	vst v63  }
0x32: {  	s31 =	rddreg [dreg:$0x7];
	s21 =	simm.s32 $0x0  }
0x33: {  	[tilespmem:s23], [sflag:$0x2] =	stream.linear.gather [hbm4b:s31+s2], $0xC8, $0x38;
	[tilespmem:$0x14E40] =	vst v63  }
.LBB2_2:
0x34: {  	_ =	swait.ge [sflag:s6], $0xC8  }
0x35: {  	[sflag:s6] =	ssyncset.done $0x0  }
0x36: {  	s8 =	smul.u32 $0x640, s21;
	[sflag:s6] =	ssyncadd.s32 $0xFFFFFF38  }
0x37: {  	[tilespmem:s7], [sflag:$0x1] =	stream.indirect.gather [hbm4b:s4+s24], $0x40, s1, s24, $0xb8;
	[tilespmem:$0x14E40] =	vst v63  }
0x38: {  	s20 =	simm.s32 $0x2D8;
	s31 =	sadd.s32 s8, s11  }
0x39: {  	[tilespmem:s9], [sflag:$0x1] =	stream.indirect.gather [hbm4b:s4+s26], $0x40, s20, s26, $0xb8;
	[tilespmem:$0x14E40] =	vst v63  }
0x3a: {  	s20 =	sshrl.u32 s31, $0x3  }
0x3b: {  	s20 =	sadd.s32 s3, s20  }
0x3c: {  	[tilespmem:s10], [sflag:$0x2] =	stream.linear.gather [hbm4b:s20+s2], $0xC8, $0x38;
	[tilespmem:$0x14E40] =	vst v63  }
0x3d: {  	_ =	swait.ge [sflag:s19], $0x2000  }
0x3e: {  	[sflag:s19] =	ssyncset.done $0x0  }
0x3f: {  	[sflag:s19] =	ssyncadd.s32 $0xFFFFE000  }
0x40: {  	_ =	swait.ge [sflag:s19], $0x1200  }
0x41: {  	[sflag:s19] =	ssyncset.done $0x0  }
0x42: {  	s25 =	simm.s32 $0x740;
	[sflag:s19] =	ssyncadd.s32 $0xFFFFEE00  }
0x43: {  	v0 =	vld [tilespmem:s25+$0xC0]  }
0x44: {  	v1 =	vld [tilespmem:s25+$0xD0]  }
0x45: {  	v2 =	vld [tilespmem:s25+$0x80]  }
0x46: {  	v3 =	vld [tilespmem:s25+$0x90]  }
0x47: {  	v9 =	vld [tilespmem:s25+$0x40]  }
0x48: {  	v12 =	vld [tilespmem:s25+$0x50]  }
0x49: {  	v7 =	vld [tilespmem:s25+$0x0]  }
0x4a: {  	v8 =	vld [tilespmem:s25+$0x10]  }
0x4b: {  	v5 =	vld [tilespmem:s25+$0xFFFFFFC0]  }
0x4c: {  	v6 =	vld [tilespmem:s25+$0xFFFFFFD0]  }
0x4d: {  	v4 =	vld [tilespmem:s25+$0xFFFFFF80]  }
0x4e: {  	v10 =	vld [tilespmem:s25+$0xFFFFFF90]  }
0x4f: {  	v11 =	vld [tilespmem:s25+$0xFFFFFF40]  }
0x50: {  	v13 =	vld [tilespmem:s25+$0xFFFFFF50]  }
0x51: {  	v14 =	vld [tilespmem:s25+$0xFFFFFF00]  }
0x52: {  	v15 =	vld [tilespmem:s25+$0xFFFFFF10]  }
0x53: {  	v16 =	vld [tilespmem:s25+$0xFFFFFF20]  }
0x54: {  	v17 =	vld [tilespmem:s25+$0xFFFFFF30]  }
0x55: {  	v18 =	vld [tilespmem:s25+$0xFFFFFF60]  }
0x56: {  	v19 =	vld [tilespmem:s25+$0xFFFFFF70]  }
0x57: {  	v20 =	vimm.f32 $0.0e+00;
	v21 =	vld [tilespmem:s25+$0xFFFFFFA0]  }
0x58: {  	v22 =	vld [tilespmem:s25+$0xFFFFFFB0];
	v14 =	vadd.f32 v14, v20;
	v15 =	vadd.f32 v15, v20  }
0x59: {  	v59 =	vld [tilespmem:s25+$0xFFFFFFE0];
	v16 =	vadd.f32 v16, v20;
	v17 =	vadd.f32 v17, v20  }
0x5a: {  	v11 =	vadd.f32 v11, v14;
	v13 =	vadd.f32 v13, v15;
	v14 =	vld [tilespmem:s25+$0xFFFFFFF0]  }
0x5b: {  	v61 =	vld [tilespmem:s25+$0x20];
	v15 =	vadd.f32 v18, v16;
	v60 =	vadd.f32 v19, v17  }
0x5c: {  	v11 =	vadd.f32 v4, v11;
	v10 =	vadd.f32 v10, v13;
	v13 =	vld [tilespmem:s25+$0x30]  }
0x5d: {  	v15 =	vadd.f32 v21, v15;
	v16 =	vadd.f32 v22, v60;
	v4 =	vld [tilespmem:s25+$0x60]  }
0x5e: {  	v11 =	vadd.f32 v5, v11;
	v10 =	vadd.f32 v6, v10;
	v6 =	vld [tilespmem:s25+$0x70]  }
0x5f: {  	v15 =	vadd.f32 v59, v15;
	v5 =	vld [tilespmem:s25+$0xA0];
	v14 =	vadd.f32 v14, v16  }
0x60: {  	v62 =	vadd.f32 v7, v11;
	v63 =	vadd.f32 v8, v10;
	v8 =	vld [tilespmem:s25+$0xB0]  }
0x61: {  	v11 =	vadd.f32 v61, v15;
	v7 =	vld [tilespmem:s25+$0xE0];
	v10 =	vadd.f32 v13, v14  }
0x62: {  	s20 =	simm.s32 $0x0;
	v13 =	vadd.f32 v9, v62;
	v12 =	vadd.f32 v12, v63;
	v9 =	vld [tilespmem:s25+$0xF0];
	s25 =	simm.s32 $0x940  }
.LBB2_3:
0x63: {  	v14 =	vld [tilespmem:s25+$0xC0];
	v4 =	vadd.f32 v4, v11;
	v6 =	vadd.f32 v6, v10  }
0x64: {  	v10 =	vld [tilespmem:s25+$0xD0];
	v11 =	vadd.f32 v2, v13;
	v12 =	vadd.f32 v3, v12  }
0x65: {  	v2 =	vld [tilespmem:s25+$0x80];
	v4 =	vadd.f32 v5, v4;
	v5 =	vadd.f32 v8, v6  }
0x66: {  	v3 =	vld [tilespmem:s25+$0x90];
	v6 =	vadd.f32 v0, v11;
	v8 =	vadd.f32 v1, v12  }
0x67: {  	v12 =	vld [tilespmem:s25+$0x40];
	v4 =	vadd.f32 v7, v4;
	v5 =	vadd.f32 v9, v5  }
0x68: {  	v9 =	vld [tilespmem:s25+$0x50];
	v0 =	vmov v14  }
0x69: {  	v7 =	vld [tilespmem:s25+$0x0];
	v1 =	vmov v10  }
0x6a: {  	v10 =	vld [tilespmem:s25+$0x10]  }
0x6b: {  	v11 =	vld [tilespmem:s25+$0xFFFFFFC0]  }
0x6c: {  	v13 =	vld [tilespmem:s25+$0xFFFFFFD0]  }
0x6d: {  	v14 =	vld [tilespmem:s25+$0xFFFFFF80]  }
0x6e: {  	v15 =	vld [tilespmem:s25+$0xFFFFFF90]  }
0x6f: {  	v16 =	vld [tilespmem:s25+$0xFFFFFF40]  }
0x70: {  	v17 =	vld [tilespmem:s25+$0xFFFFFF50]  }
0x71: {  	v18 =	vld [tilespmem:s25+$0xFFFFFF00]  }
0x72: {  	v19 =	vld [tilespmem:s25+$0xFFFFFF10]  }
0x73: {  	v20 =	vld [tilespmem:s25+$0xFFFFFF20]  }
0x74: {  	s20 =	sadd.s32 $0x8, s20;
	v21 =	vld [tilespmem:s25+$0xFFFFFF30]  }
0x75: {  	p0 =	slt.u32 s20, $0xC0;
	v22 =	vld [tilespmem:s25+$0xFFFFFF60]  }
0x76: {  	v23 =	vld [tilespmem:s25+$0xFFFFFF70]  }
0x77: {  	v24 =	vld [tilespmem:s25+$0xFFFFFFA0]  }
0x78: {  	v6 =	vadd.f32 v18, v6;
	v8 =	vadd.f32 v19, v8;
	v18 =	vld [tilespmem:s25+$0xFFFFFFB0]  }
0x79: {  	v4 =	vadd.f32 v20, v4;
	v5 =	vadd.f32 v21, v5;
	v19 =	vld [tilespmem:s25+$0xFFFFFFE0]  }
0x7a: {  	v6 =	vadd.f32 v16, v6;
	v8 =	vadd.f32 v17, v8;
	v16 =	vld [tilespmem:s25+$0xFFFFFFF0]  }
0x7b: {  	v4 =	vadd.f32 v22, v4;
	v5 =	vadd.f32 v23, v5;
	v17 =	vld [tilespmem:s25+$0x20]  }
0x7c: {  	v6 =	vadd.f32 v14, v6;
	v8 =	vadd.f32 v15, v8;
	v14 =	vld [tilespmem:s25+$0x30]  }
0x7d: {  	v15 =	vadd.f32 v24, v4;
	v5 =	vadd.f32 v18, v5;
	v4 =	vld [tilespmem:s25+$0x60]  }
.Ltmp0:
0x7e: {  	v11 =	vadd.f32 v11, v6;
	v8 =	vadd.f32 v13, v8;
	v6 =	vld [tilespmem:s25+$0x70];
	(pc) =	sbr.rel @p0 .LBB2_3-.Ltmp0, $4  }
0x7f: {  	v13 =	vadd.f32 v19, v15;
	v15 =	vadd.f32 v16, v5;
	v5 =	vld [tilespmem:s25+$0xA0]  }
0x80: {  	v16 =	vadd.f32 v7, v11;
	v18 =	vadd.f32 v10, v8;
	v8 =	vld [tilespmem:s25+$0xB0]  }
0x81: {  	v11 =	vadd.f32 v17, v13;
	v10 =	vadd.f32 v14, v15;
	v7 =	vld [tilespmem:s25+$0xE0]  }
0x82: {  	v13 =	vadd.f32 v12, v16;
	v12 =	vadd.f32 v9, v18;
	v9 =	vld [tilespmem:s25+$0xF0];
	s25 =	sadd.s32 $0x200, s25  }
0x83: {  	_ = 	snop  }
0x84: {  	v4 =	vadd.f32 v4, v11;
	v2 =	vadd.f32 v2, v13  }
0x85: {  	v6 =	vadd.f32 v6, v10;
	v3 =	vadd.f32 v3, v12  }
0x86: {  	v4 =	vadd.f32 v5, v4;
	v0 =	vadd.f32 v0, v2  }
0x87: {  	v2 =	vadd.f32 v8, v6;
	v1 =	vadd.f32 v1, v3  }
0x88: {  	s20 =	sshll.u32 s21, $0xB;
	v3 =	vadd.f32 v7, v4;
	v0 =	vmul.f32 $4.999999890e-03, v0  }
0x89: {  	s20 =	sshra.s32 s20, $0x2;
	v2 =	vadd.f32 v9, v2;
	v1 =	vmul.f32 $4.999999890e-03, v1  }
0x8a: {  	[tilespmem:s20+$0xCE40] =	vst v0;
	v0 =	vmul.f32 $4.999999890e-03, v3  }
0x8b: {  	[tilespmem:s20+$0xCE50] =	vst v1;
	v1 =	vmul.f32 $4.999999890e-03, v2  }
0x8c: {  	[tilespmem:s20+$0xCE60] =	vst v0  }
0x8d: {  	[tilespmem:s20+$0xCE70] =	vst v1  }
0x8e: {  	_ =	swait.ge [sflag:s6], $0xC8  }
0x8f: {  	[sflag:s6] =	ssyncset.done $0x0  }
0x90: {  	s25 =	simm.s32 $0x640;
	s31 =	sadd.s32 s8, s12;
	[sflag:s6] =	ssyncadd.s32 $0xFFFFFF38  }
0x91: {  	[tilespmem:s25], [sflag:$0x1] =	stream.indirect.gather [hbm4b:s4+s24], $0x40, s22, s24, $0xb8;
	[tilespmem:$0x14E40] =	vst v63  }
0x92: {  	s29 =	simm.s32 $0x2640;
	s28 =	simm.s32 $0x3A0;
	s25 =	sshrl.u32 s31, $0x3  }
0x93: {  	[tilespmem:s29], [sflag:$0x1] =	stream.indirect.gather [hbm4b:s4+s26], $0x40, s28, s26, $0xb8;
	[tilespmem:$0x14E40] =	vst v63  }
0x94: {  	s25 =	sadd.s32 s3, s25  }
0x95: {  	[tilespmem:s5], [sflag:$0x2] =	stream.linear.gather [hbm4b:s25+s2], $0xC8, $0x38;
	[tilespmem:$0x14E40] =	vst v63  }
0x96: {  	_ =	swait.ge [sflag:s19], $0x2000  }
0x97: {  	[sflag:s19] =	ssyncset.done $0x0  }
0x98: {  	[sflag:s19] =	ssyncadd.s32 $0xFFFFE000  }
0x99: {  	_ =	swait.ge [sflag:s19], $0x1200  }
0x9a: {  	[sflag:s19] =	ssyncset.done $0x0  }
0x9b: {  	s28 =	simm.s32 $0x3A30;
	[sflag:s19] =	ssyncadd.s32 $0xFFFFEE00  }
0x9c: {  	v0 =	vld [tilespmem:s28+$0xFFFFFFD0]  }
0x9d: {  	v1 =	vld [tilespmem:s28+$0xFFFFFFE0]  }
0x9e: {  	v2 =	vld [tilespmem:s28+$0xFFFFFF90]  }
0x9f: {  	v3 =	vld [tilespmem:s28+$0xFFFFFFA0]  }
0xa0: {  	v9 =	vld [tilespmem:s28+$0xFFFFFF50]  }
0xa1: {  	v12 =	vld [tilespmem:s28+$0xFFFFFF60]  }
0xa2: {  	v7 =	vld [tilespmem:s28+$0xFFFFFF10]  }
0xa3: {  	v8 =	vld [tilespmem:s28+$0xFFFFFF20]  }
0xa4: {  	v5 =	vld [tilespmem:s28+$0xFFFFFED0]  }
0xa5: {  	v6 =	vld [tilespmem:s28+$0xFFFFFEE0]  }
0xa6: {  	v4 =	vld [tilespmem:s28+$0xFFFFFE90]  }
0xa7: {  	v10 =	vld [tilespmem:s28+$0xFFFFFEA0]  }
0xa8: {  	v11 =	vld [tilespmem:s28+$0xFFFFFE50]  }
0xa9: {  	v13 =	vld [tilespmem:s28+$0xFFFFFE60]  }
0xaa: {  	v14 =	vld [tilespmem:s28+$0xFFFFFE10]  }
0xab: {  	v15 =	vld [tilespmem:s28+$0xFFFFFE20]  }
0xac: {  	v16 =	vld [tilespmem:s28+$0xFFFFFE30]  }
0xad: {  	v17 =	vld [tilespmem:s28+$0xFFFFFE40]  }
0xae: {  	v18 =	vld [tilespmem:s28+$0xFFFFFE70]  }
0xaf: {  	v19 =	vld [tilespmem:s28+$0xFFFFFE80]  }
0xb0: {  	v20 =	vimm.f32 $0.0e+00;
	v21 =	vld [tilespmem:s28+$0xFFFFFEB0]  }
0xb1: {  	v22 =	vld [tilespmem:s28+$0xFFFFFEC0];
	v14 =	vadd.f32 v14, v20;
	v15 =	vadd.f32 v15, v20  }
0xb2: {  	v59 =	vld [tilespmem:s28+$0xFFFFFEF0];
	v16 =	vadd.f32 v16, v20;
	v17 =	vadd.f32 v17, v20  }
0xb3: {  	v11 =	vadd.f32 v11, v14;
	v13 =	vadd.f32 v13, v15;
	v14 =	vld [tilespmem:s28+$0xFFFFFF00]  }
0xb4: {  	v61 =	vld [tilespmem:s28+$0xFFFFFF30];
	v15 =	vadd.f32 v18, v16;
	v60 =	vadd.f32 v19, v17  }
0xb5: {  	v11 =	vadd.f32 v4, v11;
	v10 =	vadd.f32 v10, v13;
	v13 =	vld [tilespmem:s28+$0xFFFFFF40]  }
0xb6: {  	v15 =	vadd.f32 v21, v15;
	v16 =	vadd.f32 v22, v60;
	v4 =	vld [tilespmem:s28+$0xFFFFFF70]  }
0xb7: {  	v11 =	vadd.f32 v5, v11;
	v10 =	vadd.f32 v6, v10;
	v6 =	vld [tilespmem:s28+$0xFFFFFF80]  }
0xb8: {  	v15 =	vadd.f32 v59, v15;
	v5 =	vld [tilespmem:s28+$0xFFFFFFB0];
	v14 =	vadd.f32 v14, v16  }
0xb9: {  	v62 =	vadd.f32 v7, v11;
	v63 =	vadd.f32 v8, v10;
	v8 =	vld [tilespmem:s28+$0xFFFFFFC0]  }
0xba: {  	v11 =	vadd.f32 v61, v15;
	v7 =	vld [tilespmem:s28+$0xFFFFFFF0];
	v10 =	vadd.f32 v13, v14  }
0xbb: {  	s25 =	simm.s32 $0x0;
	v13 =	vadd.f32 v9, v62;
	v12 =	vadd.f32 v12, v63;
	v9 =	vld [tilespmem:s28+$0x0];
	s28 =	simm.s32 $0x3C30  }
.LBB2_5:
0xbc: {  	v14 =	vld [tilespmem:s28+$0xFFFFFFD0];
	v4 =	vadd.f32 v4, v11;
	v6 =	vadd.f32 v6, v10  }
0xbd: {  	v10 =	vld [tilespmem:s28+$0xFFFFFFE0];
	v11 =	vadd.f32 v2, v13;
	v12 =	vadd.f32 v3, v12  }
0xbe: {  	v2 =	vld [tilespmem:s28+$0xFFFFFF90];
	v4 =	vadd.f32 v5, v4;
	v5 =	vadd.f32 v8, v6  }
0xbf: {  	v3 =	vld [tilespmem:s28+$0xFFFFFFA0];
	v6 =	vadd.f32 v0, v11;
	v8 =	vadd.f32 v1, v12  }
0xc0: {  	v12 =	vld [tilespmem:s28+$0xFFFFFF50];
	v4 =	vadd.f32 v7, v4;
	v5 =	vadd.f32 v9, v5  }
0xc1: {  	v9 =	vld [tilespmem:s28+$0xFFFFFF60];
	v0 =	vmov v14  }
0xc2: {  	v7 =	vld [tilespmem:s28+$0xFFFFFF10];
	v1 =	vmov v10  }
0xc3: {  	v10 =	vld [tilespmem:s28+$0xFFFFFF20]  }
0xc4: {  	v11 =	vld [tilespmem:s28+$0xFFFFFED0]  }
0xc5: {  	v13 =	vld [tilespmem:s28+$0xFFFFFEE0]  }
0xc6: {  	v14 =	vld [tilespmem:s28+$0xFFFFFE90]  }
0xc7: {  	v15 =	vld [tilespmem:s28+$0xFFFFFEA0]  }
0xc8: {  	v16 =	vld [tilespmem:s28+$0xFFFFFE50]  }
0xc9: {  	v17 =	vld [tilespmem:s28+$0xFFFFFE60]  }
0xca: {  	v18 =	vld [tilespmem:s28+$0xFFFFFE10]  }
0xcb: {  	v19 =	vld [tilespmem:s28+$0xFFFFFE20]  }
0xcc: {  	v20 =	vld [tilespmem:s28+$0xFFFFFE30]  }
0xcd: {  	s25 =	sadd.s32 $0x8, s25;
	v21 =	vld [tilespmem:s28+$0xFFFFFE40]  }
0xce: {  	p0 =	slt.u32 s25, $0xC0;
	v22 =	vld [tilespmem:s28+$0xFFFFFE70]  }
0xcf: {  	v23 =	vld [tilespmem:s28+$0xFFFFFE80]  }
0xd0: {  	v24 =	vld [tilespmem:s28+$0xFFFFFEB0]  }
0xd1: {  	v6 =	vadd.f32 v18, v6;
	v8 =	vadd.f32 v19, v8;
	v18 =	vld [tilespmem:s28+$0xFFFFFEC0]  }
0xd2: {  	v4 =	vadd.f32 v20, v4;
	v5 =	vadd.f32 v21, v5;
	v19 =	vld [tilespmem:s28+$0xFFFFFEF0]  }
0xd3: {  	v6 =	vadd.f32 v16, v6;
	v8 =	vadd.f32 v17, v8;
	v16 =	vld [tilespmem:s28+$0xFFFFFF00]  }
0xd4: {  	v4 =	vadd.f32 v22, v4;
	v5 =	vadd.f32 v23, v5;
	v17 =	vld [tilespmem:s28+$0xFFFFFF30]  }
0xd5: {  	v6 =	vadd.f32 v14, v6;
	v8 =	vadd.f32 v15, v8;
	v14 =	vld [tilespmem:s28+$0xFFFFFF40]  }
0xd6: {  	v15 =	vadd.f32 v24, v4;
	v5 =	vadd.f32 v18, v5;
	v4 =	vld [tilespmem:s28+$0xFFFFFF70]  }
.Ltmp1:
0xd7: {  	v11 =	vadd.f32 v11, v6;
	v8 =	vadd.f32 v13, v8;
	v6 =	vld [tilespmem:s28+$0xFFFFFF80];
	(pc) =	sbr.rel @p0 .LBB2_5-.Ltmp1, $4  }
0xd8: {  	v13 =	vadd.f32 v19, v15;
	v15 =	vadd.f32 v16, v5;
	v5 =	vld [tilespmem:s28+$0xFFFFFFB0]  }
0xd9: {  	v16 =	vadd.f32 v7, v11;
	v18 =	vadd.f32 v10, v8;
	v8 =	vld [tilespmem:s28+$0xFFFFFFC0]  }
0xda: {  	v11 =	vadd.f32 v17, v13;
	v10 =	vadd.f32 v14, v15;
	v7 =	vld [tilespmem:s28+$0xFFFFFFF0]  }
0xdb: {  	v13 =	vadd.f32 v12, v16;
	v12 =	vadd.f32 v9, v18;
	v9 =	vld [tilespmem:s28+$0x0];
	s28 =	sadd.s32 $0x200, s28  }
0xdc: {  	_ = 	snop  }
0xdd: {  	v4 =	vadd.f32 v4, v11;
	v2 =	vadd.f32 v2, v13  }
0xde: {  	v6 =	vadd.f32 v6, v10;
	v3 =	vadd.f32 v3, v12  }
0xdf: {  	v4 =	vadd.f32 v5, v4;
	v0 =	vadd.f32 v0, v2  }
0xe0: {  	v2 =	vadd.f32 v8, v6;
	v1 =	vadd.f32 v1, v3  }
0xe1: {  	v3 =	vadd.f32 v7, v4;
	v0 =	vmul.f32 $4.999999890e-03, v0  }
0xe2: {  	v2 =	vadd.f32 v9, v2;
	v1 =	vmul.f32 $4.999999890e-03, v1  }
0xe3: {  	[tilespmem:s20+$0xCE80] =	vst v0;
	v0 =	vmul.f32 $4.999999890e-03, v3  }
0xe4: {  	[tilespmem:s20+$0xCE90] =	vst v1;
	v1 =	vmul.f32 $4.999999890e-03, v2  }
0xe5: {  	[tilespmem:s20+$0xCEA0] =	vst v0  }
0xe6: {  	[tilespmem:s20+$0xCEB0] =	vst v1  }
0xe7: {  	_ =	swait.ge [sflag:s6], $0xC8  }
0xe8: {  	[sflag:s6] =	ssyncset.done $0x0  }
0xe9: {  	s25 =	simm.s32 $0x3840;
	s20 =	sshll.u32 s21, $0x3;
	[sflag:s6] =	ssyncadd.s32 $0xFFFFFF38  }
0xea: {  	[tilespmem:s25], [sflag:$0x1] =	stream.indirect.gather [hbm4b:s4+s24], $0x40, s23, s24, $0xb8;
	[tilespmem:$0x14E40] =	vst v63  }
0xeb: {  	s25 =	sor.u32 $0x2, s20  }
0xec: {  	s28 =	simm.s32 $0x5840;
	s29 =	simm.s32 $0x468;
	p0 =	sgt.u32 s25, $0x1F9  }
0xed: {  	[tilespmem:s28], [sflag:$0x1] =	stream.indirect.gather [hbm4b:s4+s26], $0x40, s29, s26, $0xb8;
	[tilespmem:$0x14E40] =	vst v63  }
0xee: {  	s28 =	sadd.s32 @!p0 s8, s13  }
0xef: {  	s28 =	sshrl.u32 @!p0 s28, $0x3  }
0xf0: {  	s29 =	simm.s32 @!p0 $0x0;
	s28 =	sadd.s32 @!p0 s3, s28  }
0xf1: {  	[tilespmem:s29], [sflag:$0x2] =	stream.linear.gather @!p0 [hbm4b:s28+s29], $0xC8, $0x38;
	[tilespmem:$0x14E40] =	vst v63  }
0xf2: {  	_ =	swait.ge [sflag:s19], $0x2000  }
0xf3: {  	[sflag:s19] =	ssyncset.done $0x0  }
0xf4: {  	[sflag:s19] =	ssyncadd.s32 $0xFFFFE000  }
0xf5: {  	_ =	swait.ge [sflag:s19], $0x1200  }
0xf6: {  	[sflag:s19] =	ssyncset.done $0x0  }
0xf7: {  	s29 =	simm.s32 $0x6A40;
	[sflag:s19] =	ssyncadd.s32 $0xFFFFEE00  }
0xf8: {  	v0 =	vld [tilespmem:s29+$0x1C0]  }
0xf9: {  	v1 =	vld [tilespmem:s29+$0x1D0]  }
0xfa: {  	v2 =	vld [tilespmem:s29+$0x180]  }
0xfb: {  	v3 =	vld [tilespmem:s29+$0x190]  }
0xfc: {  	v9 =	vld [tilespmem:s29+$0x140]  }
0xfd: {  	v12 =	vld [tilespmem:s29+$0x150]  }
0xfe: {  	v7 =	vld [tilespmem:s29+$0x100]  }
0xff: {  	v8 =	vld [tilespmem:s29+$0x110]  }
0x100: {  	v5 =	vld [tilespmem:s29+$0xC0]  }
0x101: {  	v6 =	vld [tilespmem:s29+$0xD0]  }
0x102: {  	v4 =	vld [tilespmem:s29+$0x80]  }
0x103: {  	v10 =	vld [tilespmem:s29+$0x90]  }
0x104: {  	v11 =	vld [tilespmem:s29+$0x40]  }
0x105: {  	v13 =	vld [tilespmem:s29+$0x50]  }
0x106: {  	v14 =	vld [tilespmem:s29+$0x0]  }
0x107: {  	v15 =	vld [tilespmem:s29+$0x10]  }
0x108: {  	v16 =	vld [tilespmem:s29+$0x20]  }
0x109: {  	v17 =	vld [tilespmem:s29+$0x30]  }
0x10a: {  	v18 =	vld [tilespmem:s29+$0x60]  }
0x10b: {  	v19 =	vld [tilespmem:s29+$0x70]  }
0x10c: {  	v20 =	vimm.f32 $0.0e+00;
	v21 =	vld [tilespmem:s29+$0xA0]  }
0x10d: {  	v22 =	vld [tilespmem:s29+$0xB0];
	v14 =	vadd.f32 v14, v20;
	v15 =	vadd.f32 v15, v20  }
0x10e: {  	v59 =	vld [tilespmem:s29+$0xE0];
	v16 =	vadd.f32 v16, v20;
	v17 =	vadd.f32 v17, v20  }
0x10f: {  	v11 =	vadd.f32 v11, v14;
	v13 =	vadd.f32 v13, v15;
	v14 =	vld [tilespmem:s29+$0xF0]  }
0x110: {  	v61 =	vld [tilespmem:s29+$0x120];
	v15 =	vadd.f32 v18, v16;
	v60 =	vadd.f32 v19, v17  }
0x111: {  	v11 =	vadd.f32 v4, v11;
	v10 =	vadd.f32 v10, v13;
	v13 =	vld [tilespmem:s29+$0x130]  }
0x112: {  	v15 =	vadd.f32 v21, v15;
	v16 =	vadd.f32 v22, v60;
	v4 =	vld [tilespmem:s29+$0x160]  }
0x113: {  	v11 =	vadd.f32 v5, v11;
	v10 =	vadd.f32 v6, v10;
	v6 =	vld [tilespmem:s29+$0x170]  }
0x114: {  	v15 =	vadd.f32 v59, v15;
	v5 =	vld [tilespmem:s29+$0x1A0];
	v14 =	vadd.f32 v14, v16  }
0x115: {  	v62 =	vadd.f32 v7, v11;
	v63 =	vadd.f32 v8, v10;
	v8 =	vld [tilespmem:s29+$0x1B0]  }
0x116: {  	v11 =	vadd.f32 v61, v15;
	v7 =	vld [tilespmem:s29+$0x1E0];
	v10 =	vadd.f32 v13, v14  }
0x117: {  	s28 =	simm.s32 $0x0;
	v13 =	vadd.f32 v9, v62;
	v12 =	vadd.f32 v12, v63;
	v9 =	vld [tilespmem:s29+$0x1F0];
	s29 =	simm.s32 $0x6C40  }
.LBB2_7:
0x118: {  	v14 =	vld [tilespmem:s29+$0x1C0];
	v4 =	vadd.f32 v4, v11;
	v6 =	vadd.f32 v6, v10  }
0x119: {  	v10 =	vld [tilespmem:s29+$0x1D0];
	v11 =	vadd.f32 v2, v13;
	v12 =	vadd.f32 v3, v12  }
0x11a: {  	v2 =	vld [tilespmem:s29+$0x180];
	v4 =	vadd.f32 v5, v4;
	v5 =	vadd.f32 v8, v6  }
0x11b: {  	v3 =	vld [tilespmem:s29+$0x190];
	v6 =	vadd.f32 v0, v11;
	v8 =	vadd.f32 v1, v12  }
0x11c: {  	v12 =	vld [tilespmem:s29+$0x140];
	v4 =	vadd.f32 v7, v4;
	v5 =	vadd.f32 v9, v5  }
0x11d: {  	v9 =	vld [tilespmem:s29+$0x150];
	v0 =	vmov v14  }
0x11e: {  	v7 =	vld [tilespmem:s29+$0x100];
	v1 =	vmov v10  }
0x11f: {  	v10 =	vld [tilespmem:s29+$0x110]  }
0x120: {  	v11 =	vld [tilespmem:s29+$0xC0]  }
0x121: {  	v13 =	vld [tilespmem:s29+$0xD0]  }
0x122: {  	v14 =	vld [tilespmem:s29+$0x80]  }
0x123: {  	v15 =	vld [tilespmem:s29+$0x90]  }
0x124: {  	v16 =	vld [tilespmem:s29+$0x40]  }
0x125: {  	v17 =	vld [tilespmem:s29+$0x50]  }
0x126: {  	v18 =	vld [tilespmem:s29+$0x0]  }
0x127: {  	v19 =	vld [tilespmem:s29+$0x10]  }
0x128: {  	v20 =	vld [tilespmem:s29+$0x20]  }
0x129: {  	s28 =	sadd.s32 $0x8, s28;
	v21 =	vld [tilespmem:s29+$0x30]  }
0x12a: {  	p0 =	slt.u32 s28, $0xC0;
	v22 =	vld [tilespmem:s29+$0x60]  }
0x12b: {  	v23 =	vld [tilespmem:s29+$0x70]  }
0x12c: {  	v24 =	vld [tilespmem:s29+$0xA0]  }
0x12d: {  	v6 =	vadd.f32 v18, v6;
	v8 =	vadd.f32 v19, v8;
	v18 =	vld [tilespmem:s29+$0xB0]  }
0x12e: {  	v4 =	vadd.f32 v20, v4;
	v5 =	vadd.f32 v21, v5;
	v19 =	vld [tilespmem:s29+$0xE0]  }
0x12f: {  	v6 =	vadd.f32 v16, v6;
	v8 =	vadd.f32 v17, v8;
	v16 =	vld [tilespmem:s29+$0xF0]  }
0x130: {  	v4 =	vadd.f32 v22, v4;
	v5 =	vadd.f32 v23, v5;
	v17 =	vld [tilespmem:s29+$0x120]  }
0x131: {  	v6 =	vadd.f32 v14, v6;
	v8 =	vadd.f32 v15, v8;
	v14 =	vld [tilespmem:s29+$0x130]  }
0x132: {  	v15 =	vadd.f32 v24, v4;
	v5 =	vadd.f32 v18, v5;
	v4 =	vld [tilespmem:s29+$0x160]  }
.Ltmp2:
0x133: {  	v11 =	vadd.f32 v11, v6;
	v8 =	vadd.f32 v13, v8;
	v6 =	vld [tilespmem:s29+$0x170];
	(pc) =	sbr.rel @p0 .LBB2_7-.Ltmp2, $4  }
0x134: {  	v13 =	vadd.f32 v19, v15;
	v15 =	vadd.f32 v16, v5;
	v5 =	vld [tilespmem:s29+$0x1A0]  }
0x135: {  	v16 =	vadd.f32 v7, v11;
	v18 =	vadd.f32 v10, v8;
	v8 =	vld [tilespmem:s29+$0x1B0]  }
0x136: {  	v11 =	vadd.f32 v17, v13;
	v10 =	vadd.f32 v14, v15;
	v7 =	vld [tilespmem:s29+$0x1E0]  }
0x137: {  	v13 =	vadd.f32 v12, v16;
	v12 =	vadd.f32 v9, v18;
	v9 =	vld [tilespmem:s29+$0x1F0];
	s29 =	sadd.s32 $0x200, s29  }
0x138: {  	_ = 	snop  }
0x139: {  	v4 =	vadd.f32 v4, v11;
	v2 =	vadd.f32 v2, v13  }
0x13a: {  	v6 =	vadd.f32 v6, v10;
	v3 =	vadd.f32 v3, v12  }
0x13b: {  	v4 =	vadd.f32 v5, v4;
	v0 =	vadd.f32 v0, v2  }
0x13c: {  	v2 =	vadd.f32 v8, v6;
	v1 =	vadd.f32 v1, v3  }
0x13d: {  	s25 =	sshll.u32 s25, $0x6;
	v3 =	vadd.f32 v7, v4;
	v0 =	vmul.f32 $4.999999890e-03, v0  }
0x13e: {  	s25 =	sand.u32 $0x3FFFFFC0, s25;
	v2 =	vadd.f32 v9, v2;
	v1 =	vmul.f32 $4.999999890e-03, v1  }
0x13f: {  	[tilespmem:s25+$0xCE40] =	vst v0;
	v0 =	vmul.f32 $4.999999890e-03, v3  }
0x140: {  	[tilespmem:s25+$0xCE50] =	vst v1;
	v1 =	vmul.f32 $4.999999890e-03, v2  }
0x141: {  	[tilespmem:s25+$0xCE60] =	vst v0  }
0x142: {  	[tilespmem:s25+$0xCE70] =	vst v1  }
0x143: {  	_ =	swait.ge [sflag:s6], $0xC8  }
0x144: {  	[sflag:s6] =	ssyncset.done $0x0  }
0x145: {  	s25 =	sor.u32 $0x3, s20;
	[sflag:s6] =	ssyncadd.s32 $0xFFFFFF38  }
0x146: {  	[tilespmem:s0], [sflag:$0x1] =	stream.indirect.gather [hbm4b:s4+s24], $0x40, s10, s24, $0xb8;
	[tilespmem:$0x14E40] =	vst v63  }
0x147: {  	s28 =	simm.s32 $0x530;
	p0 =	sgt.u32 s25, $0x1F9  }
0x148: {  	[tilespmem:s30], [sflag:$0x1] =	stream.indirect.gather [hbm4b:s4+s26], $0x40, s28, s26, $0xb8;
	[tilespmem:$0x14E40] =	vst v63  }
0x149: {  	s28 =	sadd.s32 @!p0 s8, s14  }
0x14a: {  	s28 =	sshrl.u32 @!p0 s28, $0x3  }
0x14b: {  	s29 =	simm.s32 @!p0 $0x0;
	s31 =	simm.s32 @!p0 $0xC8;
	s28 =	sadd.s32 @!p0 s3, s28  }
0x14c: {  	[tilespmem:s31], [sflag:$0x2] =	stream.linear.gather @!p0 [hbm4b:s28+s29], $0xC8, $0x38;
	[tilespmem:$0x14E40] =	vst v63  }
0x14d: {  	_ =	swait.ge [sflag:s19], $0x2000  }
0x14e: {  	[sflag:s19] =	ssyncset.done $0x0  }
0x14f: {  	[sflag:s19] =	ssyncadd.s32 $0xFFFFE000  }
0x150: {  	_ =	swait.ge [sflag:s19], $0x1200  }
0x151: {  	[sflag:s19] =	ssyncset.done $0x0  }
0x152: {  	s29 =	simm.s32 $0x9C40;
	[sflag:s19] =	ssyncadd.s32 $0xFFFFEE00  }
0x153: {  	v0 =	vld [tilespmem:s29+$0x1C0]  }
0x154: {  	v1 =	vld [tilespmem:s29+$0x1D0]  }
0x155: {  	v2 =	vld [tilespmem:s29+$0x180]  }
0x156: {  	v3 =	vld [tilespmem:s29+$0x190]  }
0x157: {  	v9 =	vld [tilespmem:s29+$0x140]  }
0x158: {  	v12 =	vld [tilespmem:s29+$0x150]  }
0x159: {  	v7 =	vld [tilespmem:s29+$0x100]  }
0x15a: {  	v8 =	vld [tilespmem:s29+$0x110]  }
0x15b: {  	v5 =	vld [tilespmem:s29+$0xC0]  }
0x15c: {  	v6 =	vld [tilespmem:s29+$0xD0]  }
0x15d: {  	v4 =	vld [tilespmem:s29+$0x80]  }
0x15e: {  	v10 =	vld [tilespmem:s29+$0x90]  }
0x15f: {  	v11 =	vld [tilespmem:s29+$0x40]  }
0x160: {  	v13 =	vld [tilespmem:s29+$0x50]  }
0x161: {  	v14 =	vld [tilespmem:s29+$0x0]  }
0x162: {  	v15 =	vld [tilespmem:s29+$0x10]  }
0x163: {  	v16 =	vld [tilespmem:s29+$0x20]  }
0x164: {  	v17 =	vld [tilespmem:s29+$0x30]  }
0x165: {  	v18 =	vld [tilespmem:s29+$0x60]  }
0x166: {  	v19 =	vld [tilespmem:s29+$0x70]  }
0x167: {  	v20 =	vimm.f32 $0.0e+00;
	v21 =	vld [tilespmem:s29+$0xA0]  }
0x168: {  	v22 =	vld [tilespmem:s29+$0xB0];
	v14 =	vadd.f32 v14, v20;
	v15 =	vadd.f32 v15, v20  }
0x169: {  	v59 =	vld [tilespmem:s29+$0xE0];
	v16 =	vadd.f32 v16, v20;
	v17 =	vadd.f32 v17, v20  }
0x16a: {  	v11 =	vadd.f32 v11, v14;
	v13 =	vadd.f32 v13, v15;
	v14 =	vld [tilespmem:s29+$0xF0]  }
0x16b: {  	v61 =	vld [tilespmem:s29+$0x120];
	v15 =	vadd.f32 v18, v16;
	v60 =	vadd.f32 v19, v17  }
0x16c: {  	v11 =	vadd.f32 v4, v11;
	v10 =	vadd.f32 v10, v13;
	v13 =	vld [tilespmem:s29+$0x130]  }
0x16d: {  	v15 =	vadd.f32 v21, v15;
	v16 =	vadd.f32 v22, v60;
	v4 =	vld [tilespmem:s29+$0x160]  }
0x16e: {  	v11 =	vadd.f32 v5, v11;
	v10 =	vadd.f32 v6, v10;
	v6 =	vld [tilespmem:s29+$0x170]  }
0x16f: {  	v15 =	vadd.f32 v59, v15;
	v5 =	vld [tilespmem:s29+$0x1A0];
	v14 =	vadd.f32 v14, v16  }
0x170: {  	v62 =	vadd.f32 v7, v11;
	v63 =	vadd.f32 v8, v10;
	v8 =	vld [tilespmem:s29+$0x1B0]  }
0x171: {  	v11 =	vadd.f32 v61, v15;
	v7 =	vld [tilespmem:s29+$0x1E0];
	v10 =	vadd.f32 v13, v14  }
0x172: {  	s28 =	simm.s32 $0x0;
	v13 =	vadd.f32 v9, v62;
	v12 =	vadd.f32 v12, v63;
	v9 =	vld [tilespmem:s29+$0x1F0];
	s29 =	simm.s32 $0x9E40  }
.LBB2_9:
0x173: {  	v14 =	vld [tilespmem:s29+$0x1C0];
	v4 =	vadd.f32 v4, v11;
	v6 =	vadd.f32 v6, v10  }
0x174: {  	v10 =	vld [tilespmem:s29+$0x1D0];
	v11 =	vadd.f32 v2, v13;
	v12 =	vadd.f32 v3, v12  }
0x175: {  	v2 =	vld [tilespmem:s29+$0x180];
	v4 =	vadd.f32 v5, v4;
	v5 =	vadd.f32 v8, v6  }
0x176: {  	v3 =	vld [tilespmem:s29+$0x190];
	v6 =	vadd.f32 v0, v11;
	v8 =	vadd.f32 v1, v12  }
0x177: {  	v12 =	vld [tilespmem:s29+$0x140];
	v4 =	vadd.f32 v7, v4;
	v5 =	vadd.f32 v9, v5  }
0x178: {  	v9 =	vld [tilespmem:s29+$0x150];
	v0 =	vmov v14  }
0x179: {  	v7 =	vld [tilespmem:s29+$0x100];
	v1 =	vmov v10  }
0x17a: {  	v10 =	vld [tilespmem:s29+$0x110]  }
0x17b: {  	v11 =	vld [tilespmem:s29+$0xC0]  }
0x17c: {  	v13 =	vld [tilespmem:s29+$0xD0]  }
0x17d: {  	v14 =	vld [tilespmem:s29+$0x80]  }
0x17e: {  	v15 =	vld [tilespmem:s29+$0x90]  }
0x17f: {  	v16 =	vld [tilespmem:s29+$0x40]  }
0x180: {  	v17 =	vld [tilespmem:s29+$0x50]  }
0x181: {  	v18 =	vld [tilespmem:s29+$0x0]  }
0x182: {  	v19 =	vld [tilespmem:s29+$0x10]  }
0x183: {  	v20 =	vld [tilespmem:s29+$0x20]  }
0x184: {  	s28 =	sadd.s32 $0x8, s28;
	v21 =	vld [tilespmem:s29+$0x30]  }
0x185: {  	p0 =	slt.u32 s28, $0xC0;
	v22 =	vld [tilespmem:s29+$0x60]  }
0x186: {  	v23 =	vld [tilespmem:s29+$0x70]  }
0x187: {  	v24 =	vld [tilespmem:s29+$0xA0]  }
0x188: {  	v6 =	vadd.f32 v18, v6;
	v8 =	vadd.f32 v19, v8;
	v18 =	vld [tilespmem:s29+$0xB0]  }
0x189: {  	v4 =	vadd.f32 v20, v4;
	v5 =	vadd.f32 v21, v5;
	v19 =	vld [tilespmem:s29+$0xE0]  }
0x18a: {  	v6 =	vadd.f32 v16, v6;
	v8 =	vadd.f32 v17, v8;
	v16 =	vld [tilespmem:s29+$0xF0]  }
0x18b: {  	v4 =	vadd.f32 v22, v4;
	v5 =	vadd.f32 v23, v5;
	v17 =	vld [tilespmem:s29+$0x120]  }
0x18c: {  	v6 =	vadd.f32 v14, v6;
	v8 =	vadd.f32 v15, v8;
	v14 =	vld [tilespmem:s29+$0x130]  }
0x18d: {  	v15 =	vadd.f32 v24, v4;
	v5 =	vadd.f32 v18, v5;
	v4 =	vld [tilespmem:s29+$0x160]  }
.Ltmp3:
0x18e: {  	v11 =	vadd.f32 v11, v6;
	v8 =	vadd.f32 v13, v8;
	v6 =	vld [tilespmem:s29+$0x170];
	(pc) =	sbr.rel @p0 .LBB2_9-.Ltmp3, $4  }
0x18f: {  	v13 =	vadd.f32 v19, v15;
	v15 =	vadd.f32 v16, v5;
	v5 =	vld [tilespmem:s29+$0x1A0]  }
0x190: {  	v16 =	vadd.f32 v7, v11;
	v18 =	vadd.f32 v10, v8;
	v8 =	vld [tilespmem:s29+$0x1B0]  }
0x191: {  	v11 =	vadd.f32 v17, v13;
	v10 =	vadd.f32 v14, v15;
	v7 =	vld [tilespmem:s29+$0x1E0]  }
0x192: {  	v13 =	vadd.f32 v12, v16;
	v12 =	vadd.f32 v9, v18;
	v9 =	vld [tilespmem:s29+$0x1F0];
	s29 =	sadd.s32 $0x200, s29  }
0x193: {  	_ = 	snop  }
0x194: {  	v4 =	vadd.f32 v4, v11;
	v2 =	vadd.f32 v2, v13  }
0x195: {  	v6 =	vadd.f32 v6, v10;
	v3 =	vadd.f32 v3, v12  }
0x196: {  	v4 =	vadd.f32 v5, v4;
	v0 =	vadd.f32 v0, v2  }
0x197: {  	v2 =	vadd.f32 v8, v6;
	v1 =	vadd.f32 v1, v3  }
0x198: {  	s25 =	sshll.u32 s25, $0x6;
	v3 =	vadd.f32 v7, v4;
	v0 =	vmul.f32 $4.999999890e-03, v0  }
0x199: {  	s25 =	sand.u32 $0x3FFFFFC0, s25;
	v2 =	vadd.f32 v9, v2;
	v1 =	vmul.f32 $4.999999890e-03, v1  }
0x19a: {  	[tilespmem:s25+$0xCE40] =	vst v0;
	v0 =	vmul.f32 $4.999999890e-03, v3  }
0x19b: {  	[tilespmem:s25+$0xCE50] =	vst v1;
	v1 =	vmul.f32 $4.999999890e-03, v2  }
0x19c: {  	[tilespmem:s25+$0xCE60] =	vst v0  }
0x19d: {  	[tilespmem:s25+$0xCE70] =	vst v1  }
0x19e: {  	_ =	swait.ge [sflag:s6], $0xC8  }
0x19f: {  	[sflag:s6] =	ssyncset.done $0x0  }
0x1a0: {  	s25 =	sor.u32 $0x4, s20;
	[sflag:s6] =	ssyncadd.s32 $0xFFFFFF38  }
0x1a1: {  	[tilespmem:s7], [sflag:$0x1] =	stream.indirect.gather [hbm4b:s4+s24], $0x40, s5, s24, $0xb8;
	[tilespmem:$0x14E40] =	vst v63  }
0x1a2: {  	s28 =	simm.s32 $0x5F8;
	p0 =	sgt.u32 s25, $0x1F9  }
0x1a3: {  	[tilespmem:s9], [sflag:$0x1] =	stream.indirect.gather [hbm4b:s4+s26], $0x40, s28, s26, $0xb8;
	[tilespmem:$0x14E40] =	vst v63  }
0x1a4: {  	s28 =	sadd.s32 @!p0 s8, s15  }
0x1a5: {  	s28 =	sshrl.u32 @!p0 s28, $0x3  }
0x1a6: {  	s29 =	simm.s32 @!p0 $0x0;
	s31 =	simm.s32 @!p0 $0x190;
	s28 =	sadd.s32 @!p0 s3, s28  }
0x1a7: {  	[tilespmem:s31], [sflag:$0x2] =	stream.linear.gather @!p0 [hbm4b:s28+s29], $0xC8, $0x38;
	[tilespmem:$0x14E40] =	vst v63  }
0x1a8: {  	_ =	swait.ge [sflag:s19], $0x2000  }
0x1a9: {  	[sflag:s19] =	ssyncset.done $0x0  }
0x1aa: {  	[sflag:s19] =	ssyncadd.s32 $0xFFFFE000  }
0x1ab: {  	_ =	swait.ge [sflag:s19], $0x1200  }
0x1ac: {  	[sflag:s19] =	ssyncset.done $0x0  }
0x1ad: {  	s29 =	simm.s32 $0x740;
	[sflag:s19] =	ssyncadd.s32 $0xFFFFEE00  }
0x1ae: {  	v0 =	vld [tilespmem:s29+$0xC0]  }
0x1af: {  	v1 =	vld [tilespmem:s29+$0xD0]  }
0x1b0: {  	v2 =	vld [tilespmem:s29+$0x80]  }
0x1b1: {  	v3 =	vld [tilespmem:s29+$0x90]  }
0x1b2: {  	v9 =	vld [tilespmem:s29+$0x40]  }
0x1b3: {  	v12 =	vld [tilespmem:s29+$0x50]  }
0x1b4: {  	v7 =	vld [tilespmem:s29+$0x0]  }
0x1b5: {  	v8 =	vld [tilespmem:s29+$0x10]  }
0x1b6: {  	v5 =	vld [tilespmem:s29+$0xFFFFFFC0]  }
0x1b7: {  	v6 =	vld [tilespmem:s29+$0xFFFFFFD0]  }
0x1b8: {  	v4 =	vld [tilespmem:s29+$0xFFFFFF80]  }
0x1b9: {  	v10 =	vld [tilespmem:s29+$0xFFFFFF90]  }
0x1ba: {  	v11 =	vld [tilespmem:s29+$0xFFFFFF40]  }
0x1bb: {  	v13 =	vld [tilespmem:s29+$0xFFFFFF50]  }
0x1bc: {  	v14 =	vld [tilespmem:s29+$0xFFFFFF00]  }
0x1bd: {  	v15 =	vld [tilespmem:s29+$0xFFFFFF10]  }
0x1be: {  	v16 =	vld [tilespmem:s29+$0xFFFFFF20]  }
0x1bf: {  	v17 =	vld [tilespmem:s29+$0xFFFFFF30]  }
0x1c0: {  	v18 =	vld [tilespmem:s29+$0xFFFFFF60]  }
0x1c1: {  	v19 =	vld [tilespmem:s29+$0xFFFFFF70]  }
0x1c2: {  	v20 =	vimm.f32 $0.0e+00;
	v21 =	vld [tilespmem:s29+$0xFFFFFFA0]  }
0x1c3: {  	v22 =	vld [tilespmem:s29+$0xFFFFFFB0];
	v14 =	vadd.f32 v14, v20;
	v15 =	vadd.f32 v15, v20  }
0x1c4: {  	v59 =	vld [tilespmem:s29+$0xFFFFFFE0];
	v16 =	vadd.f32 v16, v20;
	v17 =	vadd.f32 v17, v20  }
0x1c5: {  	v11 =	vadd.f32 v11, v14;
	v13 =	vadd.f32 v13, v15;
	v14 =	vld [tilespmem:s29+$0xFFFFFFF0]  }
0x1c6: {  	v61 =	vld [tilespmem:s29+$0x20];
	v15 =	vadd.f32 v18, v16;
	v60 =	vadd.f32 v19, v17  }
0x1c7: {  	v11 =	vadd.f32 v4, v11;
	v10 =	vadd.f32 v10, v13;
	v13 =	vld [tilespmem:s29+$0x30]  }
0x1c8: {  	v15 =	vadd.f32 v21, v15;
	v16 =	vadd.f32 v22, v60;
	v4 =	vld [tilespmem:s29+$0x60]  }
0x1c9: {  	v11 =	vadd.f32 v5, v11;
	v10 =	vadd.f32 v6, v10;
	v6 =	vld [tilespmem:s29+$0x70]  }
0x1ca: {  	v15 =	vadd.f32 v59, v15;
	v5 =	vld [tilespmem:s29+$0xA0];
	v14 =	vadd.f32 v14, v16  }
0x1cb: {  	v62 =	vadd.f32 v7, v11;
	v63 =	vadd.f32 v8, v10;
	v8 =	vld [tilespmem:s29+$0xB0]  }
0x1cc: {  	v11 =	vadd.f32 v61, v15;
	v7 =	vld [tilespmem:s29+$0xE0];
	v10 =	vadd.f32 v13, v14  }
0x1cd: {  	s28 =	simm.s32 $0x0;
	v13 =	vadd.f32 v9, v62;
	v12 =	vadd.f32 v12, v63;
	v9 =	vld [tilespmem:s29+$0xF0];
	s29 =	simm.s32 $0x940  }
.LBB2_11:
0x1ce: {  	v14 =	vld [tilespmem:s29+$0xC0];
	v4 =	vadd.f32 v4, v11;
	v6 =	vadd.f32 v6, v10  }
0x1cf: {  	v10 =	vld [tilespmem:s29+$0xD0];
	v11 =	vadd.f32 v2, v13;
	v12 =	vadd.f32 v3, v12  }
0x1d0: {  	v2 =	vld [tilespmem:s29+$0x80];
	v4 =	vadd.f32 v5, v4;
	v5 =	vadd.f32 v8, v6  }
0x1d1: {  	v3 =	vld [tilespmem:s29+$0x90];
	v6 =	vadd.f32 v0, v11;
	v8 =	vadd.f32 v1, v12  }
0x1d2: {  	v12 =	vld [tilespmem:s29+$0x40];
	v4 =	vadd.f32 v7, v4;
	v5 =	vadd.f32 v9, v5  }
0x1d3: {  	v9 =	vld [tilespmem:s29+$0x50];
	v0 =	vmov v14  }
0x1d4: {  	v7 =	vld [tilespmem:s29+$0x0];
	v1 =	vmov v10  }
0x1d5: {  	v10 =	vld [tilespmem:s29+$0x10]  }
0x1d6: {  	v11 =	vld [tilespmem:s29+$0xFFFFFFC0]  }
0x1d7: {  	v13 =	vld [tilespmem:s29+$0xFFFFFFD0]  }
0x1d8: {  	v14 =	vld [tilespmem:s29+$0xFFFFFF80]  }
0x1d9: {  	v15 =	vld [tilespmem:s29+$0xFFFFFF90]  }
0x1da: {  	v16 =	vld [tilespmem:s29+$0xFFFFFF40]  }
0x1db: {  	v17 =	vld [tilespmem:s29+$0xFFFFFF50]  }
0x1dc: {  	v18 =	vld [tilespmem:s29+$0xFFFFFF00]  }
0x1dd: {  	v19 =	vld [tilespmem:s29+$0xFFFFFF10]  }
0x1de: {  	v20 =	vld [tilespmem:s29+$0xFFFFFF20]  }
0x1df: {  	s28 =	sadd.s32 $0x8, s28;
	v21 =	vld [tilespmem:s29+$0xFFFFFF30]  }
0x1e0: {  	p0 =	slt.u32 s28, $0xC0;
	v22 =	vld [tilespmem:s29+$0xFFFFFF60]  }
0x1e1: {  	v23 =	vld [tilespmem:s29+$0xFFFFFF70]  }
0x1e2: {  	v24 =	vld [tilespmem:s29+$0xFFFFFFA0]  }
0x1e3: {  	v6 =	vadd.f32 v18, v6;
	v8 =	vadd.f32 v19, v8;
	v18 =	vld [tilespmem:s29+$0xFFFFFFB0]  }
0x1e4: {  	v4 =	vadd.f32 v20, v4;
	v5 =	vadd.f32 v21, v5;
	v19 =	vld [tilespmem:s29+$0xFFFFFFE0]  }
0x1e5: {  	v6 =	vadd.f32 v16, v6;
	v8 =	vadd.f32 v17, v8;
	v16 =	vld [tilespmem:s29+$0xFFFFFFF0]  }
0x1e6: {  	v4 =	vadd.f32 v22, v4;
	v5 =	vadd.f32 v23, v5;
	v17 =	vld [tilespmem:s29+$0x20]  }
0x1e7: {  	v6 =	vadd.f32 v14, v6;
	v8 =	vadd.f32 v15, v8;
	v14 =	vld [tilespmem:s29+$0x30]  }
0x1e8: {  	v15 =	vadd.f32 v24, v4;
	v5 =	vadd.f32 v18, v5;
	v4 =	vld [tilespmem:s29+$0x60]  }
.Ltmp4:
0x1e9: {  	v11 =	vadd.f32 v11, v6;
	v8 =	vadd.f32 v13, v8;
	v6 =	vld [tilespmem:s29+$0x70];
	(pc) =	sbr.rel @p0 .LBB2_11-.Ltmp4, $4  }
0x1ea: {  	v13 =	vadd.f32 v19, v15;
	v15 =	vadd.f32 v16, v5;
	v5 =	vld [tilespmem:s29+$0xA0]  }
0x1eb: {  	v16 =	vadd.f32 v7, v11;
	v18 =	vadd.f32 v10, v8;
	v8 =	vld [tilespmem:s29+$0xB0]  }
0x1ec: {  	v11 =	vadd.f32 v17, v13;
	v10 =	vadd.f32 v14, v15;
	v7 =	vld [tilespmem:s29+$0xE0]  }
0x1ed: {  	v13 =	vadd.f32 v12, v16;
	v12 =	vadd.f32 v9, v18;
	v9 =	vld [tilespmem:s29+$0xF0];
	s29 =	sadd.s32 $0x200, s29  }
0x1ee: {  	_ = 	snop  }
0x1ef: {  	v4 =	vadd.f32 v4, v11;
	v2 =	vadd.f32 v2, v13  }
0x1f0: {  	v6 =	vadd.f32 v6, v10;
	v3 =	vadd.f32 v3, v12  }
0x1f1: {  	v4 =	vadd.f32 v5, v4;
	v0 =	vadd.f32 v0, v2  }
0x1f2: {  	v2 =	vadd.f32 v8, v6;
	v1 =	vadd.f32 v1, v3  }
0x1f3: {  	s25 =	sshll.u32 s25, $0x6;
	v3 =	vadd.f32 v7, v4;
	v0 =	vmul.f32 $4.999999890e-03, v0  }
0x1f4: {  	s28 =	sand.u32 $0x3FFFFFC0, s25;
	v2 =	vadd.f32 v9, v2;
	v1 =	vmul.f32 $4.999999890e-03, v1  }
0x1f5: {  	[tilespmem:s28+$0xCE40] =	vst v0;
	v0 =	vmul.f32 $4.999999890e-03, v3  }
0x1f6: {  	s25 =	sor.u32 $0x5, s20;
	[tilespmem:s28+$0xCE50] =	vst v1;
	v1 =	vmul.f32 $4.999999890e-03, v2  }
0x1f7: {  	p0 =	sgt.u32 s25, $0x1FC;
	[tilespmem:s28+$0xCE60] =	vst v0  }
0x1f8: {  	[tilespmem:s28+$0xCE70] =	vst v1;
	s28 =	simm.s32 @!p0 $0x2  }
0x1f9: {  	_ =	swait.ge @!p0 [sflag:s28], $0xC8  }
0x1fa: {  	s29 =	simm.s32 @!p0 $0x0;
	[sflag:s28] =	ssyncset.done @!p0 $0x0  }
0x1fb: {  	s31 =	simm.s32 @!p0 $0x640;
	[sflag:s28] =	ssyncadd.s32 @!p0 $0xFFFFFF38;
	s28 =	simm.s32 @!p0 $0x80  }
0x1fc: {  	[tilespmem:s31], [sflag:$0x1] =	stream.indirect.gather @!p0 [hbm4b:s4+s28], $0x40, s29, s28, $0xb8;
	[tilespmem:$0x14E40] =	vst v63  }
0x1fd: {  	p1 =	sgt.u32 @!p0 s25, $0x1F9;
	s29 =	simm.s32 @!p0 $0x48;
	s31 =	simm.s32 @!p0 $0x2640  }
0x1fe: {  	[tilespmem:s31], [sflag:$0x1] =	stream.indirect.gather @!p0 [hbm4b:s4+s29], $0x40, s28, s29, $0xb8;
	[tilespmem:$0x14E40] =	vst v63  }
0x1ff: {  	p0 =	por p1, p0  }
0x200: {  	s28 =	sadd.s32 @!p0 s8, s16  }
0x201: {  	s28 =	sshrl.u32 @!p0 s28, $0x3  }
0x202: {  	s29 =	simm.s32 @!p0 $0x0;
	s31 =	simm.s32 @!p0 $0x258;
	s28 =	sadd.s32 @!p0 s3, s28  }
0x203: {  	[tilespmem:s31], [sflag:$0x2] =	stream.linear.gather @!p0 [hbm4b:s28+s29], $0xC8, $0x38;
	[tilespmem:$0x14E40] =	vst v63  }
0x204: {  	_ =	swait.ge [sflag:s19], $0x2000  }
0x205: {  	[sflag:s19] =	ssyncset.done $0x0  }
0x206: {  	[sflag:s19] =	ssyncadd.s32 $0xFFFFE000  }
0x207: {  	_ =	swait.ge [sflag:s19], $0x1200  }
0x208: {  	[sflag:s19] =	ssyncset.done $0x0  }
0x209: {  	s29 =	simm.s32 $0x3A30;
	[sflag:s19] =	ssyncadd.s32 $0xFFFFEE00  }
0x20a: {  	v0 =	vld [tilespmem:s29+$0xFFFFFFD0]  }
0x20b: {  	v1 =	vld [tilespmem:s29+$0xFFFFFFE0]  }
0x20c: {  	v2 =	vld [tilespmem:s29+$0xFFFFFF90]  }
0x20d: {  	v3 =	vld [tilespmem:s29+$0xFFFFFFA0]  }
0x20e: {  	v9 =	vld [tilespmem:s29+$0xFFFFFF50]  }
0x20f: {  	v12 =	vld [tilespmem:s29+$0xFFFFFF60]  }
0x210: {  	v7 =	vld [tilespmem:s29+$0xFFFFFF10]  }
0x211: {  	v8 =	vld [tilespmem:s29+$0xFFFFFF20]  }
0x212: {  	v5 =	vld [tilespmem:s29+$0xFFFFFED0]  }
0x213: {  	v6 =	vld [tilespmem:s29+$0xFFFFFEE0]  }
0x214: {  	v4 =	vld [tilespmem:s29+$0xFFFFFE90]  }
0x215: {  	v10 =	vld [tilespmem:s29+$0xFFFFFEA0]  }
0x216: {  	v11 =	vld [tilespmem:s29+$0xFFFFFE50]  }
0x217: {  	v13 =	vld [tilespmem:s29+$0xFFFFFE60]  }
0x218: {  	v14 =	vld [tilespmem:s29+$0xFFFFFE10]  }
0x219: {  	v15 =	vld [tilespmem:s29+$0xFFFFFE20]  }
0x21a: {  	v16 =	vld [tilespmem:s29+$0xFFFFFE30]  }
0x21b: {  	v17 =	vld [tilespmem:s29+$0xFFFFFE40]  }
0x21c: {  	v18 =	vld [tilespmem:s29+$0xFFFFFE70]  }
0x21d: {  	v19 =	vld [tilespmem:s29+$0xFFFFFE80]  }
0x21e: {  	v20 =	vimm.f32 $0.0e+00;
	v21 =	vld [tilespmem:s29+$0xFFFFFEB0]  }
0x21f: {  	v22 =	vld [tilespmem:s29+$0xFFFFFEC0];
	v14 =	vadd.f32 v14, v20;
	v15 =	vadd.f32 v15, v20  }
0x220: {  	v59 =	vld [tilespmem:s29+$0xFFFFFEF0];
	v16 =	vadd.f32 v16, v20;
	v17 =	vadd.f32 v17, v20  }
0x221: {  	v11 =	vadd.f32 v11, v14;
	v13 =	vadd.f32 v13, v15;
	v14 =	vld [tilespmem:s29+$0xFFFFFF00]  }
0x222: {  	v61 =	vld [tilespmem:s29+$0xFFFFFF30];
	v15 =	vadd.f32 v18, v16;
	v60 =	vadd.f32 v19, v17  }
0x223: {  	v11 =	vadd.f32 v4, v11;
	v10 =	vadd.f32 v10, v13;
	v13 =	vld [tilespmem:s29+$0xFFFFFF40]  }
0x224: {  	v15 =	vadd.f32 v21, v15;
	v16 =	vadd.f32 v22, v60;
	v4 =	vld [tilespmem:s29+$0xFFFFFF70]  }
0x225: {  	v11 =	vadd.f32 v5, v11;
	v10 =	vadd.f32 v6, v10;
	v6 =	vld [tilespmem:s29+$0xFFFFFF80]  }
0x226: {  	v15 =	vadd.f32 v59, v15;
	v5 =	vld [tilespmem:s29+$0xFFFFFFB0];
	v14 =	vadd.f32 v14, v16  }
0x227: {  	v62 =	vadd.f32 v7, v11;
	v63 =	vadd.f32 v8, v10;
	v8 =	vld [tilespmem:s29+$0xFFFFFFC0]  }
0x228: {  	v11 =	vadd.f32 v61, v15;
	v7 =	vld [tilespmem:s29+$0xFFFFFFF0];
	v10 =	vadd.f32 v13, v14  }
0x229: {  	s28 =	simm.s32 $0x0;
	v13 =	vadd.f32 v9, v62;
	v12 =	vadd.f32 v12, v63;
	v9 =	vld [tilespmem:s29+$0x0];
	s29 =	simm.s32 $0x3C30  }
.LBB2_13:
0x22a: {  	v14 =	vld [tilespmem:s29+$0xFFFFFFD0];
	v4 =	vadd.f32 v4, v11;
	v6 =	vadd.f32 v6, v10  }
0x22b: {  	v10 =	vld [tilespmem:s29+$0xFFFFFFE0];
	v11 =	vadd.f32 v2, v13;
	v12 =	vadd.f32 v3, v12  }
0x22c: {  	v2 =	vld [tilespmem:s29+$0xFFFFFF90];
	v4 =	vadd.f32 v5, v4;
	v5 =	vadd.f32 v8, v6  }
0x22d: {  	v3 =	vld [tilespmem:s29+$0xFFFFFFA0];
	v6 =	vadd.f32 v0, v11;
	v8 =	vadd.f32 v1, v12  }
0x22e: {  	v12 =	vld [tilespmem:s29+$0xFFFFFF50];
	v4 =	vadd.f32 v7, v4;
	v5 =	vadd.f32 v9, v5  }
0x22f: {  	v9 =	vld [tilespmem:s29+$0xFFFFFF60];
	v0 =	vmov v14  }
0x230: {  	v7 =	vld [tilespmem:s29+$0xFFFFFF10];
	v1 =	vmov v10  }
0x231: {  	v10 =	vld [tilespmem:s29+$0xFFFFFF20]  }
0x232: {  	v11 =	vld [tilespmem:s29+$0xFFFFFED0]  }
0x233: {  	v13 =	vld [tilespmem:s29+$0xFFFFFEE0]  }
0x234: {  	v14 =	vld [tilespmem:s29+$0xFFFFFE90]  }
0x235: {  	v15 =	vld [tilespmem:s29+$0xFFFFFEA0]  }
0x236: {  	v16 =	vld [tilespmem:s29+$0xFFFFFE50]  }
0x237: {  	v17 =	vld [tilespmem:s29+$0xFFFFFE60]  }
0x238: {  	v18 =	vld [tilespmem:s29+$0xFFFFFE10]  }
0x239: {  	v19 =	vld [tilespmem:s29+$0xFFFFFE20]  }
0x23a: {  	v20 =	vld [tilespmem:s29+$0xFFFFFE30]  }
0x23b: {  	s28 =	sadd.s32 $0x8, s28;
	v21 =	vld [tilespmem:s29+$0xFFFFFE40]  }
0x23c: {  	p0 =	slt.u32 s28, $0xC0;
	v22 =	vld [tilespmem:s29+$0xFFFFFE70]  }
0x23d: {  	v23 =	vld [tilespmem:s29+$0xFFFFFE80]  }
0x23e: {  	v24 =	vld [tilespmem:s29+$0xFFFFFEB0]  }
0x23f: {  	v6 =	vadd.f32 v18, v6;
	v8 =	vadd.f32 v19, v8;
	v18 =	vld [tilespmem:s29+$0xFFFFFEC0]  }
0x240: {  	v4 =	vadd.f32 v20, v4;
	v5 =	vadd.f32 v21, v5;
	v19 =	vld [tilespmem:s29+$0xFFFFFEF0]  }
0x241: {  	v6 =	vadd.f32 v16, v6;
	v8 =	vadd.f32 v17, v8;
	v16 =	vld [tilespmem:s29+$0xFFFFFF00]  }
0x242: {  	v4 =	vadd.f32 v22, v4;
	v5 =	vadd.f32 v23, v5;
	v17 =	vld [tilespmem:s29+$0xFFFFFF30]  }
0x243: {  	v6 =	vadd.f32 v14, v6;
	v8 =	vadd.f32 v15, v8;
	v14 =	vld [tilespmem:s29+$0xFFFFFF40]  }
0x244: {  	v15 =	vadd.f32 v24, v4;
	v5 =	vadd.f32 v18, v5;
	v4 =	vld [tilespmem:s29+$0xFFFFFF70]  }
.Ltmp5:
0x245: {  	v11 =	vadd.f32 v11, v6;
	v8 =	vadd.f32 v13, v8;
	v6 =	vld [tilespmem:s29+$0xFFFFFF80];
	(pc) =	sbr.rel @p0 .LBB2_13-.Ltmp5, $4  }
0x246: {  	v13 =	vadd.f32 v19, v15;
	v15 =	vadd.f32 v16, v5;
	v5 =	vld [tilespmem:s29+$0xFFFFFFB0]  }
0x247: {  	v16 =	vadd.f32 v7, v11;
	v18 =	vadd.f32 v10, v8;
	v8 =	vld [tilespmem:s29+$0xFFFFFFC0]  }
0x248: {  	v11 =	vadd.f32 v17, v13;
	v10 =	vadd.f32 v14, v15;
	v7 =	vld [tilespmem:s29+$0xFFFFFFF0]  }
0x249: {  	v13 =	vadd.f32 v12, v16;
	v12 =	vadd.f32 v9, v18;
	v9 =	vld [tilespmem:s29+$0x0];
	s29 =	sadd.s32 $0x200, s29  }
0x24a: {  	_ = 	snop  }
0x24b: {  	v4 =	vadd.f32 v4, v11;
	v2 =	vadd.f32 v2, v13  }
0x24c: {  	v6 =	vadd.f32 v6, v10;
	v3 =	vadd.f32 v3, v12  }
0x24d: {  	v4 =	vadd.f32 v5, v4;
	v0 =	vadd.f32 v0, v2  }
0x24e: {  	v2 =	vadd.f32 v8, v6;
	v1 =	vadd.f32 v1, v3  }
0x24f: {  	s25 =	sshll.u32 s25, $0x6;
	v3 =	vadd.f32 v7, v4;
	v0 =	vmul.f32 $4.999999890e-03, v0  }
0x250: {  	s28 =	sand.u32 $0x3FFFFFC0, s25;
	v2 =	vadd.f32 v9, v2;
	v1 =	vmul.f32 $4.999999890e-03, v1  }
0x251: {  	[tilespmem:s28+$0xCE40] =	vst v0;
	v0 =	vmul.f32 $4.999999890e-03, v3  }
0x252: {  	s25 =	sor.u32 $0x6, s20;
	[tilespmem:s28+$0xCE50] =	vst v1;
	v1 =	vmul.f32 $4.999999890e-03, v2  }
0x253: {  	p0 =	sgt.u32 s25, $0x1FC;
	[tilespmem:s28+$0xCE60] =	vst v0  }
0x254: {  	[tilespmem:s28+$0xCE70] =	vst v1;
	s28 =	simm.s32 @!p0 $0x2  }
0x255: {  	_ =	swait.ge @!p0 [sflag:s28], $0xC8  }
0x256: {  	s29 =	simm.s32 @!p0 $0xC8;
	s31 =	simm.s32 @!p0 $0x3840;
	[sflag:s28] =	ssyncset.done @!p0 $0x0  }
0x257: {  	p1 =	sgt.u32 @!p0 s25, $0x1F9;
	[sflag:s28] =	ssyncadd.s32 @!p0 $0xFFFFFF38;
	s28 =	simm.s32 @!p0 $0x80  }
0x258: {  	[tilespmem:s31], [sflag:$0x1] =	stream.indirect.gather @!p0 [hbm4b:s4+s28], $0x40, s29, s28, $0xb8;
	[tilespmem:$0x14E40] =	vst v63  }
0x259: {  	s28 =	simm.s32 @!p0 $0x48;
	s29 =	simm.s32 @!p0 $0x148;
	s31 =	simm.s32 @!p0 $0x5840  }
0x25a: {  	[tilespmem:s31], [sflag:$0x1] =	stream.indirect.gather @!p0 [hbm4b:s4+s28], $0x40, s29, s28, $0xb8;
	[tilespmem:$0x14E40] =	vst v63  }
0x25b: {  	p0 =	por p1, p0  }
0x25c: {  	s28 =	sadd.s32 @!p0 s8, s17  }
0x25d: {  	s28 =	sshrl.u32 @!p0 s28, $0x3  }
0x25e: {  	s29 =	simm.s32 @!p0 $0x0;
	s31 =	simm.s32 @!p0 $0x320;
	s28 =	sadd.s32 @!p0 s3, s28  }
0x25f: {  	[tilespmem:s31], [sflag:$0x2] =	stream.linear.gather @!p0 [hbm4b:s28+s29], $0xC8, $0x38;
	[tilespmem:$0x14E40] =	vst v63  }
0x260: {  	_ =	swait.ge [sflag:s19], $0x2000  }
0x261: {  	[sflag:s19] =	ssyncset.done $0x0  }
0x262: {  	[sflag:s19] =	ssyncadd.s32 $0xFFFFE000  }
0x263: {  	_ =	swait.ge [sflag:s19], $0x1200  }
0x264: {  	[sflag:s19] =	ssyncset.done $0x0  }
0x265: {  	s29 =	simm.s32 $0x6A40;
	[sflag:s19] =	ssyncadd.s32 $0xFFFFEE00  }
0x266: {  	v0 =	vld [tilespmem:s29+$0x1C0]  }
0x267: {  	v1 =	vld [tilespmem:s29+$0x1D0]  }
0x268: {  	v2 =	vld [tilespmem:s29+$0x180]  }
0x269: {  	v3 =	vld [tilespmem:s29+$0x190]  }
0x26a: {  	v9 =	vld [tilespmem:s29+$0x140]  }
0x26b: {  	v12 =	vld [tilespmem:s29+$0x150]  }
0x26c: {  	v7 =	vld [tilespmem:s29+$0x100]  }
0x26d: {  	v8 =	vld [tilespmem:s29+$0x110]  }
0x26e: {  	v5 =	vld [tilespmem:s29+$0xC0]  }
0x26f: {  	v6 =	vld [tilespmem:s29+$0xD0]  }
0x270: {  	v4 =	vld [tilespmem:s29+$0x80]  }
0x271: {  	v10 =	vld [tilespmem:s29+$0x90]  }
0x272: {  	v11 =	vld [tilespmem:s29+$0x40]  }
0x273: {  	v13 =	vld [tilespmem:s29+$0x50]  }
0x274: {  	v14 =	vld [tilespmem:s29+$0x0]  }
0x275: {  	v15 =	vld [tilespmem:s29+$0x10]  }
0x276: {  	v16 =	vld [tilespmem:s29+$0x20]  }
0x277: {  	v17 =	vld [tilespmem:s29+$0x30]  }
0x278: {  	v18 =	vld [tilespmem:s29+$0x60]  }
0x279: {  	v19 =	vld [tilespmem:s29+$0x70]  }
0x27a: {  	v20 =	vimm.f32 $0.0e+00;
	v21 =	vld [tilespmem:s29+$0xA0]  }
0x27b: {  	v22 =	vld [tilespmem:s29+$0xB0];
	v14 =	vadd.f32 v14, v20;
	v15 =	vadd.f32 v15, v20  }
0x27c: {  	v59 =	vld [tilespmem:s29+$0xE0];
	v16 =	vadd.f32 v16, v20;
	v17 =	vadd.f32 v17, v20  }
0x27d: {  	v11 =	vadd.f32 v11, v14;
	v13 =	vadd.f32 v13, v15;
	v14 =	vld [tilespmem:s29+$0xF0]  }
0x27e: {  	v61 =	vld [tilespmem:s29+$0x120];
	v15 =	vadd.f32 v18, v16;
	v60 =	vadd.f32 v19, v17  }
0x27f: {  	v11 =	vadd.f32 v4, v11;
	v10 =	vadd.f32 v10, v13;
	v13 =	vld [tilespmem:s29+$0x130]  }
0x280: {  	v15 =	vadd.f32 v21, v15;
	v16 =	vadd.f32 v22, v60;
	v4 =	vld [tilespmem:s29+$0x160]  }
0x281: {  	v11 =	vadd.f32 v5, v11;
	v10 =	vadd.f32 v6, v10;
	v6 =	vld [tilespmem:s29+$0x170]  }
0x282: {  	v15 =	vadd.f32 v59, v15;
	v5 =	vld [tilespmem:s29+$0x1A0];
	v14 =	vadd.f32 v14, v16  }
0x283: {  	v62 =	vadd.f32 v7, v11;
	v63 =	vadd.f32 v8, v10;
	v8 =	vld [tilespmem:s29+$0x1B0]  }
0x284: {  	v11 =	vadd.f32 v61, v15;
	v7 =	vld [tilespmem:s29+$0x1E0];
	v10 =	vadd.f32 v13, v14  }
0x285: {  	s28 =	simm.s32 $0x0;
	v13 =	vadd.f32 v9, v62;
	v12 =	vadd.f32 v12, v63;
	v9 =	vld [tilespmem:s29+$0x1F0];
	s29 =	simm.s32 $0x6C40  }
.LBB2_15:
0x286: {  	v14 =	vld [tilespmem:s29+$0x1C0];
	v4 =	vadd.f32 v4, v11;
	v6 =	vadd.f32 v6, v10  }
0x287: {  	v10 =	vld [tilespmem:s29+$0x1D0];
	v11 =	vadd.f32 v2, v13;
	v12 =	vadd.f32 v3, v12  }
0x288: {  	v2 =	vld [tilespmem:s29+$0x180];
	v4 =	vadd.f32 v5, v4;
	v5 =	vadd.f32 v8, v6  }
0x289: {  	v3 =	vld [tilespmem:s29+$0x190];
	v6 =	vadd.f32 v0, v11;
	v8 =	vadd.f32 v1, v12  }
0x28a: {  	v12 =	vld [tilespmem:s29+$0x140];
	v4 =	vadd.f32 v7, v4;
	v5 =	vadd.f32 v9, v5  }
0x28b: {  	v9 =	vld [tilespmem:s29+$0x150];
	v0 =	vmov v14  }
0x28c: {  	v7 =	vld [tilespmem:s29+$0x100];
	v1 =	vmov v10  }
0x28d: {  	v10 =	vld [tilespmem:s29+$0x110]  }
0x28e: {  	v11 =	vld [tilespmem:s29+$0xC0]  }
0x28f: {  	v13 =	vld [tilespmem:s29+$0xD0]  }
0x290: {  	v14 =	vld [tilespmem:s29+$0x80]  }
0x291: {  	v15 =	vld [tilespmem:s29+$0x90]  }
0x292: {  	v16 =	vld [tilespmem:s29+$0x40]  }
0x293: {  	v17 =	vld [tilespmem:s29+$0x50]  }
0x294: {  	v18 =	vld [tilespmem:s29+$0x0]  }
0x295: {  	v19 =	vld [tilespmem:s29+$0x10]  }
0x296: {  	v20 =	vld [tilespmem:s29+$0x20]  }
0x297: {  	s28 =	sadd.s32 $0x8, s28;
	v21 =	vld [tilespmem:s29+$0x30]  }
0x298: {  	p0 =	slt.u32 s28, $0xC0;
	v22 =	vld [tilespmem:s29+$0x60]  }
0x299: {  	v23 =	vld [tilespmem:s29+$0x70]  }
0x29a: {  	v24 =	vld [tilespmem:s29+$0xA0]  }
0x29b: {  	v6 =	vadd.f32 v18, v6;
	v8 =	vadd.f32 v19, v8;
	v18 =	vld [tilespmem:s29+$0xB0]  }
0x29c: {  	v4 =	vadd.f32 v20, v4;
	v5 =	vadd.f32 v21, v5;
	v19 =	vld [tilespmem:s29+$0xE0]  }
0x29d: {  	v6 =	vadd.f32 v16, v6;
	v8 =	vadd.f32 v17, v8;
	v16 =	vld [tilespmem:s29+$0xF0]  }
0x29e: {  	v4 =	vadd.f32 v22, v4;
	v5 =	vadd.f32 v23, v5;
	v17 =	vld [tilespmem:s29+$0x120]  }
0x29f: {  	v6 =	vadd.f32 v14, v6;
	v8 =	vadd.f32 v15, v8;
	v14 =	vld [tilespmem:s29+$0x130]  }
0x2a0: {  	v15 =	vadd.f32 v24, v4;
	v5 =	vadd.f32 v18, v5;
	v4 =	vld [tilespmem:s29+$0x160]  }
.Ltmp6:
0x2a1: {  	v11 =	vadd.f32 v11, v6;
	v8 =	vadd.f32 v13, v8;
	v6 =	vld [tilespmem:s29+$0x170];
	(pc) =	sbr.rel @p0 .LBB2_15-.Ltmp6, $4  }
0x2a2: {  	v13 =	vadd.f32 v19, v15;
	v15 =	vadd.f32 v16, v5;
	v5 =	vld [tilespmem:s29+$0x1A0]  }
0x2a3: {  	v16 =	vadd.f32 v7, v11;
	v18 =	vadd.f32 v10, v8;
	v8 =	vld [tilespmem:s29+$0x1B0]  }
0x2a4: {  	v11 =	vadd.f32 v17, v13;
	v10 =	vadd.f32 v14, v15;
	v7 =	vld [tilespmem:s29+$0x1E0]  }
0x2a5: {  	v13 =	vadd.f32 v12, v16;
	v12 =	vadd.f32 v9, v18;
	v9 =	vld [tilespmem:s29+$0x1F0];
	s29 =	sadd.s32 $0x200, s29  }
0x2a6: {  	_ = 	snop  }
0x2a7: {  	v4 =	vadd.f32 v4, v11;
	v2 =	vadd.f32 v2, v13  }
0x2a8: {  	v6 =	vadd.f32 v6, v10;
	v3 =	vadd.f32 v3, v12  }
0x2a9: {  	v4 =	vadd.f32 v5, v4;
	v0 =	vadd.f32 v0, v2  }
0x2aa: {  	v2 =	vadd.f32 v8, v6;
	v1 =	vadd.f32 v1, v3  }
0x2ab: {  	s25 =	sshll.u32 s25, $0x6;
	v3 =	vadd.f32 v7, v4;
	v0 =	vmul.f32 $4.999999890e-03, v0  }
0x2ac: {  	s25 =	sand.u32 $0x3FFFFFC0, s25;
	v2 =	vadd.f32 v9, v2;
	v1 =	vmul.f32 $4.999999890e-03, v1  }
0x2ad: {  	[tilespmem:s25+$0xCE40] =	vst v0;
	v0 =	vmul.f32 $4.999999890e-03, v3  }
0x2ae: {  	s20 =	sor.u32 $0x7, s20;
	[tilespmem:s25+$0xCE50] =	vst v1;
	v1 =	vmul.f32 $4.999999890e-03, v2  }
0x2af: {  	p0 =	sgt.u32 s20, $0x1FC;
	[tilespmem:s25+$0xCE60] =	vst v0  }
0x2b0: {  	[tilespmem:s25+$0xCE70] =	vst v1;
	s25 =	simm.s32 @!p0 $0x2  }
0x2b1: {  	_ =	swait.ge @!p0 [sflag:s25], $0xC8  }
0x2b2: {  	s28 =	simm.s32 @!p0 $0x190;
	s29 =	simm.s32 @!p0 $0x6A40;
	[sflag:s25] =	ssyncset.done @!p0 $0x0  }
0x2b3: {  	p1 =	sgt.u32 @!p0 s20, $0x1F9;
	[sflag:s25] =	ssyncadd.s32 @!p0 $0xFFFFFF38;
	s25 =	simm.s32 @!p0 $0x80  }
0x2b4: {  	[tilespmem:s29], [sflag:$0x1] =	stream.indirect.gather @!p0 [hbm4b:s4+s25], $0x40, s28, s25, $0xb8;
	[tilespmem:$0x14E40] =	vst v63  }
0x2b5: {  	s25 =	simm.s32 @!p0 $0x48;
	s28 =	simm.s32 @!p0 $0x210;
	s29 =	simm.s32 @!p0 $0x8A40  }
0x2b6: {  	[tilespmem:s29], [sflag:$0x1] =	stream.indirect.gather @!p0 [hbm4b:s4+s25], $0x40, s28, s25, $0xb8;
	[tilespmem:$0x14E40] =	vst v63  }
0x2b7: {  	p0 =	por p1, p0  }
0x2b8: {  	s8 =	sadd.s32 @!p0 s8, s18  }
0x2b9: {  	s8 =	sshrl.u32 @!p0 s8, $0x3  }
0x2ba: {  	s25 =	simm.s32 @!p0 $0x0;
	s28 =	simm.s32 @!p0 $0x3E8;
	s8 =	sadd.s32 @!p0 s3, s8  }
0x2bb: {  	[tilespmem:s28], [sflag:$0x2] =	stream.linear.gather @!p0 [hbm4b:s8+s25], $0xC8, $0x38;
	[tilespmem:$0x14E40] =	vst v63  }
0x2bc: {  	_ =	swait.ge [sflag:s19], $0x2000  }
0x2bd: {  	[sflag:s19] =	ssyncset.done $0x0  }
0x2be: {  	[sflag:s19] =	ssyncadd.s32 $0xFFFFE000  }
0x2bf: {  	_ =	swait.ge [sflag:s19], $0x1200  }
0x2c0: {  	[sflag:s19] =	ssyncset.done $0x0  }
0x2c1: {  	s31 =	simm.s32 $0x9C40;
	[sflag:s19] =	ssyncadd.s32 $0xFFFFEE00  }
0x2c2: {  	v0 =	vld [tilespmem:s31+$0x1C0]  }
0x2c3: {  	v1 =	vld [tilespmem:s31+$0x1D0]  }
0x2c4: {  	v2 =	vld [tilespmem:s31+$0x180]  }
0x2c5: {  	v3 =	vld [tilespmem:s31+$0x190]  }
0x2c6: {  	v9 =	vld [tilespmem:s31+$0x140]  }
0x2c7: {  	v12 =	vld [tilespmem:s31+$0x150]  }
0x2c8: {  	v7 =	vld [tilespmem:s31+$0x100]  }
0x2c9: {  	v8 =	vld [tilespmem:s31+$0x110]  }
0x2ca: {  	v5 =	vld [tilespmem:s31+$0xC0]  }
0x2cb: {  	v6 =	vld [tilespmem:s31+$0xD0]  }
0x2cc: {  	v4 =	vld [tilespmem:s31+$0x80]  }
0x2cd: {  	v10 =	vld [tilespmem:s31+$0x90]  }
0x2ce: {  	v11 =	vld [tilespmem:s31+$0x40]  }
0x2cf: {  	v13 =	vld [tilespmem:s31+$0x50]  }
0x2d0: {  	v14 =	vld [tilespmem:s31+$0x0]  }
0x2d1: {  	v15 =	vld [tilespmem:s31+$0x10]  }
0x2d2: {  	v16 =	vld [tilespmem:s31+$0x20]  }
0x2d3: {  	v17 =	vld [tilespmem:s31+$0x30]  }
0x2d4: {  	v18 =	vld [tilespmem:s31+$0x60]  }
0x2d5: {  	v19 =	vld [tilespmem:s31+$0x70]  }
0x2d6: {  	v20 =	vimm.f32 $0.0e+00;
	v21 =	vld [tilespmem:s31+$0xA0]  }
0x2d7: {  	v22 =	vld [tilespmem:s31+$0xB0];
	v14 =	vadd.f32 v14, v20;
	v15 =	vadd.f32 v15, v20  }
0x2d8: {  	v59 =	vld [tilespmem:s31+$0xE0];
	v16 =	vadd.f32 v16, v20;
	v17 =	vadd.f32 v17, v20  }
0x2d9: {  	v11 =	vadd.f32 v11, v14;
	v13 =	vadd.f32 v13, v15;
	v14 =	vld [tilespmem:s31+$0xF0]  }
0x2da: {  	v61 =	vld [tilespmem:s31+$0x120];
	v15 =	vadd.f32 v18, v16;
	v60 =	vadd.f32 v19, v17  }
0x2db: {  	v11 =	vadd.f32 v4, v11;
	v10 =	vadd.f32 v10, v13;
	v13 =	vld [tilespmem:s31+$0x130]  }
0x2dc: {  	v15 =	vadd.f32 v21, v15;
	v16 =	vadd.f32 v22, v60;
	v4 =	vld [tilespmem:s31+$0x160]  }
0x2dd: {  	v11 =	vadd.f32 v5, v11;
	v10 =	vadd.f32 v6, v10;
	v6 =	vld [tilespmem:s31+$0x170]  }
0x2de: {  	v15 =	vadd.f32 v59, v15;
	v5 =	vld [tilespmem:s31+$0x1A0];
	v14 =	vadd.f32 v14, v16  }
0x2df: {  	v62 =	vadd.f32 v7, v11;
	v63 =	vadd.f32 v8, v10;
	v8 =	vld [tilespmem:s31+$0x1B0]  }
0x2e0: {  	v11 =	vadd.f32 v61, v15;
	v7 =	vld [tilespmem:s31+$0x1E0];
	v10 =	vadd.f32 v13, v14  }
0x2e1: {  	s8 =	simm.s32 $0x0;
	s25 =	simm.s32 $0x9E40;
	v13 =	vadd.f32 v9, v62;
	v12 =	vadd.f32 v12, v63;
	v9 =	vld [tilespmem:s31+$0x1F0]  }
.LBB2_17:
0x2e2: {  	v14 =	vld [tilespmem:s25+$0x1C0];
	v4 =	vadd.f32 v4, v11;
	v6 =	vadd.f32 v6, v10  }
0x2e3: {  	v10 =	vld [tilespmem:s25+$0x1D0];
	v11 =	vadd.f32 v2, v13;
	v12 =	vadd.f32 v3, v12  }
0x2e4: {  	v2 =	vld [tilespmem:s25+$0x180];
	v4 =	vadd.f32 v5, v4;
	v5 =	vadd.f32 v8, v6  }
0x2e5: {  	v3 =	vld [tilespmem:s25+$0x190];
	v6 =	vadd.f32 v0, v11;
	v8 =	vadd.f32 v1, v12  }
0x2e6: {  	v12 =	vld [tilespmem:s25+$0x140];
	v4 =	vadd.f32 v7, v4;
	v5 =	vadd.f32 v9, v5  }
0x2e7: {  	v9 =	vld [tilespmem:s25+$0x150];
	v0 =	vmov v14  }
0x2e8: {  	v7 =	vld [tilespmem:s25+$0x100];
	v1 =	vmov v10  }
0x2e9: {  	v10 =	vld [tilespmem:s25+$0x110]  }
0x2ea: {  	v11 =	vld [tilespmem:s25+$0xC0]  }
0x2eb: {  	v13 =	vld [tilespmem:s25+$0xD0]  }
0x2ec: {  	v14 =	vld [tilespmem:s25+$0x80]  }
0x2ed: {  	v15 =	vld [tilespmem:s25+$0x90]  }
0x2ee: {  	v16 =	vld [tilespmem:s25+$0x40]  }
0x2ef: {  	v17 =	vld [tilespmem:s25+$0x50]  }
0x2f0: {  	v18 =	vld [tilespmem:s25+$0x0]  }
0x2f1: {  	v19 =	vld [tilespmem:s25+$0x10]  }
0x2f2: {  	v20 =	vld [tilespmem:s25+$0x20]  }
0x2f3: {  	s8 =	sadd.s32 $0x8, s8;
	v21 =	vld [tilespmem:s25+$0x30]  }
0x2f4: {  	p0 =	slt.u32 s8, $0xC0;
	v22 =	vld [tilespmem:s25+$0x60]  }
0x2f5: {  	v23 =	vld [tilespmem:s25+$0x70]  }
0x2f6: {  	v24 =	vld [tilespmem:s25+$0xA0]  }
0x2f7: {  	v6 =	vadd.f32 v18, v6;
	v8 =	vadd.f32 v19, v8;
	v18 =	vld [tilespmem:s25+$0xB0]  }
0x2f8: {  	v4 =	vadd.f32 v20, v4;
	v5 =	vadd.f32 v21, v5;
	v19 =	vld [tilespmem:s25+$0xE0]  }
0x2f9: {  	v6 =	vadd.f32 v16, v6;
	v8 =	vadd.f32 v17, v8;
	v16 =	vld [tilespmem:s25+$0xF0]  }
0x2fa: {  	v4 =	vadd.f32 v22, v4;
	v5 =	vadd.f32 v23, v5;
	v17 =	vld [tilespmem:s25+$0x120]  }
0x2fb: {  	v6 =	vadd.f32 v14, v6;
	v8 =	vadd.f32 v15, v8;
	v14 =	vld [tilespmem:s25+$0x130]  }
0x2fc: {  	v15 =	vadd.f32 v24, v4;
	v5 =	vadd.f32 v18, v5;
	v4 =	vld [tilespmem:s25+$0x160]  }
.Ltmp7:
0x2fd: {  	v11 =	vadd.f32 v11, v6;
	v8 =	vadd.f32 v13, v8;
	v6 =	vld [tilespmem:s25+$0x170];
	(pc) =	sbr.rel @p0 .LBB2_17-.Ltmp7, $4  }
0x2fe: {  	v13 =	vadd.f32 v19, v15;
	v15 =	vadd.f32 v16, v5;
	v5 =	vld [tilespmem:s25+$0x1A0]  }
0x2ff: {  	v16 =	vadd.f32 v7, v11;
	v18 =	vadd.f32 v10, v8;
	v8 =	vld [tilespmem:s25+$0x1B0]  }
0x300: {  	v11 =	vadd.f32 v17, v13;
	v10 =	vadd.f32 v14, v15;
	v7 =	vld [tilespmem:s25+$0x1E0]  }
0x301: {  	v13 =	vadd.f32 v12, v16;
	v12 =	vadd.f32 v9, v18;
	v9 =	vld [tilespmem:s25+$0x1F0];
	s25 =	sadd.s32 $0x200, s25  }
0x302: {  	_ = 	snop  }
0x303: {  	v4 =	vadd.f32 v4, v11;
	v2 =	vadd.f32 v2, v13  }
0x304: {  	v6 =	vadd.f32 v6, v10;
	v3 =	vadd.f32 v3, v12  }
0x305: {  	v4 =	vadd.f32 v5, v4;
	v0 =	vadd.f32 v0, v2  }
0x306: {  	s21 =	sadd.s32 $0x1, s21;
	v60 =	vadd.f32 v8, v6;
	v1 =	vadd.f32 v1, v3  }
0x307: {  	s8 =	sshll.u32 s20, $0x6;
	p0 =	sne.s32 s21, $0x40;
	v61 =	vadd.f32 v7, v4;
	v0 =	vmul.f32 $4.999999890e-03, v0  }
.Ltmp8:
0x308: {  	s8 =	sand.u32 $0x3FFFFFC0, s8;
	v2 =	vadd.f32 v9, v60;
	v1 =	vmul.f32 $4.999999890e-03, v1;
	(pc) =	sbr.rel @p0 .LBB2_2-.Ltmp8, $4  }
0x309: {  	v62 =	vmul.f32 $4.999999890e-03, v61;
	[tilespmem:s8+$0xCE40] =	vst v0  }
0x30a: {  	v63 =	vmul.f32 $4.999999890e-03, v2;
	[tilespmem:s8+$0xCE50] =	vst v1  }
0x30b: {  	[tilespmem:s8+$0xCE60] =	vst v62  }
0x30c: {  	[tilespmem:s8+$0xCE70] =	vst v63  }
0x30d: {  	s8 =	rddreg [dreg:$0x8];
	s20 =	simm.s32 $0xCE40  }
0x30e: {  	[hbm4b:s8+s2] =	stream.linear.scatter [tilespmem:s20], [sflag:$0x3], $0x8000, $0x38;
	[tilespmem:$0x14E40] =	vst v63  }
0x30f: {  	s20 =	simm.s32 $0x3  }
0x310: {  	_ =	swait.ge [sflag:s20], $0x8000  }
0x311: {  	s21 =	rddreg [dreg:$0xa]  }
0x312: {  	s31 =	rddreg [dreg:$0x9];
	s21 =	sadd.s32 $0x1, s21  }
0x313: {  	p0 =	sne.s32 s21, s31  }
.Ltmp9:
0x314: {  	_ = 	snop;
	(pc) =	sbr.rel @p0 .LBB2_1-.Ltmp9, $3  }
0x315: {  	_ =	sdelay $0x1  }
0x316: {  	[sflag:s20] =	ssyncset.done $0x0  }
0x317: {  	[sflag:s20] =	ssyncadd.s32 $0xFFFF8000  }
0x318: {  	_ =	sfence.sel $0x180000  }
0x319: {  	[bflag:$0x0] =	sbarrier.arrive $0xFFFF  }
0x31a: {  	_ =	strace $0x90000047  }
0x31b: {  	s0 =	stileid.u32;
	[bflag:$0x2] =	sbarrier.arrive $0xFFFF  }
0x31c: {  	p0 =	sne.s32 s0, $0x0;
	s0 =	rddreg [dreg:$0x1]  }
0x31d: {  	s0 =	sadd.s32 @!p0 $0x100000, s0  }
0x31e: {  	[sflag:s0] =	ssyncadd.tile.s32 @!p0 $0x1;
	_ =	shalt  }
.Lfunc_end2:
_tile_overlayer_lowered:
.L_overlay_start_2:
0x31f: {  	(tag) =	ssettag $0x2  }
0x320: {  	s0 =	rddreg [dreg:$0x0];
	s2 =	stileid.u32  }
0x321: {  	s1 =	rddreg [dreg:$0x1];
	p0 =	sne.s32 s2, $0x0  }
0x322: {  	s3 =	rddreg [dreg:$0x2];
	[bflag:$0x3] =	sbarrier.arrive $0xFFFF;
	s2 =	simm.s32 @!p0 $0x1C03  }
0x323: {  	[timem:s3], [sflag:s2] =	dma.local @!p0 [hbm:s0], s1  }
0x324: {  	s0 =	simm.s32 @!p0 $0x3  }
0x325: {  	_ =	swait.ge @!p0 [sflag:s0], s1  }
0x326: {  	s1 =	ssub.s32 @!p0 $0x0, s1;
	[sflag:s0] =	ssyncset.done @!p0 $0x0  }
0x327: {  	[sflag:s0] =	ssyncadd.s32 @!p0 s1  }
0x328: {  	[bflag:$0x3] =	sbarrier.arrive $0xFFFF  }
0x329: {  	_ =	shalt  }

</sc_bundles>
